<compile_context>
chip_gen: v7x
topology: tpu7x:2x2x1
jax: 0.10.2.dev20260603
libtpu: 0.0.44.dev20260713+nightly
codegen_flags: <defaults>
</compile_context>

<pallas_src>
import functools

import jax
import jax.numpy as jnp
from jax import lax
from jax.experimental import pallas as pl
from jax.experimental.pallas import tpu as pltpu
from jax.experimental.pallas import tpu_sc as plsc

N_HASHES = 8
BUCKET = 64


@functools.lru_cache(maxsize=None)
def _make_gather3(n_rows, d, n_out, chunk, dtype=jnp.float32):
    num_cores, num_subcores = 2, 16
    nw = num_cores * num_subcores
    per_w = n_out // nw
    assert n_out % nw == 0 and per_w % chunk == 0 and chunk % 8 == 0
    mesh = plsc.VectorSubcoreMesh(
        core_axis_name="c", subcore_axis_name="s",
        num_cores=num_cores, num_subcores=num_subcores)

    nchunks = per_w // chunk
    assert nchunks % 2 == 0

    @functools.partial(
        pl.kernel,
        out_type=[jax.ShapeDtypeStruct((n_out, d), dtype)] * 3,
        mesh=mesh,
        compiler_params=pltpu.CompilerParams(use_tc_tiling_on_sc=False, needs_layout_passes=False),
        scratch_types=[
            [pltpu.VMEM((chunk,), jnp.int32)] * 2,
            [pltpu.VMEM((chunk,), jnp.int32)] * 2,
            [pltpu.VMEM((chunk, d), dtype)] * 2,
            [pltpu.VMEM((chunk, d), dtype)] * 2,
            [pltpu.VMEM((chunk, d), dtype)] * 2,
            [pltpu.SemaphoreType.DMA] * 2,
            [pltpu.SemaphoreType.DMA] * 2,
            [pltpu.SemaphoreType.DMA] * 2,
        ],
    )
    def gather3(qf, kf, vf, idxq_hbm, idxk_hbm, sq_hbm, sk_hbm, sv_hbm,
                idxq_v, idxk_v, rq, rk, rv, sq_sem, sk_sem, sv_sem):
        wid = lax.axis_index("s") * num_cores + lax.axis_index("c")
        w0 = wid * per_w

        def issue(cc, par):
            base = w0 + cc * chunk
            pltpu.sync_copy(idxq_hbm.at[pl.ds(base, chunk)], idxq_v[par])
            pltpu.sync_copy(idxk_hbm.at[pl.ds(base, chunk)], idxk_v[par])
            pltpu.async_copy(qf.at[idxq_v[par]], rq[par], sq_sem[par])
            pltpu.async_copy(kf.at[idxk_v[par]], rk[par], sk_sem[par])
            pltpu.async_copy(vf.at[idxk_v[par]], rv[par], sv_sem[par])

        for par in range(2):
            issue(par, par)

        def body(g, _):
            for par in range(2):
                cc = 2 * g + par
                pltpu.make_async_copy(qf.at[idxq_v[par]], rq[par],
                                      sq_sem[par]).wait()
                pltpu.make_async_copy(kf.at[idxk_v[par]], rk[par],
                                      sk_sem[par]).wait()
                pltpu.make_async_copy(vf.at[idxk_v[par]], rv[par],
                                      sv_sem[par]).wait()
                base = w0 + cc * chunk
                pltpu.sync_copy(rq[par], sq_hbm.at[pl.ds(base, chunk)])
                pltpu.sync_copy(rk[par], sk_hbm.at[pl.ds(base, chunk)])
                pltpu.sync_copy(rv[par], sv_hbm.at[pl.ds(base, chunk)])

                @pl.when(cc + 2 < nchunks)
                def _():
                    issue(cc + 2, par)
            return 0

        lax.fori_loop(0, nchunks // 2, body, 0)

    return gather3


@functools.lru_cache(maxsize=None)
def _make_count_sort(n_rows, t, n_bins, rows_per_batch, with_undo):
    num_cores, num_subcores = 2, 16
    nw = num_cores * num_subcores
    per_w = n_rows // nw
    assert n_rows % nw == 0
    nseg = 16
    seg = t // nseg
    mesh = plsc.VectorSubcoreMesh(
        core_axis_name="c", subcore_axis_name="s",
        num_cores=num_cores, num_subcores=num_subcores)
    out_type = [jax.ShapeDtypeStruct((n_rows * t,), jnp.int32)]
    if with_undo:
        out_type.append(jax.ShapeDtypeStruct((n_rows * t,), jnp.int32))

    @functools.partial(
        pl.kernel,
        out_type=out_type,
        mesh=mesh,
        compiler_params=pltpu.CompilerParams(use_tc_tiling_on_sc=False, needs_layout_passes=False),
        scratch_types=[
            pltpu.VMEM((t,), jnp.int32),
            pltpu.VMEM((t,), jnp.int32),
            pltpu.VMEM((t,), jnp.int32),
            pltpu.VMEM((n_bins * nseg,), jnp.int32),
        ],
    )
    def count_sort(ids_hbm, *rest):
        if with_undo:
            stick_hbm, undo_hbm, ids_v, stick_v, undo_v, hist_v = rest
        else:
            stick_hbm, ids_v, stick_v, undo_v, hist_v = rest
        wid = lax.axis_index("s") * num_cores + lax.axis_index("c")
        lanes = lax.iota(jnp.int32, 16)
        seg_base = lanes * seg
        ones = jnp.ones((16,), jnp.int32)

        def row_body(rr, _):
            row = wid * per_w + rr
            boff = (row // rows_per_batch) * t
            pltpu.sync_copy(ids_hbm.at[row], ids_v)

            def zb(c, _):
                hist_v[pl.ds(c * 16, 16)] = jnp.zeros((16,), jnp.int32)
                return 0
            lax.fori_loop(0, n_bins, zb, 0)

            def p1(j, _):
                a = plsc.load_gather(ids_v, [seg_base + j])
                plsc.addupdate_scatter(hist_v, [a * 16 + lanes], ones)
                return 0
            lax.fori_loop(0, seg, p1, 0)

            def p2(c, base):
                v = hist_v[pl.ds(c * 16, 16)]
                incl = plsc.cumsum(v)
                tot = lax.reduce_sum(v, axes=(0,))
                hist_v[pl.ds(c * 16, 16)] = incl - v + base
                return base + tot
            lax.fori_loop(0, n_bins, p2, jnp.int32(0))

            def p3(j, _):
                eidx = seg_base + j
                a = plsc.load_gather(ids_v, [eidx])
                bidx = a * 16 + lanes
                pos = plsc.load_gather(hist_v, [bidx])
                plsc.store_scatter(hist_v, [bidx], pos + 1)
                plsc.store_scatter(stick_v, [pos], eidx + boff)
                if with_undo:
                    plsc.store_scatter(undo_v, [eidx], pos + row * t)
                return 0
            lax.fori_loop(0, seg, p3, 0)

            pltpu.sync_copy(stick_v, stick_hbm.at[pl.ds(row * t, t)])
            if with_undo:
                pltpu.sync_copy(undo_v, undo_hbm.at[pl.ds(row * t, t)])
            return 0

        lax.fori_loop(0, per_w, row_body, 0)

    return count_sort


@functools.lru_cache(maxsize=None)
def _make_count_sort2(n_rows, t, n_bins, rows_per_batch):
    num_cores, num_subcores = 2, 16
    nw = num_cores * num_subcores
    per_w = (2 * n_rows) // nw
    assert (2 * n_rows) % nw == 0
    nseg = 16
    seg = t // nseg
    mesh = plsc.VectorSubcoreMesh(
        core_axis_name="c", subcore_axis_name="s",
        num_cores=num_cores, num_subcores=num_subcores)
    out_type = [jax.ShapeDtypeStruct((n_rows * t,), jnp.int32),
                jax.ShapeDtypeStruct((n_rows * t,), jnp.int32),
                jax.ShapeDtypeStruct((n_rows * t,), jnp.int32)]

    @functools.partial(
        pl.kernel,
        out_type=out_type,
        mesh=mesh,
        compiler_params=pltpu.CompilerParams(use_tc_tiling_on_sc=False, needs_layout_passes=False),
        scratch_types=[
            pltpu.VMEM((t,), jnp.int32),
            pltpu.VMEM((t,), jnp.int32),
            pltpu.VMEM((t,), jnp.int32),
            pltpu.VMEM((n_bins * nseg,), jnp.int32),
        ],
    )
    def count_sort2(idsq_hbm, idsk_hbm, stq_hbm, undo_hbm, stk_hbm,
                    ids_v, stick_v, undo_v, hist_v):
        wid = lax.axis_index("s") * num_cores + lax.axis_index("c")
        lanes = lax.iota(jnp.int32, 16)
        seg_base = lanes * seg
        ones = jnp.ones((16,), jnp.int32)

        def row_body(rr, _):
            grow = wid * per_w + rr
            is_q = grow < n_rows
            row = lax.select(is_q, grow, grow - n_rows)
            boff = (row // rows_per_batch) * t

            @pl.when(is_q)
            def _():
                pltpu.sync_copy(idsq_hbm.at[row], ids_v)

            @pl.when(jnp.logical_not(is_q))
            def _():
                pltpu.sync_copy(idsk_hbm.at[row], ids_v)

            def zb(c, _):
                hist_v[pl.ds(c * 16, 16)] = jnp.zeros((16,), jnp.int32)
                return 0
            lax.fori_loop(0, n_bins, zb, 0)

            def p1(j, _):
                a = plsc.load_gather(ids_v, [seg_base + j])
                plsc.addupdate_scatter(hist_v, [a * 16 + lanes], ones)
                return 0
            lax.fori_loop(0, seg, p1, 0)

            def p2(c, base):
                v = hist_v[pl.ds(c * 16, 16)]
                incl = plsc.cumsum(v)
                tot = lax.reduce_sum(v, axes=(0,))
                hist_v[pl.ds(c * 16, 16)] = incl - v + base
                return base + tot
            lax.fori_loop(0, n_bins, p2, jnp.int32(0))

            def p3(j, _):
                eidx = seg_base + j
                a = plsc.load_gather(ids_v, [eidx])
                bidx = a * 16 + lanes
                pos = plsc.load_gather(hist_v, [bidx])
                plsc.store_scatter(hist_v, [bidx], pos + 1)
                plsc.store_scatter(stick_v, [pos], eidx + boff)
                plsc.store_scatter(undo_v, [eidx], pos + row * t)
                return 0
            lax.fori_loop(0, seg, p3, 0)

            @pl.when(is_q)
            def _():
                pltpu.sync_copy(stick_v, stq_hbm.at[pl.ds(row * t, t)])
                pltpu.sync_copy(undo_v, undo_hbm.at[pl.ds(row * t, t)])

            @pl.when(jnp.logical_not(is_q))
            def _():
                pltpu.sync_copy(stick_v, stk_hbm.at[pl.ds(row * t, t)])
            return 0

        lax.fori_loop(0, per_w, row_body, 0)

    return count_sort2


@functools.lru_cache(maxsize=None)
def _make_gather_o(n_rows, d, chunk, dtype=jnp.float32):
    num_cores, num_subcores = 2, 16
    nw = num_cores * num_subcores
    per_w = n_rows // nw
    assert n_rows % nw == 0 and per_w % chunk == 0 and chunk % 8 == 0
    mesh = plsc.VectorSubcoreMesh(
        core_axis_name="c", subcore_axis_name="s",
        num_cores=num_cores, num_subcores=num_subcores)

    nchunks = per_w // chunk
    assert nchunks % 2 == 0

    @functools.partial(
        pl.kernel,
        out_type=[jax.ShapeDtypeStruct((n_rows, d), dtype),
                  jax.ShapeDtypeStruct((n_rows,), jnp.float32)],
        mesh=mesh,
        compiler_params=pltpu.CompilerParams(use_tc_tiling_on_sc=False,
                                             needs_layout_passes=False),
        scratch_types=[
            [pltpu.VMEM((chunk,), jnp.int32)] * 2,
            [pltpu.VMEM((chunk, d), dtype)] * 2,
            [pltpu.VMEM((chunk,), jnp.float32)] * 2,
            [pltpu.SemaphoreType.DMA] * 2,
            [pltpu.SemaphoreType.DMA] * 2,
        ],
    )
    def gather_o(so_hbm, slog_hbm, uidx_hbm, o_hbm, lg_hbm,
                 idx_v, rows_v, lg_v, sem_r, sem_l):
        wid = lax.axis_index("s") * num_cores + lax.axis_index("c")
        w0 = wid * per_w

        def issue(cc, par):
            base = w0 + cc * chunk
            pltpu.sync_copy(uidx_hbm.at[pl.ds(base, chunk)], idx_v[par])
            pltpu.async_copy(so_hbm.at[idx_v[par]], rows_v[par], sem_r[par])
            pltpu.async_copy(slog_hbm.at[idx_v[par]], lg_v[par], sem_l[par])

        for par in range(2):
            issue(par, par)

        def body(g, _):
            for par in range(2):
                cc = 2 * g + par
                pltpu.make_async_copy(so_hbm.at[idx_v[par]], rows_v[par],
                                      sem_r[par]).wait()
                pltpu.make_async_copy(slog_hbm.at[idx_v[par]], lg_v[par],
                                      sem_l[par]).wait()
                base = w0 + cc * chunk
                pltpu.sync_copy(rows_v[par], o_hbm.at[pl.ds(base, chunk)])
                pltpu.sync_copy(lg_v[par], lg_hbm.at[pl.ds(base, chunk)])

                @pl.when(cc + 2 < nchunks)
                def _():
                    issue(cc + 2, par)
            return 0

        lax.fori_loop(0, nchunks // 2, body, 0)

    return gather_o


def _combine_body(*refs):
    o_refs = refs[:N_HASHES]
    lg_ref = refs[N_HASHES]
    out_ref = refs[N_HASHES + 1]
    lg = lg_ref[0]
    m = jnp.max(lg, axis=0, keepdims=True)
    w = jnp.exp(lg - m)
    w = w / jnp.sum(w, axis=0, keepdims=True)
    acc = None
    for r in range(N_HASHES):
        term = o_refs[r][...] * w[r][:, None]
        acc = term if acc is None else acc + term
    out_ref[...] = acc


def _combine_pallas(o, lg, b, t):
    N, d = o.shape
    R = N_HASHES
    tt = 512
    nt = t // tt
    grid = (b, nt)
    o_specs = [
        pl.BlockSpec((tt, d),
                     functools.partial(
                         lambda r_, bi, ti: (bi * R * nt + r_ * nt + ti, 0), r))
        for r in range(R)
    ]
    return pl.pallas_call(
        _combine_body,
        grid=grid,
        in_specs=o_specs + [
            pl.BlockSpec((1, R, tt), lambda bi, ti: (bi, 0, ti)),
        ],
        out_specs=pl.BlockSpec((tt, d), lambda bi, ti: (bi * nt + ti, 0)),
        out_shape=jax.ShapeDtypeStruct((b * t, d), jnp.float32),
    )(*([o] * R + [lg]))


def _hash_body(q_ref, k_ref, p_ref, bq_ref, bk_ref):
    pq = jnp.dot(q_ref[0], p_ref[...], preferred_element_type=jnp.float32)
    pk = jnp.dot(k_ref[0], p_ref[...], preferred_element_type=jnp.float32)
    for src, dst in ((pq, bq_ref), (pk, bk_ref)):
        for r in range(N_HASHES):
            pr = src[:, r * BUCKET:(r + 1) * BUCKET]
            mx = jnp.max(pr, axis=1)
            mn = jnp.min(pr, axis=1)
            cond = mx >= -mn
            sel = jnp.where(cond[:, None], pr, -pr)
            am = jnp.argmax(sel, axis=1).astype(jnp.int32)
            dst[0, r, :] = jnp.where(cond, am, am + BUCKET)


def _hash_pallas(q, k, proj2):
    b, t, d = q.shape
    tt = 512
    nc = proj2.shape[1]
    grid = (b, t // tt)
    qspec = pl.BlockSpec((1, tt, d), lambda bi, ti: (bi, ti, 0))
    return pl.pallas_call(
        _hash_body,
        grid=grid,
        in_specs=[
            qspec, qspec,
            pl.BlockSpec((d, nc), lambda bi, ti: (0, 0)),
        ],
        out_specs=[
            pl.BlockSpec((1, N_HASHES, tt), lambda bi, ti: (bi, 0, ti)),
            pl.BlockSpec((1, N_HASHES, tt), lambda bi, ti: (bi, 0, ti)),
        ],
        out_shape=[
            jax.ShapeDtypeStruct((b, N_HASHES, t), jnp.int32),
            jax.ShapeDtypeStruct((b, N_HASHES, t), jnp.int32),
        ],
    )(q, k, proj2)


_ATT_G = 2


def _attn_body(sq_ref, sk_ref, sv_ref, so_ref, lse_ref, dots_ref,
               qh_s, kh_s, vh_s, *, nb):
    t, d = sq_ref.shape
    scale = 1.0 / (d ** 0.5)
    G = _ATT_G
    M = G * BUCKET
    W = (G + 1) * BUCKET
    ng = nb // G
    dd = (((1,), (1,)), ((), ()))
    ri = lax.broadcasted_iota(jnp.int32, (M, W), 0) // BUCKET
    ci = lax.broadcasted_iota(jnp.int32, (M, W), 1) // BUCKET
    valid = (ci == ri) | (ci == ri + 1)
    mask = jnp.where(valid, 0.0, -1e30).astype(jnp.float32)
    qh_s[...] = sq_ref[...].astype(jnp.bfloat16)
    kh_s[...] = sk_ref[...].astype(jnp.bfloat16)
    vh_s[...] = sv_ref[...].astype(jnp.bfloat16)
    for g in range(ng):
        c0 = g * M
        qn = qh_s[c0:c0 + M, :]
        if g == 0:
            strip_k = jnp.concatenate(
                [kh_s[(nb - 1) * BUCKET:, :], kh_s[0:M, :]], axis=0)
        else:
            strip_k = kh_s[c0 - BUCKET:c0 + M, :]
        dots_ref[c0:c0 + M, :] = jax.lax.dot_general(
            qn, strip_k, dd, preferred_element_type=jnp.float32
        ) * scale + mask
    d3 = dots_ref[...].reshape(ng, M, W)
    m = jnp.max(d3, axis=2, keepdims=True)
    e = jnp.exp(d3 - m)
    s = jnp.sum(e, axis=2, keepdims=True)
    dots_ref[...] = e.reshape(ng * M, W)
    inv = (1.0 / s)[:, :, 0]
    lse_ref[0] = (jnp.log(s) + m)[:, :, 0]
    pv = (((1,), (0,)), ((), ()))
    for g in range(ng):
        c0 = g * M
        pp = dots_ref[c0:c0 + M, :].astype(jnp.bfloat16)
        if g == 0:
            strip_v = jnp.concatenate(
                [vh_s[(nb - 1) * BUCKET:, :], vh_s[0:M, :]], axis=0)
        else:
            strip_v = vh_s[c0 - BUCKET:c0 + M, :]
        so_ref[c0:c0 + M, :] = jax.lax.dot_general(
            pp, strip_v, pv, preferred_element_type=jnp.float32
        ) * inv[g][:, None]


def _attn_pallas(sq, sk, sv, B):
    N, d = sq.shape
    t = N // B
    nb = t // BUCKET
    G = _ATT_G
    grid = (B,)
    spec = pl.BlockSpec((t, d), lambda i: (i, 0))
    return pl.pallas_call(
        functools.partial(_attn_body, nb=nb),
        grid=grid,
        in_specs=[spec, spec, spec],
        out_specs=[
            pl.BlockSpec((t, d), lambda i: (i, 0)),
            pl.BlockSpec((1, nb // G, G * BUCKET), lambda i: (i, 0, 0)),
        ],
        out_shape=[
            jax.ShapeDtypeStruct((N, d), jnp.float32),
            jax.ShapeDtypeStruct((B, nb // G, G * BUCKET), jnp.float32),
        ],
        scratch_shapes=[
            pltpu.VMEM((t, (G + 1) * BUCKET), jnp.float32),
            pltpu.VMEM((t, d), jnp.bfloat16),
            pltpu.VMEM((t, d), jnp.bfloat16),
            pltpu.VMEM((t, d), jnp.bfloat16),
        ],
    )(sq, sk, sv)


def kernel(q, k, v, proj):
    b, t, d = q.shape
    proj2 = proj.reshape(d, -1)

    bq, bk = _hash_pallas(q, k, proj2)

    nb2 = 2 * (t // BUCKET)
    sort2 = _make_count_sort2(b * N_HASHES, t, nb2, N_HASHES)
    idxq, undo, idxk = sort2(bq.reshape(b * N_HASHES, t),
                             bk.reshape(b * N_HASHES, t))

    gather3 = _make_gather3(b * t, d, b * N_HASHES * t, 256)
    sq, sk, sv = gather3(q.reshape(b * t, d), k.reshape(b * t, d),
                         v.reshape(b * t, d), idxq, idxk)

    so, lse = _attn_pallas(sq, sk, sv, b * N_HASHES)

    go = _make_gather_o(b * N_HASHES * t, d, 512)
    o, lg = go(so, lse.reshape(b * N_HASHES * t), undo)
    out = _combine_pallas(o, lg.reshape(b, N_HASHES, t), b, t)
    return out.reshape(b, t, d)

# --- scband reference (transcript-rebuilt; emitter-appended) ---
"""Pipeline reference for scband-lshattn-56530359550025 (READ-ONLY COPY).

The authoritative reference and input builder live on the scoring server;
editing this copy changes nothing except your own understanding.
"""

import jax, jax.numpy as jnp
import numpy as np

N_HASHES = 8
BUCKET_SIZE = 64


def setup_inputs(seed: int = 0):
    key = jax.random.key(seed)
    kq, kk, kv, kp = jax.random.split(key, 4)
    b, t, d = 16, 4096, 64
    n_buckets = t // BUCKET_SIZE
    n_colors = 2 * n_buckets
    q = jax.random.normal(kq, (b, t, d), dtype=jnp.float32)
    k = jax.random.normal(kk, (b, t, d), dtype=jnp.float32)
    v = jax.random.normal(kv, (b, t, d), dtype=jnp.float32)
    proj = jax.random.normal(kp, (d, N_HASHES, n_colors // 2), dtype=jnp.float32)
    return {"q": q, "k": k, "v": v, "proj": proj}


def _hash_vectors(x, proj):
    # proj_x: (b, n_hashes, t, n_colors/2); colors via argmax over [proj_x, -proj_x]
    px = jnp.einsum('btd,drn->brtn', x, proj)
    px = jnp.concatenate([px, -px], axis=-1)
    return jnp.argmax(px, axis=-1)  # (b, n_hashes, t)


def reference(q, k, v, proj):
    b, t, d = q.shape
    n_buckets = t // BUCKET_SIZE
    # bucketing (no-grad region in original)
    buckets_q = _hash_vectors(q, proj)
    buckets_k = _hash_vectors(k, proj)
    sticker_q = jnp.argsort(buckets_q, axis=-1)
    undo_sort_q = jnp.argsort(sticker_q, axis=-1)
    sticker_k = jnp.argsort(buckets_k, axis=-1)
    # batched_index_select: (b,t,d) gathered by (b,r,t) -> (b,r,t,d)
    bidx = jnp.arange(b)[:, None, None]
    sq = q[bidx, sticker_q]
    sk = k[bidx, sticker_k]
    sv = v[bidx, sticker_k]
    split_bin = lambda x: x.reshape(b, N_HASHES, n_buckets, -1, d)
    bq, bk, bv = split_bin(sq), split_bin(sk), split_bin(sv)
    look_one_back = lambda x: jnp.concatenate([jnp.roll(x, 1, axis=2), x], axis=3)
    bk = look_one_back(bk)
    bv = look_one_back(bv)
    dots = jnp.einsum('brnid,brnjd->brnij', bq, bk) * (d ** (-0.5))
    lse = jax.scipy.special.logsumexp(dots, axis=-1, keepdims=True)
    probs = jnp.exp(dots - lse)
    bo = jnp.einsum('brnij,brnjd->brnid', probs, bv)
    so = bo.reshape(b, N_HASHES, t, d)
    slogits = lse.reshape(b, N_HASHES, t)
    o = jnp.take_along_axis(so, undo_sort_q[..., None], axis=2)
    logits = jnp.take_along_axis(slogits, undo_sort_q, axis=-1)[..., None]
    w = jnp.exp(logits - jax.scipy.special.logsumexp(logits, axis=1, keepdims=True))
    out = jnp.sum(o * w, axis=1)
    return out

if __name__ == "__main__":
    import jax
    _d = setup_inputs()
    print(jax.jit(kernel)(*tuple(_d.values())))

</pallas_src>

<mosaic_0001>
#map = affine_map<(d0, d1) -> (0, 0)>
#map1 = affine_map<(d0, d1) -> (0)>
module attributes {stable_mosaic.version = 14 : i64} {
  func.func @count_sort2(%arg0: i32, %arg1: i32, %arg2: memref<128x4096xi32, #tpu.memory_space<hbm>>, %arg3: memref<128x4096xi32, #tpu.memory_space<hbm>>, %arg4: memref<524288xi32, #tpu.memory_space<hbm>>, %arg5: memref<524288xi32, #tpu.memory_space<hbm>>, %arg6: memref<524288xi32, #tpu.memory_space<hbm>>, %arg7: memref<4096xi32, #tpu.memory_space<vmem>>, %arg8: memref<4096xi32, #tpu.memory_space<vmem>>, %arg9: memref<4096xi32, #tpu.memory_space<vmem>>, %arg10: memref<2048xi32, #tpu.memory_space<vmem>>) attributes {dimension_semantics = [#tpu.dimension_semantics<core_parallel>, #tpu.dimension_semantics<subcore_parallel>], iteration_bounds = array<i64: 2, 16>, scalar_prefetch = 0 : i64, scratch_operands = 4 : i64, tpu.core_type = #tpu.core_type<sc_vector_subcore>, window_params = [{transform_indices = #map}, {transform_indices = #map}, {transform_indices = #map1}, {transform_indices = #map1}, {transform_indices = #map1}]} {
    %mul3A = arith.constant 2 : i32
    %mul3A_0 = arith.muli %arg1, %mul3A : i32
    %add3A = arith.addi %mul3A_0, %arg0 : i32
    %iota3A = tpu.iota {dimensions = array<i32: 0>} : vector<16xi32>
    %mul3A_1 = arith.constant 256 : i32
    %mul3A_2 = vector.broadcast %mul3A_1 : i32 to vector<16xi32>
    %mul3A_3 = arith.muli %iota3A, %mul3A_2 : vector<16xi32>
    %broadcast_in_dim3A = arith.constant 1 : i32
    %broadcast_in_dim3A_4 = vector.broadcast %broadcast_in_dim3A : i32 to vector<16xi32>
    %scan3A = arith.constant 0 : i32
    %scan3A_5 = arith.constant 0 : i32
    %scan3A_6 = arith.constant 8 : i32
    %scan3A_7 = arith.addi %scan3A_5, %scan3A_6 : i32
    %scan3A_8 = arith.constant 1 : i32
    %scan3A_9 = scf.for %scan3A_11 = %scan3A_5 to %scan3A_7 step %scan3A_8 iter_args(%scan3A_12 = %scan3A) -> (i32)  : i32 {
      %mul3A_13 = arith.constant 8 : i32
      %mul3A_14 = arith.muli %add3A, %mul3A_13 : i32
      %add3A_15 = arith.addi %mul3A_14, %scan3A_11 : i32
      %lt3A = arith.constant 128 : i32
      %lt3A_16 = arith.cmpi slt, %add3A_15, %lt3A : i32
      %sub3A = arith.constant 128 : i32
      %sub3A_17 = arith.subi %add3A_15, %sub3A : i32
      %select_n3A = arith.select %lt3A_16, %add3A_15, %sub3A_17 : i32
      %jit3A = arith.constant 8 : i32
      %div3A = arith.divsi %select_n3A, %jit3A : i32
      %sign3A = arith.constant 0 : i32
      %sign3A_18 = arith.cmpi sgt, %select_n3A, %sign3A : i32
      %sign3A_19 = arith.extui %sign3A_18 : i1 to i32
      %sign3A_20 = arith.constant 0 : i32
      %sign3A_21 = arith.cmpi slt, %select_n3A, %sign3A_20 : i32
      %sign3A_22 = arith.extui %sign3A_21 : i1 to i32
      %sign3A_23 = arith.subi %sign3A_19, %sign3A_22 : i32
      %sign3A_24 = arith.constant 0 : i32
      %sign3A_25 = arith.cmpi sgt, %jit3A, %sign3A_24 : i32
      %sign3A_26 = arith.extui %sign3A_25 : i1 to i32
      %sign3A_27 = arith.constant 0 : i32
      %sign3A_28 = arith.cmpi slt, %jit3A, %sign3A_27 : i32
      %sign3A_29 = arith.extui %sign3A_28 : i1 to i32
      %sign3A_30 = arith.subi %sign3A_26, %sign3A_29 : i32
      %ne3A = arith.cmpi ne, %sign3A_23, %sign3A_30 : i32
      %rem3A = arith.remsi %select_n3A, %jit3A : i32
      %ne3A_31 = arith.constant 0 : i32
      %ne3A_32 = arith.cmpi ne, %rem3A, %ne3A_31 : i32
      %and3A = arith.andi %ne3A, %ne3A_32 : i1
      %sub3A_33 = arith.constant 1 : i32
      %sub3A_34 = arith.subi %div3A, %sub3A_33 : i32
      %select_n3A_35 = arith.select %and3A, %sub3A_34, %div3A : i32
      %mul3A_36 = arith.constant 4096 : i32
      %mul3A_37 = arith.muli %select_n3A_35, %mul3A_36 : i32
      %convert_element_type3A = arith.extui %lt3A_16 : i1 to i32
      %cond3A = arith.constant 0 : i32
      %cond3A_38 = arith.cmpi ne, %convert_element_type3A, %cond3A : i32
      scf.if %cond3A_38 {
        "tpu.region"() ({
          %run_scoped3A = tpu.sem_alloc : memref<!tpu.dma_semaphore, #tpu.memory_space<semaphore_mem>>
          %dma_start3A = arith.constant 0 : i32
          %dma_start3A_80 = tpu.memref_slice %arg2[%select_n3A, %dma_start3A] : memref<128x4096xi32, #tpu.memory_space<hbm>> -> memref<1x4096xi32, #tpu.memory_space<hbm>>
          %dma_start3A_81 = tpu.memref_squeeze %dma_start3A_80 : memref<1x4096xi32, #tpu.memory_space<hbm>> -> memref<4096xi32, #tpu.memory_space<hbm>>
          %dma_start3A_82 = arith.constant 0 : i32
          %dma_start3A_83 = tpu.memref_slice %arg2[%select_n3A, %dma_start3A_82] : memref<128x4096xi32, #tpu.memory_space<hbm>> -> memref<1x4096xi32, #tpu.memory_space<hbm>>
          %dma_start3A_84 = tpu.memref_squeeze %dma_start3A_83 : memref<1x4096xi32, #tpu.memory_space<hbm>> -> memref<4096xi32, #tpu.memory_space<hbm>>
          tpu.enqueue_dma source(%dma_start3A_84 : memref<4096xi32, #tpu.memory_space<hbm>>) target(%arg7 : memref<4096xi32, #tpu.memory_space<vmem>>) target_semaphore(%run_scoped3A : memref<!tpu.dma_semaphore, #tpu.memory_space<semaphore_mem>>)
          %dma_wait3A = arith.constant 0 : i32
          %dma_wait3A_85 = tpu.memref_slice %arg2[%select_n3A, %dma_wait3A] : memref<128x4096xi32, #tpu.memory_space<hbm>> -> memref<1x4096xi32, #tpu.memory_space<hbm>>
          %dma_wait3A_86 = tpu.memref_squeeze %dma_wait3A_85 : memref<1x4096xi32, #tpu.memory_space<hbm>> -> memref<4096xi32, #tpu.memory_space<hbm>>
          %dma_wait3A_87 = arith.constant 0 : i32
          %dma_wait3A_88 = tpu.memref_slice %arg2[%select_n3A, %dma_wait3A_87] : memref<128x4096xi32, #tpu.memory_space<hbm>> -> memref<1x4096xi32, #tpu.memory_space<hbm>>
          %dma_wait3A_89 = tpu.memref_squeeze %dma_wait3A_88 : memref<1x4096xi32, #tpu.memory_space<hbm>> -> memref<4096xi32, #tpu.memory_space<hbm>>
          tpu.wait_dma2 semaphore(%run_scoped3A : memref<!tpu.dma_semaphore, #tpu.memory_space<semaphore_mem>>) src(%dma_wait3A_89 : memref<4096xi32, #tpu.memory_space<hbm>>) dst(%arg7 : memref<4096xi32, #tpu.memory_space<vmem>>)
          tpu.yield
        }) : () -> ()
      } else {
      }
      %not3A = arith.constant true
      %not3A_39 = arith.xori %lt3A_16, %not3A : i1
      %convert_element_type3A_40 = arith.extui %not3A_39 : i1 to i32
      %cond3A_41 = arith.constant 0 : i32
      %cond3A_42 = arith.cmpi ne, %convert_element_type3A_40, %cond3A_41 : i32
      scf.if %cond3A_42 {
        "tpu.region"() ({
          %run_scoped3A = tpu.sem_alloc : memref<!tpu.dma_semaphore, #tpu.memory_space<semaphore_mem>>
          %dma_start3A = arith.constant 0 : i32
          %dma_start3A_80 = tpu.memref_slice %arg3[%select_n3A, %dma_start3A] : memref<128x4096xi32, #tpu.memory_space<hbm>> -> memref<1x4096xi32, #tpu.memory_space<hbm>>
          %dma_start3A_81 = tpu.memref_squeeze %dma_start3A_80 : memref<1x4096xi32, #tpu.memory_space<hbm>> -> memref<4096xi32, #tpu.memory_space<hbm>>
          %dma_start3A_82 = arith.constant 0 : i32
          %dma_start3A_83 = tpu.memref_slice %arg3[%select_n3A, %dma_start3A_82] : memref<128x4096xi32, #tpu.memory_space<hbm>> -> memref<1x4096xi32, #tpu.memory_space<hbm>>
          %dma_start3A_84 = tpu.memref_squeeze %dma_start3A_83 : memref<1x4096xi32, #tpu.memory_space<hbm>> -> memref<4096xi32, #tpu.memory_space<hbm>>
          tpu.enqueue_dma source(%dma_start3A_84 : memref<4096xi32, #tpu.memory_space<hbm>>) target(%arg7 : memref<4096xi32, #tpu.memory_space<vmem>>) target_semaphore(%run_scoped3A : memref<!tpu.dma_semaphore, #tpu.memory_space<semaphore_mem>>)
          %dma_wait3A = arith.constant 0 : i32
          %dma_wait3A_85 = tpu.memref_slice %arg3[%select_n3A, %dma_wait3A] : memref<128x4096xi32, #tpu.memory_space<hbm>> -> memref<1x4096xi32, #tpu.memory_space<hbm>>
          %dma_wait3A_86 = tpu.memref_squeeze %dma_wait3A_85 : memref<1x4096xi32, #tpu.memory_space<hbm>> -> memref<4096xi32, #tpu.memory_space<hbm>>
          %dma_wait3A_87 = arith.constant 0 : i32
          %dma_wait3A_88 = tpu.memref_slice %arg3[%select_n3A, %dma_wait3A_87] : memref<128x4096xi32, #tpu.memory_space<hbm>> -> memref<1x4096xi32, #tpu.memory_space<hbm>>
          %dma_wait3A_89 = tpu.memref_squeeze %dma_wait3A_88 : memref<1x4096xi32, #tpu.memory_space<hbm>> -> memref<4096xi32, #tpu.memory_space<hbm>>
          tpu.wait_dma2 semaphore(%run_scoped3A : memref<!tpu.dma_semaphore, #tpu.memory_space<semaphore_mem>>) src(%dma_wait3A_89 : memref<4096xi32, #tpu.memory_space<hbm>>) dst(%arg7 : memref<4096xi32, #tpu.memory_space<vmem>>)
          tpu.yield
        }) : () -> ()
      } else {
      }
      %scan3A_43 = arith.constant 0 : i32
      %scan3A_44 = arith.constant 0 : i32
      %scan3A_45 = arith.constant 128 : i32
      %scan3A_46 = arith.addi %scan3A_44, %scan3A_45 : i32
      %scan3A_47 = arith.constant 1 : i32
      %scan3A_48 = scf.for %scan3A_80 = %scan3A_44 to %scan3A_46 step %scan3A_47 iter_args(%scan3A_81 = %scan3A_43) -> (i32)  : i32 {
        %broadcast_in_dim3A_82 = arith.constant 0 : i32
        %broadcast_in_dim3A_83 = vector.broadcast %broadcast_in_dim3A_82 : i32 to vector<16xi32>
        %mul3A_84 = arith.constant 16 : i32
        %mul3A_85 = arith.muli %scan3A_80, %mul3A_84 : i32
        %swap3A = arith.index_cast %mul3A_85 : i32 to index
        %swap3A_86 = tpu.vector_load %arg10[%swap3A] {strides = array<i32>} : memref<2048xi32, #tpu.memory_space<vmem>>, vector<16xi32>,
        tpu.vector_store %arg10[%swap3A], %broadcast_in_dim3A_83 {strides = array<i32>} : memref<2048xi32, #tpu.memory_space<vmem>>, vector<16xi32>,
        %scan3A_87 = arith.constant 0 : i32
        scf.yield %scan3A_87 : i32
      }
      %scan3A_49 = arith.constant 128 : i32
      %scan3A_50 = arith.constant 0 : i32
      %scan3A_51 = arith.constant 0 : i32
      %scan3A_52 = arith.constant 256 : i32
      %scan3A_53 = arith.addi %scan3A_51, %scan3A_52 : i32
      %scan3A_54 = arith.constant 1 : i32
      %scan3A_55 = scf.for %scan3A_80 = %scan3A_51 to %scan3A_53 step %scan3A_54 iter_args(%scan3A_81 = %scan3A_50) -> (i32)  : i32 {
        %add3A_82 = vector.broadcast %scan3A_80 : i32 to vector<16xi32>
        %add3A_83 = arith.addi %mul3A_3, %add3A_82 : vector<16xi32>
        %gather3A = tpu.vector_load_idx %arg7[%add3A_83] : memref<4096xi32, #tpu.memory_space<vmem>>[vector<16xi32>], vector<16xi32>,
        %mul3A_84 = arith.constant 16 : i32
        %mul3A_85 = vector.broadcast %mul3A_84 : i32 to vector<16xi32>
        %mul3A_86 = arith.muli %gather3A, %mul3A_85 : vector<16xi32>
        %add3A_87 = arith.addi %mul3A_86, %iota3A : vector<16xi32>
        tpu.vector_store_idx %arg10[%add3A_87], %broadcast_in_dim3A_4 {add = true} : memref<2048xi32, #tpu.memory_space<vmem>>[vector<16xi32>], vector<16xi32>,
        %scan3A_88 = arith.constant 0 : i32
        scf.yield %scan3A_88 : i32
      }
      %scan3A_56 = arith.constant 256 : i32
      %scan3A_57 = arith.constant 0 : i32
      %scan3A_58 = arith.constant 0 : i32
      %scan3A_59 = arith.constant 128 : i32
      %scan3A_60 = arith.addi %scan3A_58, %scan3A_59 : i32
      %scan3A_61 = arith.constant 1 : i32
      %scan3A_62 = scf.for %scan3A_80 = %scan3A_58 to %scan3A_60 step %scan3A_61 iter_args(%scan3A_81 = %scan3A_57) -> (i32)  : i32 {
        %mul3A_82 = arith.constant 16 : i32
        %mul3A_83 = arith.muli %scan3A_80, %mul3A_82 : i32
        %get3A = arith.index_cast %mul3A_83 : i32 to index
        %get3A_84 = tpu.vector_load %arg10[%get3A] {strides = array<i32>} : memref<2048xi32, #tpu.memory_space<vmem>>, vector<16xi32>,
        %broadcast_in_dim3A_85 = arith.constant true
        %broadcast_in_dim3A_86 = vector.broadcast %broadcast_in_dim3A_85 : i1 to vector<16xi1>
        %masked_cumsum3A = tpu.scan <sum>, %get3A_84 masked %broadcast_in_dim3A_86 : vector<16xi32>, vector<16xi1> -> vector<16xi32>
        %reduce_sum3A = arith.constant true
        %reduce_sum3A_87 = vector.broadcast %reduce_sum3A : i1 to vector<16xi1>
        %reduce_sum3A_88 = tpu.scan <sum>, %get3A_84 masked %reduce_sum3A_87 : vector<16xi32>, vector<16xi1> -> vector<16xi32>
        %reduce_sum3A_89 = vector.extract %reduce_sum3A_88[15] : i32 from vector<16xi32>
        %sub3A_90 = arith.subi %masked_cumsum3A, %get3A_84 : vector<16xi32>
        %add3A_91 = vector.broadcast %scan3A_81 : i32 to vector<16xi32>
        %add3A_92 = arith.addi %sub3A_90, %add3A_91 : vector<16xi32>
        %mul3A_93 = arith.constant 16 : i32
        %mul3A_94 = arith.muli %scan3A_80, %mul3A_93 : i32
        %swap3A = arith.index_cast %mul3A_94 : i32 to index
        %swap3A_95 = tpu.vector_load %arg10[%swap3A] {strides = array<i32>} : memref<2048xi32, #tpu.memory_space<vmem>>, vector<16xi32>,
        tpu.vector_store %arg10[%swap3A], %add3A_92 {strides = array<i32>} : memref<2048xi32, #tpu.memory_space<vmem>>, vector<16xi32>,
        %add3A_96 = arith.addi %scan3A_81, %reduce_sum3A_89 : i32
        scf.yield %add3A_96 : i32
      }
      %scan3A_63 = arith.constant 128 : i32
      %scan3A_64 = arith.constant 0 : i32
      %scan3A_65 = arith.constant 0 : i32
      %scan3A_66 = arith.constant 256 : i32
      %scan3A_67 = arith.addi %scan3A_65, %scan3A_66 : i32
      %scan3A_68 = arith.constant 1 : i32
      %scan3A_69 = scf.for %scan3A_80 = %scan3A_65 to %scan3A_67 step %scan3A_68 iter_args(%scan3A_81 = %scan3A_64) -> (i32)  : i32 {
        %add3A_82 = vector.broadcast %scan3A_80 : i32 to vector<16xi32>
        %add3A_83 = arith.addi %mul3A_3, %add3A_82 : vector<16xi32>
        %gather3A = tpu.vector_load_idx %arg7[%add3A_83] : memref<4096xi32, #tpu.memory_space<vmem>>[vector<16xi32>], vector<16xi32>,
        %mul3A_84 = arith.constant 16 : i32
        %mul3A_85 = vector.broadcast %mul3A_84 : i32 to vector<16xi32>
        %mul3A_86 = arith.muli %gather3A, %mul3A_85 : vector<16xi32>
        %add3A_87 = arith.addi %mul3A_86, %iota3A : vector<16xi32>
        %gather3A_88 = tpu.vector_load_idx %arg10[%add3A_87] : memref<2048xi32, #tpu.memory_space<vmem>>[vector<16xi32>], vector<16xi32>,
        %add3A_89 = arith.constant 1 : i32
        %add3A_90 = vector.broadcast %add3A_89 : i32 to vector<16xi32>
        %add3A_91 = arith.addi %gather3A_88, %add3A_90 : vector<16xi32>
        tpu.vector_store_idx %arg10[%add3A_87], %add3A_91 : memref<2048xi32, #tpu.memory_space<vmem>>[vector<16xi32>], vector<16xi32>,
        %add3A_92 = vector.broadcast %mul3A_37 : i32 to vector<16xi32>
        %add3A_93 = arith.addi %add3A_83, %add3A_92 : vector<16xi32>
        tpu.vector_store_idx %arg8[%gather3A_88], %add3A_93 : memref<4096xi32, #tpu.memory_space<vmem>>[vector<16xi32>], vector<16xi32>,
        %mul3A_94 = arith.constant 4096 : i32
        %mul3A_95 = arith.muli %select_n3A, %mul3A_94 : i32
        %add3A_96 = vector.broadcast %mul3A_95 : i32 to vector<16xi32>
        %add3A_97 = arith.addi %gather3A_88, %add3A_96 : vector<16xi32>
        tpu.vector_store_idx %arg9[%add3A_83], %add3A_97 : memref<4096xi32, #tpu.memory_space<vmem>>[vector<16xi32>], vector<16xi32>,
        %scan3A_98 = arith.constant 0 : i32
        scf.yield %scan3A_98 : i32
      }
      %scan3A_70 = arith.constant 256 : i32
      %convert_element_type3A_71 = arith.extui %lt3A_16 : i1 to i32
      %cond3A_72 = arith.constant 0 : i32
      %cond3A_73 = arith.cmpi ne, %convert_element_type3A_71, %cond3A_72 : i32
      scf.if %cond3A_73 {
        %mul3A_80 = arith.constant 4096 : i32
        %mul3A_81 = arith.muli %select_n3A, %mul3A_80 : i32
        "tpu.region"() ({
          %run_scoped3A = tpu.sem_alloc : memref<!tpu.dma_semaphore, #tpu.memory_space<semaphore_mem>>
          %dma_start3A = tpu.memref_slice %arg4[%mul3A_81] : memref<524288xi32, #tpu.memory_space<hbm>> -> memref<4096xi32, #tpu.memory_space<hbm>>
          %dma_start3A_84 = tpu.memref_slice %arg4[%mul3A_81] : memref<524288xi32, #tpu.memory_space<hbm>> -> memref<4096xi32, #tpu.memory_space<hbm>>
          tpu.enqueue_dma source(%arg8 : memref<4096xi32, #tpu.memory_space<vmem>>) target(%dma_start3A_84 : memref<4096xi32, #tpu.memory_space<hbm>>) target_semaphore(%run_scoped3A : memref<!tpu.dma_semaphore, #tpu.memory_space<semaphore_mem>>)
          %dma_wait3A = tpu.memref_slice %arg4[%mul3A_81] : memref<524288xi32, #tpu.memory_space<hbm>> -> memref<4096xi32, #tpu.memory_space<hbm>>
          %dma_wait3A_85 = tpu.memref_slice %arg4[%mul3A_81] : memref<524288xi32, #tpu.memory_space<hbm>> -> memref<4096xi32, #tpu.memory_space<hbm>>
          tpu.wait_dma2 semaphore(%run_scoped3A : memref<!tpu.dma_semaphore, #tpu.memory_space<semaphore_mem>>) src(%arg8 : memref<4096xi32, #tpu.memory_space<vmem>>) dst(%dma_wait3A_85 : memref<4096xi32, #tpu.memory_space<hbm>>)
          tpu.yield
        }) : () -> ()
        %mul3A_82 = arith.constant 4096 : i32
        %mul3A_83 = arith.muli %select_n3A, %mul3A_82 : i32
        "tpu.region"() ({
          %run_scoped3A = tpu.sem_alloc : memref<!tpu.dma_semaphore, #tpu.memory_space<semaphore_mem>>
          %dma_start3A = tpu.memref_slice %arg5[%mul3A_83] : memref<524288xi32, #tpu.memory_space<hbm>> -> memref<4096xi32, #tpu.memory_space<hbm>>
          %dma_start3A_84 = tpu.memref_slice %arg5[%mul3A_83] : memref<524288xi32, #tpu.memory_space<hbm>> -> memref<4096xi32, #tpu.memory_space<hbm>>
          tpu.enqueue_dma source(%arg9 : memref<4096xi32, #tpu.memory_space<vmem>>) target(%dma_start3A_84 : memref<4096xi32, #tpu.memory_space<hbm>>) target_semaphore(%run_scoped3A : memref<!tpu.dma_semaphore, #tpu.memory_space<semaphore_mem>>)
          %dma_wait3A = tpu.memref_slice %arg5[%mul3A_83] : memref<524288xi32, #tpu.memory_space<hbm>> -> memref<4096xi32, #tpu.memory_space<hbm>>
          %dma_wait3A_85 = tpu.memref_slice %arg5[%mul3A_83] : memref<524288xi32, #tpu.memory_space<hbm>> -> memref<4096xi32, #tpu.memory_space<hbm>>
          tpu.wait_dma2 semaphore(%run_scoped3A : memref<!tpu.dma_semaphore, #tpu.memory_space<semaphore_mem>>) src(%arg9 : memref<4096xi32, #tpu.memory_space<vmem>>) dst(%dma_wait3A_85 : memref<4096xi32, #tpu.memory_space<hbm>>)
          tpu.yield
        }) : () -> ()
      } else {
      }
      %not3A_74 = arith.constant true
      %not3A_75 = arith.xori %lt3A_16, %not3A_74 : i1
      %convert_element_type3A_76 = arith.extui %not3A_75 : i1 to i32
      %cond3A_77 = arith.constant 0 : i32
      %cond3A_78 = arith.cmpi ne, %convert_element_type3A_76, %cond3A_77 : i32
      scf.if %cond3A_78 {
        %mul3A_80 = arith.constant 4096 : i32
        %mul3A_81 = arith.muli %select_n3A, %mul3A_80 : i32
        "tpu.region"() ({
          %run_scoped3A = tpu.sem_alloc : memref<!tpu.dma_semaphore, #tpu.memory_space<semaphore_mem>>
          %dma_start3A = tpu.memref_slice %arg6[%mul3A_81] : memref<524288xi32, #tpu.memory_space<hbm>> -> memref<4096xi32, #tpu.memory_space<hbm>>
          %dma_start3A_82 = tpu.memref_slice %arg6[%mul3A_81] : memref<524288xi32, #tpu.memory_space<hbm>> -> memref<4096xi32, #tpu.memory_space<hbm>>
          tpu.enqueue_dma source(%arg8 : memref<4096xi32, #tpu.memory_space<vmem>>) target(%dma_start3A_82 : memref<4096xi32, #tpu.memory_space<hbm>>) target_semaphore(%run_scoped3A : memref<!tpu.dma_semaphore, #tpu.memory_space<semaphore_mem>>)
          %dma_wait3A = tpu.memref_slice %arg6[%mul3A_81] : memref<524288xi32, #tpu.memory_space<hbm>> -> memref<4096xi32, #tpu.memory_space<hbm>>
          %dma_wait3A_83 = tpu.memref_slice %arg6[%mul3A_81] : memref<524288xi32, #tpu.memory_space<hbm>> -> memref<4096xi32, #tpu.memory_space<hbm>>
          tpu.wait_dma2 semaphore(%run_scoped3A : memref<!tpu.dma_semaphore, #tpu.memory_space<semaphore_mem>>) src(%arg8 : memref<4096xi32, #tpu.memory_space<vmem>>) dst(%dma_wait3A_83 : memref<4096xi32, #tpu.memory_space<hbm>>)
          tpu.yield
        }) : () -> ()
      } else {
      }
      %scan3A_79 = arith.constant 0 : i32
      scf.yield %scan3A_79 : i32
    }
    %scan3A_10 = arith.constant 8 : i32
    return
  }
}

#map = affine_map<(d0, d1) -> (0, 0)>
#map1 = affine_map<(d0, d1) -> (0)>
module attributes {stable_mosaic.version = 14 : i64} {
  func.func @gather_o(%arg0: i32, %arg1: i32, %arg2: memref<524288x64xf32, #tpu.memory_space<hbm>>, %arg3: memref<524288xf32, #tpu.memory_space<hbm>>, %arg4: memref<524288xi32, #tpu.memory_space<hbm>>, %arg5: memref<524288x64xf32, #tpu.memory_space<hbm>>, %arg6: memref<524288xf32, #tpu.memory_space<hbm>>, %arg7: memref<512xi32, #tpu.memory_space<vmem>>, %arg8: memref<512xi32, #tpu.memory_space<vmem>>, %arg9: memref<512x64xf32, #tpu.memory_space<vmem>>, %arg10: memref<512x64xf32, #tpu.memory_space<vmem>>, %arg11: memref<512xf32, #tpu.memory_space<vmem>>, %arg12: memref<512xf32, #tpu.memory_space<vmem>>, %arg13: memref<!tpu.dma_semaphore, #tpu.memory_space<semaphore_mem>>, %arg14: memref<!tpu.dma_semaphore, #tpu.memory_space<semaphore_mem>>, %arg15: memref<!tpu.dma_semaphore, #tpu.memory_space<semaphore_mem>>, %arg16: memref<!tpu.dma_semaphore, #tpu.memory_space<semaphore_mem>>) attributes {dimension_semantics = [#tpu.dimension_semantics<core_parallel>, #tpu.dimension_semantics<subcore_parallel>], iteration_bounds = array<i64: 2, 16>, scalar_prefetch = 0 : i64, scratch_operands = 10 : i64, tpu.core_type = #tpu.core_type<sc_vector_subcore>, window_params = [{transform_indices = #map}, {transform_indices = #map1}, {transform_indices = #map1}, {transform_indices = #map}, {transform_indices = #map1}]} {
    %mul3A = arith.constant 2 : i32
    %mul3A_0 = arith.muli %arg1, %mul3A : i32
    %add3A = arith.addi %mul3A_0, %arg0 : i32
    %mul3A_1 = arith.constant 16384 : i32
    %mul3A_2 = arith.muli %add3A, %mul3A_1 : i32
    %add3A_3 = arith.constant 0 : i32
    %add3A_4 = arith.addi %mul3A_2, %add3A_3 : i32
    "tpu.region"() ({
      %run_scoped3A = tpu.sem_alloc : memref<!tpu.dma_semaphore, #tpu.memory_space<semaphore_mem>>
      %dma_start3A_22 = tpu.memref_slice %arg4[%add3A_4] : memref<524288xi32, #tpu.memory_space<hbm>> -> memref<512xi32, #tpu.memory_space<hbm>>
      %dma_start3A_23 = tpu.memref_slice %arg4[%add3A_4] : memref<524288xi32, #tpu.memory_space<hbm>> -> memref<512xi32, #tpu.memory_space<hbm>>
      tpu.enqueue_dma source(%dma_start3A_23 : memref<512xi32, #tpu.memory_space<hbm>>) target(%arg7 : memref<512xi32, #tpu.memory_space<vmem>>) target_semaphore(%run_scoped3A : memref<!tpu.dma_semaphore, #tpu.memory_space<semaphore_mem>>)
      %dma_wait3A = tpu.memref_slice %arg4[%add3A_4] : memref<524288xi32, #tpu.memory_space<hbm>> -> memref<512xi32, #tpu.memory_space<hbm>>
      %dma_wait3A_24 = tpu.memref_slice %arg4[%add3A_4] : memref<524288xi32, #tpu.memory_space<hbm>> -> memref<512xi32, #tpu.memory_space<hbm>>
      tpu.wait_dma2 semaphore(%run_scoped3A : memref<!tpu.dma_semaphore, #tpu.memory_space<semaphore_mem>>) src(%dma_wait3A_24 : memref<512xi32, #tpu.memory_space<hbm>>) dst(%arg7 : memref<512xi32, #tpu.memory_space<vmem>>)
      tpu.yield
    }) : () -> ()
    %dma_start3A = arith.constant 0 : i32
    %dma_start3A_5 = arith.constant 0 : i32
    %dma_start3A_6 = tpu.memref_slice %arg2[%dma_start3A, %dma_start3A_5] : memref<524288x64xf32, #tpu.memory_space<hbm>> -> memref<524288x64xf32, #tpu.memory_space<hbm>>
    tpu.enqueue_indirect_dma source(%dma_start3A_6 : memref<524288x64xf32, #tpu.memory_space<hbm>>) target(%arg9 : memref<512x64xf32, #tpu.memory_space<vmem>>) offsets(%arg7 : memref<512xi32, #tpu.memory_space<vmem>>) semaphore(%arg13 : memref<!tpu.dma_semaphore, #tpu.memory_space<semaphore_mem>>)
    %dma_start3A_7 = arith.constant 0 : i32
    %dma_start3A_8 = tpu.memref_slice %arg3[%dma_start3A_7] : memref<524288xf32, #tpu.memory_space<hbm>> -> memref<524288xf32, #tpu.memory_space<hbm>>
    tpu.enqueue_indirect_dma source(%dma_start3A_8 : memref<524288xf32, #tpu.memory_space<hbm>>) target(%arg11 : memref<512xf32, #tpu.memory_space<vmem>>) offsets(%arg7 : memref<512xi32, #tpu.memory_space<vmem>>) semaphore(%arg15 : memref<!tpu.dma_semaphore, #tpu.memory_space<semaphore_mem>>)
    %add3A_9 = arith.constant 512 : i32
    %add3A_10 = arith.addi %mul3A_2, %add3A_9 : i32
    "tpu.region"() ({
      %run_scoped3A = tpu.sem_alloc : memref<!tpu.dma_semaphore, #tpu.memory_space<semaphore_mem>>
      %dma_start3A_22 = tpu.memref_slice %arg4[%add3A_10] : memref<524288xi32, #tpu.memory_space<hbm>> -> memref<512xi32, #tpu.memory_space<hbm>>
      %dma_start3A_23 = tpu.memref_slice %arg4[%add3A_10] : memref<524288xi32, #tpu.memory_space<hbm>> -> memref<512xi32, #tpu.memory_space<hbm>>
      tpu.enqueue_dma source(%dma_start3A_23 : memref<512xi32, #tpu.memory_space<hbm>>) target(%arg8 : memref<512xi32, #tpu.memory_space<vmem>>) target_semaphore(%run_scoped3A : memref<!tpu.dma_semaphore, #tpu.memory_space<semaphore_mem>>)
      %dma_wait3A = tpu.memref_slice %arg4[%add3A_10] : memref<524288xi32, #tpu.memory_space<hbm>> -> memref<512xi32, #tpu.memory_space<hbm>>
      %dma_wait3A_24 = tpu.memref_slice %arg4[%add3A_10] : memref<524288xi32, #tpu.memory_space<hbm>> -> memref<512xi32, #tpu.memory_space<hbm>>
      tpu.wait_dma2 semaphore(%run_scoped3A : memref<!tpu.dma_semaphore, #tpu.memory_space<semaphore_mem>>) src(%dma_wait3A_24 : memref<512xi32, #tpu.memory_space<hbm>>) dst(%arg8 : memref<512xi32, #tpu.memory_space<vmem>>)
      tpu.yield
    }) : () -> ()
    %dma_start3A_11 = arith.constant 0 : i32
    %dma_start3A_12 = arith.constant 0 : i32
    %dma_start3A_13 = tpu.memref_slice %arg2[%dma_start3A_11, %dma_start3A_12] : memref<524288x64xf32, #tpu.memory_space<hbm>> -> memref<524288x64xf32, #tpu.memory_space<hbm>>
    tpu.enqueue_indirect_dma source(%dma_start3A_13 : memref<524288x64xf32, #tpu.memory_space<hbm>>) target(%arg10 : memref<512x64xf32, #tpu.memory_space<vmem>>) offsets(%arg8 : memref<512xi32, #tpu.memory_space<vmem>>) semaphore(%arg14 : memref<!tpu.dma_semaphore, #tpu.memory_space<semaphore_mem>>)
    %dma_start3A_14 = arith.constant 0 : i32
    %dma_start3A_15 = tpu.memref_slice %arg3[%dma_start3A_14] : memref<524288xf32, #tpu.memory_space<hbm>> -> memref<524288xf32, #tpu.memory_space<hbm>>
    tpu.enqueue_indirect_dma source(%dma_start3A_15 : memref<524288xf32, #tpu.memory_space<hbm>>) target(%arg12 : memref<512xf32, #tpu.memory_space<vmem>>) offsets(%arg8 : memref<512xi32, #tpu.memory_space<vmem>>) semaphore(%arg16 : memref<!tpu.dma_semaphore, #tpu.memory_space<semaphore_mem>>)
    %scan3A = arith.constant 0 : i32
    %scan3A_16 = arith.constant 0 : i32
    %scan3A_17 = arith.constant 16 : i32
    %scan3A_18 = arith.addi %scan3A_16, %scan3A_17 : i32
    %scan3A_19 = arith.constant 1 : i32
    %scan3A_20 = scf.for %scan3A_22 = %scan3A_16 to %scan3A_18 step %scan3A_19 iter_args(%scan3A_23 = %scan3A) -> (i32)  : i32 {
      %mul3A_24 = arith.constant 2 : i32
      %mul3A_25 = arith.muli %mul3A_24, %scan3A_22 : i32
      %add3A_26 = arith.constant 0 : i32
      %add3A_27 = arith.addi %mul3A_25, %add3A_26 : i32
      %dma_wait3A = arith.constant 0 : i32
      %dma_wait3A_28 = arith.constant 0 : i32
      %dma_wait3A_29 = tpu.memref_slice %arg2[%dma_wait3A, %dma_wait3A_28] : memref<524288x64xf32, #tpu.memory_space<hbm>> -> memref<524288x64xf32, #tpu.memory_space<hbm>>
      tpu.wait_indirect_dma semaphore(%arg13 : memref<!tpu.dma_semaphore, #tpu.memory_space<semaphore_mem>>) src(%dma_wait3A_29 : memref<524288x64xf32, #tpu.memory_space<hbm>>) dst(%arg9 : memref<512x64xf32, #tpu.memory_space<vmem>>)
      %dma_wait3A_30 = arith.constant 0 : i32
      %dma_wait3A_31 = tpu.memref_slice %arg3[%dma_wait3A_30] : memref<524288xf32, #tpu.memory_space<hbm>> -> memref<524288xf32, #tpu.memory_space<hbm>>
      tpu.wait_indirect_dma semaphore(%arg15 : memref<!tpu.dma_semaphore, #tpu.memory_space<semaphore_mem>>) src(%dma_wait3A_31 : memref<524288xf32, #tpu.memory_space<hbm>>) dst(%arg11 : memref<512xf32, #tpu.memory_space<vmem>>)
      %mul3A_32 = arith.constant 512 : i32
      %mul3A_33 = arith.muli %add3A_27, %mul3A_32 : i32
      %add3A_34 = arith.addi %mul3A_2, %mul3A_33 : i32
      "tpu.region"() ({
        %run_scoped3A = tpu.sem_alloc : memref<!tpu.dma_semaphore, #tpu.memory_space<semaphore_mem>>
        %dma_start3A_59 = arith.constant 0 : i32
        %dma_start3A_60 = tpu.memref_slice %arg5[%add3A_34, %dma_start3A_59] : memref<524288x64xf32, #tpu.memory_space<hbm>> -> memref<512x64xf32, #tpu.memory_space<hbm>>
        %dma_start3A_61 = arith.constant 0 : i32
        %dma_start3A_62 = tpu.memref_slice %arg5[%add3A_34, %dma_start3A_61] : memref<524288x64xf32, #tpu.memory_space<hbm>> -> memref<512x64xf32, #tpu.memory_space<hbm>>
        tpu.enqueue_dma source(%arg9 : memref<512x64xf32, #tpu.memory_space<vmem>>) target(%dma_start3A_62 : memref<512x64xf32, #tpu.memory_space<hbm>>) target_semaphore(%run_scoped3A : memref<!tpu.dma_semaphore, #tpu.memory_space<semaphore_mem>>)
        %dma_wait3A_63 = arith.constant 0 : i32
        %dma_wait3A_64 = tpu.memref_slice %arg5[%add3A_34, %dma_wait3A_63] : memref<524288x64xf32, #tpu.memory_space<hbm>> -> memref<512x64xf32, #tpu.memory_space<hbm>>
        %dma_wait3A_65 = arith.constant 0 : i32
        %dma_wait3A_66 = tpu.memref_slice %arg5[%add3A_34, %dma_wait3A_65] : memref<524288x64xf32, #tpu.memory_space<hbm>> -> memref<512x64xf32, #tpu.memory_space<hbm>>
        tpu.wait_dma2 semaphore(%run_scoped3A : memref<!tpu.dma_semaphore, #tpu.memory_space<semaphore_mem>>) src(%arg9 : memref<512x64xf32, #tpu.memory_space<vmem>>) dst(%dma_wait3A_66 : memref<512x64xf32, #tpu.memory_space<hbm>>)
        tpu.yield
      }) : () -> ()
      "tpu.region"() ({
        %run_scoped3A = tpu.sem_alloc : memref<!tpu.dma_semaphore, #tpu.memory_space<semaphore_mem>>
        %dma_start3A_59 = tpu.memref_slice %arg6[%add3A_34] : memref<524288xf32, #tpu.memory_space<hbm>> -> memref<512xf32, #tpu.memory_space<hbm>>
        %dma_start3A_60 = tpu.memref_slice %arg6[%add3A_34] : memref<524288xf32, #tpu.memory_space<hbm>> -> memref<512xf32, #tpu.memory_space<hbm>>
        tpu.enqueue_dma source(%arg11 : memref<512xf32, #tpu.memory_space<vmem>>) target(%dma_start3A_60 : memref<512xf32, #tpu.memory_space<hbm>>) target_semaphore(%run_scoped3A : memref<!tpu.dma_semaphore, #tpu.memory_space<semaphore_mem>>)
        %dma_wait3A_61 = tpu.memref_slice %arg6[%add3A_34] : memref<524288xf32, #tpu.memory_space<hbm>> -> memref<512xf32, #tpu.memory_space<hbm>>
        %dma_wait3A_62 = tpu.memref_slice %arg6[%add3A_34] : memref<524288xf32, #tpu.memory_space<hbm>> -> memref<512xf32, #tpu.memory_space<hbm>>
        tpu.wait_dma2 semaphore(%run_scoped3A : memref<!tpu.dma_semaphore, #tpu.memory_space<semaphore_mem>>) src(%arg11 : memref<512xf32, #tpu.memory_space<vmem>>) dst(%dma_wait3A_62 : memref<512xf32, #tpu.memory_space<hbm>>)
        tpu.yield
      }) : () -> ()
      %add3A_35 = arith.constant 2 : i32
      %add3A_36 = arith.addi %add3A_27, %add3A_35 : i32
      %lt3A = arith.constant 32 : i32
      %lt3A_37 = arith.cmpi slt, %add3A_36, %lt3A : i32
      %convert_element_type3A = arith.extui %lt3A_37 : i1 to i32
      %cond3A = arith.constant 0 : i32
      %cond3A_38 = arith.cmpi ne, %convert_element_type3A, %cond3A : i32
      scf.if %cond3A_38 {
        %add3A_59 = arith.constant 2 : i32
        %add3A_60 = arith.addi %add3A_27, %add3A_59 : i32
        %mul3A_61 = arith.constant 512 : i32
        %mul3A_62 = arith.muli %add3A_60, %mul3A_61 : i32
        %add3A_63 = arith.addi %mul3A_2, %mul3A_62 : i32
        "tpu.region"() ({
          %run_scoped3A = tpu.sem_alloc : memref<!tpu.dma_semaphore, #tpu.memory_space<semaphore_mem>>
          %dma_start3A_69 = tpu.memref_slice %arg4[%add3A_63] : memref<524288xi32, #tpu.memory_space<hbm>> -> memref<512xi32, #tpu.memory_space<hbm>>
          %dma_start3A_70 = tpu.memref_slice %arg4[%add3A_63] : memref<524288xi32, #tpu.memory_space<hbm>> -> memref<512xi32, #tpu.memory_space<hbm>>
          tpu.enqueue_dma source(%dma_start3A_70 : memref<512xi32, #tpu.memory_space<hbm>>) target(%arg7 : memref<512xi32, #tpu.memory_space<vmem>>) target_semaphore(%run_scoped3A : memref<!tpu.dma_semaphore, #tpu.memory_space<semaphore_mem>>)
          %dma_wait3A_71 = tpu.memref_slice %arg4[%add3A_63] : memref<524288xi32, #tpu.memory_space<hbm>> -> memref<512xi32, #tpu.memory_space<hbm>>
          %dma_wait3A_72 = tpu.memref_slice %arg4[%add3A_63] : memref<524288xi32, #tpu.memory_space<hbm>> -> memref<512xi32, #tpu.memory_space<hbm>>
          tpu.wait_dma2 semaphore(%run_scoped3A : memref<!tpu.dma_semaphore, #tpu.memory_space<semaphore_mem>>) src(%dma_wait3A_72 : memref<512xi32, #tpu.memory_space<hbm>>) dst(%arg7 : memref<512xi32, #tpu.memory_space<vmem>>)
          tpu.yield
        }) : () -> ()
        %dma_start3A_64 = arith.constant 0 : i32
        %dma_start3A_65 = arith.constant 0 : i32
        %dma_start3A_66 = tpu.memref_slice %arg2[%dma_start3A_64, %dma_start3A_65] : memref<524288x64xf32, #tpu.memory_space<hbm>> -> memref<524288x64xf32, #tpu.memory_space<hbm>>
        tpu.enqueue_indirect_dma source(%dma_start3A_66 : memref<524288x64xf32, #tpu.memory_space<hbm>>) target(%arg9 : memref<512x64xf32, #tpu.memory_space<vmem>>) offsets(%arg7 : memref<512xi32, #tpu.memory_space<vmem>>) semaphore(%arg13 : memref<!tpu.dma_semaphore, #tpu.memory_space<semaphore_mem>>)
        %dma_start3A_67 = arith.constant 0 : i32
        %dma_start3A_68 = tpu.memref_slice %arg3[%dma_start3A_67] : memref<524288xf32, #tpu.memory_space<hbm>> -> memref<524288xf32, #tpu.memory_space<hbm>>
        tpu.enqueue_indirect_dma source(%dma_start3A_68 : memref<524288xf32, #tpu.memory_space<hbm>>) target(%arg11 : memref<512xf32, #tpu.memory_space<vmem>>) offsets(%arg7 : memref<512xi32, #tpu.memory_space<vmem>>) semaphore(%arg15 : memref<!tpu.dma_semaphore, #tpu.memory_space<semaphore_mem>>)
      } else {
      }
      %mul3A_39 = arith.constant 2 : i32
      %mul3A_40 = arith.muli %mul3A_39, %scan3A_22 : i32
      %add3A_41 = arith.constant 1 : i32
      %add3A_42 = arith.addi %mul3A_40, %add3A_41 : i32
      %dma_wait3A_43 = arith.constant 0 : i32
      %dma_wait3A_44 = arith.constant 0 : i32
      %dma_wait3A_45 = tpu.memref_slice %arg2[%dma_wait3A_43, %dma_wait3A_44] : memref<524288x64xf32, #tpu.memory_space<hbm>> -> memref<524288x64xf32, #tpu.memory_space<hbm>>
      tpu.wait_indirect_dma semaphore(%arg14 : memref<!tpu.dma_semaphore, #tpu.memory_space<semaphore_mem>>) src(%dma_wait3A_45 : memref<524288x64xf32, #tpu.memory_space<hbm>>) dst(%arg10 : memref<512x64xf32, #tpu.memory_space<vmem>>)
      %dma_wait3A_46 = arith.constant 0 : i32
      %dma_wait3A_47 = tpu.memref_slice %arg3[%dma_wait3A_46] : memref<524288xf32, #tpu.memory_space<hbm>> -> memref<524288xf32, #tpu.memory_space<hbm>>
      tpu.wait_indirect_dma semaphore(%arg16 : memref<!tpu.dma_semaphore, #tpu.memory_space<semaphore_mem>>) src(%dma_wait3A_47 : memref<524288xf32, #tpu.memory_space<hbm>>) dst(%arg12 : memref<512xf32, #tpu.memory_space<vmem>>)
      %mul3A_48 = arith.constant 512 : i32
      %mul3A_49 = arith.muli %add3A_42, %mul3A_48 : i32
      %add3A_50 = arith.addi %mul3A_2, %mul3A_49 : i32
      "tpu.region"() ({
        %run_scoped3A = tpu.sem_alloc : memref<!tpu.dma_semaphore, #tpu.memory_space<semaphore_mem>>
        %dma_start3A_59 = arith.constant 0 : i32
        %dma_start3A_60 = tpu.memref_slice %arg5[%add3A_50, %dma_start3A_59] : memref<524288x64xf32, #tpu.memory_space<hbm>> -> memref<512x64xf32, #tpu.memory_space<hbm>>
        %dma_start3A_61 = arith.constant 0 : i32
        %dma_start3A_62 = tpu.memref_slice %arg5[%add3A_50, %dma_start3A_61] : memref<524288x64xf32, #tpu.memory_space<hbm>> -> memref<512x64xf32, #tpu.memory_space<hbm>>
        tpu.enqueue_dma source(%arg10 : memref<512x64xf32, #tpu.memory_space<vmem>>) target(%dma_start3A_62 : memref<512x64xf32, #tpu.memory_space<hbm>>) target_semaphore(%run_scoped3A : memref<!tpu.dma_semaphore, #tpu.memory_space<semaphore_mem>>)
        %dma_wait3A_63 = arith.constant 0 : i32
        %dma_wait3A_64 = tpu.memref_slice %arg5[%add3A_50, %dma_wait3A_63] : memref<524288x64xf32, #tpu.memory_space<hbm>> -> memref<512x64xf32, #tpu.memory_space<hbm>>
        %dma_wait3A_65 = arith.constant 0 : i32
        %dma_wait3A_66 = tpu.memref_slice %arg5[%add3A_50, %dma_wait3A_65] : memref<524288x64xf32, #tpu.memory_space<hbm>> -> memref<512x64xf32, #tpu.memory_space<hbm>>
        tpu.wait_dma2 semaphore(%run_scoped3A : memref<!tpu.dma_semaphore, #tpu.memory_space<semaphore_mem>>) src(%arg10 : memref<512x64xf32, #tpu.memory_space<vmem>>) dst(%dma_wait3A_66 : memref<512x64xf32, #tpu.memory_space<hbm>>)
        tpu.yield
      }) : () -> ()
      "tpu.region"() ({
        %run_scoped3A = tpu.sem_alloc : memref<!tpu.dma_semaphore, #tpu.memory_space<semaphore_mem>>
        %dma_start3A_59 = tpu.memref_slice %arg6[%add3A_50] : memref<524288xf32, #tpu.memory_space<hbm>> -> memref<512xf32, #tpu.memory_space<hbm>>
        %dma_start3A_60 = tpu.memref_slice %arg6[%add3A_50] : memref<524288xf32, #tpu.memory_space<hbm>> -> memref<512xf32, #tpu.memory_space<hbm>>
        tpu.enqueue_dma source(%arg12 : memref<512xf32, #tpu.memory_space<vmem>>) target(%dma_start3A_60 : memref<512xf32, #tpu.memory_space<hbm>>) target_semaphore(%run_scoped3A : memref<!tpu.dma_semaphore, #tpu.memory_space<semaphore_mem>>)
        %dma_wait3A_61 = tpu.memref_slice %arg6[%add3A_50] : memref<524288xf32, #tpu.memory_space<hbm>> -> memref<512xf32, #tpu.memory_space<hbm>>
        %dma_wait3A_62 = tpu.memref_slice %arg6[%add3A_50] : memref<524288xf32, #tpu.memory_space<hbm>> -> memref<512xf32, #tpu.memory_space<hbm>>
        tpu.wait_dma2 semaphore(%run_scoped3A : memref<!tpu.dma_semaphore, #tpu.memory_space<semaphore_mem>>) src(%arg12 : memref<512xf32, #tpu.memory_space<vmem>>) dst(%dma_wait3A_62 : memref<512xf32, #tpu.memory_space<hbm>>)
        tpu.yield
      }) : () -> ()
      %add3A_51 = arith.constant 2 : i32
      %add3A_52 = arith.addi %add3A_42, %add3A_51 : i32
      %lt3A_53 = arith.constant 32 : i32
      %lt3A_54 = arith.cmpi slt, %add3A_52, %lt3A_53 : i32
      %convert_element_type3A_55 = arith.extui %lt3A_54 : i1 to i32
      %cond3A_56 = arith.constant 0 : i32
      %cond3A_57 = arith.cmpi ne, %convert_element_type3A_55, %cond3A_56 : i32
      scf.if %cond3A_57 {
        %add3A_59 = arith.constant 2 : i32
        %add3A_60 = arith.addi %add3A_42, %add3A_59 : i32
        %mul3A_61 = arith.constant 512 : i32
        %mul3A_62 = arith.muli %add3A_60, %mul3A_61 : i32
        %add3A_63 = arith.addi %mul3A_2, %mul3A_62 : i32
        "tpu.region"() ({
          %run_scoped3A = tpu.sem_alloc : memref<!tpu.dma_semaphore, #tpu.memory_space<semaphore_mem>>
          %dma_start3A_69 = tpu.memref_slice %arg4[%add3A_63] : memref<524288xi32, #tpu.memory_space<hbm>> -> memref<512xi32, #tpu.memory_space<hbm>>
          %dma_start3A_70 = tpu.memref_slice %arg4[%add3A_63] : memref<524288xi32, #tpu.memory_space<hbm>> -> memref<512xi32, #tpu.memory_space<hbm>>
          tpu.enqueue_dma source(%dma_start3A_70 : memref<512xi32, #tpu.memory_space<hbm>>) target(%arg8 : memref<512xi32, #tpu.memory_space<vmem>>) target_semaphore(%run_scoped3A : memref<!tpu.dma_semaphore, #tpu.memory_space<semaphore_mem>>)
          %dma_wait3A_71 = tpu.memref_slice %arg4[%add3A_63] : memref<524288xi32, #tpu.memory_space<hbm>> -> memref<512xi32, #tpu.memory_space<hbm>>
          %dma_wait3A_72 = tpu.memref_slice %arg4[%add3A_63] : memref<524288xi32, #tpu.memory_space<hbm>> -> memref<512xi32, #tpu.memory_space<hbm>>
          tpu.wait_dma2 semaphore(%run_scoped3A : memref<!tpu.dma_semaphore, #tpu.memory_space<semaphore_mem>>) src(%dma_wait3A_72 : memref<512xi32, #tpu.memory_space<hbm>>) dst(%arg8 : memref<512xi32, #tpu.memory_space<vmem>>)
          tpu.yield
        }) : () -> ()
        %dma_start3A_64 = arith.constant 0 : i32
        %dma_start3A_65 = arith.constant 0 : i32
        %dma_start3A_66 = tpu.memref_slice %arg2[%dma_start3A_64, %dma_start3A_65] : memref<524288x64xf32, #tpu.memory_space<hbm>> -> memref<524288x64xf32, #tpu.memory_space<hbm>>
        tpu.enqueue_indirect_dma source(%dma_start3A_66 : memref<524288x64xf32, #tpu.memory_space<hbm>>) target(%arg10 : memref<512x64xf32, #tpu.memory_space<vmem>>) offsets(%arg8 : memref<512xi32, #tpu.memory_space<vmem>>) semaphore(%arg14 : memref<!tpu.dma_semaphore, #tpu.memory_space<semaphore_mem>>)
        %dma_start3A_67 = arith.constant 0 : i32
        %dma_start3A_68 = tpu.memref_slice %arg3[%dma_start3A_67] : memref<524288xf32, #tpu.memory_space<hbm>> -> memref<524288xf32, #tpu.memory_space<hbm>>
        tpu.enqueue_indirect_dma source(%dma_start3A_68 : memref<524288xf32, #tpu.memory_space<hbm>>) target(%arg12 : memref<512xf32, #tpu.memory_space<vmem>>) offsets(%arg8 : memref<512xi32, #tpu.memory_space<vmem>>) semaphore(%arg16 : memref<!tpu.dma_semaphore, #tpu.memory_space<semaphore_mem>>)
      } else {
      }
      %scan3A_58 = arith.constant 0 : i32
      scf.yield %scan3A_58 : i32
    }
    %scan3A_21 = arith.constant 16 : i32
    return
  }
}

#map = affine_map<(d0, d1) -> (0, 0)>
#map1 = affine_map<(d0, d1) -> (0)>
module attributes {stable_mosaic.version = 14 : i64} {
  func.func @gather3(%arg0: i32, %arg1: i32, %arg2: memref<65536x64xf32, #tpu.memory_space<hbm>>, %arg3: memref<65536x64xf32, #tpu.memory_space<hbm>>, %arg4: memref<65536x64xf32, #tpu.memory_space<hbm>>, %arg5: memref<524288xi32, #tpu.memory_space<hbm>>, %arg6: memref<524288xi32, #tpu.memory_space<hbm>>, %arg7: memref<524288x64xf32, #tpu.memory_space<hbm>>, %arg8: memref<524288x64xf32, #tpu.memory_space<hbm>>, %arg9: memref<524288x64xf32, #tpu.memory_space<hbm>>, %arg10: memref<256xi32, #tpu.memory_space<vmem>>, %arg11: memref<256xi32, #tpu.memory_space<vmem>>, %arg12: memref<256xi32, #tpu.memory_space<vmem>>, %arg13: memref<256xi32, #tpu.memory_space<vmem>>, %arg14: memref<256x64xf32, #tpu.memory_space<vmem>>, %arg15: memref<256x64xf32, #tpu.memory_space<vmem>>, %arg16: memref<256x64xf32, #tpu.memory_space<vmem>>, %arg17: memref<256x64xf32, #tpu.memory_space<vmem>>, %arg18: memref<256x64xf32, #tpu.memory_space<vmem>>, %arg19: memref<256x64xf32, #tpu.memory_space<vmem>>, %arg20: memref<!tpu.dma_semaphore, #tpu.memory_space<semaphore_mem>>, %arg21: memref<!tpu.dma_semaphore, #tpu.memory_space<semaphore_mem>>, %arg22: memref<!tpu.dma_semaphore, #tpu.memory_space<semaphore_mem>>, %arg23: memref<!tpu.dma_semaphore, #tpu.memory_space<semaphore_mem>>, %arg24: memref<!tpu.dma_semaphore, #tpu.memory_space<semaphore_mem>>, %arg25: memref<!tpu.dma_semaphore, #tpu.memory_space<semaphore_mem>>) attributes {dimension_semantics = [#tpu.dimension_semantics<core_parallel>, #tpu.dimension_semantics<subcore_parallel>], iteration_bounds = array<i64: 2, 16>, scalar_prefetch = 0 : i64, scratch_operands = 16 : i64, tpu.core_type = #tpu.core_type<sc_vector_subcore>, window_params = [{transform_indices = #map}, {transform_indices = #map}, {transform_indices = #map}, {transform_indices = #map1}, {transform_indices = #map1}, {transform_indices = #map}, {transform_indices = #map}, {transform_indices = #map}]} {
    %mul3A = arith.constant 2 : i32
    %mul3A_0 = arith.muli %arg1, %mul3A : i32
    %add3A = arith.addi %mul3A_0, %arg0 : i32
    %mul3A_1 = arith.constant 16384 : i32
    %mul3A_2 = arith.muli %add3A, %mul3A_1 : i32
    %add3A_3 = arith.constant 0 : i32
    %add3A_4 = arith.addi %mul3A_2, %add3A_3 : i32
    "tpu.region"() ({
      %run_scoped3A = tpu.sem_alloc : memref<!tpu.dma_semaphore, #tpu.memory_space<semaphore_mem>>
      %dma_start3A_30 = tpu.memref_slice %arg5[%add3A_4] : memref<524288xi32, #tpu.memory_space<hbm>> -> memref<256xi32, #tpu.memory_space<hbm>>
      %dma_start3A_31 = tpu.memref_slice %arg5[%add3A_4] : memref<524288xi32, #tpu.memory_space<hbm>> -> memref<256xi32, #tpu.memory_space<hbm>>
      tpu.enqueue_dma source(%dma_start3A_31 : memref<256xi32, #tpu.memory_space<hbm>>) target(%arg10 : memref<256xi32, #tpu.memory_space<vmem>>) target_semaphore(%run_scoped3A : memref<!tpu.dma_semaphore, #tpu.memory_space<semaphore_mem>>)
      %dma_wait3A = tpu.memref_slice %arg5[%add3A_4] : memref<524288xi32, #tpu.memory_space<hbm>> -> memref<256xi32, #tpu.memory_space<hbm>>
      %dma_wait3A_32 = tpu.memref_slice %arg5[%add3A_4] : memref<524288xi32, #tpu.memory_space<hbm>> -> memref<256xi32, #tpu.memory_space<hbm>>
      tpu.wait_dma2 semaphore(%run_scoped3A : memref<!tpu.dma_semaphore, #tpu.memory_space<semaphore_mem>>) src(%dma_wait3A_32 : memref<256xi32, #tpu.memory_space<hbm>>) dst(%arg10 : memref<256xi32, #tpu.memory_space<vmem>>)
      tpu.yield
    }) : () -> ()
    "tpu.region"() ({
      %run_scoped3A = tpu.sem_alloc : memref<!tpu.dma_semaphore, #tpu.memory_space<semaphore_mem>>
      %dma_start3A_30 = tpu.memref_slice %arg6[%add3A_4] : memref<524288xi32, #tpu.memory_space<hbm>> -> memref<256xi32, #tpu.memory_space<hbm>>
      %dma_start3A_31 = tpu.memref_slice %arg6[%add3A_4] : memref<524288xi32, #tpu.memory_space<hbm>> -> memref<256xi32, #tpu.memory_space<hbm>>
      tpu.enqueue_dma source(%dma_start3A_31 : memref<256xi32, #tpu.memory_space<hbm>>) target(%arg12 : memref<256xi32, #tpu.memory_space<vmem>>) target_semaphore(%run_scoped3A : memref<!tpu.dma_semaphore, #tpu.memory_space<semaphore_mem>>)
      %dma_wait3A = tpu.memref_slice %arg6[%add3A_4] : memref<524288xi32, #tpu.memory_space<hbm>> -> memref<256xi32, #tpu.memory_space<hbm>>
      %dma_wait3A_32 = tpu.memref_slice %arg6[%add3A_4] : memref<524288xi32, #tpu.memory_space<hbm>> -> memref<256xi32, #tpu.memory_space<hbm>>
      tpu.wait_dma2 semaphore(%run_scoped3A : memref<!tpu.dma_semaphore, #tpu.memory_space<semaphore_mem>>) src(%dma_wait3A_32 : memref<256xi32, #tpu.memory_space<hbm>>) dst(%arg12 : memref<256xi32, #tpu.memory_space<vmem>>)
      tpu.yield
    }) : () -> ()
    %dma_start3A = arith.constant 0 : i32
    %dma_start3A_5 = arith.constant 0 : i32
    %dma_start3A_6 = tpu.memref_slice %arg2[%dma_start3A, %dma_start3A_5] : memref<65536x64xf32, #tpu.memory_space<hbm>> -> memref<65536x64xf32, #tpu.memory_space<hbm>>
    tpu.enqueue_indirect_dma source(%dma_start3A_6 : memref<65536x64xf32, #tpu.memory_space<hbm>>) target(%arg14 : memref<256x64xf32, #tpu.memory_space<vmem>>) offsets(%arg10 : memref<256xi32, #tpu.memory_space<vmem>>) semaphore(%arg20 : memref<!tpu.dma_semaphore, #tpu.memory_space<semaphore_mem>>)
    %dma_start3A_7 = arith.constant 0 : i32
    %dma_start3A_8 = arith.constant 0 : i32
    %dma_start3A_9 = tpu.memref_slice %arg3[%dma_start3A_7, %dma_start3A_8] : memref<65536x64xf32, #tpu.memory_space<hbm>> -> memref<65536x64xf32, #tpu.memory_space<hbm>>
    tpu.enqueue_indirect_dma source(%dma_start3A_9 : memref<65536x64xf32, #tpu.memory_space<hbm>>) target(%arg16 : memref<256x64xf32, #tpu.memory_space<vmem>>) offsets(%arg12 : memref<256xi32, #tpu.memory_space<vmem>>) semaphore(%arg22 : memref<!tpu.dma_semaphore, #tpu.memory_space<semaphore_mem>>)
    %dma_start3A_10 = arith.constant 0 : i32
    %dma_start3A_11 = arith.constant 0 : i32
    %dma_start3A_12 = tpu.memref_slice %arg4[%dma_start3A_10, %dma_start3A_11] : memref<65536x64xf32, #tpu.memory_space<hbm>> -> memref<65536x64xf32, #tpu.memory_space<hbm>>
    tpu.enqueue_indirect_dma source(%dma_start3A_12 : memref<65536x64xf32, #tpu.memory_space<hbm>>) target(%arg18 : memref<256x64xf32, #tpu.memory_space<vmem>>) offsets(%arg12 : memref<256xi32, #tpu.memory_space<vmem>>) semaphore(%arg24 : memref<!tpu.dma_semaphore, #tpu.memory_space<semaphore_mem>>)
    %add3A_13 = arith.constant 256 : i32
    %add3A_14 = arith.addi %mul3A_2, %add3A_13 : i32
    "tpu.region"() ({
      %run_scoped3A = tpu.sem_alloc : memref<!tpu.dma_semaphore, #tpu.memory_space<semaphore_mem>>
      %dma_start3A_30 = tpu.memref_slice %arg5[%add3A_14] : memref<524288xi32, #tpu.memory_space<hbm>> -> memref<256xi32, #tpu.memory_space<hbm>>
      %dma_start3A_31 = tpu.memref_slice %arg5[%add3A_14] : memref<524288xi32, #tpu.memory_space<hbm>> -> memref<256xi32, #tpu.memory_space<hbm>>
      tpu.enqueue_dma source(%dma_start3A_31 : memref<256xi32, #tpu.memory_space<hbm>>) target(%arg11 : memref<256xi32, #tpu.memory_space<vmem>>) target_semaphore(%run_scoped3A : memref<!tpu.dma_semaphore, #tpu.memory_space<semaphore_mem>>)
      %dma_wait3A = tpu.memref_slice %arg5[%add3A_14] : memref<524288xi32, #tpu.memory_space<hbm>> -> memref<256xi32, #tpu.memory_space<hbm>>
      %dma_wait3A_32 = tpu.memref_slice %arg5[%add3A_14] : memref<524288xi32, #tpu.memory_space<hbm>> -> memref<256xi32, #tpu.memory_space<hbm>>
      tpu.wait_dma2 semaphore(%run_scoped3A : memref<!tpu.dma_semaphore, #tpu.memory_space<semaphore_mem>>) src(%dma_wait3A_32 : memref<256xi32, #tpu.memory_space<hbm>>) dst(%arg11 : memref<256xi32, #tpu.memory_space<vmem>>)
      tpu.yield
    }) : () -> ()
    "tpu.region"() ({
      %run_scoped3A = tpu.sem_alloc : memref<!tpu.dma_semaphore, #tpu.memory_space<semaphore_mem>>
      %dma_start3A_30 = tpu.memref_slice %arg6[%add3A_14] : memref<524288xi32, #tpu.memory_space<hbm>> -> memref<256xi32, #tpu.memory_space<hbm>>
      %dma_start3A_31 = tpu.memref_slice %arg6[%add3A_14] : memref<524288xi32, #tpu.memory_space<hbm>> -> memref<256xi32, #tpu.memory_space<hbm>>
      tpu.enqueue_dma source(%dma_start3A_31 : memref<256xi32, #tpu.memory_space<hbm>>) target(%arg13 : memref<256xi32, #tpu.memory_space<vmem>>) target_semaphore(%run_scoped3A : memref<!tpu.dma_semaphore, #tpu.memory_space<semaphore_mem>>)
      %dma_wait3A = tpu.memref_slice %arg6[%add3A_14] : memref<524288xi32, #tpu.memory_space<hbm>> -> memref<256xi32, #tpu.memory_space<hbm>>
      %dma_wait3A_32 = tpu.memref_slice %arg6[%add3A_14] : memref<524288xi32, #tpu.memory_space<hbm>> -> memref<256xi32, #tpu.memory_space<hbm>>
      tpu.wait_dma2 semaphore(%run_scoped3A : memref<!tpu.dma_semaphore, #tpu.memory_space<semaphore_mem>>) src(%dma_wait3A_32 : memref<256xi32, #tpu.memory_space<hbm>>) dst(%arg13 : memref<256xi32, #tpu.memory_space<vmem>>)
      tpu.yield
    }) : () -> ()
    %dma_start3A_15 = arith.constant 0 : i32
    %dma_start3A_16 = arith.constant 0 : i32
    %dma_start3A_17 = tpu.memref_slice %arg2[%dma_start3A_15, %dma_start3A_16] : memref<65536x64xf32, #tpu.memory_space<hbm>> -> memref<65536x64xf32, #tpu.memory_space<hbm>>
    tpu.enqueue_indirect_dma source(%dma_start3A_17 : memref<65536x64xf32, #tpu.memory_space<hbm>>) target(%arg15 : memref<256x64xf32, #tpu.memory_space<vmem>>) offsets(%arg11 : memref<256xi32, #tpu.memory_space<vmem>>) semaphore(%arg21 : memref<!tpu.dma_semaphore, #tpu.memory_space<semaphore_mem>>)
    %dma_start3A_18 = arith.constant 0 : i32
    %dma_start3A_19 = arith.constant 0 : i32
    %dma_start3A_20 = tpu.memref_slice %arg3[%dma_start3A_18, %dma_start3A_19] : memref<65536x64xf32, #tpu.memory_space<hbm>> -> memref<65536x64xf32, #tpu.memory_space<hbm>>
    tpu.enqueue_indirect_dma source(%dma_start3A_20 : memref<65536x64xf32, #tpu.memory_space<hbm>>) target(%arg17 : memref<256x64xf32, #tpu.memory_space<vmem>>) offsets(%arg13 : memref<256xi32, #tpu.memory_space<vmem>>) semaphore(%arg23 : memref<!tpu.dma_semaphore, #tpu.memory_space<semaphore_mem>>)
    %dma_start3A_21 = arith.constant 0 : i32
    %dma_start3A_22 = arith.constant 0 : i32
    %dma_start3A_23 = tpu.memref_slice %arg4[%dma_start3A_21, %dma_start3A_22] : memref<65536x64xf32, #tpu.memory_space<hbm>> -> memref<65536x64xf32, #tpu.memory_space<hbm>>
    tpu.enqueue_indirect_dma source(%dma_start3A_23 : memref<65536x64xf32, #tpu.memory_space<hbm>>) target(%arg19 : memref<256x64xf32, #tpu.memory_space<vmem>>) offsets(%arg13 : memref<256xi32, #tpu.memory_space<vmem>>) semaphore(%arg25 : memref<!tpu.dma_semaphore, #tpu.memory_space<semaphore_mem>>)
    %scan3A = arith.constant 0 : i32
    %scan3A_24 = arith.constant 0 : i32
    %scan3A_25 = arith.constant 32 : i32
    %scan3A_26 = arith.addi %scan3A_24, %scan3A_25 : i32
    %scan3A_27 = arith.constant 1 : i32
    %scan3A_28 = scf.for %scan3A_30 = %scan3A_24 to %scan3A_26 step %scan3A_27 iter_args(%scan3A_31 = %scan3A) -> (i32)  : i32 {
      %mul3A_32 = arith.constant 2 : i32
      %mul3A_33 = arith.muli %mul3A_32, %scan3A_30 : i32
      %add3A_34 = arith.constant 0 : i32
      %add3A_35 = arith.addi %mul3A_33, %add3A_34 : i32
      %dma_wait3A = arith.constant 0 : i32
      %dma_wait3A_36 = arith.constant 0 : i32
      %dma_wait3A_37 = tpu.memref_slice %arg2[%dma_wait3A, %dma_wait3A_36] : memref<65536x64xf32, #tpu.memory_space<hbm>> -> memref<65536x64xf32, #tpu.memory_space<hbm>>
      tpu.wait_indirect_dma semaphore(%arg20 : memref<!tpu.dma_semaphore, #tpu.memory_space<semaphore_mem>>) src(%dma_wait3A_37 : memref<65536x64xf32, #tpu.memory_space<hbm>>) dst(%arg14 : memref<256x64xf32, #tpu.memory_space<vmem>>)
      %dma_wait3A_38 = arith.constant 0 : i32
      %dma_wait3A_39 = arith.constant 0 : i32
      %dma_wait3A_40 = tpu.memref_slice %arg3[%dma_wait3A_38, %dma_wait3A_39] : memref<65536x64xf32, #tpu.memory_space<hbm>> -> memref<65536x64xf32, #tpu.memory_space<hbm>>
      tpu.wait_indirect_dma semaphore(%arg22 : memref<!tpu.dma_semaphore, #tpu.memory_space<semaphore_mem>>) src(%dma_wait3A_40 : memref<65536x64xf32, #tpu.memory_space<hbm>>) dst(%arg16 : memref<256x64xf32, #tpu.memory_space<vmem>>)
      %dma_wait3A_41 = arith.constant 0 : i32
      %dma_wait3A_42 = arith.constant 0 : i32
      %dma_wait3A_43 = tpu.memref_slice %arg4[%dma_wait3A_41, %dma_wait3A_42] : memref<65536x64xf32, #tpu.memory_space<hbm>> -> memref<65536x64xf32, #tpu.memory_space<hbm>>
      tpu.wait_indirect_dma semaphore(%arg24 : memref<!tpu.dma_semaphore, #tpu.memory_space<semaphore_mem>>) src(%dma_wait3A_43 : memref<65536x64xf32, #tpu.memory_space<hbm>>) dst(%arg18 : memref<256x64xf32, #tpu.memory_space<vmem>>)
      %mul3A_44 = arith.constant 256 : i32
      %mul3A_45 = arith.muli %add3A_35, %mul3A_44 : i32
      %add3A_46 = arith.addi %mul3A_2, %mul3A_45 : i32
      "tpu.region"() ({
        %run_scoped3A = tpu.sem_alloc : memref<!tpu.dma_semaphore, #tpu.memory_space<semaphore_mem>>
        %dma_start3A_75 = arith.constant 0 : i32
        %dma_start3A_76 = tpu.memref_slice %arg7[%add3A_46, %dma_start3A_75] : memref<524288x64xf32, #tpu.memory_space<hbm>> -> memref<256x64xf32, #tpu.memory_space<hbm>>
        %dma_start3A_77 = arith.constant 0 : i32
        %dma_start3A_78 = tpu.memref_slice %arg7[%add3A_46, %dma_start3A_77] : memref<524288x64xf32, #tpu.memory_space<hbm>> -> memref<256x64xf32, #tpu.memory_space<hbm>>
        tpu.enqueue_dma source(%arg14 : memref<256x64xf32, #tpu.memory_space<vmem>>) target(%dma_start3A_78 : memref<256x64xf32, #tpu.memory_space<hbm>>) target_semaphore(%run_scoped3A : memref<!tpu.dma_semaphore, #tpu.memory_space<semaphore_mem>>)
        %dma_wait3A_79 = arith.constant 0 : i32
        %dma_wait3A_80 = tpu.memref_slice %arg7[%add3A_46, %dma_wait3A_79] : memref<524288x64xf32, #tpu.memory_space<hbm>> -> memref<256x64xf32, #tpu.memory_space<hbm>>
        %dma_wait3A_81 = arith.constant 0 : i32
        %dma_wait3A_82 = tpu.memref_slice %arg7[%add3A_46, %dma_wait3A_81] : memref<524288x64xf32, #tpu.memory_space<hbm>> -> memref<256x64xf32, #tpu.memory_space<hbm>>
        tpu.wait_dma2 semaphore(%run_scoped3A : memref<!tpu.dma_semaphore, #tpu.memory_space<semaphore_mem>>) src(%arg14 : memref<256x64xf32, #tpu.memory_space<vmem>>) dst(%dma_wait3A_82 : memref<256x64xf32, #tpu.memory_space<hbm>>)
        tpu.yield
      }) : () -> ()
      "tpu.region"() ({
        %run_scoped3A = tpu.sem_alloc : memref<!tpu.dma_semaphore, #tpu.memory_space<semaphore_mem>>
        %dma_start3A_75 = arith.constant 0 : i32
        %dma_start3A_76 = tpu.memref_slice %arg8[%add3A_46, %dma_start3A_75] : memref<524288x64xf32, #tpu.memory_space<hbm>> -> memref<256x64xf32, #tpu.memory_space<hbm>>
        %dma_start3A_77 = arith.constant 0 : i32
        %dma_start3A_78 = tpu.memref_slice %arg8[%add3A_46, %dma_start3A_77] : memref<524288x64xf32, #tpu.memory_space<hbm>> -> memref<256x64xf32, #tpu.memory_space<hbm>>
        tpu.enqueue_dma source(%arg16 : memref<256x64xf32, #tpu.memory_space<vmem>>) target(%dma_start3A_78 : memref<256x64xf32, #tpu.memory_space<hbm>>) target_semaphore(%run_scoped3A : memref<!tpu.dma_semaphore, #tpu.memory_space<semaphore_mem>>)
        %dma_wait3A_79 = arith.constant 0 : i32
        %dma_wait3A_80 = tpu.memref_slice %arg8[%add3A_46, %dma_wait3A_79] : memref<524288x64xf32, #tpu.memory_space<hbm>> -> memref<256x64xf32, #tpu.memory_space<hbm>>
        %dma_wait3A_81 = arith.constant 0 : i32
        %dma_wait3A_82 = tpu.memref_slice %arg8[%add3A_46, %dma_wait3A_81] : memref<524288x64xf32, #tpu.memory_space<hbm>> -> memref<256x64xf32, #tpu.memory_space<hbm>>
        tpu.wait_dma2 semaphore(%run_scoped3A : memref<!tpu.dma_semaphore, #tpu.memory_space<semaphore_mem>>) src(%arg16 : memref<256x64xf32, #tpu.memory_space<vmem>>) dst(%dma_wait3A_82 : memref<256x64xf32, #tpu.memory_space<hbm>>)
        tpu.yield
      }) : () -> ()
      "tpu.region"() ({
        %run_scoped3A = tpu.sem_alloc : memref<!tpu.dma_semaphore, #tpu.memory_space<semaphore_mem>>
        %dma_start3A_75 = arith.constant 0 : i32
        %dma_start3A_76 = tpu.memref_slice %arg9[%add3A_46, %dma_start3A_75] : memref<524288x64xf32, #tpu.memory_space<hbm>> -> memref<256x64xf32, #tpu.memory_space<hbm>>
        %dma_start3A_77 = arith.constant 0 : i32
        %dma_start3A_78 = tpu.memref_slice %arg9[%add3A_46, %dma_start3A_77] : memref<524288x64xf32, #tpu.memory_space<hbm>> -> memref<256x64xf32, #tpu.memory_space<hbm>>
        tpu.enqueue_dma source(%arg18 : memref<256x64xf32, #tpu.memory_space<vmem>>) target(%dma_start3A_78 : memref<256x64xf32, #tpu.memory_space<hbm>>) target_semaphore(%run_scoped3A : memref<!tpu.dma_semaphore, #tpu.memory_space<semaphore_mem>>)
        %dma_wait3A_79 = arith.constant 0 : i32
        %dma_wait3A_80 = tpu.memref_slice %arg9[%add3A_46, %dma_wait3A_79] : memref<524288x64xf32, #tpu.memory_space<hbm>> -> memref<256x64xf32, #tpu.memory_space<hbm>>
        %dma_wait3A_81 = arith.constant 0 : i32
        %dma_wait3A_82 = tpu.memref_slice %arg9[%add3A_46, %dma_wait3A_81] : memref<524288x64xf32, #tpu.memory_space<hbm>> -> memref<256x64xf32, #tpu.memory_space<hbm>>
        tpu.wait_dma2 semaphore(%run_scoped3A : memref<!tpu.dma_semaphore, #tpu.memory_space<semaphore_mem>>) src(%arg18 : memref<256x64xf32, #tpu.memory_space<vmem>>) dst(%dma_wait3A_82 : memref<256x64xf32, #tpu.memory_space<hbm>>)
        tpu.yield
      }) : () -> ()
      %add3A_47 = arith.constant 2 : i32
      %add3A_48 = arith.addi %add3A_35, %add3A_47 : i32
      %lt3A = arith.constant 64 : i32
      %lt3A_49 = arith.cmpi slt, %add3A_48, %lt3A : i32
      %convert_element_type3A = arith.extui %lt3A_49 : i1 to i32
      %cond3A = arith.constant 0 : i32
      %cond3A_50 = arith.cmpi ne, %convert_element_type3A, %cond3A : i32
      scf.if %cond3A_50 {
        %add3A_75 = arith.constant 2 : i32
        %add3A_76 = arith.addi %add3A_35, %add3A_75 : i32
        %mul3A_77 = arith.constant 256 : i32
        %mul3A_78 = arith.muli %add3A_76, %mul3A_77 : i32
        %add3A_79 = arith.addi %mul3A_2, %mul3A_78 : i32
        "tpu.region"() ({
          %run_scoped3A = tpu.sem_alloc : memref<!tpu.dma_semaphore, #tpu.memory_space<semaphore_mem>>
          %dma_start3A_89 = tpu.memref_slice %arg5[%add3A_79] : memref<524288xi32, #tpu.memory_space<hbm>> -> memref<256xi32, #tpu.memory_space<hbm>>
          %dma_start3A_90 = tpu.memref_slice %arg5[%add3A_79] : memref<524288xi32, #tpu.memory_space<hbm>> -> memref<256xi32, #tpu.memory_space<hbm>>
          tpu.enqueue_dma source(%dma_start3A_90 : memref<256xi32, #tpu.memory_space<hbm>>) target(%arg10 : memref<256xi32, #tpu.memory_space<vmem>>) target_semaphore(%run_scoped3A : memref<!tpu.dma_semaphore, #tpu.memory_space<semaphore_mem>>)
          %dma_wait3A_91 = tpu.memref_slice %arg5[%add3A_79] : memref<524288xi32, #tpu.memory_space<hbm>> -> memref<256xi32, #tpu.memory_space<hbm>>
          %dma_wait3A_92 = tpu.memref_slice %arg5[%add3A_79] : memref<524288xi32, #tpu.memory_space<hbm>> -> memref<256xi32, #tpu.memory_space<hbm>>
          tpu.wait_dma2 semaphore(%run_scoped3A : memref<!tpu.dma_semaphore, #tpu.memory_space<semaphore_mem>>) src(%dma_wait3A_92 : memref<256xi32, #tpu.memory_space<hbm>>) dst(%arg10 : memref<256xi32, #tpu.memory_space<vmem>>)
          tpu.yield
        }) : () -> ()
        "tpu.region"() ({
          %run_scoped3A = tpu.sem_alloc : memref<!tpu.dma_semaphore, #tpu.memory_space<semaphore_mem>>
          %dma_start3A_89 = tpu.memref_slice %arg6[%add3A_79] : memref<524288xi32, #tpu.memory_space<hbm>> -> memref<256xi32, #tpu.memory_space<hbm>>
          %dma_start3A_90 = tpu.memref_slice %arg6[%add3A_79] : memref<524288xi32, #tpu.memory_space<hbm>> -> memref<256xi32, #tpu.memory_space<hbm>>
          tpu.enqueue_dma source(%dma_start3A_90 : memref<256xi32, #tpu.memory_space<hbm>>) target(%arg12 : memref<256xi32, #tpu.memory_space<vmem>>) target_semaphore(%run_scoped3A : memref<!tpu.dma_semaphore, #tpu.memory_space<semaphore_mem>>)
          %dma_wait3A_91 = tpu.memref_slice %arg6[%add3A_79] : memref<524288xi32, #tpu.memory_space<hbm>> -> memref<256xi32, #tpu.memory_space<hbm>>
          %dma_wait3A_92 = tpu.memref_slice %arg6[%add3A_79] : memref<524288xi32, #tpu.memory_space<hbm>> -> memref<256xi32, #tpu.memory_space<hbm>>
          tpu.wait_dma2 semaphore(%run_scoped3A : memref<!tpu.dma_semaphore, #tpu.memory_space<semaphore_mem>>) src(%dma_wait3A_92 : memref<256xi32, #tpu.memory_space<hbm>>) dst(%arg12 : memref<256xi32, #tpu.memory_space<vmem>>)
          tpu.yield
        }) : () -> ()
        %dma_start3A_80 = arith.constant 0 : i32
        %dma_start3A_81 = arith.constant 0 : i32
        %dma_start3A_82 = tpu.memref_slice %arg2[%dma_start3A_80, %dma_start3A_81] : memref<65536x64xf32, #tpu.memory_space<hbm>> -> memref<65536x64xf32, #tpu.memory_space<hbm>>
        tpu.enqueue_indirect_dma source(%dma_start3A_82 : memref<65536x64xf32, #tpu.memory_space<hbm>>) target(%arg14 : memref<256x64xf32, #tpu.memory_space<vmem>>) offsets(%arg10 : memref<256xi32, #tpu.memory_space<vmem>>) semaphore(%arg20 : memref<!tpu.dma_semaphore, #tpu.memory_space<semaphore_mem>>)
        %dma_start3A_83 = arith.constant 0 : i32
        %dma_start3A_84 = arith.constant 0 : i32
        %dma_start3A_85 = tpu.memref_slice %arg3[%dma_start3A_83, %dma_start3A_84] : memref<65536x64xf32, #tpu.memory_space<hbm>> -> memref<65536x64xf32, #tpu.memory_space<hbm>>
        tpu.enqueue_indirect_dma source(%dma_start3A_85 : memref<65536x64xf32, #tpu.memory_space<hbm>>) target(%arg16 : memref<256x64xf32, #tpu.memory_space<vmem>>) offsets(%arg12 : memref<256xi32, #tpu.memory_space<vmem>>) semaphore(%arg22 : memref<!tpu.dma_semaphore, #tpu.memory_space<semaphore_mem>>)
        %dma_start3A_86 = arith.constant 0 : i32
        %dma_start3A_87 = arith.constant 0 : i32
        %dma_start3A_88 = tpu.memref_slice %arg4[%dma_start3A_86, %dma_start3A_87] : memref<65536x64xf32, #tpu.memory_space<hbm>> -> memref<65536x64xf32, #tpu.memory_space<hbm>>
        tpu.enqueue_indirect_dma source(%dma_start3A_88 : memref<65536x64xf32, #tpu.memory_space<hbm>>) target(%arg18 : memref<256x64xf32, #tpu.memory_space<vmem>>) offsets(%arg12 : memref<256xi32, #tpu.memory_space<vmem>>) semaphore(%arg24 : memref<!tpu.dma_semaphore, #tpu.memory_space<semaphore_mem>>)
      } else {
      }
      %mul3A_51 = arith.constant 2 : i32
      %mul3A_52 = arith.muli %mul3A_51, %scan3A_30 : i32
      %add3A_53 = arith.constant 1 : i32
      %add3A_54 = arith.addi %mul3A_52, %add3A_53 : i32
      %dma_wait3A_55 = arith.constant 0 : i32
      %dma_wait3A_56 = arith.constant 0 : i32
      %dma_wait3A_57 = tpu.memref_slice %arg2[%dma_wait3A_55, %dma_wait3A_56] : memref<65536x64xf32, #tpu.memory_space<hbm>> -> memref<65536x64xf32, #tpu.memory_space<hbm>>
      tpu.wait_indirect_dma semaphore(%arg21 : memref<!tpu.dma_semaphore, #tpu.memory_space<semaphore_mem>>) src(%dma_wait3A_57 : memref<65536x64xf32, #tpu.memory_space<hbm>>) dst(%arg15 : memref<256x64xf32, #tpu.memory_space<vmem>>)
      %dma_wait3A_58 = arith.constant 0 : i32
      %dma_wait3A_59 = arith.constant 0 : i32
      %dma_wait3A_60 = tpu.memref_slice %arg3[%dma_wait3A_58, %dma_wait3A_59] : memref<65536x64xf32, #tpu.memory_space<hbm>> -> memref<65536x64xf32, #tpu.memory_space<hbm>>
      tpu.wait_indirect_dma semaphore(%arg23 : memref<!tpu.dma_semaphore, #tpu.memory_space<semaphore_mem>>) src(%dma_wait3A_60 : memref<65536x64xf32, #tpu.memory_space<hbm>>) dst(%arg17 : memref<256x64xf32, #tpu.memory_space<vmem>>)
      %dma_wait3A_61 = arith.constant 0 : i32
      %dma_wait3A_62 = arith.constant 0 : i32
      %dma_wait3A_63 = tpu.memref_slice %arg4[%dma_wait3A_61, %dma_wait3A_62] : memref<65536x64xf32, #tpu.memory_space<hbm>> -> memref<65536x64xf32, #tpu.memory_space<hbm>>
      tpu.wait_indirect_dma semaphore(%arg25 : memref<!tpu.dma_semaphore, #tpu.memory_space<semaphore_mem>>) src(%dma_wait3A_63 : memref<65536x64xf32, #tpu.memory_space<hbm>>) dst(%arg19 : memref<256x64xf32, #tpu.memory_space<vmem>>)
      %mul3A_64 = arith.constant 256 : i32
      %mul3A_65 = arith.muli %add3A_54, %mul3A_64 : i32
      %add3A_66 = arith.addi %mul3A_2, %mul3A_65 : i32
      "tpu.region"() ({
        %run_scoped3A = tpu.sem_alloc : memref<!tpu.dma_semaphore, #tpu.memory_space<semaphore_mem>>
        %dma_start3A_75 = arith.constant 0 : i32
        %dma_start3A_76 = tpu.memref_slice %arg7[%add3A_66, %dma_start3A_75] : memref<524288x64xf32, #tpu.memory_space<hbm>> -> memref<256x64xf32, #tpu.memory_space<hbm>>
        %dma_start3A_77 = arith.constant 0 : i32
        %dma_start3A_78 = tpu.memref_slice %arg7[%add3A_66, %dma_start3A_77] : memref<524288x64xf32, #tpu.memory_space<hbm>> -> memref<256x64xf32, #tpu.memory_space<hbm>>
        tpu.enqueue_dma source(%arg15 : memref<256x64xf32, #tpu.memory_space<vmem>>) target(%dma_start3A_78 : memref<256x64xf32, #tpu.memory_space<hbm>>) target_semaphore(%run_scoped3A : memref<!tpu.dma_semaphore, #tpu.memory_space<semaphore_mem>>)
        %dma_wait3A_79 = arith.constant 0 : i32
        %dma_wait3A_80 = tpu.memref_slice %arg7[%add3A_66, %dma_wait3A_79] : memref<524288x64xf32, #tpu.memory_space<hbm>> -> memref<256x64xf32, #tpu.memory_space<hbm>>
        %dma_wait3A_81 = arith.constant 0 : i32
        %dma_wait3A_82 = tpu.memref_slice %arg7[%add3A_66, %dma_wait3A_81] : memref<524288x64xf32, #tpu.memory_space<hbm>> -> memref<256x64xf32, #tpu.memory_space<hbm>>
        tpu.wait_dma2 semaphore(%run_scoped3A : memref<!tpu.dma_semaphore, #tpu.memory_space<semaphore_mem>>) src(%arg15 : memref<256x64xf32, #tpu.memory_space<vmem>>) dst(%dma_wait3A_82 : memref<256x64xf32, #tpu.memory_space<hbm>>)
        tpu.yield
      }) : () -> ()
      "tpu.region"() ({
        %run_scoped3A = tpu.sem_alloc : memref<!tpu.dma_semaphore, #tpu.memory_space<semaphore_mem>>
        %dma_start3A_75 = arith.constant 0 : i32
        %dma_start3A_76 = tpu.memref_slice %arg8[%add3A_66, %dma_start3A_75] : memref<524288x64xf32, #tpu.memory_space<hbm>> -> memref<256x64xf32, #tpu.memory_space<hbm>>
        %dma_start3A_77 = arith.constant 0 : i32
        %dma_start3A_78 = tpu.memref_slice %arg8[%add3A_66, %dma_start3A_77] : memref<524288x64xf32, #tpu.memory_space<hbm>> -> memref<256x64xf32, #tpu.memory_space<hbm>>
        tpu.enqueue_dma source(%arg17 : memref<256x64xf32, #tpu.memory_space<vmem>>) target(%dma_start3A_78 : memref<256x64xf32, #tpu.memory_space<hbm>>) target_semaphore(%run_scoped3A : memref<!tpu.dma_semaphore, #tpu.memory_space<semaphore_mem>>)
        %dma_wait3A_79 = arith.constant 0 : i32
        %dma_wait3A_80 = tpu.memref_slice %arg8[%add3A_66, %dma_wait3A_79] : memref<524288x64xf32, #tpu.memory_space<hbm>> -> memref<256x64xf32, #tpu.memory_space<hbm>>
        %dma_wait3A_81 = arith.constant 0 : i32
        %dma_wait3A_82 = tpu.memref_slice %arg8[%add3A_66, %dma_wait3A_81] : memref<524288x64xf32, #tpu.memory_space<hbm>> -> memref<256x64xf32, #tpu.memory_space<hbm>>
        tpu.wait_dma2 semaphore(%run_scoped3A : memref<!tpu.dma_semaphore, #tpu.memory_space<semaphore_mem>>) src(%arg17 : memref<256x64xf32, #tpu.memory_space<vmem>>) dst(%dma_wait3A_82 : memref<256x64xf32, #tpu.memory_space<hbm>>)
        tpu.yield
      }) : () -> ()
      "tpu.region"() ({
        %run_scoped3A = tpu.sem_alloc : memref<!tpu.dma_semaphore, #tpu.memory_space<semaphore_mem>>
        %dma_start3A_75 = arith.constant 0 : i32
        %dma_start3A_76 = tpu.memref_slice %arg9[%add3A_66, %dma_start3A_75] : memref<524288x64xf32, #tpu.memory_space<hbm>> -> memref<256x64xf32, #tpu.memory_space<hbm>>
        %dma_start3A_77 = arith.constant 0 : i32
        %dma_start3A_78 = tpu.memref_slice %arg9[%add3A_66, %dma_start3A_77] : memref<524288x64xf32, #tpu.memory_space<hbm>> -> memref<256x64xf32, #tpu.memory_space<hbm>>
        tpu.enqueue_dma source(%arg19 : memref<256x64xf32, #tpu.memory_space<vmem>>) target(%dma_start3A_78 : memref<256x64xf32, #tpu.memory_space<hbm>>) target_semaphore(%run_scoped3A : memref<!tpu.dma_semaphore, #tpu.memory_space<semaphore_mem>>)
        %dma_wait3A_79 = arith.constant 0 : i32
        %dma_wait3A_80 = tpu.memref_slice %arg9[%add3A_66, %dma_wait3A_79] : memref<524288x64xf32, #tpu.memory_space<hbm>> -> memref<256x64xf32, #tpu.memory_space<hbm>>
        %dma_wait3A_81 = arith.constant 0 : i32
        %dma_wait3A_82 = tpu.memref_slice %arg9[%add3A_66, %dma_wait3A_81] : memref<524288x64xf32, #tpu.memory_space<hbm>> -> memref<256x64xf32, #tpu.memory_space<hbm>>
        tpu.wait_dma2 semaphore(%run_scoped3A : memref<!tpu.dma_semaphore, #tpu.memory_space<semaphore_mem>>) src(%arg19 : memref<256x64xf32, #tpu.memory_space<vmem>>) dst(%dma_wait3A_82 : memref<256x64xf32, #tpu.memory_space<hbm>>)
        tpu.yield
      }) : () -> ()
      %add3A_67 = arith.constant 2 : i32
      %add3A_68 = arith.addi %add3A_54, %add3A_67 : i32
      %lt3A_69 = arith.constant 64 : i32
      %lt3A_70 = arith.cmpi slt, %add3A_68, %lt3A_69 : i32
      %convert_element_type3A_71 = arith.extui %lt3A_70 : i1 to i32
      %cond3A_72 = arith.constant 0 : i32
      %cond3A_73 = arith.cmpi ne, %convert_element_type3A_71, %cond3A_72 : i32
      scf.if %cond3A_73 {
        %add3A_75 = arith.constant 2 : i32
        %add3A_76 = arith.addi %add3A_54, %add3A_75 : i32
        %mul3A_77 = arith.constant 256 : i32
        %mul3A_78 = arith.muli %add3A_76, %mul3A_77 : i32
        %add3A_79 = arith.addi %mul3A_2, %mul3A_78 : i32
        "tpu.region"() ({
          %run_scoped3A = tpu.sem_alloc : memref<!tpu.dma_semaphore, #tpu.memory_space<semaphore_mem>>
          %dma_start3A_89 = tpu.memref_slice %arg5[%add3A_79] : memref<524288xi32, #tpu.memory_space<hbm>> -> memref<256xi32, #tpu.memory_space<hbm>>
          %dma_start3A_90 = tpu.memref_slice %arg5[%add3A_79] : memref<524288xi32, #tpu.memory_space<hbm>> -> memref<256xi32, #tpu.memory_space<hbm>>
          tpu.enqueue_dma source(%dma_start3A_90 : memref<256xi32, #tpu.memory_space<hbm>>) target(%arg11 : memref<256xi32, #tpu.memory_space<vmem>>) target_semaphore(%run_scoped3A : memref<!tpu.dma_semaphore, #tpu.memory_space<semaphore_mem>>)
          %dma_wait3A_91 = tpu.memref_slice %arg5[%add3A_79] : memref<524288xi32, #tpu.memory_space<hbm>> -> memref<256xi32, #tpu.memory_space<hbm>>
          %dma_wait3A_92 = tpu.memref_slice %arg5[%add3A_79] : memref<524288xi32, #tpu.memory_space<hbm>> -> memref<256xi32, #tpu.memory_space<hbm>>
          tpu.wait_dma2 semaphore(%run_scoped3A : memref<!tpu.dma_semaphore, #tpu.memory_space<semaphore_mem>>) src(%dma_wait3A_92 : memref<256xi32, #tpu.memory_space<hbm>>) dst(%arg11 : memref<256xi32, #tpu.memory_space<vmem>>)
          tpu.yield
        }) : () -> ()
        "tpu.region"() ({
          %run_scoped3A = tpu.sem_alloc : memref<!tpu.dma_semaphore, #tpu.memory_space<semaphore_mem>>
          %dma_start3A_89 = tpu.memref_slice %arg6[%add3A_79] : memref<524288xi32, #tpu.memory_space<hbm>> -> memref<256xi32, #tpu.memory_space<hbm>>
          %dma_start3A_90 = tpu.memref_slice %arg6[%add3A_79] : memref<524288xi32, #tpu.memory_space<hbm>> -> memref<256xi32, #tpu.memory_space<hbm>>
          tpu.enqueue_dma source(%dma_start3A_90 : memref<256xi32, #tpu.memory_space<hbm>>) target(%arg13 : memref<256xi32, #tpu.memory_space<vmem>>) target_semaphore(%run_scoped3A : memref<!tpu.dma_semaphore, #tpu.memory_space<semaphore_mem>>)
          %dma_wait3A_91 = tpu.memref_slice %arg6[%add3A_79] : memref<524288xi32, #tpu.memory_space<hbm>> -> memref<256xi32, #tpu.memory_space<hbm>>
          %dma_wait3A_92 = tpu.memref_slice %arg6[%add3A_79] : memref<524288xi32, #tpu.memory_space<hbm>> -> memref<256xi32, #tpu.memory_space<hbm>>
          tpu.wait_dma2 semaphore(%run_scoped3A : memref<!tpu.dma_semaphore, #tpu.memory_space<semaphore_mem>>) src(%dma_wait3A_92 : memref<256xi32, #tpu.memory_space<hbm>>) dst(%arg13 : memref<256xi32, #tpu.memory_space<vmem>>)
          tpu.yield
        }) : () -> ()
        %dma_start3A_80 = arith.constant 0 : i32
        %dma_start3A_81 = arith.constant 0 : i32
        %dma_start3A_82 = tpu.memref_slice %arg2[%dma_start3A_80, %dma_start3A_81] : memref<65536x64xf32, #tpu.memory_space<hbm>> -> memref<65536x64xf32, #tpu.memory_space<hbm>>
        tpu.enqueue_indirect_dma source(%dma_start3A_82 : memref<65536x64xf32, #tpu.memory_space<hbm>>) target(%arg15 : memref<256x64xf32, #tpu.memory_space<vmem>>) offsets(%arg11 : memref<256xi32, #tpu.memory_space<vmem>>) semaphore(%arg21 : memref<!tpu.dma_semaphore, #tpu.memory_space<semaphore_mem>>)
        %dma_start3A_83 = arith.constant 0 : i32
        %dma_start3A_84 = arith.constant 0 : i32
        %dma_start3A_85 = tpu.memref_slice %arg3[%dma_start3A_83, %dma_start3A_84] : memref<65536x64xf32, #tpu.memory_space<hbm>> -> memref<65536x64xf32, #tpu.memory_space<hbm>>
        tpu.enqueue_indirect_dma source(%dma_start3A_85 : memref<65536x64xf32, #tpu.memory_space<hbm>>) target(%arg17 : memref<256x64xf32, #tpu.memory_space<vmem>>) offsets(%arg13 : memref<256xi32, #tpu.memory_space<vmem>>) semaphore(%arg23 : memref<!tpu.dma_semaphore, #tpu.memory_space<semaphore_mem>>)
        %dma_start3A_86 = arith.constant 0 : i32
        %dma_start3A_87 = arith.constant 0 : i32
        %dma_start3A_88 = tpu.memref_slice %arg4[%dma_start3A_86, %dma_start3A_87] : memref<65536x64xf32, #tpu.memory_space<hbm>> -> memref<65536x64xf32, #tpu.memory_space<hbm>>
        tpu.enqueue_indirect_dma source(%dma_start3A_88 : memref<65536x64xf32, #tpu.memory_space<hbm>>) target(%arg19 : memref<256x64xf32, #tpu.memory_space<vmem>>) offsets(%arg13 : memref<256xi32, #tpu.memory_space<vmem>>) semaphore(%arg25 : memref<!tpu.dma_semaphore, #tpu.memory_space<semaphore_mem>>)
      } else {
      }
      %scan3A_74 = arith.constant 0 : i32
      scf.yield %scan3A_74 : i32
    }
    %scan3A_29 = arith.constant 32 : i32
    return
  }
}

module attributes {stable_mosaic.version = 14 : i64} {
  func.func @_hash_body(%arg0: i32, %arg1: i32, %arg2: memref<1x512x64xf32, #tpu.memory_space<vmem>>, %arg3: memref<1x512x64xf32, #tpu.memory_space<vmem>>, %arg4: memref<64x512xf32, #tpu.memory_space<vmem>>, %arg5: memref<1x8x512xi32, #tpu.memory_space<vmem>>, %arg6: memref<1x8x512xi32, #tpu.memory_space<vmem>>) attributes {dimension_semantics = [#tpu.dimension_semantics<arbitrary>, #tpu.dimension_semantics<arbitrary>], iteration_bounds = array<i64: 16, 8>, scalar_prefetch = 0 : i64, scratch_operands = 0 : i64, tpu.core_type = #tpu.core_type<tc>, window_params = [{transform_indices = @transform_0, window_bounds = array<i64: 1, 512, 64>}, {transform_indices = @transform_1, window_bounds = array<i64: 1, 512, 64>}, {pipeline_mode = #tpu.pipeline_mode<synchronous>, transform_indices = @transform_2, window_bounds = array<i64: 64, 512>}, {transform_indices = @transform_3, window_bounds = array<i64: 1, 8, 512>}, {transform_indices = @transform_4, window_bounds = array<i64: 1, 8, 512>}]} {
    %get3A = arith.constant 0 : index
    %get3A_0 = arith.constant 0 : index
    %get3A_1 = arith.constant 0 : index
    %get3A_2 = vector.load %arg2[%get3A, %get3A_0, %get3A_1] : memref<1x512x64xf32, #tpu.memory_space<vmem>>, vector<1x512x64xf32>
    %get3A_3 = vector.shape_cast %get3A_2 : vector<1x512x64xf32> to vector<512x64xf32>
    %get3A_4 = arith.constant 0 : index
    %get3A_5 = arith.constant 0 : index
    %get3A_6 = vector.load %arg4[%get3A_4, %get3A_5] : memref<64x512xf32, #tpu.memory_space<vmem>>, vector<64x512xf32>
    %dot_general3A = arith.constant dense<0.000000e+00> : vector<512x512xf32>
    %dot_general3A_7 = tpu.matmul %get3A_3, %get3A_6, %dot_general3A {dimension_numbers = #tpu.dot_dimension_numbers<[1], [0], [0], [1], [0, 0, 1, 1], [], []>, transpose_lhs_hint = false} : vector<512x64xf32>, vector<64x512xf32>, vector<512x512xf32> -> vector<512x512xf32>
    %get3A_8 = arith.constant 0 : index
    %get3A_9 = arith.constant 0 : index
    %get3A_10 = arith.constant 0 : index
    %get3A_11 = vector.load %arg3[%get3A_8, %get3A_9, %get3A_10] : memref<1x512x64xf32, #tpu.memory_space<vmem>>, vector<1x512x64xf32>
    %get3A_12 = vector.shape_cast %get3A_11 : vector<1x512x64xf32> to vector<512x64xf32>
    %get3A_13 = arith.constant 0 : index
    %get3A_14 = arith.constant 0 : index
    %get3A_15 = vector.load %arg4[%get3A_13, %get3A_14] : memref<64x512xf32, #tpu.memory_space<vmem>>, vector<64x512xf32>
    %dot_general3A_16 = arith.constant dense<0.000000e+00> : vector<512x512xf32>
    %dot_general3A_17 = tpu.matmul %get3A_12, %get3A_15, %dot_general3A_16 {dimension_numbers = #tpu.dot_dimension_numbers<[1], [0], [0], [1], [0, 0, 1, 1], [], []>, transpose_lhs_hint = false} : vector<512x64xf32>, vector<64x512xf32>, vector<512x512xf32> -> vector<512x512xf32>
    %slice3A = vector.extract_strided_slice %dot_general3A_7 {offsets = [0, 0], sizes = [512, 64], strides = [1, 1]} : vector<512x512xf32> to vector<512x64xf32>
    %reduce_max3A = arith.constant dense<0xFF800000> : vector<512xf32>
    %reduce_max3A_18 = vector.multi_reduction <maximumf>, %slice3A, %reduce_max3A [1] : vector<512x64xf32> to vector<512xf32>
    %reduce_min3A = arith.constant dense<0x7F800000> : vector<512xf32>
    %reduce_min3A_19 = vector.multi_reduction <minimumf>, %slice3A, %reduce_min3A [1] : vector<512x64xf32> to vector<512xf32>
    %neg3A = arith.constant 0.000000e+00 : f32
    %neg3A_20 = vector.broadcast %neg3A : f32 to vector<512xf32>
    %neg3A_21 = arith.subf %neg3A_20, %reduce_min3A_19 : vector<512xf32>
    %ge3A = arith.cmpf oge, %reduce_max3A_18, %neg3A_21 : vector<512xf32>
    %broadcast_in_dim3A = vector.shape_cast %ge3A : vector<512xi1> to vector<512x1xi1>
    %neg3A_22 = arith.constant 0.000000e+00 : f32
    %neg3A_23 = vector.broadcast %neg3A_22 : f32 to vector<512x64xf32>
    %neg3A_24 = arith.subf %neg3A_23, %slice3A : vector<512x64xf32>
    %broadcast_in_dim3A_25 = vector.shape_cast %broadcast_in_dim3A : vector<512x1xi1> to vector<512x1xi1>
    %broadcast_in_dim3A_26 = vector.broadcast %broadcast_in_dim3A_25 : vector<512x1xi1> to vector<512x64xi1>
    %select_n3A = arith.select %broadcast_in_dim3A_26, %slice3A, %neg3A_24 : vector<512x64xi1>, vector<512x64xf32>
    %argmax3A = tpu.reduce_index %select_n3A {axis = 1 : i32, kind = #tpu.reduction_kind<arg_max>} : vector<512x64xf32> -> vector<512xi32>
    %add3A = arith.constant 64 : i32
    %add3A_27 = vector.broadcast %add3A : i32 to vector<512xi32>
    %add3A_28 = arith.addi %argmax3A, %add3A_27 : vector<512xi32>
    %select_n3A_29 = arith.select %ge3A, %argmax3A, %add3A_28 : vector<512xi1>, vector<512xi32>
    %swap3A = arith.constant 0 : index
    %swap3A_30 = arith.constant 0 : index
    %swap3A_31 = arith.constant 0 : index
    %swap3A_32 = vector.load %arg5[%swap3A, %swap3A_30, %swap3A_31] : memref<1x8x512xi32, #tpu.memory_space<vmem>>, vector<1x1x512xi32>
    %swap3A_33 = vector.shape_cast %swap3A_32 : vector<1x1x512xi32> to vector<512xi32>
    %swap3A_34 = vector.shape_cast %select_n3A_29 : vector<512xi32> to vector<1x1x512xi32>
    tpu.vector_store %arg5[%swap3A, %swap3A_30, %swap3A_31], %swap3A_34 {strides = array<i32>} : memref<1x8x512xi32, #tpu.memory_space<vmem>>, vector<1x1x512xi32>,
    %slice3A_35 = vector.extract_strided_slice %dot_general3A_7 {offsets = [0, 64], sizes = [512, 64], strides = [1, 1]} : vector<512x512xf32> to vector<512x64xf32>
    %reduce_max3A_36 = arith.constant dense<0xFF800000> : vector<512xf32>
    %reduce_max3A_37 = vector.multi_reduction <maximumf>, %slice3A_35, %reduce_max3A_36 [1] : vector<512x64xf32> to vector<512xf32>
    %reduce_min3A_38 = arith.constant dense<0x7F800000> : vector<512xf32>
    %reduce_min3A_39 = vector.multi_reduction <minimumf>, %slice3A_35, %reduce_min3A_38 [1] : vector<512x64xf32> to vector<512xf32>
    %neg3A_40 = arith.constant 0.000000e+00 : f32
    %neg3A_41 = vector.broadcast %neg3A_40 : f32 to vector<512xf32>
    %neg3A_42 = arith.subf %neg3A_41, %reduce_min3A_39 : vector<512xf32>
    %ge3A_43 = arith.cmpf oge, %reduce_max3A_37, %neg3A_42 : vector<512xf32>
    %broadcast_in_dim3A_44 = vector.shape_cast %ge3A_43 : vector<512xi1> to vector<512x1xi1>
    %neg3A_45 = arith.constant 0.000000e+00 : f32
    %neg3A_46 = vector.broadcast %neg3A_45 : f32 to vector<512x64xf32>
    %neg3A_47 = arith.subf %neg3A_46, %slice3A_35 : vector<512x64xf32>
    %broadcast_in_dim3A_48 = vector.shape_cast %broadcast_in_dim3A_44 : vector<512x1xi1> to vector<512x1xi1>
    %broadcast_in_dim3A_49 = vector.broadcast %broadcast_in_dim3A_48 : vector<512x1xi1> to vector<512x64xi1>
    %select_n3A_50 = arith.select %broadcast_in_dim3A_49, %slice3A_35, %neg3A_47 : vector<512x64xi1>, vector<512x64xf32>
    %argmax3A_51 = tpu.reduce_index %select_n3A_50 {axis = 1 : i32, kind = #tpu.reduction_kind<arg_max>} : vector<512x64xf32> -> vector<512xi32>
    %add3A_52 = arith.constant 64 : i32
    %add3A_53 = vector.broadcast %add3A_52 : i32 to vector<512xi32>
    %add3A_54 = arith.addi %argmax3A_51, %add3A_53 : vector<512xi32>
    %select_n3A_55 = arith.select %ge3A_43, %argmax3A_51, %add3A_54 : vector<512xi1>, vector<512xi32>
    %swap3A_56 = arith.constant 0 : index
    %swap3A_57 = arith.constant 1 : index
    %swap3A_58 = arith.constant 0 : index
    %swap3A_59 = vector.load %arg5[%swap3A_56, %swap3A_57, %swap3A_58] : memref<1x8x512xi32, #tpu.memory_space<vmem>>, vector<1x1x512xi32>
    %swap3A_60 = vector.shape_cast %swap3A_59 : vector<1x1x512xi32> to vector<512xi32>
    %swap3A_61 = vector.shape_cast %select_n3A_55 : vector<512xi32> to vector<1x1x512xi32>
    tpu.vector_store %arg5[%swap3A_56, %swap3A_57, %swap3A_58], %swap3A_61 {strides = array<i32>} : memref<1x8x512xi32, #tpu.memory_space<vmem>>, vector<1x1x512xi32>,
    %slice3A_62 = vector.extract_strided_slice %dot_general3A_7 {offsets = [0, 128], sizes = [512, 64], strides = [1, 1]} : vector<512x512xf32> to vector<512x64xf32>
    %reduce_max3A_63 = arith.constant dense<0xFF800000> : vector<512xf32>
    %reduce_max3A_64 = vector.multi_reduction <maximumf>, %slice3A_62, %reduce_max3A_63 [1] : vector<512x64xf32> to vector<512xf32>
    %reduce_min3A_65 = arith.constant dense<0x7F800000> : vector<512xf32>
    %reduce_min3A_66 = vector.multi_reduction <minimumf>, %slice3A_62, %reduce_min3A_65 [1] : vector<512x64xf32> to vector<512xf32>
    %neg3A_67 = arith.constant 0.000000e+00 : f32
    %neg3A_68 = vector.broadcast %neg3A_67 : f32 to vector<512xf32>
    %neg3A_69 = arith.subf %neg3A_68, %reduce_min3A_66 : vector<512xf32>
    %ge3A_70 = arith.cmpf oge, %reduce_max3A_64, %neg3A_69 : vector<512xf32>
    %broadcast_in_dim3A_71 = vector.shape_cast %ge3A_70 : vector<512xi1> to vector<512x1xi1>
    %neg3A_72 = arith.constant 0.000000e+00 : f32
    %neg3A_73 = vector.broadcast %neg3A_72 : f32 to vector<512x64xf32>
    %neg3A_74 = arith.subf %neg3A_73, %slice3A_62 : vector<512x64xf32>
    %broadcast_in_dim3A_75 = vector.shape_cast %broadcast_in_dim3A_71 : vector<512x1xi1> to vector<512x1xi1>
    %broadcast_in_dim3A_76 = vector.broadcast %broadcast_in_dim3A_75 : vector<512x1xi1> to vector<512x64xi1>
    %select_n3A_77 = arith.select %broadcast_in_dim3A_76, %slice3A_62, %neg3A_74 : vector<512x64xi1>, vector<512x64xf32>
    %argmax3A_78 = tpu.reduce_index %select_n3A_77 {axis = 1 : i32, kind = #tpu.reduction_kind<arg_max>} : vector<512x64xf32> -> vector<512xi32>
    %add3A_79 = arith.constant 64 : i32
    %add3A_80 = vector.broadcast %add3A_79 : i32 to vector<512xi32>
    %add3A_81 = arith.addi %argmax3A_78, %add3A_80 : vector<512xi32>
    %select_n3A_82 = arith.select %ge3A_70, %argmax3A_78, %add3A_81 : vector<512xi1>, vector<512xi32>
    %swap3A_83 = arith.constant 0 : index
    %swap3A_84 = arith.constant 2 : index
    %swap3A_85 = arith.constant 0 : index
    %swap3A_86 = vector.load %arg5[%swap3A_83, %swap3A_84, %swap3A_85] : memref<1x8x512xi32, #tpu.memory_space<vmem>>, vector<1x1x512xi32>
    %swap3A_87 = vector.shape_cast %swap3A_86 : vector<1x1x512xi32> to vector<512xi32>
    %swap3A_88 = vector.shape_cast %select_n3A_82 : vector<512xi32> to vector<1x1x512xi32>
    tpu.vector_store %arg5[%swap3A_83, %swap3A_84, %swap3A_85], %swap3A_88 {strides = array<i32>} : memref<1x8x512xi32, #tpu.memory_space<vmem>>, vector<1x1x512xi32>,
    %slice3A_89 = vector.extract_strided_slice %dot_general3A_7 {offsets = [0, 192], sizes = [512, 64], strides = [1, 1]} : vector<512x512xf32> to vector<512x64xf32>
    %reduce_max3A_90 = arith.constant dense<0xFF800000> : vector<512xf32>
    %reduce_max3A_91 = vector.multi_reduction <maximumf>, %slice3A_89, %reduce_max3A_90 [1] : vector<512x64xf32> to vector<512xf32>
    %reduce_min3A_92 = arith.constant dense<0x7F800000> : vector<512xf32>
    %reduce_min3A_93 = vector.multi_reduction <minimumf>, %slice3A_89, %reduce_min3A_92 [1] : vector<512x64xf32> to vector<512xf32>
    %neg3A_94 = arith.constant 0.000000e+00 : f32
    %neg3A_95 = vector.broadcast %neg3A_94 : f32 to vector<512xf32>
    %neg3A_96 = arith.subf %neg3A_95, %reduce_min3A_93 : vector<512xf32>
    %ge3A_97 = arith.cmpf oge, %reduce_max3A_91, %neg3A_96 : vector<512xf32>
    %broadcast_in_dim3A_98 = vector.shape_cast %ge3A_97 : vector<512xi1> to vector<512x1xi1>
    %neg3A_99 = arith.constant 0.000000e+00 : f32
    %neg3A_100 = vector.broadcast %neg3A_99 : f32 to vector<512x64xf32>
    %neg3A_101 = arith.subf %neg3A_100, %slice3A_89 : vector<512x64xf32>
    %broadcast_in_dim3A_102 = vector.shape_cast %broadcast_in_dim3A_98 : vector<512x1xi1> to vector<512x1xi1>
    %broadcast_in_dim3A_103 = vector.broadcast %broadcast_in_dim3A_102 : vector<512x1xi1> to vector<512x64xi1>
    %select_n3A_104 = arith.select %broadcast_in_dim3A_103, %slice3A_89, %neg3A_101 : vector<512x64xi1>, vector<512x64xf32>
    %argmax3A_105 = tpu.reduce_index %select_n3A_104 {axis = 1 : i32, kind = #tpu.reduction_kind<arg_max>} : vector<512x64xf32> -> vector<512xi32>
    %add3A_106 = arith.constant 64 : i32
    %add3A_107 = vector.broadcast %add3A_106 : i32 to vector<512xi32>
    %add3A_108 = arith.addi %argmax3A_105, %add3A_107 : vector<512xi32>
    %select_n3A_109 = arith.select %ge3A_97, %argmax3A_105, %add3A_108 : vector<512xi1>, vector<512xi32>
    %swap3A_110 = arith.constant 0 : index
    %swap3A_111 = arith.constant 3 : index
    %swap3A_112 = arith.constant 0 : index
    %swap3A_113 = vector.load %arg5[%swap3A_110, %swap3A_111, %swap3A_112] : memref<1x8x512xi32, #tpu.memory_space<vmem>>, vector<1x1x512xi32>
    %swap3A_114 = vector.shape_cast %swap3A_113 : vector<1x1x512xi32> to vector<512xi32>
    %swap3A_115 = vector.shape_cast %select_n3A_109 : vector<512xi32> to vector<1x1x512xi32>
    tpu.vector_store %arg5[%swap3A_110, %swap3A_111, %swap3A_112], %swap3A_115 {strides = array<i32>} : memref<1x8x512xi32, #tpu.memory_space<vmem>>, vector<1x1x512xi32>,
    %slice3A_116 = vector.extract_strided_slice %dot_general3A_7 {offsets = [0, 256], sizes = [512, 64], strides = [1, 1]} : vector<512x512xf32> to vector<512x64xf32>
    %reduce_max3A_117 = arith.constant dense<0xFF800000> : vector<512xf32>
    %reduce_max3A_118 = vector.multi_reduction <maximumf>, %slice3A_116, %reduce_max3A_117 [1] : vector<512x64xf32> to vector<512xf32>
    %reduce_min3A_119 = arith.constant dense<0x7F800000> : vector<512xf32>
    %reduce_min3A_120 = vector.multi_reduction <minimumf>, %slice3A_116, %reduce_min3A_119 [1] : vector<512x64xf32> to vector<512xf32>
    %neg3A_121 = arith.constant 0.000000e+00 : f32
    %neg3A_122 = vector.broadcast %neg3A_121 : f32 to vector<512xf32>
    %neg3A_123 = arith.subf %neg3A_122, %reduce_min3A_120 : vector<512xf32>
    %ge3A_124 = arith.cmpf oge, %reduce_max3A_118, %neg3A_123 : vector<512xf32>
    %broadcast_in_dim3A_125 = vector.shape_cast %ge3A_124 : vector<512xi1> to vector<512x1xi1>
    %neg3A_126 = arith.constant 0.000000e+00 : f32
    %neg3A_127 = vector.broadcast %neg3A_126 : f32 to vector<512x64xf32>
    %neg3A_128 = arith.subf %neg3A_127, %slice3A_116 : vector<512x64xf32>
    %broadcast_in_dim3A_129 = vector.shape_cast %broadcast_in_dim3A_125 : vector<512x1xi1> to vector<512x1xi1>
    %broadcast_in_dim3A_130 = vector.broadcast %broadcast_in_dim3A_129 : vector<512x1xi1> to vector<512x64xi1>
    %select_n3A_131 = arith.select %broadcast_in_dim3A_130, %slice3A_116, %neg3A_128 : vector<512x64xi1>, vector<512x64xf32>
    %argmax3A_132 = tpu.reduce_index %select_n3A_131 {axis = 1 : i32, kind = #tpu.reduction_kind<arg_max>} : vector<512x64xf32> -> vector<512xi32>
    %add3A_133 = arith.constant 64 : i32
    %add3A_134 = vector.broadcast %add3A_133 : i32 to vector<512xi32>
    %add3A_135 = arith.addi %argmax3A_132, %add3A_134 : vector<512xi32>
    %select_n3A_136 = arith.select %ge3A_124, %argmax3A_132, %add3A_135 : vector<512xi1>, vector<512xi32>
    %swap3A_137 = arith.constant 0 : index
    %swap3A_138 = arith.constant 4 : index
    %swap3A_139 = arith.constant 0 : index
    %swap3A_140 = vector.load %arg5[%swap3A_137, %swap3A_138, %swap3A_139] : memref<1x8x512xi32, #tpu.memory_space<vmem>>, vector<1x1x512xi32>
    %swap3A_141 = vector.shape_cast %swap3A_140 : vector<1x1x512xi32> to vector<512xi32>
    %swap3A_142 = vector.shape_cast %select_n3A_136 : vector<512xi32> to vector<1x1x512xi32>
    tpu.vector_store %arg5[%swap3A_137, %swap3A_138, %swap3A_139], %swap3A_142 {strides = array<i32>} : memref<1x8x512xi32, #tpu.memory_space<vmem>>, vector<1x1x512xi32>,
    %slice3A_143 = vector.extract_strided_slice %dot_general3A_7 {offsets = [0, 320], sizes = [512, 64], strides = [1, 1]} : vector<512x512xf32> to vector<512x64xf32>
    %reduce_max3A_144 = arith.constant dense<0xFF800000> : vector<512xf32>
    %reduce_max3A_145 = vector.multi_reduction <maximumf>, %slice3A_143, %reduce_max3A_144 [1] : vector<512x64xf32> to vector<512xf32>
    %reduce_min3A_146 = arith.constant dense<0x7F800000> : vector<512xf32>
    %reduce_min3A_147 = vector.multi_reduction <minimumf>, %slice3A_143, %reduce_min3A_146 [1] : vector<512x64xf32> to vector<512xf32>
    %neg3A_148 = arith.constant 0.000000e+00 : f32
    %neg3A_149 = vector.broadcast %neg3A_148 : f32 to vector<512xf32>
    %neg3A_150 = arith.subf %neg3A_149, %reduce_min3A_147 : vector<512xf32>
    %ge3A_151 = arith.cmpf oge, %reduce_max3A_145, %neg3A_150 : vector<512xf32>
    %broadcast_in_dim3A_152 = vector.shape_cast %ge3A_151 : vector<512xi1> to vector<512x1xi1>
    %neg3A_153 = arith.constant 0.000000e+00 : f32
    %neg3A_154 = vector.broadcast %neg3A_153 : f32 to vector<512x64xf32>
    %neg3A_155 = arith.subf %neg3A_154, %slice3A_143 : vector<512x64xf32>
    %broadcast_in_dim3A_156 = vector.shape_cast %broadcast_in_dim3A_152 : vector<512x1xi1> to vector<512x1xi1>
    %broadcast_in_dim3A_157 = vector.broadcast %broadcast_in_dim3A_156 : vector<512x1xi1> to vector<512x64xi1>
    %select_n3A_158 = arith.select %broadcast_in_dim3A_157, %slice3A_143, %neg3A_155 : vector<512x64xi1>, vector<512x64xf32>
    %argmax3A_159 = tpu.reduce_index %select_n3A_158 {axis = 1 : i32, kind = #tpu.reduction_kind<arg_max>} : vector<512x64xf32> -> vector<512xi32>
    %add3A_160 = arith.constant 64 : i32
    %add3A_161 = vector.broadcast %add3A_160 : i32 to vector<512xi32>
    %add3A_162 = arith.addi %argmax3A_159, %add3A_161 : vector<512xi32>
    %select_n3A_163 = arith.select %ge3A_151, %argmax3A_159, %add3A_162 : vector<512xi1>, vector<512xi32>
    %swap3A_164 = arith.constant 0 : index
    %swap3A_165 = arith.constant 5 : index
    %swap3A_166 = arith.constant 0 : index
    %swap3A_167 = vector.load %arg5[%swap3A_164, %swap3A_165, %swap3A_166] : memref<1x8x512xi32, #tpu.memory_space<vmem>>, vector<1x1x512xi32>
    %swap3A_168 = vector.shape_cast %swap3A_167 : vector<1x1x512xi32> to vector<512xi32>
    %swap3A_169 = vector.shape_cast %select_n3A_163 : vector<512xi32> to vector<1x1x512xi32>
    tpu.vector_store %arg5[%swap3A_164, %swap3A_165, %swap3A_166], %swap3A_169 {strides = array<i32>} : memref<1x8x512xi32, #tpu.memory_space<vmem>>, vector<1x1x512xi32>,
    %slice3A_170 = vector.extract_strided_slice %dot_general3A_7 {offsets = [0, 384], sizes = [512, 64], strides = [1, 1]} : vector<512x512xf32> to vector<512x64xf32>
    %reduce_max3A_171 = arith.constant dense<0xFF800000> : vector<512xf32>
    %reduce_max3A_172 = vector.multi_reduction <maximumf>, %slice3A_170, %reduce_max3A_171 [1] : vector<512x64xf32> to vector<512xf32>
    %reduce_min3A_173 = arith.constant dense<0x7F800000> : vector<512xf32>
    %reduce_min3A_174 = vector.multi_reduction <minimumf>, %slice3A_170, %reduce_min3A_173 [1] : vector<512x64xf32> to vector<512xf32>
    %neg3A_175 = arith.constant 0.000000e+00 : f32
    %neg3A_176 = vector.broadcast %neg3A_175 : f32 to vector<512xf32>
    %neg3A_177 = arith.subf %neg3A_176, %reduce_min3A_174 : vector<512xf32>
    %ge3A_178 = arith.cmpf oge, %reduce_max3A_172, %neg3A_177 : vector<512xf32>
    %broadcast_in_dim3A_179 = vector.shape_cast %ge3A_178 : vector<512xi1> to vector<512x1xi1>
    %neg3A_180 = arith.constant 0.000000e+00 : f32
    %neg3A_181 = vector.broadcast %neg3A_180 : f32 to vector<512x64xf32>
    %neg3A_182 = arith.subf %neg3A_181, %slice3A_170 : vector<512x64xf32>
    %broadcast_in_dim3A_183 = vector.shape_cast %broadcast_in_dim3A_179 : vector<512x1xi1> to vector<512x1xi1>
    %broadcast_in_dim3A_184 = vector.broadcast %broadcast_in_dim3A_183 : vector<512x1xi1> to vector<512x64xi1>
    %select_n3A_185 = arith.select %broadcast_in_dim3A_184, %slice3A_170, %neg3A_182 : vector<512x64xi1>, vector<512x64xf32>
    %argmax3A_186 = tpu.reduce_index %select_n3A_185 {axis = 1 : i32, kind = #tpu.reduction_kind<arg_max>} : vector<512x64xf32> -> vector<512xi32>
    %add3A_187 = arith.constant 64 : i32
    %add3A_188 = vector.broadcast %add3A_187 : i32 to vector<512xi32>
    %add3A_189 = arith.addi %argmax3A_186, %add3A_188 : vector<512xi32>
    %select_n3A_190 = arith.select %ge3A_178, %argmax3A_186, %add3A_189 : vector<512xi1>, vector<512xi32>
    %swap3A_191 = arith.constant 0 : index
    %swap3A_192 = arith.constant 6 : index
    %swap3A_193 = arith.constant 0 : index
    %swap3A_194 = vector.load %arg5[%swap3A_191, %swap3A_192, %swap3A_193] : memref<1x8x512xi32, #tpu.memory_space<vmem>>, vector<1x1x512xi32>
    %swap3A_195 = vector.shape_cast %swap3A_194 : vector<1x1x512xi32> to vector<512xi32>
    %swap3A_196 = vector.shape_cast %select_n3A_190 : vector<512xi32> to vector<1x1x512xi32>
    tpu.vector_store %arg5[%swap3A_191, %swap3A_192, %swap3A_193], %swap3A_196 {strides = array<i32>} : memref<1x8x512xi32, #tpu.memory_space<vmem>>, vector<1x1x512xi32>,
    %slice3A_197 = vector.extract_strided_slice %dot_general3A_7 {offsets = [0, 448], sizes = [512, 64], strides = [1, 1]} : vector<512x512xf32> to vector<512x64xf32>
    %reduce_max3A_198 = arith.constant dense<0xFF800000> : vector<512xf32>
    %reduce_max3A_199 = vector.multi_reduction <maximumf>, %slice3A_197, %reduce_max3A_198 [1] : vector<512x64xf32> to vector<512xf32>
    %reduce_min3A_200 = arith.constant dense<0x7F800000> : vector<512xf32>
    %reduce_min3A_201 = vector.multi_reduction <minimumf>, %slice3A_197, %reduce_min3A_200 [1] : vector<512x64xf32> to vector<512xf32>
    %neg3A_202 = arith.constant 0.000000e+00 : f32
    %neg3A_203 = vector.broadcast %neg3A_202 : f32 to vector<512xf32>
    %neg3A_204 = arith.subf %neg3A_203, %reduce_min3A_201 : vector<512xf32>
    %ge3A_205 = arith.cmpf oge, %reduce_max3A_199, %neg3A_204 : vector<512xf32>
    %broadcast_in_dim3A_206 = vector.shape_cast %ge3A_205 : vector<512xi1> to vector<512x1xi1>
    %neg3A_207 = arith.constant 0.000000e+00 : f32
    %neg3A_208 = vector.broadcast %neg3A_207 : f32 to vector<512x64xf32>
    %neg3A_209 = arith.subf %neg3A_208, %slice3A_197 : vector<512x64xf32>
    %broadcast_in_dim3A_210 = vector.shape_cast %broadcast_in_dim3A_206 : vector<512x1xi1> to vector<512x1xi1>
    %broadcast_in_dim3A_211 = vector.broadcast %broadcast_in_dim3A_210 : vector<512x1xi1> to vector<512x64xi1>
    %select_n3A_212 = arith.select %broadcast_in_dim3A_211, %slice3A_197, %neg3A_209 : vector<512x64xi1>, vector<512x64xf32>
    %argmax3A_213 = tpu.reduce_index %select_n3A_212 {axis = 1 : i32, kind = #tpu.reduction_kind<arg_max>} : vector<512x64xf32> -> vector<512xi32>
    %add3A_214 = arith.constant 64 : i32
    %add3A_215 = vector.broadcast %add3A_214 : i32 to vector<512xi32>
    %add3A_216 = arith.addi %argmax3A_213, %add3A_215 : vector<512xi32>
    %select_n3A_217 = arith.select %ge3A_205, %argmax3A_213, %add3A_216 : vector<512xi1>, vector<512xi32>
    %swap3A_218 = arith.constant 0 : index
    %swap3A_219 = arith.constant 7 : index
    %swap3A_220 = arith.constant 0 : index
    %swap3A_221 = vector.load %arg5[%swap3A_218, %swap3A_219, %swap3A_220] : memref<1x8x512xi32, #tpu.memory_space<vmem>>, vector<1x1x512xi32>
    %swap3A_222 = vector.shape_cast %swap3A_221 : vector<1x1x512xi32> to vector<512xi32>
    %swap3A_223 = vector.shape_cast %select_n3A_217 : vector<512xi32> to vector<1x1x512xi32>
    tpu.vector_store %arg5[%swap3A_218, %swap3A_219, %swap3A_220], %swap3A_223 {strides = array<i32>} : memref<1x8x512xi32, #tpu.memory_space<vmem>>, vector<1x1x512xi32>,
    %slice3A_224 = vector.extract_strided_slice %dot_general3A_17 {offsets = [0, 0], sizes = [512, 64], strides = [1, 1]} : vector<512x512xf32> to vector<512x64xf32>
    %reduce_max3A_225 = arith.constant dense<0xFF800000> : vector<512xf32>
    %reduce_max3A_226 = vector.multi_reduction <maximumf>, %slice3A_224, %reduce_max3A_225 [1] : vector<512x64xf32> to vector<512xf32>
    %reduce_min3A_227 = arith.constant dense<0x7F800000> : vector<512xf32>
    %reduce_min3A_228 = vector.multi_reduction <minimumf>, %slice3A_224, %reduce_min3A_227 [1] : vector<512x64xf32> to vector<512xf32>
    %neg3A_229 = arith.constant 0.000000e+00 : f32
    %neg3A_230 = vector.broadcast %neg3A_229 : f32 to vector<512xf32>
    %neg3A_231 = arith.subf %neg3A_230, %reduce_min3A_228 : vector<512xf32>
    %ge3A_232 = arith.cmpf oge, %reduce_max3A_226, %neg3A_231 : vector<512xf32>
    %broadcast_in_dim3A_233 = vector.shape_cast %ge3A_232 : vector<512xi1> to vector<512x1xi1>
    %neg3A_234 = arith.constant 0.000000e+00 : f32
    %neg3A_235 = vector.broadcast %neg3A_234 : f32 to vector<512x64xf32>
    %neg3A_236 = arith.subf %neg3A_235, %slice3A_224 : vector<512x64xf32>
    %broadcast_in_dim3A_237 = vector.shape_cast %broadcast_in_dim3A_233 : vector<512x1xi1> to vector<512x1xi1>
    %broadcast_in_dim3A_238 = vector.broadcast %broadcast_in_dim3A_237 : vector<512x1xi1> to vector<512x64xi1>
    %select_n3A_239 = arith.select %broadcast_in_dim3A_238, %slice3A_224, %neg3A_236 : vector<512x64xi1>, vector<512x64xf32>
    %argmax3A_240 = tpu.reduce_index %select_n3A_239 {axis = 1 : i32, kind = #tpu.reduction_kind<arg_max>} : vector<512x64xf32> -> vector<512xi32>
    %add3A_241 = arith.constant 64 : i32
    %add3A_242 = vector.broadcast %add3A_241 : i32 to vector<512xi32>
    %add3A_243 = arith.addi %argmax3A_240, %add3A_242 : vector<512xi32>
    %select_n3A_244 = arith.select %ge3A_232, %argmax3A_240, %add3A_243 : vector<512xi1>, vector<512xi32>
    %swap3A_245 = arith.constant 0 : index
    %swap3A_246 = arith.constant 0 : index
    %swap3A_247 = arith.constant 0 : index
    %swap3A_248 = vector.load %arg6[%swap3A_245, %swap3A_246, %swap3A_247] : memref<1x8x512xi32, #tpu.memory_space<vmem>>, vector<1x1x512xi32>
    %swap3A_249 = vector.shape_cast %swap3A_248 : vector<1x1x512xi32> to vector<512xi32>
    %swap3A_250 = vector.shape_cast %select_n3A_244 : vector<512xi32> to vector<1x1x512xi32>
    tpu.vector_store %arg6[%swap3A_245, %swap3A_246, %swap3A_247], %swap3A_250 {strides = array<i32>} : memref<1x8x512xi32, #tpu.memory_space<vmem>>, vector<1x1x512xi32>,
    %slice3A_251 = vector.extract_strided_slice %dot_general3A_17 {offsets = [0, 64], sizes = [512, 64], strides = [1, 1]} : vector<512x512xf32> to vector<512x64xf32>
    %reduce_max3A_252 = arith.constant dense<0xFF800000> : vector<512xf32>
    %reduce_max3A_253 = vector.multi_reduction <maximumf>, %slice3A_251, %reduce_max3A_252 [1] : vector<512x64xf32> to vector<512xf32>
    %reduce_min3A_254 = arith.constant dense<0x7F800000> : vector<512xf32>
    %reduce_min3A_255 = vector.multi_reduction <minimumf>, %slice3A_251, %reduce_min3A_254 [1] : vector<512x64xf32> to vector<512xf32>
    %neg3A_256 = arith.constant 0.000000e+00 : f32
    %neg3A_257 = vector.broadcast %neg3A_256 : f32 to vector<512xf32>
    %neg3A_258 = arith.subf %neg3A_257, %reduce_min3A_255 : vector<512xf32>
    %ge3A_259 = arith.cmpf oge, %reduce_max3A_253, %neg3A_258 : vector<512xf32>
    %broadcast_in_dim3A_260 = vector.shape_cast %ge3A_259 : vector<512xi1> to vector<512x1xi1>
    %neg3A_261 = arith.constant 0.000000e+00 : f32
    %neg3A_262 = vector.broadcast %neg3A_261 : f32 to vector<512x64xf32>
    %neg3A_263 = arith.subf %neg3A_262, %slice3A_251 : vector<512x64xf32>
    %broadcast_in_dim3A_264 = vector.shape_cast %broadcast_in_dim3A_260 : vector<512x1xi1> to vector<512x1xi1>
    %broadcast_in_dim3A_265 = vector.broadcast %broadcast_in_dim3A_264 : vector<512x1xi1> to vector<512x64xi1>
    %select_n3A_266 = arith.select %broadcast_in_dim3A_265, %slice3A_251, %neg3A_263 : vector<512x64xi1>, vector<512x64xf32>
    %argmax3A_267 = tpu.reduce_index %select_n3A_266 {axis = 1 : i32, kind = #tpu.reduction_kind<arg_max>} : vector<512x64xf32> -> vector<512xi32>
    %add3A_268 = arith.constant 64 : i32
    %add3A_269 = vector.broadcast %add3A_268 : i32 to vector<512xi32>
    %add3A_270 = arith.addi %argmax3A_267, %add3A_269 : vector<512xi32>
    %select_n3A_271 = arith.select %ge3A_259, %argmax3A_267, %add3A_270 : vector<512xi1>, vector<512xi32>
    %swap3A_272 = arith.constant 0 : index
    %swap3A_273 = arith.constant 1 : index
    %swap3A_274 = arith.constant 0 : index
    %swap3A_275 = vector.load %arg6[%swap3A_272, %swap3A_273, %swap3A_274] : memref<1x8x512xi32, #tpu.memory_space<vmem>>, vector<1x1x512xi32>
    %swap3A_276 = vector.shape_cast %swap3A_275 : vector<1x1x512xi32> to vector<512xi32>
    %swap3A_277 = vector.shape_cast %select_n3A_271 : vector<512xi32> to vector<1x1x512xi32>
    tpu.vector_store %arg6[%swap3A_272, %swap3A_273, %swap3A_274], %swap3A_277 {strides = array<i32>} : memref<1x8x512xi32, #tpu.memory_space<vmem>>, vector<1x1x512xi32>,
    %slice3A_278 = vector.extract_strided_slice %dot_general3A_17 {offsets = [0, 128], sizes = [512, 64], strides = [1, 1]} : vector<512x512xf32> to vector<512x64xf32>
    %reduce_max3A_279 = arith.constant dense<0xFF800000> : vector<512xf32>
    %reduce_max3A_280 = vector.multi_reduction <maximumf>, %slice3A_278, %reduce_max3A_279 [1] : vector<512x64xf32> to vector<512xf32>
    %reduce_min3A_281 = arith.constant dense<0x7F800000> : vector<512xf32>
    %reduce_min3A_282 = vector.multi_reduction <minimumf>, %slice3A_278, %reduce_min3A_281 [1] : vector<512x64xf32> to vector<512xf32>
    %neg3A_283 = arith.constant 0.000000e+00 : f32
    %neg3A_284 = vector.broadcast %neg3A_283 : f32 to vector<512xf32>
    %neg3A_285 = arith.subf %neg3A_284, %reduce_min3A_282 : vector<512xf32>
    %ge3A_286 = arith.cmpf oge, %reduce_max3A_280, %neg3A_285 : vector<512xf32>
    %broadcast_in_dim3A_287 = vector.shape_cast %ge3A_286 : vector<512xi1> to vector<512x1xi1>
    %neg3A_288 = arith.constant 0.000000e+00 : f32
    %neg3A_289 = vector.broadcast %neg3A_288 : f32 to vector<512x64xf32>
    %neg3A_290 = arith.subf %neg3A_289, %slice3A_278 : vector<512x64xf32>
    %broadcast_in_dim3A_291 = vector.shape_cast %broadcast_in_dim3A_287 : vector<512x1xi1> to vector<512x1xi1>
    %broadcast_in_dim3A_292 = vector.broadcast %broadcast_in_dim3A_291 : vector<512x1xi1> to vector<512x64xi1>
    %select_n3A_293 = arith.select %broadcast_in_dim3A_292, %slice3A_278, %neg3A_290 : vector<512x64xi1>, vector<512x64xf32>
    %argmax3A_294 = tpu.reduce_index %select_n3A_293 {axis = 1 : i32, kind = #tpu.reduction_kind<arg_max>} : vector<512x64xf32> -> vector<512xi32>
    %add3A_295 = arith.constant 64 : i32
    %add3A_296 = vector.broadcast %add3A_295 : i32 to vector<512xi32>
    %add3A_297 = arith.addi %argmax3A_294, %add3A_296 : vector<512xi32>
    %select_n3A_298 = arith.select %ge3A_286, %argmax3A_294, %add3A_297 : vector<512xi1>, vector<512xi32>
    %swap3A_299 = arith.constant 0 : index
    %swap3A_300 = arith.constant 2 : index
    %swap3A_301 = arith.constant 0 : index
    %swap3A_302 = vector.load %arg6[%swap3A_299, %swap3A_300, %swap3A_301] : memref<1x8x512xi32, #tpu.memory_space<vmem>>, vector<1x1x512xi32>
    %swap3A_303 = vector.shape_cast %swap3A_302 : vector<1x1x512xi32> to vector<512xi32>
    %swap3A_304 = vector.shape_cast %select_n3A_298 : vector<512xi32> to vector<1x1x512xi32>
    tpu.vector_store %arg6[%swap3A_299, %swap3A_300, %swap3A_301], %swap3A_304 {strides = array<i32>} : memref<1x8x512xi32, #tpu.memory_space<vmem>>, vector<1x1x512xi32>,
    %slice3A_305 = vector.extract_strided_slice %dot_general3A_17 {offsets = [0, 192], sizes = [512, 64], strides = [1, 1]} : vector<512x512xf32> to vector<512x64xf32>
    %reduce_max3A_306 = arith.constant dense<0xFF800000> : vector<512xf32>
    %reduce_max3A_307 = vector.multi_reduction <maximumf>, %slice3A_305, %reduce_max3A_306 [1] : vector<512x64xf32> to vector<512xf32>
    %reduce_min3A_308 = arith.constant dense<0x7F800000> : vector<512xf32>
    %reduce_min3A_309 = vector.multi_reduction <minimumf>, %slice3A_305, %reduce_min3A_308 [1] : vector<512x64xf32> to vector<512xf32>
    %neg3A_310 = arith.constant 0.000000e+00 : f32
    %neg3A_311 = vector.broadcast %neg3A_310 : f32 to vector<512xf32>
    %neg3A_312 = arith.subf %neg3A_311, %reduce_min3A_309 : vector<512xf32>
    %ge3A_313 = arith.cmpf oge, %reduce_max3A_307, %neg3A_312 : vector<512xf32>
    %broadcast_in_dim3A_314 = vector.shape_cast %ge3A_313 : vector<512xi1> to vector<512x1xi1>
    %neg3A_315 = arith.constant 0.000000e+00 : f32
    %neg3A_316 = vector.broadcast %neg3A_315 : f32 to vector<512x64xf32>
    %neg3A_317 = arith.subf %neg3A_316, %slice3A_305 : vector<512x64xf32>
    %broadcast_in_dim3A_318 = vector.shape_cast %broadcast_in_dim3A_314 : vector<512x1xi1> to vector<512x1xi1>
    %broadcast_in_dim3A_319 = vector.broadcast %broadcast_in_dim3A_318 : vector<512x1xi1> to vector<512x64xi1>
    %select_n3A_320 = arith.select %broadcast_in_dim3A_319, %slice3A_305, %neg3A_317 : vector<512x64xi1>, vector<512x64xf32>
    %argmax3A_321 = tpu.reduce_index %select_n3A_320 {axis = 1 : i32, kind = #tpu.reduction_kind<arg_max>} : vector<512x64xf32> -> vector<512xi32>
    %add3A_322 = arith.constant 64 : i32
    %add3A_323 = vector.broadcast %add3A_322 : i32 to vector<512xi32>
    %add3A_324 = arith.addi %argmax3A_321, %add3A_323 : vector<512xi32>
    %select_n3A_325 = arith.select %ge3A_313, %argmax3A_321, %add3A_324 : vector<512xi1>, vector<512xi32>
    %swap3A_326 = arith.constant 0 : index
    %swap3A_327 = arith.constant 3 : index
    %swap3A_328 = arith.constant 0 : index
    %swap3A_329 = vector.load %arg6[%swap3A_326, %swap3A_327, %swap3A_328] : memref<1x8x512xi32, #tpu.memory_space<vmem>>, vector<1x1x512xi32>
    %swap3A_330 = vector.shape_cast %swap3A_329 : vector<1x1x512xi32> to vector<512xi32>
    %swap3A_331 = vector.shape_cast %select_n3A_325 : vector<512xi32> to vector<1x1x512xi32>
    tpu.vector_store %arg6[%swap3A_326, %swap3A_327, %swap3A_328], %swap3A_331 {strides = array<i32>} : memref<1x8x512xi32, #tpu.memory_space<vmem>>, vector<1x1x512xi32>,
    %slice3A_332 = vector.extract_strided_slice %dot_general3A_17 {offsets = [0, 256], sizes = [512, 64], strides = [1, 1]} : vector<512x512xf32> to vector<512x64xf32>
    %reduce_max3A_333 = arith.constant dense<0xFF800000> : vector<512xf32>
    %reduce_max3A_334 = vector.multi_reduction <maximumf>, %slice3A_332, %reduce_max3A_333 [1] : vector<512x64xf32> to vector<512xf32>
    %reduce_min3A_335 = arith.constant dense<0x7F800000> : vector<512xf32>
    %reduce_min3A_336 = vector.multi_reduction <minimumf>, %slice3A_332, %reduce_min3A_335 [1] : vector<512x64xf32> to vector<512xf32>
    %neg3A_337 = arith.constant 0.000000e+00 : f32
    %neg3A_338 = vector.broadcast %neg3A_337 : f32 to vector<512xf32>
    %neg3A_339 = arith.subf %neg3A_338, %reduce_min3A_336 : vector<512xf32>
    %ge3A_340 = arith.cmpf oge, %reduce_max3A_334, %neg3A_339 : vector<512xf32>
    %broadcast_in_dim3A_341 = vector.shape_cast %ge3A_340 : vector<512xi1> to vector<512x1xi1>
    %neg3A_342 = arith.constant 0.000000e+00 : f32
    %neg3A_343 = vector.broadcast %neg3A_342 : f32 to vector<512x64xf32>
    %neg3A_344 = arith.subf %neg3A_343, %slice3A_332 : vector<512x64xf32>
    %broadcast_in_dim3A_345 = vector.shape_cast %broadcast_in_dim3A_341 : vector<512x1xi1> to vector<512x1xi1>
    %broadcast_in_dim3A_346 = vector.broadcast %broadcast_in_dim3A_345 : vector<512x1xi1> to vector<512x64xi1>
    %select_n3A_347 = arith.select %broadcast_in_dim3A_346, %slice3A_332, %neg3A_344 : vector<512x64xi1>, vector<512x64xf32>
    %argmax3A_348 = tpu.reduce_index %select_n3A_347 {axis = 1 : i32, kind = #tpu.reduction_kind<arg_max>} : vector<512x64xf32> -> vector<512xi32>
    %add3A_349 = arith.constant 64 : i32
    %add3A_350 = vector.broadcast %add3A_349 : i32 to vector<512xi32>
    %add3A_351 = arith.addi %argmax3A_348, %add3A_350 : vector<512xi32>
    %select_n3A_352 = arith.select %ge3A_340, %argmax3A_348, %add3A_351 : vector<512xi1>, vector<512xi32>
    %swap3A_353 = arith.constant 0 : index
    %swap3A_354 = arith.constant 4 : index
    %swap3A_355 = arith.constant 0 : index
    %swap3A_356 = vector.load %arg6[%swap3A_353, %swap3A_354, %swap3A_355] : memref<1x8x512xi32, #tpu.memory_space<vmem>>, vector<1x1x512xi32>
    %swap3A_357 = vector.shape_cast %swap3A_356 : vector<1x1x512xi32> to vector<512xi32>
    %swap3A_358 = vector.shape_cast %select_n3A_352 : vector<512xi32> to vector<1x1x512xi32>
    tpu.vector_store %arg6[%swap3A_353, %swap3A_354, %swap3A_355], %swap3A_358 {strides = array<i32>} : memref<1x8x512xi32, #tpu.memory_space<vmem>>, vector<1x1x512xi32>,
    %slice3A_359 = vector.extract_strided_slice %dot_general3A_17 {offsets = [0, 320], sizes = [512, 64], strides = [1, 1]} : vector<512x512xf32> to vector<512x64xf32>
    %reduce_max3A_360 = arith.constant dense<0xFF800000> : vector<512xf32>
    %reduce_max3A_361 = vector.multi_reduction <maximumf>, %slice3A_359, %reduce_max3A_360 [1] : vector<512x64xf32> to vector<512xf32>
    %reduce_min3A_362 = arith.constant dense<0x7F800000> : vector<512xf32>
    %reduce_min3A_363 = vector.multi_reduction <minimumf>, %slice3A_359, %reduce_min3A_362 [1] : vector<512x64xf32> to vector<512xf32>
    %neg3A_364 = arith.constant 0.000000e+00 : f32
    %neg3A_365 = vector.broadcast %neg3A_364 : f32 to vector<512xf32>
    %neg3A_366 = arith.subf %neg3A_365, %reduce_min3A_363 : vector<512xf32>
    %ge3A_367 = arith.cmpf oge, %reduce_max3A_361, %neg3A_366 : vector<512xf32>
    %broadcast_in_dim3A_368 = vector.shape_cast %ge3A_367 : vector<512xi1> to vector<512x1xi1>
    %neg3A_369 = arith.constant 0.000000e+00 : f32
    %neg3A_370 = vector.broadcast %neg3A_369 : f32 to vector<512x64xf32>
    %neg3A_371 = arith.subf %neg3A_370, %slice3A_359 : vector<512x64xf32>
    %broadcast_in_dim3A_372 = vector.shape_cast %broadcast_in_dim3A_368 : vector<512x1xi1> to vector<512x1xi1>
    %broadcast_in_dim3A_373 = vector.broadcast %broadcast_in_dim3A_372 : vector<512x1xi1> to vector<512x64xi1>
    %select_n3A_374 = arith.select %broadcast_in_dim3A_373, %slice3A_359, %neg3A_371 : vector<512x64xi1>, vector<512x64xf32>
    %argmax3A_375 = tpu.reduce_index %select_n3A_374 {axis = 1 : i32, kind = #tpu.reduction_kind<arg_max>} : vector<512x64xf32> -> vector<512xi32>
    %add3A_376 = arith.constant 64 : i32
    %add3A_377 = vector.broadcast %add3A_376 : i32 to vector<512xi32>
    %add3A_378 = arith.addi %argmax3A_375, %add3A_377 : vector<512xi32>
    %select_n3A_379 = arith.select %ge3A_367, %argmax3A_375, %add3A_378 : vector<512xi1>, vector<512xi32>
    %swap3A_380 = arith.constant 0 : index
    %swap3A_381 = arith.constant 5 : index
    %swap3A_382 = arith.constant 0 : index
    %swap3A_383 = vector.load %arg6[%swap3A_380, %swap3A_381, %swap3A_382] : memref<1x8x512xi32, #tpu.memory_space<vmem>>, vector<1x1x512xi32>
    %swap3A_384 = vector.shape_cast %swap3A_383 : vector<1x1x512xi32> to vector<512xi32>
    %swap3A_385 = vector.shape_cast %select_n3A_379 : vector<512xi32> to vector<1x1x512xi32>
    tpu.vector_store %arg6[%swap3A_380, %swap3A_381, %swap3A_382], %swap3A_385 {strides = array<i32>} : memref<1x8x512xi32, #tpu.memory_space<vmem>>, vector<1x1x512xi32>,
    %slice3A_386 = vector.extract_strided_slice %dot_general3A_17 {offsets = [0, 384], sizes = [512, 64], strides = [1, 1]} : vector<512x512xf32> to vector<512x64xf32>
    %reduce_max3A_387 = arith.constant dense<0xFF800000> : vector<512xf32>
    %reduce_max3A_388 = vector.multi_reduction <maximumf>, %slice3A_386, %reduce_max3A_387 [1] : vector<512x64xf32> to vector<512xf32>
    %reduce_min3A_389 = arith.constant dense<0x7F800000> : vector<512xf32>
    %reduce_min3A_390 = vector.multi_reduction <minimumf>, %slice3A_386, %reduce_min3A_389 [1] : vector<512x64xf32> to vector<512xf32>
    %neg3A_391 = arith.constant 0.000000e+00 : f32
    %neg3A_392 = vector.broadcast %neg3A_391 : f32 to vector<512xf32>
    %neg3A_393 = arith.subf %neg3A_392, %reduce_min3A_390 : vector<512xf32>
    %ge3A_394 = arith.cmpf oge, %reduce_max3A_388, %neg3A_393 : vector<512xf32>
    %broadcast_in_dim3A_395 = vector.shape_cast %ge3A_394 : vector<512xi1> to vector<512x1xi1>
    %neg3A_396 = arith.constant 0.000000e+00 : f32
    %neg3A_397 = vector.broadcast %neg3A_396 : f32 to vector<512x64xf32>
    %neg3A_398 = arith.subf %neg3A_397, %slice3A_386 : vector<512x64xf32>
    %broadcast_in_dim3A_399 = vector.shape_cast %broadcast_in_dim3A_395 : vector<512x1xi1> to vector<512x1xi1>
    %broadcast_in_dim3A_400 = vector.broadcast %broadcast_in_dim3A_399 : vector<512x1xi1> to vector<512x64xi1>
    %select_n3A_401 = arith.select %broadcast_in_dim3A_400, %slice3A_386, %neg3A_398 : vector<512x64xi1>, vector<512x64xf32>
    %argmax3A_402 = tpu.reduce_index %select_n3A_401 {axis = 1 : i32, kind = #tpu.reduction_kind<arg_max>} : vector<512x64xf32> -> vector<512xi32>
    %add3A_403 = arith.constant 64 : i32
    %add3A_404 = vector.broadcast %add3A_403 : i32 to vector<512xi32>
    %add3A_405 = arith.addi %argmax3A_402, %add3A_404 : vector<512xi32>
    %select_n3A_406 = arith.select %ge3A_394, %argmax3A_402, %add3A_405 : vector<512xi1>, vector<512xi32>
    %swap3A_407 = arith.constant 0 : index
    %swap3A_408 = arith.constant 6 : index
    %swap3A_409 = arith.constant 0 : index
    %swap3A_410 = vector.load %arg6[%swap3A_407, %swap3A_408, %swap3A_409] : memref<1x8x512xi32, #tpu.memory_space<vmem>>, vector<1x1x512xi32>
    %swap3A_411 = vector.shape_cast %swap3A_410 : vector<1x1x512xi32> to vector<512xi32>
    %swap3A_412 = vector.shape_cast %select_n3A_406 : vector<512xi32> to vector<1x1x512xi32>
    tpu.vector_store %arg6[%swap3A_407, %swap3A_408, %swap3A_409], %swap3A_412 {strides = array<i32>} : memref<1x8x512xi32, #tpu.memory_space<vmem>>, vector<1x1x512xi32>,
    %slice3A_413 = vector.extract_strided_slice %dot_general3A_17 {offsets = [0, 448], sizes = [512, 64], strides = [1, 1]} : vector<512x512xf32> to vector<512x64xf32>
    %reduce_max3A_414 = arith.constant dense<0xFF800000> : vector<512xf32>
    %reduce_max3A_415 = vector.multi_reduction <maximumf>, %slice3A_413, %reduce_max3A_414 [1] : vector<512x64xf32> to vector<512xf32>
    %reduce_min3A_416 = arith.constant dense<0x7F800000> : vector<512xf32>
    %reduce_min3A_417 = vector.multi_reduction <minimumf>, %slice3A_413, %reduce_min3A_416 [1] : vector<512x64xf32> to vector<512xf32>
    %neg3A_418 = arith.constant 0.000000e+00 : f32
    %neg3A_419 = vector.broadcast %neg3A_418 : f32 to vector<512xf32>
    %neg3A_420 = arith.subf %neg3A_419, %reduce_min3A_417 : vector<512xf32>
    %ge3A_421 = arith.cmpf oge, %reduce_max3A_415, %neg3A_420 : vector<512xf32>
    %broadcast_in_dim3A_422 = vector.shape_cast %ge3A_421 : vector<512xi1> to vector<512x1xi1>
    %neg3A_423 = arith.constant 0.000000e+00 : f32
    %neg3A_424 = vector.broadcast %neg3A_423 : f32 to vector<512x64xf32>
    %neg3A_425 = arith.subf %neg3A_424, %slice3A_413 : vector<512x64xf32>
    %broadcast_in_dim3A_426 = vector.shape_cast %broadcast_in_dim3A_422 : vector<512x1xi1> to vector<512x1xi1>
    %broadcast_in_dim3A_427 = vector.broadcast %broadcast_in_dim3A_426 : vector<512x1xi1> to vector<512x64xi1>
    %select_n3A_428 = arith.select %broadcast_in_dim3A_427, %slice3A_413, %neg3A_425 : vector<512x64xi1>, vector<512x64xf32>
    %argmax3A_429 = tpu.reduce_index %select_n3A_428 {axis = 1 : i32, kind = #tpu.reduction_kind<arg_max>} : vector<512x64xf32> -> vector<512xi32>
    %add3A_430 = arith.constant 64 : i32
    %add3A_431 = vector.broadcast %add3A_430 : i32 to vector<512xi32>
    %add3A_432 = arith.addi %argmax3A_429, %add3A_431 : vector<512xi32>
    %select_n3A_433 = arith.select %ge3A_421, %argmax3A_429, %add3A_432 : vector<512xi1>, vector<512xi32>
    %swap3A_434 = arith.constant 0 : index
    %swap3A_435 = arith.constant 7 : index
    %swap3A_436 = arith.constant 0 : index
    %swap3A_437 = vector.load %arg6[%swap3A_434, %swap3A_435, %swap3A_436] : memref<1x8x512xi32, #tpu.memory_space<vmem>>, vector<1x1x512xi32>
    %swap3A_438 = vector.shape_cast %swap3A_437 : vector<1x1x512xi32> to vector<512xi32>
    %swap3A_439 = vector.shape_cast %select_n3A_433 : vector<512xi32> to vector<1x1x512xi32>
    tpu.vector_store %arg6[%swap3A_434, %swap3A_435, %swap3A_436], %swap3A_439 {strides = array<i32>} : memref<1x8x512xi32, #tpu.memory_space<vmem>>, vector<1x1x512xi32>,
    return
  }
  func.func @transform_0(%arg0: i32, %arg1: i32) -> (i32, i32, i32) {
    %c0_i32 = arith.constant 0 : i32
    %c0_i32_0 = arith.constant 0 : i32
    return %arg0, %arg1, %c0_i32 : i32, i32, i32
  }
  func.func @transform_1(%arg0: i32, %arg1: i32) -> (i32, i32, i32) {
    %c0_i32 = arith.constant 0 : i32
    %c0_i32_0 = arith.constant 0 : i32
    return %arg0, %arg1, %c0_i32 : i32, i32, i32
  }
  func.func @transform_2(%arg0: i32, %arg1: i32) -> (i32, i32) {
    %c0_i32 = arith.constant 0 : i32
    %c0_i32_0 = arith.constant 0 : i32
    %c0_i32_1 = arith.constant 0 : i32
    return %c0_i32, %c0_i32_0 : i32, i32
  }
  func.func @transform_3(%arg0: i32, %arg1: i32) -> (i32, i32, i32) {
    %c0_i32 = arith.constant 0 : i32
    %c0_i32_0 = arith.constant 0 : i32
    return %arg0, %c0_i32, %arg1 : i32, i32, i32
  }
  func.func @transform_4(%arg0: i32, %arg1: i32) -> (i32, i32, i32) {
    %c0_i32 = arith.constant 0 : i32
    %c0_i32_0 = arith.constant 0 : i32
    return %arg0, %c0_i32, %arg1 : i32, i32, i32
  }
}

module attributes {stable_mosaic.version = 14 : i64} {
  func.func @_attn_body(%arg0: i32, %arg1: memref<4096x64xf32, #tpu.memory_space<vmem>>, %arg2: memref<4096x64xf32, #tpu.memory_space<vmem>>, %arg3: memref<4096x64xf32, #tpu.memory_space<vmem>>, %arg4: memref<4096x64xf32, #tpu.memory_space<vmem>>, %arg5: memref<1x32x128xf32, #tpu.memory_space<vmem>>, %arg6: memref<4096x192xf32, #tpu.memory_space<vmem>>, %arg7: memref<4096x64xbf16, #tpu.memory_space<vmem>>, %arg8: memref<4096x64xbf16, #tpu.memory_space<vmem>>, %arg9: memref<4096x64xbf16, #tpu.memory_space<vmem>>) attributes {dimension_semantics = [#tpu.dimension_semantics<arbitrary>], iteration_bounds = array<i64: 128>, scalar_prefetch = 0 : i64, scratch_operands = 4 : i64, tpu.core_type = #tpu.core_type<tc>, window_params = [{transform_indices = @transform_0, window_bounds = array<i64: 4096, 64>}, {transform_indices = @transform_1, window_bounds = array<i64: 4096, 64>}, {transform_indices = @transform_2, window_bounds = array<i64: 4096, 64>}, {transform_indices = @transform_3, window_bounds = array<i64: 4096, 64>}, {transform_indices = @transform_4, window_bounds = array<i64: 1, 32, 128>}]} {
    %iota3A = tpu.iota {dimensions = array<i32: 0>} : vector<128x192xi32>
    %jit3A = arith.constant 64 : i32
    %div3A = vector.broadcast %jit3A : i32 to vector<128x192xi32>
    %div3A_0 = arith.divsi %iota3A, %div3A : vector<128x192xi32>
    %sign3A = arith.constant 0 : i32
    %sign3A_1 = vector.broadcast %sign3A : i32 to vector<128x192xi32>
    %sign3A_2 = arith.cmpi sgt, %iota3A, %sign3A_1 : vector<128x192xi32>
    %sign3A_3 = arith.extui %sign3A_2 : vector<128x192xi1> to vector<128x192xi32>
    %sign3A_4 = arith.constant 0 : i32
    %sign3A_5 = vector.broadcast %sign3A_4 : i32 to vector<128x192xi32>
    %sign3A_6 = arith.cmpi slt, %iota3A, %sign3A_5 : vector<128x192xi32>
    %sign3A_7 = arith.extui %sign3A_6 : vector<128x192xi1> to vector<128x192xi32>
    %sign3A_8 = arith.subi %sign3A_3, %sign3A_7 : vector<128x192xi32>
    %sign3A_9 = arith.constant 0 : i32
    %sign3A_10 = arith.cmpi sgt, %jit3A, %sign3A_9 : i32
    %sign3A_11 = arith.extui %sign3A_10 : i1 to i32
    %sign3A_12 = arith.constant 0 : i32
    %sign3A_13 = arith.cmpi slt, %jit3A, %sign3A_12 : i32
    %sign3A_14 = arith.extui %sign3A_13 : i1 to i32
    %sign3A_15 = arith.subi %sign3A_11, %sign3A_14 : i32
    %ne3A = vector.broadcast %sign3A_15 : i32 to vector<128x192xi32>
    %ne3A_16 = arith.cmpi ne, %sign3A_8, %ne3A : vector<128x192xi32>
    %rem3A = vector.broadcast %jit3A : i32 to vector<128x192xi32>
    %rem3A_17 = arith.remsi %iota3A, %rem3A : vector<128x192xi32>
    %ne3A_18 = arith.constant 0 : i32
    %ne3A_19 = vector.broadcast %ne3A_18 : i32 to vector<128x192xi32>
    %ne3A_20 = arith.cmpi ne, %rem3A_17, %ne3A_19 : vector<128x192xi32>
    %and3A = arith.andi %ne3A_16, %ne3A_20 : vector<128x192xi1>
    %sub3A = arith.constant 1 : i32
    %sub3A_21 = vector.broadcast %sub3A : i32 to vector<128x192xi32>
    %sub3A_22 = arith.subi %div3A_0, %sub3A_21 : vector<128x192xi32>
    %select_n3A = arith.select %and3A, %sub3A_22, %div3A_0 : vector<128x192xi1>, vector<128x192xi32>
    %iota3A_23 = tpu.iota {dimensions = array<i32: 1>} : vector<128x192xi32>
    %jit3A_24 = arith.constant 64 : i32
    %div3A_25 = vector.broadcast %jit3A_24 : i32 to vector<128x192xi32>
    %div3A_26 = arith.divsi %iota3A_23, %div3A_25 : vector<128x192xi32>
    %sign3A_27 = arith.constant 0 : i32
    %sign3A_28 = vector.broadcast %sign3A_27 : i32 to vector<128x192xi32>
    %sign3A_29 = arith.cmpi sgt, %iota3A_23, %sign3A_28 : vector<128x192xi32>
    %sign3A_30 = arith.extui %sign3A_29 : vector<128x192xi1> to vector<128x192xi32>
    %sign3A_31 = arith.constant 0 : i32
    %sign3A_32 = vector.broadcast %sign3A_31 : i32 to vector<128x192xi32>
    %sign3A_33 = arith.cmpi slt, %iota3A_23, %sign3A_32 : vector<128x192xi32>
    %sign3A_34 = arith.extui %sign3A_33 : vector<128x192xi1> to vector<128x192xi32>
    %sign3A_35 = arith.subi %sign3A_30, %sign3A_34 : vector<128x192xi32>
    %sign3A_36 = arith.constant 0 : i32
    %sign3A_37 = arith.cmpi sgt, %jit3A_24, %sign3A_36 : i32
    %sign3A_38 = arith.extui %sign3A_37 : i1 to i32
    %sign3A_39 = arith.constant 0 : i32
    %sign3A_40 = arith.cmpi slt, %jit3A_24, %sign3A_39 : i32
    %sign3A_41 = arith.extui %sign3A_40 : i1 to i32
    %sign3A_42 = arith.subi %sign3A_38, %sign3A_41 : i32
    %ne3A_43 = vector.broadcast %sign3A_42 : i32 to vector<128x192xi32>
    %ne3A_44 = arith.cmpi ne, %sign3A_35, %ne3A_43 : vector<128x192xi32>
    %rem3A_45 = vector.broadcast %jit3A_24 : i32 to vector<128x192xi32>
    %rem3A_46 = arith.remsi %iota3A_23, %rem3A_45 : vector<128x192xi32>
    %ne3A_47 = arith.constant 0 : i32
    %ne3A_48 = vector.broadcast %ne3A_47 : i32 to vector<128x192xi32>
    %ne3A_49 = arith.cmpi ne, %rem3A_46, %ne3A_48 : vector<128x192xi32>
    %and3A_50 = arith.andi %ne3A_44, %ne3A_49 : vector<128x192xi1>
    %sub3A_51 = arith.constant 1 : i32
    %sub3A_52 = vector.broadcast %sub3A_51 : i32 to vector<128x192xi32>
    %sub3A_53 = arith.subi %div3A_26, %sub3A_52 : vector<128x192xi32>
    %select_n3A_54 = arith.select %and3A_50, %sub3A_53, %div3A_26 : vector<128x192xi1>, vector<128x192xi32>
    %eq3A = arith.cmpi eq, %select_n3A_54, %select_n3A : vector<128x192xi32>
    %add3A = arith.constant 1 : i32
    %add3A_55 = vector.broadcast %add3A : i32 to vector<128x192xi32>
    %add3A_56 = arith.addi %select_n3A, %add3A_55 : vector<128x192xi32>
    %eq3A_57 = arith.cmpi eq, %select_n3A_54, %add3A_56 : vector<128x192xi32>
    %or3A = arith.ori %eq3A, %eq3A_57 : vector<128x192xi1>
    %jit3A_58 = arith.constant 0.000000e+00 : f32
    %jit3A_59 = arith.constant -1.000000e+30 : f32
    %broadcast_in_dim3A = vector.broadcast %jit3A_58 : f32 to vector<128x192xf32>
    %broadcast_in_dim3A_60 = vector.broadcast %jit3A_59 : f32 to vector<128x192xf32>
    %select_n3A_61 = arith.select %or3A, %broadcast_in_dim3A, %broadcast_in_dim3A_60 : vector<128x192xi1>, vector<128x192xf32>
    %get3A = arith.constant 0 : index
    %get3A_62 = arith.constant 0 : index
    %get3A_63 = vector.load %arg1[%get3A, %get3A_62] : memref<4096x64xf32, #tpu.memory_space<vmem>>, vector<4096x64xf32>
    %convert_element_type3A = arith.truncf %get3A_63 : vector<4096x64xf32> to vector<4096x64xbf16>
    %swap3A = arith.constant 0 : index
    %swap3A_64 = arith.constant 0 : index
    %swap3A_65 = vector.load %arg7[%swap3A, %swap3A_64] : memref<4096x64xbf16, #tpu.memory_space<vmem>>, vector<4096x64xbf16>
    tpu.vector_store %arg7[%swap3A, %swap3A_64], %convert_element_type3A {strides = array<i32>} : memref<4096x64xbf16, #tpu.memory_space<vmem>>, vector<4096x64xbf16>,
    %get3A_66 = arith.constant 0 : index
    %get3A_67 = arith.constant 0 : index
    %get3A_68 = vector.load %arg2[%get3A_66, %get3A_67] : memref<4096x64xf32, #tpu.memory_space<vmem>>, vector<4096x64xf32>
    %convert_element_type3A_69 = arith.truncf %get3A_68 : vector<4096x64xf32> to vector<4096x64xbf16>
    %swap3A_70 = arith.constant 0 : index
    %swap3A_71 = arith.constant 0 : index
    %swap3A_72 = vector.load %arg8[%swap3A_70, %swap3A_71] : memref<4096x64xbf16, #tpu.memory_space<vmem>>, vector<4096x64xbf16>
    tpu.vector_store %arg8[%swap3A_70, %swap3A_71], %convert_element_type3A_69 {strides = array<i32>} : memref<4096x64xbf16, #tpu.memory_space<vmem>>, vector<4096x64xbf16>,
    %get3A_73 = arith.constant 0 : index
    %get3A_74 = arith.constant 0 : index
    %get3A_75 = vector.load %arg3[%get3A_73, %get3A_74] : memref<4096x64xf32, #tpu.memory_space<vmem>>, vector<4096x64xf32>
    %convert_element_type3A_76 = arith.truncf %get3A_75 : vector<4096x64xf32> to vector<4096x64xbf16>
    %swap3A_77 = arith.constant 0 : index
    %swap3A_78 = arith.constant 0 : index
    %swap3A_79 = vector.load %arg9[%swap3A_77, %swap3A_78] : memref<4096x64xbf16, #tpu.memory_space<vmem>>, vector<4096x64xbf16>
    tpu.vector_store %arg9[%swap3A_77, %swap3A_78], %convert_element_type3A_76 {strides = array<i32>} : memref<4096x64xbf16, #tpu.memory_space<vmem>>, vector<4096x64xbf16>,
    %get3A_80 = arith.constant 0 : index
    %get3A_81 = arith.constant 0 : index
    %get3A_82 = vector.load %arg7[%get3A_80, %get3A_81] : memref<4096x64xbf16, #tpu.memory_space<vmem>>, vector<128x64xbf16>
    %get3A_83 = arith.constant 4032 : index
    %get3A_84 = arith.constant 0 : index
    %get3A_85 = vector.load %arg8[%get3A_83, %get3A_84] : memref<4096x64xbf16, #tpu.memory_space<vmem>>, vector<64x64xbf16>
    %get3A_86 = arith.constant 0 : index
    %get3A_87 = arith.constant 0 : index
    %get3A_88 = vector.load %arg8[%get3A_86, %get3A_87] : memref<4096x64xbf16, #tpu.memory_space<vmem>>, vector<128x64xbf16>
    %concatenate3A = tpu.concatenate %get3A_85, %get3A_88 in 0 : vector<64x64xbf16>, vector<128x64xbf16> -> vector<192x64xbf16>
    %dot_general3A = arith.constant dense<0.000000e+00> : vector<128x192xf32>
    %dot_general3A_89 = tpu.matmul %get3A_82, %concatenate3A, %dot_general3A {dimension_numbers = #tpu.dot_dimension_numbers<[1], [1], [0], [0], [0, 0, 1, 0], [], []>, transpose_lhs_hint = false} : vector<128x64xbf16>, vector<192x64xbf16>, vector<128x192xf32> -> vector<128x192xf32>
    %mul3A = arith.constant 1.250000e-01 : f32
    %mul3A_90 = vector.broadcast %mul3A : f32 to vector<128x192xf32>
    %mul3A_91 = arith.mulf %dot_general3A_89, %mul3A_90 : vector<128x192xf32>
    %add3A_92 = arith.addf %mul3A_91, %select_n3A_61 : vector<128x192xf32>
    %swap3A_93 = arith.constant 0 : index
    %swap3A_94 = arith.constant 0 : index
    %swap3A_95 = vector.load %arg6[%swap3A_93, %swap3A_94] : memref<4096x192xf32, #tpu.memory_space<vmem>>, vector<128x192xf32>
    tpu.vector_store %arg6[%swap3A_93, %swap3A_94], %add3A_92 {strides = array<i32>} : memref<4096x192xf32, #tpu.memory_space<vmem>>, vector<128x192xf32>,
    %get3A_96 = arith.constant 128 : index
    %get3A_97 = arith.constant 0 : index
    %get3A_98 = vector.load %arg7[%get3A_96, %get3A_97] : memref<4096x64xbf16, #tpu.memory_space<vmem>>, vector<128x64xbf16>
    %get3A_99 = arith.constant 64 : index
    %get3A_100 = arith.constant 0 : index
    %get3A_101 = vector.load %arg8[%get3A_99, %get3A_100] : memref<4096x64xbf16, #tpu.memory_space<vmem>>, vector<192x64xbf16>
    %dot_general3A_102 = arith.constant dense<0.000000e+00> : vector<128x192xf32>
    %dot_general3A_103 = tpu.matmul %get3A_98, %get3A_101, %dot_general3A_102 {dimension_numbers = #tpu.dot_dimension_numbers<[1], [1], [0], [0], [0, 0, 1, 0], [], []>, transpose_lhs_hint = false} : vector<128x64xbf16>, vector<192x64xbf16>, vector<128x192xf32> -> vector<128x192xf32>
    %mul3A_104 = arith.constant 1.250000e-01 : f32
    %mul3A_105 = vector.broadcast %mul3A_104 : f32 to vector<128x192xf32>
    %mul3A_106 = arith.mulf %dot_general3A_103, %mul3A_105 : vector<128x192xf32>
    %add3A_107 = arith.addf %mul3A_106, %select_n3A_61 : vector<128x192xf32>
    %swap3A_108 = arith.constant 128 : index
    %swap3A_109 = arith.constant 0 : index
    %swap3A_110 = vector.load %arg6[%swap3A_108, %swap3A_109] : memref<4096x192xf32, #tpu.memory_space<vmem>>, vector<128x192xf32>
    tpu.vector_store %arg6[%swap3A_108, %swap3A_109], %add3A_107 {strides = array<i32>} : memref<4096x192xf32, #tpu.memory_space<vmem>>, vector<128x192xf32>,
    %get3A_111 = arith.constant 256 : index
    %get3A_112 = arith.constant 0 : index
    %get3A_113 = vector.load %arg7[%get3A_111, %get3A_112] : memref<4096x64xbf16, #tpu.memory_space<vmem>>, vector<128x64xbf16>
    %get3A_114 = arith.constant 192 : index
    %get3A_115 = arith.constant 0 : index
    %get3A_116 = vector.load %arg8[%get3A_114, %get3A_115] : memref<4096x64xbf16, #tpu.memory_space<vmem>>, vector<192x64xbf16>
    %dot_general3A_117 = arith.constant dense<0.000000e+00> : vector<128x192xf32>
    %dot_general3A_118 = tpu.matmul %get3A_113, %get3A_116, %dot_general3A_117 {dimension_numbers = #tpu.dot_dimension_numbers<[1], [1], [0], [0], [0, 0, 1, 0], [], []>, transpose_lhs_hint = false} : vector<128x64xbf16>, vector<192x64xbf16>, vector<128x192xf32> -> vector<128x192xf32>
    %mul3A_119 = arith.constant 1.250000e-01 : f32
    %mul3A_120 = vector.broadcast %mul3A_119 : f32 to vector<128x192xf32>
    %mul3A_121 = arith.mulf %dot_general3A_118, %mul3A_120 : vector<128x192xf32>
    %add3A_122 = arith.addf %mul3A_121, %select_n3A_61 : vector<128x192xf32>
    %swap3A_123 = arith.constant 256 : index
    %swap3A_124 = arith.constant 0 : index
    %swap3A_125 = vector.load %arg6[%swap3A_123, %swap3A_124] : memref<4096x192xf32, #tpu.memory_space<vmem>>, vector<128x192xf32>
    tpu.vector_store %arg6[%swap3A_123, %swap3A_124], %add3A_122 {strides = array<i32>} : memref<4096x192xf32, #tpu.memory_space<vmem>>, vector<128x192xf32>,
    %get3A_126 = arith.constant 384 : index
    %get3A_127 = arith.constant 0 : index
    %get3A_128 = vector.load %arg7[%get3A_126, %get3A_127] : memref<4096x64xbf16, #tpu.memory_space<vmem>>, vector<128x64xbf16>
    %get3A_129 = arith.constant 320 : index
    %get3A_130 = arith.constant 0 : index
    %get3A_131 = vector.load %arg8[%get3A_129, %get3A_130] : memref<4096x64xbf16, #tpu.memory_space<vmem>>, vector<192x64xbf16>
    %dot_general3A_132 = arith.constant dense<0.000000e+00> : vector<128x192xf32>
    %dot_general3A_133 = tpu.matmul %get3A_128, %get3A_131, %dot_general3A_132 {dimension_numbers = #tpu.dot_dimension_numbers<[1], [1], [0], [0], [0, 0, 1, 0], [], []>, transpose_lhs_hint = false} : vector<128x64xbf16>, vector<192x64xbf16>, vector<128x192xf32> -> vector<128x192xf32>
    %mul3A_134 = arith.constant 1.250000e-01 : f32
    %mul3A_135 = vector.broadcast %mul3A_134 : f32 to vector<128x192xf32>
    %mul3A_136 = arith.mulf %dot_general3A_133, %mul3A_135 : vector<128x192xf32>
    %add3A_137 = arith.addf %mul3A_136, %select_n3A_61 : vector<128x192xf32>
    %swap3A_138 = arith.constant 384 : index
    %swap3A_139 = arith.constant 0 : index
    %swap3A_140 = vector.load %arg6[%swap3A_138, %swap3A_139] : memref<4096x192xf32, #tpu.memory_space<vmem>>, vector<128x192xf32>
    tpu.vector_store %arg6[%swap3A_138, %swap3A_139], %add3A_137 {strides = array<i32>} : memref<4096x192xf32, #tpu.memory_space<vmem>>, vector<128x192xf32>,
    %get3A_141 = arith.constant 512 : index
    %get3A_142 = arith.constant 0 : index
    %get3A_143 = vector.load %arg7[%get3A_141, %get3A_142] : memref<4096x64xbf16, #tpu.memory_space<vmem>>, vector<128x64xbf16>
    %get3A_144 = arith.constant 448 : index
    %get3A_145 = arith.constant 0 : index
    %get3A_146 = vector.load %arg8[%get3A_144, %get3A_145] : memref<4096x64xbf16, #tpu.memory_space<vmem>>, vector<192x64xbf16>
    %dot_general3A_147 = arith.constant dense<0.000000e+00> : vector<128x192xf32>
    %dot_general3A_148 = tpu.matmul %get3A_143, %get3A_146, %dot_general3A_147 {dimension_numbers = #tpu.dot_dimension_numbers<[1], [1], [0], [0], [0, 0, 1, 0], [], []>, transpose_lhs_hint = false} : vector<128x64xbf16>, vector<192x64xbf16>, vector<128x192xf32> -> vector<128x192xf32>
    %mul3A_149 = arith.constant 1.250000e-01 : f32
    %mul3A_150 = vector.broadcast %mul3A_149 : f32 to vector<128x192xf32>
    %mul3A_151 = arith.mulf %dot_general3A_148, %mul3A_150 : vector<128x192xf32>
    %add3A_152 = arith.addf %mul3A_151, %select_n3A_61 : vector<128x192xf32>
    %swap3A_153 = arith.constant 512 : index
    %swap3A_154 = arith.constant 0 : index
    %swap3A_155 = vector.load %arg6[%swap3A_153, %swap3A_154] : memref<4096x192xf32, #tpu.memory_space<vmem>>, vector<128x192xf32>
    tpu.vector_store %arg6[%swap3A_153, %swap3A_154], %add3A_152 {strides = array<i32>} : memref<4096x192xf32, #tpu.memory_space<vmem>>, vector<128x192xf32>,
    %get3A_156 = arith.constant 640 : index
    %get3A_157 = arith.constant 0 : index
    %get3A_158 = vector.load %arg7[%get3A_156, %get3A_157] : memref<4096x64xbf16, #tpu.memory_space<vmem>>, vector<128x64xbf16>
    %get3A_159 = arith.constant 576 : index
    %get3A_160 = arith.constant 0 : index
    %get3A_161 = vector.load %arg8[%get3A_159, %get3A_160] : memref<4096x64xbf16, #tpu.memory_space<vmem>>, vector<192x64xbf16>
    %dot_general3A_162 = arith.constant dense<0.000000e+00> : vector<128x192xf32>
    %dot_general3A_163 = tpu.matmul %get3A_158, %get3A_161, %dot_general3A_162 {dimension_numbers = #tpu.dot_dimension_numbers<[1], [1], [0], [0], [0, 0, 1, 0], [], []>, transpose_lhs_hint = false} : vector<128x64xbf16>, vector<192x64xbf16>, vector<128x192xf32> -> vector<128x192xf32>
    %mul3A_164 = arith.constant 1.250000e-01 : f32
    %mul3A_165 = vector.broadcast %mul3A_164 : f32 to vector<128x192xf32>
    %mul3A_166 = arith.mulf %dot_general3A_163, %mul3A_165 : vector<128x192xf32>
    %add3A_167 = arith.addf %mul3A_166, %select_n3A_61 : vector<128x192xf32>
    %swap3A_168 = arith.constant 640 : index
    %swap3A_169 = arith.constant 0 : index
    %swap3A_170 = vector.load %arg6[%swap3A_168, %swap3A_169] : memref<4096x192xf32, #tpu.memory_space<vmem>>, vector<128x192xf32>
    tpu.vector_store %arg6[%swap3A_168, %swap3A_169], %add3A_167 {strides = array<i32>} : memref<4096x192xf32, #tpu.memory_space<vmem>>, vector<128x192xf32>,
    %get3A_171 = arith.constant 768 : index
    %get3A_172 = arith.constant 0 : index
    %get3A_173 = vector.load %arg7[%get3A_171, %get3A_172] : memref<4096x64xbf16, #tpu.memory_space<vmem>>, vector<128x64xbf16>
    %get3A_174 = arith.constant 704 : index
    %get3A_175 = arith.constant 0 : index
    %get3A_176 = vector.load %arg8[%get3A_174, %get3A_175] : memref<4096x64xbf16, #tpu.memory_space<vmem>>, vector<192x64xbf16>
    %dot_general3A_177 = arith.constant dense<0.000000e+00> : vector<128x192xf32>
    %dot_general3A_178 = tpu.matmul %get3A_173, %get3A_176, %dot_general3A_177 {dimension_numbers = #tpu.dot_dimension_numbers<[1], [1], [0], [0], [0, 0, 1, 0], [], []>, transpose_lhs_hint = false} : vector<128x64xbf16>, vector<192x64xbf16>, vector<128x192xf32> -> vector<128x192xf32>
    %mul3A_179 = arith.constant 1.250000e-01 : f32
    %mul3A_180 = vector.broadcast %mul3A_179 : f32 to vector<128x192xf32>
    %mul3A_181 = arith.mulf %dot_general3A_178, %mul3A_180 : vector<128x192xf32>
    %add3A_182 = arith.addf %mul3A_181, %select_n3A_61 : vector<128x192xf32>
    %swap3A_183 = arith.constant 768 : index
    %swap3A_184 = arith.constant 0 : index
    %swap3A_185 = vector.load %arg6[%swap3A_183, %swap3A_184] : memref<4096x192xf32, #tpu.memory_space<vmem>>, vector<128x192xf32>
    tpu.vector_store %arg6[%swap3A_183, %swap3A_184], %add3A_182 {strides = array<i32>} : memref<4096x192xf32, #tpu.memory_space<vmem>>, vector<128x192xf32>,
    %get3A_186 = arith.constant 896 : index
    %get3A_187 = arith.constant 0 : index
    %get3A_188 = vector.load %arg7[%get3A_186, %get3A_187] : memref<4096x64xbf16, #tpu.memory_space<vmem>>, vector<128x64xbf16>
    %get3A_189 = arith.constant 832 : index
    %get3A_190 = arith.constant 0 : index
    %get3A_191 = vector.load %arg8[%get3A_189, %get3A_190] : memref<4096x64xbf16, #tpu.memory_space<vmem>>, vector<192x64xbf16>
    %dot_general3A_192 = arith.constant dense<0.000000e+00> : vector<128x192xf32>
    %dot_general3A_193 = tpu.matmul %get3A_188, %get3A_191, %dot_general3A_192 {dimension_numbers = #tpu.dot_dimension_numbers<[1], [1], [0], [0], [0, 0, 1, 0], [], []>, transpose_lhs_hint = false} : vector<128x64xbf16>, vector<192x64xbf16>, vector<128x192xf32> -> vector<128x192xf32>
    %mul3A_194 = arith.constant 1.250000e-01 : f32
    %mul3A_195 = vector.broadcast %mul3A_194 : f32 to vector<128x192xf32>
    %mul3A_196 = arith.mulf %dot_general3A_193, %mul3A_195 : vector<128x192xf32>
    %add3A_197 = arith.addf %mul3A_196, %select_n3A_61 : vector<128x192xf32>
    %swap3A_198 = arith.constant 896 : index
    %swap3A_199 = arith.constant 0 : index
    %swap3A_200 = vector.load %arg6[%swap3A_198, %swap3A_199] : memref<4096x192xf32, #tpu.memory_space<vmem>>, vector<128x192xf32>
    tpu.vector_store %arg6[%swap3A_198, %swap3A_199], %add3A_197 {strides = array<i32>} : memref<4096x192xf32, #tpu.memory_space<vmem>>, vector<128x192xf32>,
    %get3A_201 = arith.constant 1024 : index
    %get3A_202 = arith.constant 0 : index
    %get3A_203 = vector.load %arg7[%get3A_201, %get3A_202] : memref<4096x64xbf16, #tpu.memory_space<vmem>>, vector<128x64xbf16>
    %get3A_204 = arith.constant 960 : index
    %get3A_205 = arith.constant 0 : index
    %get3A_206 = vector.load %arg8[%get3A_204, %get3A_205] : memref<4096x64xbf16, #tpu.memory_space<vmem>>, vector<192x64xbf16>
    %dot_general3A_207 = arith.constant dense<0.000000e+00> : vector<128x192xf32>
    %dot_general3A_208 = tpu.matmul %get3A_203, %get3A_206, %dot_general3A_207 {dimension_numbers = #tpu.dot_dimension_numbers<[1], [1], [0], [0], [0, 0, 1, 0], [], []>, transpose_lhs_hint = false} : vector<128x64xbf16>, vector<192x64xbf16>, vector<128x192xf32> -> vector<128x192xf32>
    %mul3A_209 = arith.constant 1.250000e-01 : f32
    %mul3A_210 = vector.broadcast %mul3A_209 : f32 to vector<128x192xf32>
    %mul3A_211 = arith.mulf %dot_general3A_208, %mul3A_210 : vector<128x192xf32>
    %add3A_212 = arith.addf %mul3A_211, %select_n3A_61 : vector<128x192xf32>
    %swap3A_213 = arith.constant 1024 : index
    %swap3A_214 = arith.constant 0 : index
    %swap3A_215 = vector.load %arg6[%swap3A_213, %swap3A_214] : memref<4096x192xf32, #tpu.memory_space<vmem>>, vector<128x192xf32>
    tpu.vector_store %arg6[%swap3A_213, %swap3A_214], %add3A_212 {strides = array<i32>} : memref<4096x192xf32, #tpu.memory_space<vmem>>, vector<128x192xf32>,
    %get3A_216 = arith.constant 1152 : index
    %get3A_217 = arith.constant 0 : index
    %get3A_218 = vector.load %arg7[%get3A_216, %get3A_217] : memref<4096x64xbf16, #tpu.memory_space<vmem>>, vector<128x64xbf16>
    %get3A_219 = arith.constant 1088 : index
    %get3A_220 = arith.constant 0 : index
    %get3A_221 = vector.load %arg8[%get3A_219, %get3A_220] : memref<4096x64xbf16, #tpu.memory_space<vmem>>, vector<192x64xbf16>
    %dot_general3A_222 = arith.constant dense<0.000000e+00> : vector<128x192xf32>
    %dot_general3A_223 = tpu.matmul %get3A_218, %get3A_221, %dot_general3A_222 {dimension_numbers = #tpu.dot_dimension_numbers<[1], [1], [0], [0], [0, 0, 1, 0], [], []>, transpose_lhs_hint = false} : vector<128x64xbf16>, vector<192x64xbf16>, vector<128x192xf32> -> vector<128x192xf32>
    %mul3A_224 = arith.constant 1.250000e-01 : f32
    %mul3A_225 = vector.broadcast %mul3A_224 : f32 to vector<128x192xf32>
    %mul3A_226 = arith.mulf %dot_general3A_223, %mul3A_225 : vector<128x192xf32>
    %add3A_227 = arith.addf %mul3A_226, %select_n3A_61 : vector<128x192xf32>
    %swap3A_228 = arith.constant 1152 : index
    %swap3A_229 = arith.constant 0 : index
    %swap3A_230 = vector.load %arg6[%swap3A_228, %swap3A_229] : memref<4096x192xf32, #tpu.memory_space<vmem>>, vector<128x192xf32>
    tpu.vector_store %arg6[%swap3A_228, %swap3A_229], %add3A_227 {strides = array<i32>} : memref<4096x192xf32, #tpu.memory_space<vmem>>, vector<128x192xf32>,
    %get3A_231 = arith.constant 1280 : index
    %get3A_232 = arith.constant 0 : index
    %get3A_233 = vector.load %arg7[%get3A_231, %get3A_232] : memref<4096x64xbf16, #tpu.memory_space<vmem>>, vector<128x64xbf16>
    %get3A_234 = arith.constant 1216 : index
    %get3A_235 = arith.constant 0 : index
    %get3A_236 = vector.load %arg8[%get3A_234, %get3A_235] : memref<4096x64xbf16, #tpu.memory_space<vmem>>, vector<192x64xbf16>
    %dot_general3A_237 = arith.constant dense<0.000000e+00> : vector<128x192xf32>
    %dot_general3A_238 = tpu.matmul %get3A_233, %get3A_236, %dot_general3A_237 {dimension_numbers = #tpu.dot_dimension_numbers<[1], [1], [0], [0], [0, 0, 1, 0], [], []>, transpose_lhs_hint = false} : vector<128x64xbf16>, vector<192x64xbf16>, vector<128x192xf32> -> vector<128x192xf32>
    %mul3A_239 = arith.constant 1.250000e-01 : f32
    %mul3A_240 = vector.broadcast %mul3A_239 : f32 to vector<128x192xf32>
    %mul3A_241 = arith.mulf %dot_general3A_238, %mul3A_240 : vector<128x192xf32>
    %add3A_242 = arith.addf %mul3A_241, %select_n3A_61 : vector<128x192xf32>
    %swap3A_243 = arith.constant 1280 : index
    %swap3A_244 = arith.constant 0 : index
    %swap3A_245 = vector.load %arg6[%swap3A_243, %swap3A_244] : memref<4096x192xf32, #tpu.memory_space<vmem>>, vector<128x192xf32>
    tpu.vector_store %arg6[%swap3A_243, %swap3A_244], %add3A_242 {strides = array<i32>} : memref<4096x192xf32, #tpu.memory_space<vmem>>, vector<128x192xf32>,
    %get3A_246 = arith.constant 1408 : index
    %get3A_247 = arith.constant 0 : index
    %get3A_248 = vector.load %arg7[%get3A_246, %get3A_247] : memref<4096x64xbf16, #tpu.memory_space<vmem>>, vector<128x64xbf16>
    %get3A_249 = arith.constant 1344 : index
    %get3A_250 = arith.constant 0 : index
    %get3A_251 = vector.load %arg8[%get3A_249, %get3A_250] : memref<4096x64xbf16, #tpu.memory_space<vmem>>, vector<192x64xbf16>
    %dot_general3A_252 = arith.constant dense<0.000000e+00> : vector<128x192xf32>
    %dot_general3A_253 = tpu.matmul %get3A_248, %get3A_251, %dot_general3A_252 {dimension_numbers = #tpu.dot_dimension_numbers<[1], [1], [0], [0], [0, 0, 1, 0], [], []>, transpose_lhs_hint = false} : vector<128x64xbf16>, vector<192x64xbf16>, vector<128x192xf32> -> vector<128x192xf32>
    %mul3A_254 = arith.constant 1.250000e-01 : f32
    %mul3A_255 = vector.broadcast %mul3A_254 : f32 to vector<128x192xf32>
    %mul3A_256 = arith.mulf %dot_general3A_253, %mul3A_255 : vector<128x192xf32>
    %add3A_257 = arith.addf %mul3A_256, %select_n3A_61 : vector<128x192xf32>
    %swap3A_258 = arith.constant 1408 : index
    %swap3A_259 = arith.constant 0 : index
    %swap3A_260 = vector.load %arg6[%swap3A_258, %swap3A_259] : memref<4096x192xf32, #tpu.memory_space<vmem>>, vector<128x192xf32>
    tpu.vector_store %arg6[%swap3A_258, %swap3A_259], %add3A_257 {strides = array<i32>} : memref<4096x192xf32, #tpu.memory_space<vmem>>, vector<128x192xf32>,
    %get3A_261 = arith.constant 1536 : index
    %get3A_262 = arith.constant 0 : index
    %get3A_263 = vector.load %arg7[%get3A_261, %get3A_262] : memref<4096x64xbf16, #tpu.memory_space<vmem>>, vector<128x64xbf16>
    %get3A_264 = arith.constant 1472 : index
    %get3A_265 = arith.constant 0 : index
    %get3A_266 = vector.load %arg8[%get3A_264, %get3A_265] : memref<4096x64xbf16, #tpu.memory_space<vmem>>, vector<192x64xbf16>
    %dot_general3A_267 = arith.constant dense<0.000000e+00> : vector<128x192xf32>
    %dot_general3A_268 = tpu.matmul %get3A_263, %get3A_266, %dot_general3A_267 {dimension_numbers = #tpu.dot_dimension_numbers<[1], [1], [0], [0], [0, 0, 1, 0], [], []>, transpose_lhs_hint = false} : vector<128x64xbf16>, vector<192x64xbf16>, vector<128x192xf32> -> vector<128x192xf32>
    %mul3A_269 = arith.constant 1.250000e-01 : f32
    %mul3A_270 = vector.broadcast %mul3A_269 : f32 to vector<128x192xf32>
    %mul3A_271 = arith.mulf %dot_general3A_268, %mul3A_270 : vector<128x192xf32>
    %add3A_272 = arith.addf %mul3A_271, %select_n3A_61 : vector<128x192xf32>
    %swap3A_273 = arith.constant 1536 : index
    %swap3A_274 = arith.constant 0 : index
    %swap3A_275 = vector.load %arg6[%swap3A_273, %swap3A_274] : memref<4096x192xf32, #tpu.memory_space<vmem>>, vector<128x192xf32>
    tpu.vector_store %arg6[%swap3A_273, %swap3A_274], %add3A_272 {strides = array<i32>} : memref<4096x192xf32, #tpu.memory_space<vmem>>, vector<128x192xf32>,
    %get3A_276 = arith.constant 1664 : index
    %get3A_277 = arith.constant 0 : index
    %get3A_278 = vector.load %arg7[%get3A_276, %get3A_277] : memref<4096x64xbf16, #tpu.memory_space<vmem>>, vector<128x64xbf16>
    %get3A_279 = arith.constant 1600 : index
    %get3A_280 = arith.constant 0 : index
    %get3A_281 = vector.load %arg8[%get3A_279, %get3A_280] : memref<4096x64xbf16, #tpu.memory_space<vmem>>, vector<192x64xbf16>
    %dot_general3A_282 = arith.constant dense<0.000000e+00> : vector<128x192xf32>
    %dot_general3A_283 = tpu.matmul %get3A_278, %get3A_281, %dot_general3A_282 {dimension_numbers = #tpu.dot_dimension_numbers<[1], [1], [0], [0], [0, 0, 1, 0], [], []>, transpose_lhs_hint = false} : vector<128x64xbf16>, vector<192x64xbf16>, vector<128x192xf32> -> vector<128x192xf32>
    %mul3A_284 = arith.constant 1.250000e-01 : f32
    %mul3A_285 = vector.broadcast %mul3A_284 : f32 to vector<128x192xf32>
    %mul3A_286 = arith.mulf %dot_general3A_283, %mul3A_285 : vector<128x192xf32>
    %add3A_287 = arith.addf %mul3A_286, %select_n3A_61 : vector<128x192xf32>
    %swap3A_288 = arith.constant 1664 : index
    %swap3A_289 = arith.constant 0 : index
    %swap3A_290 = vector.load %arg6[%swap3A_288, %swap3A_289] : memref<4096x192xf32, #tpu.memory_space<vmem>>, vector<128x192xf32>
    tpu.vector_store %arg6[%swap3A_288, %swap3A_289], %add3A_287 {strides = array<i32>} : memref<4096x192xf32, #tpu.memory_space<vmem>>, vector<128x192xf32>,
    %get3A_291 = arith.constant 1792 : index
    %get3A_292 = arith.constant 0 : index
    %get3A_293 = vector.load %arg7[%get3A_291, %get3A_292] : memref<4096x64xbf16, #tpu.memory_space<vmem>>, vector<128x64xbf16>
    %get3A_294 = arith.constant 1728 : index
    %get3A_295 = arith.constant 0 : index
    %get3A_296 = vector.load %arg8[%get3A_294, %get3A_295] : memref<4096x64xbf16, #tpu.memory_space<vmem>>, vector<192x64xbf16>
    %dot_general3A_297 = arith.constant dense<0.000000e+00> : vector<128x192xf32>
    %dot_general3A_298 = tpu.matmul %get3A_293, %get3A_296, %dot_general3A_297 {dimension_numbers = #tpu.dot_dimension_numbers<[1], [1], [0], [0], [0, 0, 1, 0], [], []>, transpose_lhs_hint = false} : vector<128x64xbf16>, vector<192x64xbf16>, vector<128x192xf32> -> vector<128x192xf32>
    %mul3A_299 = arith.constant 1.250000e-01 : f32
    %mul3A_300 = vector.broadcast %mul3A_299 : f32 to vector<128x192xf32>
    %mul3A_301 = arith.mulf %dot_general3A_298, %mul3A_300 : vector<128x192xf32>
    %add3A_302 = arith.addf %mul3A_301, %select_n3A_61 : vector<128x192xf32>
    %swap3A_303 = arith.constant 1792 : index
    %swap3A_304 = arith.constant 0 : index
    %swap3A_305 = vector.load %arg6[%swap3A_303, %swap3A_304] : memref<4096x192xf32, #tpu.memory_space<vmem>>, vector<128x192xf32>
    tpu.vector_store %arg6[%swap3A_303, %swap3A_304], %add3A_302 {strides = array<i32>} : memref<4096x192xf32, #tpu.memory_space<vmem>>, vector<128x192xf32>,
    %get3A_306 = arith.constant 1920 : index
    %get3A_307 = arith.constant 0 : index
    %get3A_308 = vector.load %arg7[%get3A_306, %get3A_307] : memref<4096x64xbf16, #tpu.memory_space<vmem>>, vector<128x64xbf16>
    %get3A_309 = arith.constant 1856 : index
    %get3A_310 = arith.constant 0 : index
    %get3A_311 = vector.load %arg8[%get3A_309, %get3A_310] : memref<4096x64xbf16, #tpu.memory_space<vmem>>, vector<192x64xbf16>
    %dot_general3A_312 = arith.constant dense<0.000000e+00> : vector<128x192xf32>
    %dot_general3A_313 = tpu.matmul %get3A_308, %get3A_311, %dot_general3A_312 {dimension_numbers = #tpu.dot_dimension_numbers<[1], [1], [0], [0], [0, 0, 1, 0], [], []>, transpose_lhs_hint = false} : vector<128x64xbf16>, vector<192x64xbf16>, vector<128x192xf32> -> vector<128x192xf32>
    %mul3A_314 = arith.constant 1.250000e-01 : f32
    %mul3A_315 = vector.broadcast %mul3A_314 : f32 to vector<128x192xf32>
    %mul3A_316 = arith.mulf %dot_general3A_313, %mul3A_315 : vector<128x192xf32>
    %add3A_317 = arith.addf %mul3A_316, %select_n3A_61 : vector<128x192xf32>
    %swap3A_318 = arith.constant 1920 : index
    %swap3A_319 = arith.constant 0 : index
    %swap3A_320 = vector.load %arg6[%swap3A_318, %swap3A_319] : memref<4096x192xf32, #tpu.memory_space<vmem>>, vector<128x192xf32>
    tpu.vector_store %arg6[%swap3A_318, %swap3A_319], %add3A_317 {strides = array<i32>} : memref<4096x192xf32, #tpu.memory_space<vmem>>, vector<128x192xf32>,
    %get3A_321 = arith.constant 2048 : index
    %get3A_322 = arith.constant 0 : index
    %get3A_323 = vector.load %arg7[%get3A_321, %get3A_322] : memref<4096x64xbf16, #tpu.memory_space<vmem>>, vector<128x64xbf16>
    %get3A_324 = arith.constant 1984 : index
    %get3A_325 = arith.constant 0 : index
    %get3A_326 = vector.load %arg8[%get3A_324, %get3A_325] : memref<4096x64xbf16, #tpu.memory_space<vmem>>, vector<192x64xbf16>
    %dot_general3A_327 = arith.constant dense<0.000000e+00> : vector<128x192xf32>
    %dot_general3A_328 = tpu.matmul %get3A_323, %get3A_326, %dot_general3A_327 {dimension_numbers = #tpu.dot_dimension_numbers<[1], [1], [0], [0], [0, 0, 1, 0], [], []>, transpose_lhs_hint = false} : vector<128x64xbf16>, vector<192x64xbf16>, vector<128x192xf32> -> vector<128x192xf32>
    %mul3A_329 = arith.constant 1.250000e-01 : f32
    %mul3A_330 = vector.broadcast %mul3A_329 : f32 to vector<128x192xf32>
    %mul3A_331 = arith.mulf %dot_general3A_328, %mul3A_330 : vector<128x192xf32>
    %add3A_332 = arith.addf %mul3A_331, %select_n3A_61 : vector<128x192xf32>
    %swap3A_333 = arith.constant 2048 : index
    %swap3A_334 = arith.constant 0 : index
    %swap3A_335 = vector.load %arg6[%swap3A_333, %swap3A_334] : memref<4096x192xf32, #tpu.memory_space<vmem>>, vector<128x192xf32>
    tpu.vector_store %arg6[%swap3A_333, %swap3A_334], %add3A_332 {strides = array<i32>} : memref<4096x192xf32, #tpu.memory_space<vmem>>, vector<128x192xf32>,
    %get3A_336 = arith.constant 2176 : index
    %get3A_337 = arith.constant 0 : index
    %get3A_338 = vector.load %arg7[%get3A_336, %get3A_337] : memref<4096x64xbf16, #tpu.memory_space<vmem>>, vector<128x64xbf16>
    %get3A_339 = arith.constant 2112 : index
    %get3A_340 = arith.constant 0 : index
    %get3A_341 = vector.load %arg8[%get3A_339, %get3A_340] : memref<4096x64xbf16, #tpu.memory_space<vmem>>, vector<192x64xbf16>
    %dot_general3A_342 = arith.constant dense<0.000000e+00> : vector<128x192xf32>
    %dot_general3A_343 = tpu.matmul %get3A_338, %get3A_341, %dot_general3A_342 {dimension_numbers = #tpu.dot_dimension_numbers<[1], [1], [0], [0], [0, 0, 1, 0], [], []>, transpose_lhs_hint = false} : vector<128x64xbf16>, vector<192x64xbf16>, vector<128x192xf32> -> vector<128x192xf32>
    %mul3A_344 = arith.constant 1.250000e-01 : f32
    %mul3A_345 = vector.broadcast %mul3A_344 : f32 to vector<128x192xf32>
    %mul3A_346 = arith.mulf %dot_general3A_343, %mul3A_345 : vector<128x192xf32>
    %add3A_347 = arith.addf %mul3A_346, %select_n3A_61 : vector<128x192xf32>
    %swap3A_348 = arith.constant 2176 : index
    %swap3A_349 = arith.constant 0 : index
    %swap3A_350 = vector.load %arg6[%swap3A_348, %swap3A_349] : memref<4096x192xf32, #tpu.memory_space<vmem>>, vector<128x192xf32>
    tpu.vector_store %arg6[%swap3A_348, %swap3A_349], %add3A_347 {strides = array<i32>} : memref<4096x192xf32, #tpu.memory_space<vmem>>, vector<128x192xf32>,
    %get3A_351 = arith.constant 2304 : index
    %get3A_352 = arith.constant 0 : index
    %get3A_353 = vector.load %arg7[%get3A_351, %get3A_352] : memref<4096x64xbf16, #tpu.memory_space<vmem>>, vector<128x64xbf16>
    %get3A_354 = arith.constant 2240 : index
    %get3A_355 = arith.constant 0 : index
    %get3A_356 = vector.load %arg8[%get3A_354, %get3A_355] : memref<4096x64xbf16, #tpu.memory_space<vmem>>, vector<192x64xbf16>
    %dot_general3A_357 = arith.constant dense<0.000000e+00> : vector<128x192xf32>
    %dot_general3A_358 = tpu.matmul %get3A_353, %get3A_356, %dot_general3A_357 {dimension_numbers = #tpu.dot_dimension_numbers<[1], [1], [0], [0], [0, 0, 1, 0], [], []>, transpose_lhs_hint = false} : vector<128x64xbf16>, vector<192x64xbf16>, vector<128x192xf32> -> vector<128x192xf32>
    %mul3A_359 = arith.constant 1.250000e-01 : f32
    %mul3A_360 = vector.broadcast %mul3A_359 : f32 to vector<128x192xf32>
    %mul3A_361 = arith.mulf %dot_general3A_358, %mul3A_360 : vector<128x192xf32>
    %add3A_362 = arith.addf %mul3A_361, %select_n3A_61 : vector<128x192xf32>
    %swap3A_363 = arith.constant 2304 : index
    %swap3A_364 = arith.constant 0 : index
    %swap3A_365 = vector.load %arg6[%swap3A_363, %swap3A_364] : memref<4096x192xf32, #tpu.memory_space<vmem>>, vector<128x192xf32>
    tpu.vector_store %arg6[%swap3A_363, %swap3A_364], %add3A_362 {strides = array<i32>} : memref<4096x192xf32, #tpu.memory_space<vmem>>, vector<128x192xf32>,
    %get3A_366 = arith.constant 2432 : index
    %get3A_367 = arith.constant 0 : index
    %get3A_368 = vector.load %arg7[%get3A_366, %get3A_367] : memref<4096x64xbf16, #tpu.memory_space<vmem>>, vector<128x64xbf16>
    %get3A_369 = arith.constant 2368 : index
    %get3A_370 = arith.constant 0 : index
    %get3A_371 = vector.load %arg8[%get3A_369, %get3A_370] : memref<4096x64xbf16, #tpu.memory_space<vmem>>, vector<192x64xbf16>
    %dot_general3A_372 = arith.constant dense<0.000000e+00> : vector<128x192xf32>
    %dot_general3A_373 = tpu.matmul %get3A_368, %get3A_371, %dot_general3A_372 {dimension_numbers = #tpu.dot_dimension_numbers<[1], [1], [0], [0], [0, 0, 1, 0], [], []>, transpose_lhs_hint = false} : vector<128x64xbf16>, vector<192x64xbf16>, vector<128x192xf32> -> vector<128x192xf32>
    %mul3A_374 = arith.constant 1.250000e-01 : f32
    %mul3A_375 = vector.broadcast %mul3A_374 : f32 to vector<128x192xf32>
    %mul3A_376 = arith.mulf %dot_general3A_373, %mul3A_375 : vector<128x192xf32>
    %add3A_377 = arith.addf %mul3A_376, %select_n3A_61 : vector<128x192xf32>
    %swap3A_378 = arith.constant 2432 : index
    %swap3A_379 = arith.constant 0 : index
    %swap3A_380 = vector.load %arg6[%swap3A_378, %swap3A_379] : memref<4096x192xf32, #tpu.memory_space<vmem>>, vector<128x192xf32>
    tpu.vector_store %arg6[%swap3A_378, %swap3A_379], %add3A_377 {strides = array<i32>} : memref<4096x192xf32, #tpu.memory_space<vmem>>, vector<128x192xf32>,
    %get3A_381 = arith.constant 2560 : index
    %get3A_382 = arith.constant 0 : index
    %get3A_383 = vector.load %arg7[%get3A_381, %get3A_382] : memref<4096x64xbf16, #tpu.memory_space<vmem>>, vector<128x64xbf16>
    %get3A_384 = arith.constant 2496 : index
    %get3A_385 = arith.constant 0 : index
    %get3A_386 = vector.load %arg8[%get3A_384, %get3A_385] : memref<4096x64xbf16, #tpu.memory_space<vmem>>, vector<192x64xbf16>
    %dot_general3A_387 = arith.constant dense<0.000000e+00> : vector<128x192xf32>
    %dot_general3A_388 = tpu.matmul %get3A_383, %get3A_386, %dot_general3A_387 {dimension_numbers = #tpu.dot_dimension_numbers<[1], [1], [0], [0], [0, 0, 1, 0], [], []>, transpose_lhs_hint = false} : vector<128x64xbf16>, vector<192x64xbf16>, vector<128x192xf32> -> vector<128x192xf32>
    %mul3A_389 = arith.constant 1.250000e-01 : f32
    %mul3A_390 = vector.broadcast %mul3A_389 : f32 to vector<128x192xf32>
    %mul3A_391 = arith.mulf %dot_general3A_388, %mul3A_390 : vector<128x192xf32>
    %add3A_392 = arith.addf %mul3A_391, %select_n3A_61 : vector<128x192xf32>
    %swap3A_393 = arith.constant 2560 : index
    %swap3A_394 = arith.constant 0 : index
    %swap3A_395 = vector.load %arg6[%swap3A_393, %swap3A_394] : memref<4096x192xf32, #tpu.memory_space<vmem>>, vector<128x192xf32>
    tpu.vector_store %arg6[%swap3A_393, %swap3A_394], %add3A_392 {strides = array<i32>} : memref<4096x192xf32, #tpu.memory_space<vmem>>, vector<128x192xf32>,
    %get3A_396 = arith.constant 2688 : index
    %get3A_397 = arith.constant 0 : index
    %get3A_398 = vector.load %arg7[%get3A_396, %get3A_397] : memref<4096x64xbf16, #tpu.memory_space<vmem>>, vector<128x64xbf16>
    %get3A_399 = arith.constant 2624 : index
    %get3A_400 = arith.constant 0 : index
    %get3A_401 = vector.load %arg8[%get3A_399, %get3A_400] : memref<4096x64xbf16, #tpu.memory_space<vmem>>, vector<192x64xbf16>
    %dot_general3A_402 = arith.constant dense<0.000000e+00> : vector<128x192xf32>
    %dot_general3A_403 = tpu.matmul %get3A_398, %get3A_401, %dot_general3A_402 {dimension_numbers = #tpu.dot_dimension_numbers<[1], [1], [0], [0], [0, 0, 1, 0], [], []>, transpose_lhs_hint = false} : vector<128x64xbf16>, vector<192x64xbf16>, vector<128x192xf32> -> vector<128x192xf32>
    %mul3A_404 = arith.constant 1.250000e-01 : f32
    %mul3A_405 = vector.broadcast %mul3A_404 : f32 to vector<128x192xf32>
    %mul3A_406 = arith.mulf %dot_general3A_403, %mul3A_405 : vector<128x192xf32>
    %add3A_407 = arith.addf %mul3A_406, %select_n3A_61 : vector<128x192xf32>
    %swap3A_408 = arith.constant 2688 : index
    %swap3A_409 = arith.constant 0 : index
    %swap3A_410 = vector.load %arg6[%swap3A_408, %swap3A_409] : memref<4096x192xf32, #tpu.memory_space<vmem>>, vector<128x192xf32>
    tpu.vector_store %arg6[%swap3A_408, %swap3A_409], %add3A_407 {strides = array<i32>} : memref<4096x192xf32, #tpu.memory_space<vmem>>, vector<128x192xf32>,
    %get3A_411 = arith.constant 2816 : index
    %get3A_412 = arith.constant 0 : index
    %get3A_413 = vector.load %arg7[%get3A_411, %get3A_412] : memref<4096x64xbf16, #tpu.memory_space<vmem>>, vector<128x64xbf16>
    %get3A_414 = arith.constant 2752 : index
    %get3A_415 = arith.constant 0 : index
    %get3A_416 = vector.load %arg8[%get3A_414, %get3A_415] : memref<4096x64xbf16, #tpu.memory_space<vmem>>, vector<192x64xbf16>
    %dot_general3A_417 = arith.constant dense<0.000000e+00> : vector<128x192xf32>
    %dot_general3A_418 = tpu.matmul %get3A_413, %get3A_416, %dot_general3A_417 {dimension_numbers = #tpu.dot_dimension_numbers<[1], [1], [0], [0], [0, 0, 1, 0], [], []>, transpose_lhs_hint = false} : vector<128x64xbf16>, vector<192x64xbf16>, vector<128x192xf32> -> vector<128x192xf32>
    %mul3A_419 = arith.constant 1.250000e-01 : f32
    %mul3A_420 = vector.broadcast %mul3A_419 : f32 to vector<128x192xf32>
    %mul3A_421 = arith.mulf %dot_general3A_418, %mul3A_420 : vector<128x192xf32>
    %add3A_422 = arith.addf %mul3A_421, %select_n3A_61 : vector<128x192xf32>
    %swap3A_423 = arith.constant 2816 : index
    %swap3A_424 = arith.constant 0 : index
    %swap3A_425 = vector.load %arg6[%swap3A_423, %swap3A_424] : memref<4096x192xf32, #tpu.memory_space<vmem>>, vector<128x192xf32>
    tpu.vector_store %arg6[%swap3A_423, %swap3A_424], %add3A_422 {strides = array<i32>} : memref<4096x192xf32, #tpu.memory_space<vmem>>, vector<128x192xf32>,
    %get3A_426 = arith.constant 2944 : index
    %get3A_427 = arith.constant 0 : index
    %get3A_428 = vector.load %arg7[%get3A_426, %get3A_427] : memref<4096x64xbf16, #tpu.memory_space<vmem>>, vector<128x64xbf16>
    %get3A_429 = arith.constant 2880 : index
    %get3A_430 = arith.constant 0 : index
    %get3A_431 = vector.load %arg8[%get3A_429, %get3A_430] : memref<4096x64xbf16, #tpu.memory_space<vmem>>, vector<192x64xbf16>
    %dot_general3A_432 = arith.constant dense<0.000000e+00> : vector<128x192xf32>
    %dot_general3A_433 = tpu.matmul %get3A_428, %get3A_431, %dot_general3A_432 {dimension_numbers = #tpu.dot_dimension_numbers<[1], [1], [0], [0], [0, 0, 1, 0], [], []>, transpose_lhs_hint = false} : vector<128x64xbf16>, vector<192x64xbf16>, vector<128x192xf32> -> vector<128x192xf32>
    %mul3A_434 = arith.constant 1.250000e-01 : f32
    %mul3A_435 = vector.broadcast %mul3A_434 : f32 to vector<128x192xf32>
    %mul3A_436 = arith.mulf %dot_general3A_433, %mul3A_435 : vector<128x192xf32>
    %add3A_437 = arith.addf %mul3A_436, %select_n3A_61 : vector<128x192xf32>
    %swap3A_438 = arith.constant 2944 : index
    %swap3A_439 = arith.constant 0 : index
    %swap3A_440 = vector.load %arg6[%swap3A_438, %swap3A_439] : memref<4096x192xf32, #tpu.memory_space<vmem>>, vector<128x192xf32>
    tpu.vector_store %arg6[%swap3A_438, %swap3A_439], %add3A_437 {strides = array<i32>} : memref<4096x192xf32, #tpu.memory_space<vmem>>, vector<128x192xf32>,
    %get3A_441 = arith.constant 3072 : index
    %get3A_442 = arith.constant 0 : index
    %get3A_443 = vector.load %arg7[%get3A_441, %get3A_442] : memref<4096x64xbf16, #tpu.memory_space<vmem>>, vector<128x64xbf16>
    %get3A_444 = arith.constant 3008 : index
    %get3A_445 = arith.constant 0 : index
    %get3A_446 = vector.load %arg8[%get3A_444, %get3A_445] : memref<4096x64xbf16, #tpu.memory_space<vmem>>, vector<192x64xbf16>
    %dot_general3A_447 = arith.constant dense<0.000000e+00> : vector<128x192xf32>
    %dot_general3A_448 = tpu.matmul %get3A_443, %get3A_446, %dot_general3A_447 {dimension_numbers = #tpu.dot_dimension_numbers<[1], [1], [0], [0], [0, 0, 1, 0], [], []>, transpose_lhs_hint = false} : vector<128x64xbf16>, vector<192x64xbf16>, vector<128x192xf32> -> vector<128x192xf32>
    %mul3A_449 = arith.constant 1.250000e-01 : f32
    %mul3A_450 = vector.broadcast %mul3A_449 : f32 to vector<128x192xf32>
    %mul3A_451 = arith.mulf %dot_general3A_448, %mul3A_450 : vector<128x192xf32>
    %add3A_452 = arith.addf %mul3A_451, %select_n3A_61 : vector<128x192xf32>
    %swap3A_453 = arith.constant 3072 : index
    %swap3A_454 = arith.constant 0 : index
    %swap3A_455 = vector.load %arg6[%swap3A_453, %swap3A_454] : memref<4096x192xf32, #tpu.memory_space<vmem>>, vector<128x192xf32>
    tpu.vector_store %arg6[%swap3A_453, %swap3A_454], %add3A_452 {strides = array<i32>} : memref<4096x192xf32, #tpu.memory_space<vmem>>, vector<128x192xf32>,
    %get3A_456 = arith.constant 3200 : index
    %get3A_457 = arith.constant 0 : index
    %get3A_458 = vector.load %arg7[%get3A_456, %get3A_457] : memref<4096x64xbf16, #tpu.memory_space<vmem>>, vector<128x64xbf16>
    %get3A_459 = arith.constant 3136 : index
    %get3A_460 = arith.constant 0 : index
    %get3A_461 = vector.load %arg8[%get3A_459, %get3A_460] : memref<4096x64xbf16, #tpu.memory_space<vmem>>, vector<192x64xbf16>
    %dot_general3A_462 = arith.constant dense<0.000000e+00> : vector<128x192xf32>
    %dot_general3A_463 = tpu.matmul %get3A_458, %get3A_461, %dot_general3A_462 {dimension_numbers = #tpu.dot_dimension_numbers<[1], [1], [0], [0], [0, 0, 1, 0], [], []>, transpose_lhs_hint = false} : vector<128x64xbf16>, vector<192x64xbf16>, vector<128x192xf32> -> vector<128x192xf32>
    %mul3A_464 = arith.constant 1.250000e-01 : f32
    %mul3A_465 = vector.broadcast %mul3A_464 : f32 to vector<128x192xf32>
    %mul3A_466 = arith.mulf %dot_general3A_463, %mul3A_465 : vector<128x192xf32>
    %add3A_467 = arith.addf %mul3A_466, %select_n3A_61 : vector<128x192xf32>
    %swap3A_468 = arith.constant 3200 : index
    %swap3A_469 = arith.constant 0 : index
    %swap3A_470 = vector.load %arg6[%swap3A_468, %swap3A_469] : memref<4096x192xf32, #tpu.memory_space<vmem>>, vector<128x192xf32>
    tpu.vector_store %arg6[%swap3A_468, %swap3A_469], %add3A_467 {strides = array<i32>} : memref<4096x192xf32, #tpu.memory_space<vmem>>, vector<128x192xf32>,
    %get3A_471 = arith.constant 3328 : index
    %get3A_472 = arith.constant 0 : index
    %get3A_473 = vector.load %arg7[%get3A_471, %get3A_472] : memref<4096x64xbf16, #tpu.memory_space<vmem>>, vector<128x64xbf16>
    %get3A_474 = arith.constant 3264 : index
    %get3A_475 = arith.constant 0 : index
    %get3A_476 = vector.load %arg8[%get3A_474, %get3A_475] : memref<4096x64xbf16, #tpu.memory_space<vmem>>, vector<192x64xbf16>
    %dot_general3A_477 = arith.constant dense<0.000000e+00> : vector<128x192xf32>
    %dot_general3A_478 = tpu.matmul %get3A_473, %get3A_476, %dot_general3A_477 {dimension_numbers = #tpu.dot_dimension_numbers<[1], [1], [0], [0], [0, 0, 1, 0], [], []>, transpose_lhs_hint = false} : vector<128x64xbf16>, vector<192x64xbf16>, vector<128x192xf32> -> vector<128x192xf32>
    %mul3A_479 = arith.constant 1.250000e-01 : f32
    %mul3A_480 = vector.broadcast %mul3A_479 : f32 to vector<128x192xf32>
    %mul3A_481 = arith.mulf %dot_general3A_478, %mul3A_480 : vector<128x192xf32>
    %add3A_482 = arith.addf %mul3A_481, %select_n3A_61 : vector<128x192xf32>
    %swap3A_483 = arith.constant 3328 : index
    %swap3A_484 = arith.constant 0 : index
    %swap3A_485 = vector.load %arg6[%swap3A_483, %swap3A_484] : memref<4096x192xf32, #tpu.memory_space<vmem>>, vector<128x192xf32>
    tpu.vector_store %arg6[%swap3A_483, %swap3A_484], %add3A_482 {strides = array<i32>} : memref<4096x192xf32, #tpu.memory_space<vmem>>, vector<128x192xf32>,
    %get3A_486 = arith.constant 3456 : index
    %get3A_487 = arith.constant 0 : index
    %get3A_488 = vector.load %arg7[%get3A_486, %get3A_487] : memref<4096x64xbf16, #tpu.memory_space<vmem>>, vector<128x64xbf16>
    %get3A_489 = arith.constant 3392 : index
    %get3A_490 = arith.constant 0 : index
    %get3A_491 = vector.load %arg8[%get3A_489, %get3A_490] : memref<4096x64xbf16, #tpu.memory_space<vmem>>, vector<192x64xbf16>
    %dot_general3A_492 = arith.constant dense<0.000000e+00> : vector<128x192xf32>
    %dot_general3A_493 = tpu.matmul %get3A_488, %get3A_491, %dot_general3A_492 {dimension_numbers = #tpu.dot_dimension_numbers<[1], [1], [0], [0], [0, 0, 1, 0], [], []>, transpose_lhs_hint = false} : vector<128x64xbf16>, vector<192x64xbf16>, vector<128x192xf32> -> vector<128x192xf32>
    %mul3A_494 = arith.constant 1.250000e-01 : f32
    %mul3A_495 = vector.broadcast %mul3A_494 : f32 to vector<128x192xf32>
    %mul3A_496 = arith.mulf %dot_general3A_493, %mul3A_495 : vector<128x192xf32>
    %add3A_497 = arith.addf %mul3A_496, %select_n3A_61 : vector<128x192xf32>
    %swap3A_498 = arith.constant 3456 : index
    %swap3A_499 = arith.constant 0 : index
    %swap3A_500 = vector.load %arg6[%swap3A_498, %swap3A_499] : memref<4096x192xf32, #tpu.memory_space<vmem>>, vector<128x192xf32>
    tpu.vector_store %arg6[%swap3A_498, %swap3A_499], %add3A_497 {strides = array<i32>} : memref<4096x192xf32, #tpu.memory_space<vmem>>, vector<128x192xf32>,
    %get3A_501 = arith.constant 3584 : index
    %get3A_502 = arith.constant 0 : index
    %get3A_503 = vector.load %arg7[%get3A_501, %get3A_502] : memref<4096x64xbf16, #tpu.memory_space<vmem>>, vector<128x64xbf16>
    %get3A_504 = arith.constant 3520 : index
    %get3A_505 = arith.constant 0 : index
    %get3A_506 = vector.load %arg8[%get3A_504, %get3A_505] : memref<4096x64xbf16, #tpu.memory_space<vmem>>, vector<192x64xbf16>
    %dot_general3A_507 = arith.constant dense<0.000000e+00> : vector<128x192xf32>
    %dot_general3A_508 = tpu.matmul %get3A_503, %get3A_506, %dot_general3A_507 {dimension_numbers = #tpu.dot_dimension_numbers<[1], [1], [0], [0], [0, 0, 1, 0], [], []>, transpose_lhs_hint = false} : vector<128x64xbf16>, vector<192x64xbf16>, vector<128x192xf32> -> vector<128x192xf32>
    %mul3A_509 = arith.constant 1.250000e-01 : f32
    %mul3A_510 = vector.broadcast %mul3A_509 : f32 to vector<128x192xf32>
    %mul3A_511 = arith.mulf %dot_general3A_508, %mul3A_510 : vector<128x192xf32>
    %add3A_512 = arith.addf %mul3A_511, %select_n3A_61 : vector<128x192xf32>
    %swap3A_513 = arith.constant 3584 : index
    %swap3A_514 = arith.constant 0 : index
    %swap3A_515 = vector.load %arg6[%swap3A_513, %swap3A_514] : memref<4096x192xf32, #tpu.memory_space<vmem>>, vector<128x192xf32>
    tpu.vector_store %arg6[%swap3A_513, %swap3A_514], %add3A_512 {strides = array<i32>} : memref<4096x192xf32, #tpu.memory_space<vmem>>, vector<128x192xf32>,
    %get3A_516 = arith.constant 3712 : index
    %get3A_517 = arith.constant 0 : index
    %get3A_518 = vector.load %arg7[%get3A_516, %get3A_517] : memref<4096x64xbf16, #tpu.memory_space<vmem>>, vector<128x64xbf16>
    %get3A_519 = arith.constant 3648 : index
    %get3A_520 = arith.constant 0 : index
    %get3A_521 = vector.load %arg8[%get3A_519, %get3A_520] : memref<4096x64xbf16, #tpu.memory_space<vmem>>, vector<192x64xbf16>
    %dot_general3A_522 = arith.constant dense<0.000000e+00> : vector<128x192xf32>
    %dot_general3A_523 = tpu.matmul %get3A_518, %get3A_521, %dot_general3A_522 {dimension_numbers = #tpu.dot_dimension_numbers<[1], [1], [0], [0], [0, 0, 1, 0], [], []>, transpose_lhs_hint = false} : vector<128x64xbf16>, vector<192x64xbf16>, vector<128x192xf32> -> vector<128x192xf32>
    %mul3A_524 = arith.constant 1.250000e-01 : f32
    %mul3A_525 = vector.broadcast %mul3A_524 : f32 to vector<128x192xf32>
    %mul3A_526 = arith.mulf %dot_general3A_523, %mul3A_525 : vector<128x192xf32>
    %add3A_527 = arith.addf %mul3A_526, %select_n3A_61 : vector<128x192xf32>
    %swap3A_528 = arith.constant 3712 : index
    %swap3A_529 = arith.constant 0 : index
    %swap3A_530 = vector.load %arg6[%swap3A_528, %swap3A_529] : memref<4096x192xf32, #tpu.memory_space<vmem>>, vector<128x192xf32>
    tpu.vector_store %arg6[%swap3A_528, %swap3A_529], %add3A_527 {strides = array<i32>} : memref<4096x192xf32, #tpu.memory_space<vmem>>, vector<128x192xf32>,
    %get3A_531 = arith.constant 3840 : index
    %get3A_532 = arith.constant 0 : index
    %get3A_533 = vector.load %arg7[%get3A_531, %get3A_532] : memref<4096x64xbf16, #tpu.memory_space<vmem>>, vector<128x64xbf16>
    %get3A_534 = arith.constant 3776 : index
    %get3A_535 = arith.constant 0 : index
    %get3A_536 = vector.load %arg8[%get3A_534, %get3A_535] : memref<4096x64xbf16, #tpu.memory_space<vmem>>, vector<192x64xbf16>
    %dot_general3A_537 = arith.constant dense<0.000000e+00> : vector<128x192xf32>
    %dot_general3A_538 = tpu.matmul %get3A_533, %get3A_536, %dot_general3A_537 {dimension_numbers = #tpu.dot_dimension_numbers<[1], [1], [0], [0], [0, 0, 1, 0], [], []>, transpose_lhs_hint = false} : vector<128x64xbf16>, vector<192x64xbf16>, vector<128x192xf32> -> vector<128x192xf32>
    %mul3A_539 = arith.constant 1.250000e-01 : f32
    %mul3A_540 = vector.broadcast %mul3A_539 : f32 to vector<128x192xf32>
    %mul3A_541 = arith.mulf %dot_general3A_538, %mul3A_540 : vector<128x192xf32>
    %add3A_542 = arith.addf %mul3A_541, %select_n3A_61 : vector<128x192xf32>
    %swap3A_543 = arith.constant 3840 : index
    %swap3A_544 = arith.constant 0 : index
    %swap3A_545 = vector.load %arg6[%swap3A_543, %swap3A_544] : memref<4096x192xf32, #tpu.memory_space<vmem>>, vector<128x192xf32>
    tpu.vector_store %arg6[%swap3A_543, %swap3A_544], %add3A_542 {strides = array<i32>} : memref<4096x192xf32, #tpu.memory_space<vmem>>, vector<128x192xf32>,
    %get3A_546 = arith.constant 3968 : index
    %get3A_547 = arith.constant 0 : index
    %get3A_548 = vector.load %arg7[%get3A_546, %get3A_547] : memref<4096x64xbf16, #tpu.memory_space<vmem>>, vector<128x64xbf16>
    %get3A_549 = arith.constant 3904 : index
    %get3A_550 = arith.constant 0 : index
    %get3A_551 = vector.load %arg8[%get3A_549, %get3A_550] : memref<4096x64xbf16, #tpu.memory_space<vmem>>, vector<192x64xbf16>
    %dot_general3A_552 = arith.constant dense<0.000000e+00> : vector<128x192xf32>
    %dot_general3A_553 = tpu.matmul %get3A_548, %get3A_551, %dot_general3A_552 {dimension_numbers = #tpu.dot_dimension_numbers<[1], [1], [0], [0], [0, 0, 1, 0], [], []>, transpose_lhs_hint = false} : vector<128x64xbf16>, vector<192x64xbf16>, vector<128x192xf32> -> vector<128x192xf32>
    %mul3A_554 = arith.constant 1.250000e-01 : f32
    %mul3A_555 = vector.broadcast %mul3A_554 : f32 to vector<128x192xf32>
    %mul3A_556 = arith.mulf %dot_general3A_553, %mul3A_555 : vector<128x192xf32>
    %add3A_557 = arith.addf %mul3A_556, %select_n3A_61 : vector<128x192xf32>
    %swap3A_558 = arith.constant 3968 : index
    %swap3A_559 = arith.constant 0 : index
    %swap3A_560 = vector.load %arg6[%swap3A_558, %swap3A_559] : memref<4096x192xf32, #tpu.memory_space<vmem>>, vector<128x192xf32>
    tpu.vector_store %arg6[%swap3A_558, %swap3A_559], %add3A_557 {strides = array<i32>} : memref<4096x192xf32, #tpu.memory_space<vmem>>, vector<128x192xf32>,
    %get3A_561 = arith.constant 0 : index
    %get3A_562 = arith.constant 0 : index
    %get3A_563 = vector.load %arg6[%get3A_561, %get3A_562] : memref<4096x192xf32, #tpu.memory_space<vmem>>, vector<4096x192xf32>
    %reshape3A = vector.shape_cast %get3A_563 : vector<4096x192xf32> to vector<32x128x192xf32>
    %reduce_max3A = arith.constant dense<0xFF800000> : vector<32x128xf32>
    %reduce_max3A_564 = vector.multi_reduction <maximumf>, %reshape3A, %reduce_max3A [2] : vector<32x128x192xf32> to vector<32x128xf32>
    %broadcast_in_dim3A_565 = vector.shape_cast %reduce_max3A_564 : vector<32x128xf32> to vector<32x128x1xf32>
    %sub3A_566 = vector.broadcast %broadcast_in_dim3A_565 : vector<32x128x1xf32> to vector<32x128x192xf32>
    %sub3A_567 = arith.subf %reshape3A, %sub3A_566 : vector<32x128x192xf32>
    %exp3A = math.exp %sub3A_567 : vector<32x128x192xf32>
    %reduce_sum3A = arith.constant dense<0.000000e+00> : vector<32x128xf32>
    %reduce_sum3A_568 = vector.multi_reduction <add>, %exp3A, %reduce_sum3A [2] : vector<32x128x192xf32> to vector<32x128xf32>
    %broadcast_in_dim3A_569 = vector.shape_cast %reduce_sum3A_568 : vector<32x128xf32> to vector<32x128x1xf32>
    %reshape3A_570 = vector.shape_cast %exp3A : vector<32x128x192xf32> to vector<4096x192xf32>
    %swap3A_571 = arith.constant 0 : index
    %swap3A_572 = arith.constant 0 : index
    %swap3A_573 = vector.load %arg6[%swap3A_571, %swap3A_572] : memref<4096x192xf32, #tpu.memory_space<vmem>>, vector<4096x192xf32>
    tpu.vector_store %arg6[%swap3A_571, %swap3A_572], %reshape3A_570 {strides = array<i32>} : memref<4096x192xf32, #tpu.memory_space<vmem>>, vector<4096x192xf32>,
    %div3A_574 = arith.constant 1.000000e+00 : f32
    %div3A_575 = vector.broadcast %div3A_574 : f32 to vector<32x128x1xf32>
    %div3A_576 = arith.divf %div3A_575, %broadcast_in_dim3A_569 : vector<32x128x1xf32>
    %squeeze3A = vector.shape_cast %div3A_576 : vector<32x128x1xf32> to vector<32x128xf32>
    %log3A = math.log %broadcast_in_dim3A_569 : vector<32x128x1xf32>
    %add3A_577 = arith.addf %log3A, %broadcast_in_dim3A_565 : vector<32x128x1xf32>
    %squeeze3A_578 = vector.shape_cast %add3A_577 : vector<32x128x1xf32> to vector<32x128xf32>
    %swap3A_579 = arith.constant 0 : index
    %swap3A_580 = arith.constant 0 : index
    %swap3A_581 = arith.constant 0 : index
    %swap3A_582 = vector.load %arg5[%swap3A_579, %swap3A_580, %swap3A_581] : memref<1x32x128xf32, #tpu.memory_space<vmem>>, vector<1x32x128xf32>
    %swap3A_583 = vector.shape_cast %swap3A_582 : vector<1x32x128xf32> to vector<32x128xf32>
    %swap3A_584 = vector.shape_cast %squeeze3A_578 : vector<32x128xf32> to vector<1x32x128xf32>
    tpu.vector_store %arg5[%swap3A_579, %swap3A_580, %swap3A_581], %swap3A_584 {strides = array<i32>} : memref<1x32x128xf32, #tpu.memory_space<vmem>>, vector<1x32x128xf32>,
    %get3A_585 = arith.constant 0 : index
    %get3A_586 = arith.constant 0 : index
    %get3A_587 = vector.load %arg6[%get3A_585, %get3A_586] : memref<4096x192xf32, #tpu.memory_space<vmem>>, vector<128x192xf32>
    %convert_element_type3A_588 = arith.truncf %get3A_587 : vector<128x192xf32> to vector<128x192xbf16>
    %get3A_589 = arith.constant 4032 : index
    %get3A_590 = arith.constant 0 : index
    %get3A_591 = vector.load %arg9[%get3A_589, %get3A_590] : memref<4096x64xbf16, #tpu.memory_space<vmem>>, vector<64x64xbf16>
    %get3A_592 = arith.constant 0 : index
    %get3A_593 = arith.constant 0 : index
    %get3A_594 = vector.load %arg9[%get3A_592, %get3A_593] : memref<4096x64xbf16, #tpu.memory_space<vmem>>, vector<128x64xbf16>
    %concatenate3A_595 = tpu.concatenate %get3A_591, %get3A_594 in 0 : vector<64x64xbf16>, vector<128x64xbf16> -> vector<192x64xbf16>
    %dot_general3A_596 = arith.constant dense<0.000000e+00> : vector<128x64xf32>
    %dot_general3A_597 = tpu.matmul %convert_element_type3A_588, %concatenate3A_595, %dot_general3A_596 {dimension_numbers = #tpu.dot_dimension_numbers<[1], [0], [0], [1], [0, 0, 1, 1], [], []>, transpose_lhs_hint = false} : vector<128x192xbf16>, vector<192x64xbf16>, vector<128x64xf32> -> vector<128x64xf32>
    %slice3A = vector.extract_strided_slice %squeeze3A {offsets = [0, 0], sizes = [1, 128], strides = [1, 1]} : vector<32x128xf32> to vector<1x128xf32>
    %squeeze3A_598 = vector.shape_cast %slice3A : vector<1x128xf32> to vector<128xf32>
    %broadcast_in_dim3A_599 = vector.shape_cast %squeeze3A_598 : vector<128xf32> to vector<128x1xf32>
    %mul3A_600 = vector.broadcast %broadcast_in_dim3A_599 : vector<128x1xf32> to vector<128x64xf32>
    %mul3A_601 = arith.mulf %dot_general3A_597, %mul3A_600 : vector<128x64xf32>
    %swap3A_602 = arith.constant 0 : index
    %swap3A_603 = arith.constant 0 : index
    %swap3A_604 = vector.load %arg4[%swap3A_602, %swap3A_603] : memref<4096x64xf32, #tpu.memory_space<vmem>>, vector<128x64xf32>
    tpu.vector_store %arg4[%swap3A_602, %swap3A_603], %mul3A_601 {strides = array<i32>} : memref<4096x64xf32, #tpu.memory_space<vmem>>, vector<128x64xf32>,
    %get3A_605 = arith.constant 128 : index
    %get3A_606 = arith.constant 0 : index
    %get3A_607 = vector.load %arg6[%get3A_605, %get3A_606] : memref<4096x192xf32, #tpu.memory_space<vmem>>, vector<128x192xf32>
    %convert_element_type3A_608 = arith.truncf %get3A_607 : vector<128x192xf32> to vector<128x192xbf16>
    %get3A_609 = arith.constant 64 : index
    %get3A_610 = arith.constant 0 : index
    %get3A_611 = vector.load %arg9[%get3A_609, %get3A_610] : memref<4096x64xbf16, #tpu.memory_space<vmem>>, vector<192x64xbf16>
    %dot_general3A_612 = arith.constant dense<0.000000e+00> : vector<128x64xf32>
    %dot_general3A_613 = tpu.matmul %convert_element_type3A_608, %get3A_611, %dot_general3A_612 {dimension_numbers = #tpu.dot_dimension_numbers<[1], [0], [0], [1], [0, 0, 1, 1], [], []>, transpose_lhs_hint = false} : vector<128x192xbf16>, vector<192x64xbf16>, vector<128x64xf32> -> vector<128x64xf32>
    %slice3A_614 = vector.extract_strided_slice %squeeze3A {offsets = [1, 0], sizes = [1, 128], strides = [1, 1]} : vector<32x128xf32> to vector<1x128xf32>
    %squeeze3A_615 = vector.shape_cast %slice3A_614 : vector<1x128xf32> to vector<128xf32>
    %broadcast_in_dim3A_616 = vector.shape_cast %squeeze3A_615 : vector<128xf32> to vector<128x1xf32>
    %mul3A_617 = vector.broadcast %broadcast_in_dim3A_616 : vector<128x1xf32> to vector<128x64xf32>
    %mul3A_618 = arith.mulf %dot_general3A_613, %mul3A_617 : vector<128x64xf32>
    %swap3A_619 = arith.constant 128 : index
    %swap3A_620 = arith.constant 0 : index
    %swap3A_621 = vector.load %arg4[%swap3A_619, %swap3A_620] : memref<4096x64xf32, #tpu.memory_space<vmem>>, vector<128x64xf32>
    tpu.vector_store %arg4[%swap3A_619, %swap3A_620], %mul3A_618 {strides = array<i32>} : memref<4096x64xf32, #tpu.memory_space<vmem>>, vector<128x64xf32>,
    %get3A_622 = arith.constant 256 : index
    %get3A_623 = arith.constant 0 : index
    %get3A_624 = vector.load %arg6[%get3A_622, %get3A_623] : memref<4096x192xf32, #tpu.memory_space<vmem>>, vector<128x192xf32>
    %convert_element_type3A_625 = arith.truncf %get3A_624 : vector<128x192xf32> to vector<128x192xbf16>
    %get3A_626 = arith.constant 192 : index
    %get3A_627 = arith.constant 0 : index
    %get3A_628 = vector.load %arg9[%get3A_626, %get3A_627] : memref<4096x64xbf16, #tpu.memory_space<vmem>>, vector<192x64xbf16>
    %dot_general3A_629 = arith.constant dense<0.000000e+00> : vector<128x64xf32>
    %dot_general3A_630 = tpu.matmul %convert_element_type3A_625, %get3A_628, %dot_general3A_629 {dimension_numbers = #tpu.dot_dimension_numbers<[1], [0], [0], [1], [0, 0, 1, 1], [], []>, transpose_lhs_hint = false} : vector<128x192xbf16>, vector<192x64xbf16>, vector<128x64xf32> -> vector<128x64xf32>
    %slice3A_631 = vector.extract_strided_slice %squeeze3A {offsets = [2, 0], sizes = [1, 128], strides = [1, 1]} : vector<32x128xf32> to vector<1x128xf32>
    %squeeze3A_632 = vector.shape_cast %slice3A_631 : vector<1x128xf32> to vector<128xf32>
    %broadcast_in_dim3A_633 = vector.shape_cast %squeeze3A_632 : vector<128xf32> to vector<128x1xf32>
    %mul3A_634 = vector.broadcast %broadcast_in_dim3A_633 : vector<128x1xf32> to vector<128x64xf32>
    %mul3A_635 = arith.mulf %dot_general3A_630, %mul3A_634 : vector<128x64xf32>
    %swap3A_636 = arith.constant 256 : index
    %swap3A_637 = arith.constant 0 : index
    %swap3A_638 = vector.load %arg4[%swap3A_636, %swap3A_637] : memref<4096x64xf32, #tpu.memory_space<vmem>>, vector<128x64xf32>
    tpu.vector_store %arg4[%swap3A_636, %swap3A_637], %mul3A_635 {strides = array<i32>} : memref<4096x64xf32, #tpu.memory_space<vmem>>, vector<128x64xf32>,
    %get3A_639 = arith.constant 384 : index
    %get3A_640 = arith.constant 0 : index
    %get3A_641 = vector.load %arg6[%get3A_639, %get3A_640] : memref<4096x192xf32, #tpu.memory_space<vmem>>, vector<128x192xf32>
    %convert_element_type3A_642 = arith.truncf %get3A_641 : vector<128x192xf32> to vector<128x192xbf16>
    %get3A_643 = arith.constant 320 : index
    %get3A_644 = arith.constant 0 : index
    %get3A_645 = vector.load %arg9[%get3A_643, %get3A_644] : memref<4096x64xbf16, #tpu.memory_space<vmem>>, vector<192x64xbf16>
    %dot_general3A_646 = arith.constant dense<0.000000e+00> : vector<128x64xf32>
    %dot_general3A_647 = tpu.matmul %convert_element_type3A_642, %get3A_645, %dot_general3A_646 {dimension_numbers = #tpu.dot_dimension_numbers<[1], [0], [0], [1], [0, 0, 1, 1], [], []>, transpose_lhs_hint = false} : vector<128x192xbf16>, vector<192x64xbf16>, vector<128x64xf32> -> vector<128x64xf32>
    %slice3A_648 = vector.extract_strided_slice %squeeze3A {offsets = [3, 0], sizes = [1, 128], strides = [1, 1]} : vector<32x128xf32> to vector<1x128xf32>
    %squeeze3A_649 = vector.shape_cast %slice3A_648 : vector<1x128xf32> to vector<128xf32>
    %broadcast_in_dim3A_650 = vector.shape_cast %squeeze3A_649 : vector<128xf32> to vector<128x1xf32>
    %mul3A_651 = vector.broadcast %broadcast_in_dim3A_650 : vector<128x1xf32> to vector<128x64xf32>
    %mul3A_652 = arith.mulf %dot_general3A_647, %mul3A_651 : vector<128x64xf32>
    %swap3A_653 = arith.constant 384 : index
    %swap3A_654 = arith.constant 0 : index
    %swap3A_655 = vector.load %arg4[%swap3A_653, %swap3A_654] : memref<4096x64xf32, #tpu.memory_space<vmem>>, vector<128x64xf32>
    tpu.vector_store %arg4[%swap3A_653, %swap3A_654], %mul3A_652 {strides = array<i32>} : memref<4096x64xf32, #tpu.memory_space<vmem>>, vector<128x64xf32>,
    %get3A_656 = arith.constant 512 : index
    %get3A_657 = arith.constant 0 : index
    %get3A_658 = vector.load %arg6[%get3A_656, %get3A_657] : memref<4096x192xf32, #tpu.memory_space<vmem>>, vector<128x192xf32>
    %convert_element_type3A_659 = arith.truncf %get3A_658 : vector<128x192xf32> to vector<128x192xbf16>
    %get3A_660 = arith.constant 448 : index
    %get3A_661 = arith.constant 0 : index
    %get3A_662 = vector.load %arg9[%get3A_660, %get3A_661] : memref<4096x64xbf16, #tpu.memory_space<vmem>>, vector<192x64xbf16>
    %dot_general3A_663 = arith.constant dense<0.000000e+00> : vector<128x64xf32>
    %dot_general3A_664 = tpu.matmul %convert_element_type3A_659, %get3A_662, %dot_general3A_663 {dimension_numbers = #tpu.dot_dimension_numbers<[1], [0], [0], [1], [0, 0, 1, 1], [], []>, transpose_lhs_hint = false} : vector<128x192xbf16>, vector<192x64xbf16>, vector<128x64xf32> -> vector<128x64xf32>
    %slice3A_665 = vector.extract_strided_slice %squeeze3A {offsets = [4, 0], sizes = [1, 128], strides = [1, 1]} : vector<32x128xf32> to vector<1x128xf32>
    %squeeze3A_666 = vector.shape_cast %slice3A_665 : vector<1x128xf32> to vector<128xf32>
    %broadcast_in_dim3A_667 = vector.shape_cast %squeeze3A_666 : vector<128xf32> to vector<128x1xf32>
    %mul3A_668 = vector.broadcast %broadcast_in_dim3A_667 : vector<128x1xf32> to vector<128x64xf32>
    %mul3A_669 = arith.mulf %dot_general3A_664, %mul3A_668 : vector<128x64xf32>
    %swap3A_670 = arith.constant 512 : index
    %swap3A_671 = arith.constant 0 : index
    %swap3A_672 = vector.load %arg4[%swap3A_670, %swap3A_671] : memref<4096x64xf32, #tpu.memory_space<vmem>>, vector<128x64xf32>
    tpu.vector_store %arg4[%swap3A_670, %swap3A_671], %mul3A_669 {strides = array<i32>} : memref<4096x64xf32, #tpu.memory_space<vmem>>, vector<128x64xf32>,
    %get3A_673 = arith.constant 640 : index
    %get3A_674 = arith.constant 0 : index
    %get3A_675 = vector.load %arg6[%get3A_673, %get3A_674] : memref<4096x192xf32, #tpu.memory_space<vmem>>, vector<128x192xf32>
    %convert_element_type3A_676 = arith.truncf %get3A_675 : vector<128x192xf32> to vector<128x192xbf16>
    %get3A_677 = arith.constant 576 : index
    %get3A_678 = arith.constant 0 : index
    %get3A_679 = vector.load %arg9[%get3A_677, %get3A_678] : memref<4096x64xbf16, #tpu.memory_space<vmem>>, vector<192x64xbf16>
    %dot_general3A_680 = arith.constant dense<0.000000e+00> : vector<128x64xf32>
    %dot_general3A_681 = tpu.matmul %convert_element_type3A_676, %get3A_679, %dot_general3A_680 {dimension_numbers = #tpu.dot_dimension_numbers<[1], [0], [0], [1], [0, 0, 1, 1], [], []>, transpose_lhs_hint = false} : vector<128x192xbf16>, vector<192x64xbf16>, vector<128x64xf32> -> vector<128x64xf32>
    %slice3A_682 = vector.extract_strided_slice %squeeze3A {offsets = [5, 0], sizes = [1, 128], strides = [1, 1]} : vector<32x128xf32> to vector<1x128xf32>
    %squeeze3A_683 = vector.shape_cast %slice3A_682 : vector<1x128xf32> to vector<128xf32>
    %broadcast_in_dim3A_684 = vector.shape_cast %squeeze3A_683 : vector<128xf32> to vector<128x1xf32>
    %mul3A_685 = vector.broadcast %broadcast_in_dim3A_684 : vector<128x1xf32> to vector<128x64xf32>
    %mul3A_686 = arith.mulf %dot_general3A_681, %mul3A_685 : vector<128x64xf32>
    %swap3A_687 = arith.constant 640 : index
    %swap3A_688 = arith.constant 0 : index
    %swap3A_689 = vector.load %arg4[%swap3A_687, %swap3A_688] : memref<4096x64xf32, #tpu.memory_space<vmem>>, vector<128x64xf32>
    tpu.vector_store %arg4[%swap3A_687, %swap3A_688], %mul3A_686 {strides = array<i32>} : memref<4096x64xf32, #tpu.memory_space<vmem>>, vector<128x64xf32>,
    %get3A_690 = arith.constant 768 : index
    %get3A_691 = arith.constant 0 : index
    %get3A_692 = vector.load %arg6[%get3A_690, %get3A_691] : memref<4096x192xf32, #tpu.memory_space<vmem>>, vector<128x192xf32>
    %convert_element_type3A_693 = arith.truncf %get3A_692 : vector<128x192xf32> to vector<128x192xbf16>
    %get3A_694 = arith.constant 704 : index
    %get3A_695 = arith.constant 0 : index
    %get3A_696 = vector.load %arg9[%get3A_694, %get3A_695] : memref<4096x64xbf16, #tpu.memory_space<vmem>>, vector<192x64xbf16>
    %dot_general3A_697 = arith.constant dense<0.000000e+00> : vector<128x64xf32>
    %dot_general3A_698 = tpu.matmul %convert_element_type3A_693, %get3A_696, %dot_general3A_697 {dimension_numbers = #tpu.dot_dimension_numbers<[1], [0], [0], [1], [0, 0, 1, 1], [], []>, transpose_lhs_hint = false} : vector<128x192xbf16>, vector<192x64xbf16>, vector<128x64xf32> -> vector<128x64xf32>
    %slice3A_699 = vector.extract_strided_slice %squeeze3A {offsets = [6, 0], sizes = [1, 128], strides = [1, 1]} : vector<32x128xf32> to vector<1x128xf32>
    %squeeze3A_700 = vector.shape_cast %slice3A_699 : vector<1x128xf32> to vector<128xf32>
    %broadcast_in_dim3A_701 = vector.shape_cast %squeeze3A_700 : vector<128xf32> to vector<128x1xf32>
    %mul3A_702 = vector.broadcast %broadcast_in_dim3A_701 : vector<128x1xf32> to vector<128x64xf32>
    %mul3A_703 = arith.mulf %dot_general3A_698, %mul3A_702 : vector<128x64xf32>
    %swap3A_704 = arith.constant 768 : index
    %swap3A_705 = arith.constant 0 : index
    %swap3A_706 = vector.load %arg4[%swap3A_704, %swap3A_705] : memref<4096x64xf32, #tpu.memory_space<vmem>>, vector<128x64xf32>
    tpu.vector_store %arg4[%swap3A_704, %swap3A_705], %mul3A_703 {strides = array<i32>} : memref<4096x64xf32, #tpu.memory_space<vmem>>, vector<128x64xf32>,
    %get3A_707 = arith.constant 896 : index
    %get3A_708 = arith.constant 0 : index
    %get3A_709 = vector.load %arg6[%get3A_707, %get3A_708] : memref<4096x192xf32, #tpu.memory_space<vmem>>, vector<128x192xf32>
    %convert_element_type3A_710 = arith.truncf %get3A_709 : vector<128x192xf32> to vector<128x192xbf16>
    %get3A_711 = arith.constant 832 : index
    %get3A_712 = arith.constant 0 : index
    %get3A_713 = vector.load %arg9[%get3A_711, %get3A_712] : memref<4096x64xbf16, #tpu.memory_space<vmem>>, vector<192x64xbf16>
    %dot_general3A_714 = arith.constant dense<0.000000e+00> : vector<128x64xf32>
    %dot_general3A_715 = tpu.matmul %convert_element_type3A_710, %get3A_713, %dot_general3A_714 {dimension_numbers = #tpu.dot_dimension_numbers<[1], [0], [0], [1], [0, 0, 1, 1], [], []>, transpose_lhs_hint = false} : vector<128x192xbf16>, vector<192x64xbf16>, vector<128x64xf32> -> vector<128x64xf32>
    %slice3A_716 = vector.extract_strided_slice %squeeze3A {offsets = [7, 0], sizes = [1, 128], strides = [1, 1]} : vector<32x128xf32> to vector<1x128xf32>
    %squeeze3A_717 = vector.shape_cast %slice3A_716 : vector<1x128xf32> to vector<128xf32>
    %broadcast_in_dim3A_718 = vector.shape_cast %squeeze3A_717 : vector<128xf32> to vector<128x1xf32>
    %mul3A_719 = vector.broadcast %broadcast_in_dim3A_718 : vector<128x1xf32> to vector<128x64xf32>
    %mul3A_720 = arith.mulf %dot_general3A_715, %mul3A_719 : vector<128x64xf32>
    %swap3A_721 = arith.constant 896 : index
    %swap3A_722 = arith.constant 0 : index
    %swap3A_723 = vector.load %arg4[%swap3A_721, %swap3A_722] : memref<4096x64xf32, #tpu.memory_space<vmem>>, vector<128x64xf32>
    tpu.vector_store %arg4[%swap3A_721, %swap3A_722], %mul3A_720 {strides = array<i32>} : memref<4096x64xf32, #tpu.memory_space<vmem>>, vector<128x64xf32>,
    %get3A_724 = arith.constant 1024 : index
    %get3A_725 = arith.constant 0 : index
    %get3A_726 = vector.load %arg6[%get3A_724, %get3A_725] : memref<4096x192xf32, #tpu.memory_space<vmem>>, vector<128x192xf32>
    %convert_element_type3A_727 = arith.truncf %get3A_726 : vector<128x192xf32> to vector<128x192xbf16>
    %get3A_728 = arith.constant 960 : index
    %get3A_729 = arith.constant 0 : index
    %get3A_730 = vector.load %arg9[%get3A_728, %get3A_729] : memref<4096x64xbf16, #tpu.memory_space<vmem>>, vector<192x64xbf16>
    %dot_general3A_731 = arith.constant dense<0.000000e+00> : vector<128x64xf32>
    %dot_general3A_732 = tpu.matmul %convert_element_type3A_727, %get3A_730, %dot_general3A_731 {dimension_numbers = #tpu.dot_dimension_numbers<[1], [0], [0], [1], [0, 0, 1, 1], [], []>, transpose_lhs_hint = false} : vector<128x192xbf16>, vector<192x64xbf16>, vector<128x64xf32> -> vector<128x64xf32>
    %slice3A_733 = vector.extract_strided_slice %squeeze3A {offsets = [8, 0], sizes = [1, 128], strides = [1, 1]} : vector<32x128xf32> to vector<1x128xf32>
    %squeeze3A_734 = vector.shape_cast %slice3A_733 : vector<1x128xf32> to vector<128xf32>
    %broadcast_in_dim3A_735 = vector.shape_cast %squeeze3A_734 : vector<128xf32> to vector<128x1xf32>
    %mul3A_736 = vector.broadcast %broadcast_in_dim3A_735 : vector<128x1xf32> to vector<128x64xf32>
    %mul3A_737 = arith.mulf %dot_general3A_732, %mul3A_736 : vector<128x64xf32>
    %swap3A_738 = arith.constant 1024 : index
    %swap3A_739 = arith.constant 0 : index
    %swap3A_740 = vector.load %arg4[%swap3A_738, %swap3A_739] : memref<4096x64xf32, #tpu.memory_space<vmem>>, vector<128x64xf32>
    tpu.vector_store %arg4[%swap3A_738, %swap3A_739], %mul3A_737 {strides = array<i32>} : memref<4096x64xf32, #tpu.memory_space<vmem>>, vector<128x64xf32>,
    %get3A_741 = arith.constant 1152 : index
    %get3A_742 = arith.constant 0 : index
    %get3A_743 = vector.load %arg6[%get3A_741, %get3A_742] : memref<4096x192xf32, #tpu.memory_space<vmem>>, vector<128x192xf32>
    %convert_element_type3A_744 = arith.truncf %get3A_743 : vector<128x192xf32> to vector<128x192xbf16>
    %get3A_745 = arith.constant 1088 : index
    %get3A_746 = arith.constant 0 : index
    %get3A_747 = vector.load %arg9[%get3A_745, %get3A_746] : memref<4096x64xbf16, #tpu.memory_space<vmem>>, vector<192x64xbf16>
    %dot_general3A_748 = arith.constant dense<0.000000e+00> : vector<128x64xf32>
    %dot_general3A_749 = tpu.matmul %convert_element_type3A_744, %get3A_747, %dot_general3A_748 {dimension_numbers = #tpu.dot_dimension_numbers<[1], [0], [0], [1], [0, 0, 1, 1], [], []>, transpose_lhs_hint = false} : vector<128x192xbf16>, vector<192x64xbf16>, vector<128x64xf32> -> vector<128x64xf32>
    %slice3A_750 = vector.extract_strided_slice %squeeze3A {offsets = [9, 0], sizes = [1, 128], strides = [1, 1]} : vector<32x128xf32> to vector<1x128xf32>
    %squeeze3A_751 = vector.shape_cast %slice3A_750 : vector<1x128xf32> to vector<128xf32>
    %broadcast_in_dim3A_752 = vector.shape_cast %squeeze3A_751 : vector<128xf32> to vector<128x1xf32>
    %mul3A_753 = vector.broadcast %broadcast_in_dim3A_752 : vector<128x1xf32> to vector<128x64xf32>
    %mul3A_754 = arith.mulf %dot_general3A_749, %mul3A_753 : vector<128x64xf32>
    %swap3A_755 = arith.constant 1152 : index
    %swap3A_756 = arith.constant 0 : index
    %swap3A_757 = vector.load %arg4[%swap3A_755, %swap3A_756] : memref<4096x64xf32, #tpu.memory_space<vmem>>, vector<128x64xf32>
    tpu.vector_store %arg4[%swap3A_755, %swap3A_756], %mul3A_754 {strides = array<i32>} : memref<4096x64xf32, #tpu.memory_space<vmem>>, vector<128x64xf32>,
    %get3A_758 = arith.constant 1280 : index
    %get3A_759 = arith.constant 0 : index
    %get3A_760 = vector.load %arg6[%get3A_758, %get3A_759] : memref<4096x192xf32, #tpu.memory_space<vmem>>, vector<128x192xf32>
    %convert_element_type3A_761 = arith.truncf %get3A_760 : vector<128x192xf32> to vector<128x192xbf16>
    %get3A_762 = arith.constant 1216 : index
    %get3A_763 = arith.constant 0 : index
    %get3A_764 = vector.load %arg9[%get3A_762, %get3A_763] : memref<4096x64xbf16, #tpu.memory_space<vmem>>, vector<192x64xbf16>
    %dot_general3A_765 = arith.constant dense<0.000000e+00> : vector<128x64xf32>
    %dot_general3A_766 = tpu.matmul %convert_element_type3A_761, %get3A_764, %dot_general3A_765 {dimension_numbers = #tpu.dot_dimension_numbers<[1], [0], [0], [1], [0, 0, 1, 1], [], []>, transpose_lhs_hint = false} : vector<128x192xbf16>, vector<192x64xbf16>, vector<128x64xf32> -> vector<128x64xf32>
    %slice3A_767 = vector.extract_strided_slice %squeeze3A {offsets = [10, 0], sizes = [1, 128], strides = [1, 1]} : vector<32x128xf32> to vector<1x128xf32>
    %squeeze3A_768 = vector.shape_cast %slice3A_767 : vector<1x128xf32> to vector<128xf32>
    %broadcast_in_dim3A_769 = vector.shape_cast %squeeze3A_768 : vector<128xf32> to vector<128x1xf32>
    %mul3A_770 = vector.broadcast %broadcast_in_dim3A_769 : vector<128x1xf32> to vector<128x64xf32>
    %mul3A_771 = arith.mulf %dot_general3A_766, %mul3A_770 : vector<128x64xf32>
    %swap3A_772 = arith.constant 1280 : index
    %swap3A_773 = arith.constant 0 : index
    %swap3A_774 = vector.load %arg4[%swap3A_772, %swap3A_773] : memref<4096x64xf32, #tpu.memory_space<vmem>>, vector<128x64xf32>
    tpu.vector_store %arg4[%swap3A_772, %swap3A_773], %mul3A_771 {strides = array<i32>} : memref<4096x64xf32, #tpu.memory_space<vmem>>, vector<128x64xf32>,
    %get3A_775 = arith.constant 1408 : index
    %get3A_776 = arith.constant 0 : index
    %get3A_777 = vector.load %arg6[%get3A_775, %get3A_776] : memref<4096x192xf32, #tpu.memory_space<vmem>>, vector<128x192xf32>
    %convert_element_type3A_778 = arith.truncf %get3A_777 : vector<128x192xf32> to vector<128x192xbf16>
    %get3A_779 = arith.constant 1344 : index
    %get3A_780 = arith.constant 0 : index
    %get3A_781 = vector.load %arg9[%get3A_779, %get3A_780] : memref<4096x64xbf16, #tpu.memory_space<vmem>>, vector<192x64xbf16>
    %dot_general3A_782 = arith.constant dense<0.000000e+00> : vector<128x64xf32>
    %dot_general3A_783 = tpu.matmul %convert_element_type3A_778, %get3A_781, %dot_general3A_782 {dimension_numbers = #tpu.dot_dimension_numbers<[1], [0], [0], [1], [0, 0, 1, 1], [], []>, transpose_lhs_hint = false} : vector<128x192xbf16>, vector<192x64xbf16>, vector<128x64xf32> -> vector<128x64xf32>
    %slice3A_784 = vector.extract_strided_slice %squeeze3A {offsets = [11, 0], sizes = [1, 128], strides = [1, 1]} : vector<32x128xf32> to vector<1x128xf32>
    %squeeze3A_785 = vector.shape_cast %slice3A_784 : vector<1x128xf32> to vector<128xf32>
    %broadcast_in_dim3A_786 = vector.shape_cast %squeeze3A_785 : vector<128xf32> to vector<128x1xf32>
    %mul3A_787 = vector.broadcast %broadcast_in_dim3A_786 : vector<128x1xf32> to vector<128x64xf32>
    %mul3A_788 = arith.mulf %dot_general3A_783, %mul3A_787 : vector<128x64xf32>
    %swap3A_789 = arith.constant 1408 : index
    %swap3A_790 = arith.constant 0 : index
    %swap3A_791 = vector.load %arg4[%swap3A_789, %swap3A_790] : memref<4096x64xf32, #tpu.memory_space<vmem>>, vector<128x64xf32>
    tpu.vector_store %arg4[%swap3A_789, %swap3A_790], %mul3A_788 {strides = array<i32>} : memref<4096x64xf32, #tpu.memory_space<vmem>>, vector<128x64xf32>,
    %get3A_792 = arith.constant 1536 : index
    %get3A_793 = arith.constant 0 : index
    %get3A_794 = vector.load %arg6[%get3A_792, %get3A_793] : memref<4096x192xf32, #tpu.memory_space<vmem>>, vector<128x192xf32>
    %convert_element_type3A_795 = arith.truncf %get3A_794 : vector<128x192xf32> to vector<128x192xbf16>
    %get3A_796 = arith.constant 1472 : index
    %get3A_797 = arith.constant 0 : index
    %get3A_798 = vector.load %arg9[%get3A_796, %get3A_797] : memref<4096x64xbf16, #tpu.memory_space<vmem>>, vector<192x64xbf16>
    %dot_general3A_799 = arith.constant dense<0.000000e+00> : vector<128x64xf32>
    %dot_general3A_800 = tpu.matmul %convert_element_type3A_795, %get3A_798, %dot_general3A_799 {dimension_numbers = #tpu.dot_dimension_numbers<[1], [0], [0], [1], [0, 0, 1, 1], [], []>, transpose_lhs_hint = false} : vector<128x192xbf16>, vector<192x64xbf16>, vector<128x64xf32> -> vector<128x64xf32>
    %slice3A_801 = vector.extract_strided_slice %squeeze3A {offsets = [12, 0], sizes = [1, 128], strides = [1, 1]} : vector<32x128xf32> to vector<1x128xf32>
    %squeeze3A_802 = vector.shape_cast %slice3A_801 : vector<1x128xf32> to vector<128xf32>
    %broadcast_in_dim3A_803 = vector.shape_cast %squeeze3A_802 : vector<128xf32> to vector<128x1xf32>
    %mul3A_804 = vector.broadcast %broadcast_in_dim3A_803 : vector<128x1xf32> to vector<128x64xf32>
    %mul3A_805 = arith.mulf %dot_general3A_800, %mul3A_804 : vector<128x64xf32>
    %swap3A_806 = arith.constant 1536 : index
    %swap3A_807 = arith.constant 0 : index
    %swap3A_808 = vector.load %arg4[%swap3A_806, %swap3A_807] : memref<4096x64xf32, #tpu.memory_space<vmem>>, vector<128x64xf32>
    tpu.vector_store %arg4[%swap3A_806, %swap3A_807], %mul3A_805 {strides = array<i32>} : memref<4096x64xf32, #tpu.memory_space<vmem>>, vector<128x64xf32>,
    %get3A_809 = arith.constant 1664 : index
    %get3A_810 = arith.constant 0 : index
    %get3A_811 = vector.load %arg6[%get3A_809, %get3A_810] : memref<4096x192xf32, #tpu.memory_space<vmem>>, vector<128x192xf32>
    %convert_element_type3A_812 = arith.truncf %get3A_811 : vector<128x192xf32> to vector<128x192xbf16>
    %get3A_813 = arith.constant 1600 : index
    %get3A_814 = arith.constant 0 : index
    %get3A_815 = vector.load %arg9[%get3A_813, %get3A_814] : memref<4096x64xbf16, #tpu.memory_space<vmem>>, vector<192x64xbf16>
    %dot_general3A_816 = arith.constant dense<0.000000e+00> : vector<128x64xf32>
    %dot_general3A_817 = tpu.matmul %convert_element_type3A_812, %get3A_815, %dot_general3A_816 {dimension_numbers = #tpu.dot_dimension_numbers<[1], [0], [0], [1], [0, 0, 1, 1], [], []>, transpose_lhs_hint = false} : vector<128x192xbf16>, vector<192x64xbf16>, vector<128x64xf32> -> vector<128x64xf32>
    %slice3A_818 = vector.extract_strided_slice %squeeze3A {offsets = [13, 0], sizes = [1, 128], strides = [1, 1]} : vector<32x128xf32> to vector<1x128xf32>
    %squeeze3A_819 = vector.shape_cast %slice3A_818 : vector<1x128xf32> to vector<128xf32>
    %broadcast_in_dim3A_820 = vector.shape_cast %squeeze3A_819 : vector<128xf32> to vector<128x1xf32>
    %mul3A_821 = vector.broadcast %broadcast_in_dim3A_820 : vector<128x1xf32> to vector<128x64xf32>
    %mul3A_822 = arith.mulf %dot_general3A_817, %mul3A_821 : vector<128x64xf32>
    %swap3A_823 = arith.constant 1664 : index
    %swap3A_824 = arith.constant 0 : index
    %swap3A_825 = vector.load %arg4[%swap3A_823, %swap3A_824] : memref<4096x64xf32, #tpu.memory_space<vmem>>, vector<128x64xf32>
    tpu.vector_store %arg4[%swap3A_823, %swap3A_824], %mul3A_822 {strides = array<i32>} : memref<4096x64xf32, #tpu.memory_space<vmem>>, vector<128x64xf32>,
    %get3A_826 = arith.constant 1792 : index
    %get3A_827 = arith.constant 0 : index
    %get3A_828 = vector.load %arg6[%get3A_826, %get3A_827] : memref<4096x192xf32, #tpu.memory_space<vmem>>, vector<128x192xf32>
    %convert_element_type3A_829 = arith.truncf %get3A_828 : vector<128x192xf32> to vector<128x192xbf16>
    %get3A_830 = arith.constant 1728 : index
    %get3A_831 = arith.constant 0 : index
    %get3A_832 = vector.load %arg9[%get3A_830, %get3A_831] : memref<4096x64xbf16, #tpu.memory_space<vmem>>, vector<192x64xbf16>
    %dot_general3A_833 = arith.constant dense<0.000000e+00> : vector<128x64xf32>
    %dot_general3A_834 = tpu.matmul %convert_element_type3A_829, %get3A_832, %dot_general3A_833 {dimension_numbers = #tpu.dot_dimension_numbers<[1], [0], [0], [1], [0, 0, 1, 1], [], []>, transpose_lhs_hint = false} : vector<128x192xbf16>, vector<192x64xbf16>, vector<128x64xf32> -> vector<128x64xf32>
    %slice3A_835 = vector.extract_strided_slice %squeeze3A {offsets = [14, 0], sizes = [1, 128], strides = [1, 1]} : vector<32x128xf32> to vector<1x128xf32>
    %squeeze3A_836 = vector.shape_cast %slice3A_835 : vector<1x128xf32> to vector<128xf32>
    %broadcast_in_dim3A_837 = vector.shape_cast %squeeze3A_836 : vector<128xf32> to vector<128x1xf32>
    %mul3A_838 = vector.broadcast %broadcast_in_dim3A_837 : vector<128x1xf32> to vector<128x64xf32>
    %mul3A_839 = arith.mulf %dot_general3A_834, %mul3A_838 : vector<128x64xf32>
    %swap3A_840 = arith.constant 1792 : index
    %swap3A_841 = arith.constant 0 : index
    %swap3A_842 = vector.load %arg4[%swap3A_840, %swap3A_841] : memref<4096x64xf32, #tpu.memory_space<vmem>>, vector<128x64xf32>
    tpu.vector_store %arg4[%swap3A_840, %swap3A_841], %mul3A_839 {strides = array<i32>} : memref<4096x64xf32, #tpu.memory_space<vmem>>, vector<128x64xf32>,
    %get3A_843 = arith.constant 1920 : index
    %get3A_844 = arith.constant 0 : index
    %get3A_845 = vector.load %arg6[%get3A_843, %get3A_844] : memref<4096x192xf32, #tpu.memory_space<vmem>>, vector<128x192xf32>
    %convert_element_type3A_846 = arith.truncf %get3A_845 : vector<128x192xf32> to vector<128x192xbf16>
    %get3A_847 = arith.constant 1856 : index
    %get3A_848 = arith.constant 0 : index
    %get3A_849 = vector.load %arg9[%get3A_847, %get3A_848] : memref<4096x64xbf16, #tpu.memory_space<vmem>>, vector<192x64xbf16>
    %dot_general3A_850 = arith.constant dense<0.000000e+00> : vector<128x64xf32>
    %dot_general3A_851 = tpu.matmul %convert_element_type3A_846, %get3A_849, %dot_general3A_850 {dimension_numbers = #tpu.dot_dimension_numbers<[1], [0], [0], [1], [0, 0, 1, 1], [], []>, transpose_lhs_hint = false} : vector<128x192xbf16>, vector<192x64xbf16>, vector<128x64xf32> -> vector<128x64xf32>
    %slice3A_852 = vector.extract_strided_slice %squeeze3A {offsets = [15, 0], sizes = [1, 128], strides = [1, 1]} : vector<32x128xf32> to vector<1x128xf32>
    %squeeze3A_853 = vector.shape_cast %slice3A_852 : vector<1x128xf32> to vector<128xf32>
    %broadcast_in_dim3A_854 = vector.shape_cast %squeeze3A_853 : vector<128xf32> to vector<128x1xf32>
    %mul3A_855 = vector.broadcast %broadcast_in_dim3A_854 : vector<128x1xf32> to vector<128x64xf32>
    %mul3A_856 = arith.mulf %dot_general3A_851, %mul3A_855 : vector<128x64xf32>
    %swap3A_857 = arith.constant 1920 : index
    %swap3A_858 = arith.constant 0 : index
    %swap3A_859 = vector.load %arg4[%swap3A_857, %swap3A_858] : memref<4096x64xf32, #tpu.memory_space<vmem>>, vector<128x64xf32>
    tpu.vector_store %arg4[%swap3A_857, %swap3A_858], %mul3A_856 {strides = array<i32>} : memref<4096x64xf32, #tpu.memory_space<vmem>>, vector<128x64xf32>,
    %get3A_860 = arith.constant 2048 : index
    %get3A_861 = arith.constant 0 : index
    %get3A_862 = vector.load %arg6[%get3A_860, %get3A_861] : memref<4096x192xf32, #tpu.memory_space<vmem>>, vector<128x192xf32>
    %convert_element_type3A_863 = arith.truncf %get3A_862 : vector<128x192xf32> to vector<128x192xbf16>
    %get3A_864 = arith.constant 1984 : index
    %get3A_865 = arith.constant 0 : index
    %get3A_866 = vector.load %arg9[%get3A_864, %get3A_865] : memref<4096x64xbf16, #tpu.memory_space<vmem>>, vector<192x64xbf16>
    %dot_general3A_867 = arith.constant dense<0.000000e+00> : vector<128x64xf32>
    %dot_general3A_868 = tpu.matmul %convert_element_type3A_863, %get3A_866, %dot_general3A_867 {dimension_numbers = #tpu.dot_dimension_numbers<[1], [0], [0], [1], [0, 0, 1, 1], [], []>, transpose_lhs_hint = false} : vector<128x192xbf16>, vector<192x64xbf16>, vector<128x64xf32> -> vector<128x64xf32>
    %slice3A_869 = vector.extract_strided_slice %squeeze3A {offsets = [16, 0], sizes = [1, 128], strides = [1, 1]} : vector<32x128xf32> to vector<1x128xf32>
    %squeeze3A_870 = vector.shape_cast %slice3A_869 : vector<1x128xf32> to vector<128xf32>
    %broadcast_in_dim3A_871 = vector.shape_cast %squeeze3A_870 : vector<128xf32> to vector<128x1xf32>
    %mul3A_872 = vector.broadcast %broadcast_in_dim3A_871 : vector<128x1xf32> to vector<128x64xf32>
    %mul3A_873 = arith.mulf %dot_general3A_868, %mul3A_872 : vector<128x64xf32>
    %swap3A_874 = arith.constant 2048 : index
    %swap3A_875 = arith.constant 0 : index
    %swap3A_876 = vector.load %arg4[%swap3A_874, %swap3A_875] : memref<4096x64xf32, #tpu.memory_space<vmem>>, vector<128x64xf32>
    tpu.vector_store %arg4[%swap3A_874, %swap3A_875], %mul3A_873 {strides = array<i32>} : memref<4096x64xf32, #tpu.memory_space<vmem>>, vector<128x64xf32>,
    %get3A_877 = arith.constant 2176 : index
    %get3A_878 = arith.constant 0 : index
    %get3A_879 = vector.load %arg6[%get3A_877, %get3A_878] : memref<4096x192xf32, #tpu.memory_space<vmem>>, vector<128x192xf32>
    %convert_element_type3A_880 = arith.truncf %get3A_879 : vector<128x192xf32> to vector<128x192xbf16>
    %get3A_881 = arith.constant 2112 : index
    %get3A_882 = arith.constant 0 : index
    %get3A_883 = vector.load %arg9[%get3A_881, %get3A_882] : memref<4096x64xbf16, #tpu.memory_space<vmem>>, vector<192x64xbf16>
    %dot_general3A_884 = arith.constant dense<0.000000e+00> : vector<128x64xf32>
    %dot_general3A_885 = tpu.matmul %convert_element_type3A_880, %get3A_883, %dot_general3A_884 {dimension_numbers = #tpu.dot_dimension_numbers<[1], [0], [0], [1], [0, 0, 1, 1], [], []>, transpose_lhs_hint = false} : vector<128x192xbf16>, vector<192x64xbf16>, vector<128x64xf32> -> vector<128x64xf32>
    %slice3A_886 = vector.extract_strided_slice %squeeze3A {offsets = [17, 0], sizes = [1, 128], strides = [1, 1]} : vector<32x128xf32> to vector<1x128xf32>
    %squeeze3A_887 = vector.shape_cast %slice3A_886 : vector<1x128xf32> to vector<128xf32>
    %broadcast_in_dim3A_888 = vector.shape_cast %squeeze3A_887 : vector<128xf32> to vector<128x1xf32>
    %mul3A_889 = vector.broadcast %broadcast_in_dim3A_888 : vector<128x1xf32> to vector<128x64xf32>
    %mul3A_890 = arith.mulf %dot_general3A_885, %mul3A_889 : vector<128x64xf32>
    %swap3A_891 = arith.constant 2176 : index
    %swap3A_892 = arith.constant 0 : index
    %swap3A_893 = vector.load %arg4[%swap3A_891, %swap3A_892] : memref<4096x64xf32, #tpu.memory_space<vmem>>, vector<128x64xf32>
    tpu.vector_store %arg4[%swap3A_891, %swap3A_892], %mul3A_890 {strides = array<i32>} : memref<4096x64xf32, #tpu.memory_space<vmem>>, vector<128x64xf32>,
    %get3A_894 = arith.constant 2304 : index
    %get3A_895 = arith.constant 0 : index
    %get3A_896 = vector.load %arg6[%get3A_894, %get3A_895] : memref<4096x192xf32, #tpu.memory_space<vmem>>, vector<128x192xf32>
    %convert_element_type3A_897 = arith.truncf %get3A_896 : vector<128x192xf32> to vector<128x192xbf16>
    %get3A_898 = arith.constant 2240 : index
    %get3A_899 = arith.constant 0 : index
    %get3A_900 = vector.load %arg9[%get3A_898, %get3A_899] : memref<4096x64xbf16, #tpu.memory_space<vmem>>, vector<192x64xbf16>
    %dot_general3A_901 = arith.constant dense<0.000000e+00> : vector<128x64xf32>
    %dot_general3A_902 = tpu.matmul %convert_element_type3A_897, %get3A_900, %dot_general3A_901 {dimension_numbers = #tpu.dot_dimension_numbers<[1], [0], [0], [1], [0, 0, 1, 1], [], []>, transpose_lhs_hint = false} : vector<128x192xbf16>, vector<192x64xbf16>, vector<128x64xf32> -> vector<128x64xf32>
    %slice3A_903 = vector.extract_strided_slice %squeeze3A {offsets = [18, 0], sizes = [1, 128], strides = [1, 1]} : vector<32x128xf32> to vector<1x128xf32>
    %squeeze3A_904 = vector.shape_cast %slice3A_903 : vector<1x128xf32> to vector<128xf32>
    %broadcast_in_dim3A_905 = vector.shape_cast %squeeze3A_904 : vector<128xf32> to vector<128x1xf32>
    %mul3A_906 = vector.broadcast %broadcast_in_dim3A_905 : vector<128x1xf32> to vector<128x64xf32>
    %mul3A_907 = arith.mulf %dot_general3A_902, %mul3A_906 : vector<128x64xf32>
    %swap3A_908 = arith.constant 2304 : index
    %swap3A_909 = arith.constant 0 : index
    %swap3A_910 = vector.load %arg4[%swap3A_908, %swap3A_909] : memref<4096x64xf32, #tpu.memory_space<vmem>>, vector<128x64xf32>
    tpu.vector_store %arg4[%swap3A_908, %swap3A_909], %mul3A_907 {strides = array<i32>} : memref<4096x64xf32, #tpu.memory_space<vmem>>, vector<128x64xf32>,
    %get3A_911 = arith.constant 2432 : index
    %get3A_912 = arith.constant 0 : index
    %get3A_913 = vector.load %arg6[%get3A_911, %get3A_912] : memref<4096x192xf32, #tpu.memory_space<vmem>>, vector<128x192xf32>
    %convert_element_type3A_914 = arith.truncf %get3A_913 : vector<128x192xf32> to vector<128x192xbf16>
    %get3A_915 = arith.constant 2368 : index
    %get3A_916 = arith.constant 0 : index
    %get3A_917 = vector.load %arg9[%get3A_915, %get3A_916] : memref<4096x64xbf16, #tpu.memory_space<vmem>>, vector<192x64xbf16>
    %dot_general3A_918 = arith.constant dense<0.000000e+00> : vector<128x64xf32>
    %dot_general3A_919 = tpu.matmul %convert_element_type3A_914, %get3A_917, %dot_general3A_918 {dimension_numbers = #tpu.dot_dimension_numbers<[1], [0], [0], [1], [0, 0, 1, 1], [], []>, transpose_lhs_hint = false} : vector<128x192xbf16>, vector<192x64xbf16>, vector<128x64xf32> -> vector<128x64xf32>
    %slice3A_920 = vector.extract_strided_slice %squeeze3A {offsets = [19, 0], sizes = [1, 128], strides = [1, 1]} : vector<32x128xf32> to vector<1x128xf32>
    %squeeze3A_921 = vector.shape_cast %slice3A_920 : vector<1x128xf32> to vector<128xf32>
    %broadcast_in_dim3A_922 = vector.shape_cast %squeeze3A_921 : vector<128xf32> to vector<128x1xf32>
    %mul3A_923 = vector.broadcast %broadcast_in_dim3A_922 : vector<128x1xf32> to vector<128x64xf32>
    %mul3A_924 = arith.mulf %dot_general3A_919, %mul3A_923 : vector<128x64xf32>
    %swap3A_925 = arith.constant 2432 : index
    %swap3A_926 = arith.constant 0 : index
    %swap3A_927 = vector.load %arg4[%swap3A_925, %swap3A_926] : memref<4096x64xf32, #tpu.memory_space<vmem>>, vector<128x64xf32>
    tpu.vector_store %arg4[%swap3A_925, %swap3A_926], %mul3A_924 {strides = array<i32>} : memref<4096x64xf32, #tpu.memory_space<vmem>>, vector<128x64xf32>,
    %get3A_928 = arith.constant 2560 : index
    %get3A_929 = arith.constant 0 : index
    %get3A_930 = vector.load %arg6[%get3A_928, %get3A_929] : memref<4096x192xf32, #tpu.memory_space<vmem>>, vector<128x192xf32>
    %convert_element_type3A_931 = arith.truncf %get3A_930 : vector<128x192xf32> to vector<128x192xbf16>
    %get3A_932 = arith.constant 2496 : index
    %get3A_933 = arith.constant 0 : index
    %get3A_934 = vector.load %arg9[%get3A_932, %get3A_933] : memref<4096x64xbf16, #tpu.memory_space<vmem>>, vector<192x64xbf16>
    %dot_general3A_935 = arith.constant dense<0.000000e+00> : vector<128x64xf32>
    %dot_general3A_936 = tpu.matmul %convert_element_type3A_931, %get3A_934, %dot_general3A_935 {dimension_numbers = #tpu.dot_dimension_numbers<[1], [0], [0], [1], [0, 0, 1, 1], [], []>, transpose_lhs_hint = false} : vector<128x192xbf16>, vector<192x64xbf16>, vector<128x64xf32> -> vector<128x64xf32>
    %slice3A_937 = vector.extract_strided_slice %squeeze3A {offsets = [20, 0], sizes = [1, 128], strides = [1, 1]} : vector<32x128xf32> to vector<1x128xf32>
    %squeeze3A_938 = vector.shape_cast %slice3A_937 : vector<1x128xf32> to vector<128xf32>
    %broadcast_in_dim3A_939 = vector.shape_cast %squeeze3A_938 : vector<128xf32> to vector<128x1xf32>
    %mul3A_940 = vector.broadcast %broadcast_in_dim3A_939 : vector<128x1xf32> to vector<128x64xf32>
    %mul3A_941 = arith.mulf %dot_general3A_936, %mul3A_940 : vector<128x64xf32>
    %swap3A_942 = arith.constant 2560 : index
    %swap3A_943 = arith.constant 0 : index
    %swap3A_944 = vector.load %arg4[%swap3A_942, %swap3A_943] : memref<4096x64xf32, #tpu.memory_space<vmem>>, vector<128x64xf32>
    tpu.vector_store %arg4[%swap3A_942, %swap3A_943], %mul3A_941 {strides = array<i32>} : memref<4096x64xf32, #tpu.memory_space<vmem>>, vector<128x64xf32>,
    %get3A_945 = arith.constant 2688 : index
    %get3A_946 = arith.constant 0 : index
    %get3A_947 = vector.load %arg6[%get3A_945, %get3A_946] : memref<4096x192xf32, #tpu.memory_space<vmem>>, vector<128x192xf32>
    %convert_element_type3A_948 = arith.truncf %get3A_947 : vector<128x192xf32> to vector<128x192xbf16>
    %get3A_949 = arith.constant 2624 : index
    %get3A_950 = arith.constant 0 : index
    %get3A_951 = vector.load %arg9[%get3A_949, %get3A_950] : memref<4096x64xbf16, #tpu.memory_space<vmem>>, vector<192x64xbf16>
    %dot_general3A_952 = arith.constant dense<0.000000e+00> : vector<128x64xf32>
    %dot_general3A_953 = tpu.matmul %convert_element_type3A_948, %get3A_951, %dot_general3A_952 {dimension_numbers = #tpu.dot_dimension_numbers<[1], [0], [0], [1], [0, 0, 1, 1], [], []>, transpose_lhs_hint = false} : vector<128x192xbf16>, vector<192x64xbf16>, vector<128x64xf32> -> vector<128x64xf32>
    %slice3A_954 = vector.extract_strided_slice %squeeze3A {offsets = [21, 0], sizes = [1, 128], strides = [1, 1]} : vector<32x128xf32> to vector<1x128xf32>
    %squeeze3A_955 = vector.shape_cast %slice3A_954 : vector<1x128xf32> to vector<128xf32>
    %broadcast_in_dim3A_956 = vector.shape_cast %squeeze3A_955 : vector<128xf32> to vector<128x1xf32>
    %mul3A_957 = vector.broadcast %broadcast_in_dim3A_956 : vector<128x1xf32> to vector<128x64xf32>
    %mul3A_958 = arith.mulf %dot_general3A_953, %mul3A_957 : vector<128x64xf32>
    %swap3A_959 = arith.constant 2688 : index
    %swap3A_960 = arith.constant 0 : index
    %swap3A_961 = vector.load %arg4[%swap3A_959, %swap3A_960] : memref<4096x64xf32, #tpu.memory_space<vmem>>, vector<128x64xf32>
    tpu.vector_store %arg4[%swap3A_959, %swap3A_960], %mul3A_958 {strides = array<i32>} : memref<4096x64xf32, #tpu.memory_space<vmem>>, vector<128x64xf32>,
    %get3A_962 = arith.constant 2816 : index
    %get3A_963 = arith.constant 0 : index
    %get3A_964 = vector.load %arg6[%get3A_962, %get3A_963] : memref<4096x192xf32, #tpu.memory_space<vmem>>, vector<128x192xf32>
    %convert_element_type3A_965 = arith.truncf %get3A_964 : vector<128x192xf32> to vector<128x192xbf16>
    %get3A_966 = arith.constant 2752 : index
    %get3A_967 = arith.constant 0 : index
    %get3A_968 = vector.load %arg9[%get3A_966, %get3A_967] : memref<4096x64xbf16, #tpu.memory_space<vmem>>, vector<192x64xbf16>
    %dot_general3A_969 = arith.constant dense<0.000000e+00> : vector<128x64xf32>
    %dot_general3A_970 = tpu.matmul %convert_element_type3A_965, %get3A_968, %dot_general3A_969 {dimension_numbers = #tpu.dot_dimension_numbers<[1], [0], [0], [1], [0, 0, 1, 1], [], []>, transpose_lhs_hint = false} : vector<128x192xbf16>, vector<192x64xbf16>, vector<128x64xf32> -> vector<128x64xf32>
    %slice3A_971 = vector.extract_strided_slice %squeeze3A {offsets = [22, 0], sizes = [1, 128], strides = [1, 1]} : vector<32x128xf32> to vector<1x128xf32>
    %squeeze3A_972 = vector.shape_cast %slice3A_971 : vector<1x128xf32> to vector<128xf32>
    %broadcast_in_dim3A_973 = vector.shape_cast %squeeze3A_972 : vector<128xf32> to vector<128x1xf32>
    %mul3A_974 = vector.broadcast %broadcast_in_dim3A_973 : vector<128x1xf32> to vector<128x64xf32>
    %mul3A_975 = arith.mulf %dot_general3A_970, %mul3A_974 : vector<128x64xf32>
    %swap3A_976 = arith.constant 2816 : index
    %swap3A_977 = arith.constant 0 : index
    %swap3A_978 = vector.load %arg4[%swap3A_976, %swap3A_977] : memref<4096x64xf32, #tpu.memory_space<vmem>>, vector<128x64xf32>
    tpu.vector_store %arg4[%swap3A_976, %swap3A_977], %mul3A_975 {strides = array<i32>} : memref<4096x64xf32, #tpu.memory_space<vmem>>, vector<128x64xf32>,
    %get3A_979 = arith.constant 2944 : index
    %get3A_980 = arith.constant 0 : index
    %get3A_981 = vector.load %arg6[%get3A_979, %get3A_980] : memref<4096x192xf32, #tpu.memory_space<vmem>>, vector<128x192xf32>
    %convert_element_type3A_982 = arith.truncf %get3A_981 : vector<128x192xf32> to vector<128x192xbf16>
    %get3A_983 = arith.constant 2880 : index
    %get3A_984 = arith.constant 0 : index
    %get3A_985 = vector.load %arg9[%get3A_983, %get3A_984] : memref<4096x64xbf16, #tpu.memory_space<vmem>>, vector<192x64xbf16>
    %dot_general3A_986 = arith.constant dense<0.000000e+00> : vector<128x64xf32>
    %dot_general3A_987 = tpu.matmul %convert_element_type3A_982, %get3A_985, %dot_general3A_986 {dimension_numbers = #tpu.dot_dimension_numbers<[1], [0], [0], [1], [0, 0, 1, 1], [], []>, transpose_lhs_hint = false} : vector<128x192xbf16>, vector<192x64xbf16>, vector<128x64xf32> -> vector<128x64xf32>
    %slice3A_988 = vector.extract_strided_slice %squeeze3A {offsets = [23, 0], sizes = [1, 128], strides = [1, 1]} : vector<32x128xf32> to vector<1x128xf32>
    %squeeze3A_989 = vector.shape_cast %slice3A_988 : vector<1x128xf32> to vector<128xf32>
    %broadcast_in_dim3A_990 = vector.shape_cast %squeeze3A_989 : vector<128xf32> to vector<128x1xf32>
    %mul3A_991 = vector.broadcast %broadcast_in_dim3A_990 : vector<128x1xf32> to vector<128x64xf32>
    %mul3A_992 = arith.mulf %dot_general3A_987, %mul3A_991 : vector<128x64xf32>
    %swap3A_993 = arith.constant 2944 : index
    %swap3A_994 = arith.constant 0 : index
    %swap3A_995 = vector.load %arg4[%swap3A_993, %swap3A_994] : memref<4096x64xf32, #tpu.memory_space<vmem>>, vector<128x64xf32>
    tpu.vector_store %arg4[%swap3A_993, %swap3A_994], %mul3A_992 {strides = array<i32>} : memref<4096x64xf32, #tpu.memory_space<vmem>>, vector<128x64xf32>,
    %get3A_996 = arith.constant 3072 : index
    %get3A_997 = arith.constant 0 : index
    %get3A_998 = vector.load %arg6[%get3A_996, %get3A_997] : memref<4096x192xf32, #tpu.memory_space<vmem>>, vector<128x192xf32>
    %convert_element_type3A_999 = arith.truncf %get3A_998 : vector<128x192xf32> to vector<128x192xbf16>
    %get3A_1000 = arith.constant 3008 : index
    %get3A_1001 = arith.constant 0 : index
    %get3A_1002 = vector.load %arg9[%get3A_1000, %get3A_1001] : memref<4096x64xbf16, #tpu.memory_space<vmem>>, vector<192x64xbf16>
    %dot_general3A_1003 = arith.constant dense<0.000000e+00> : vector<128x64xf32>
    %dot_general3A_1004 = tpu.matmul %convert_element_type3A_999, %get3A_1002, %dot_general3A_1003 {dimension_numbers = #tpu.dot_dimension_numbers<[1], [0], [0], [1], [0, 0, 1, 1], [], []>, transpose_lhs_hint = false} : vector<128x192xbf16>, vector<192x64xbf16>, vector<128x64xf32> -> vector<128x64xf32>
    %slice3A_1005 = vector.extract_strided_slice %squeeze3A {offsets = [24, 0], sizes = [1, 128], strides = [1, 1]} : vector<32x128xf32> to vector<1x128xf32>
    %squeeze3A_1006 = vector.shape_cast %slice3A_1005 : vector<1x128xf32> to vector<128xf32>
    %broadcast_in_dim3A_1007 = vector.shape_cast %squeeze3A_1006 : vector<128xf32> to vector<128x1xf32>
    %mul3A_1008 = vector.broadcast %broadcast_in_dim3A_1007 : vector<128x1xf32> to vector<128x64xf32>
    %mul3A_1009 = arith.mulf %dot_general3A_1004, %mul3A_1008 : vector<128x64xf32>
    %swap3A_1010 = arith.constant 3072 : index
    %swap3A_1011 = arith.constant 0 : index
    %swap3A_1012 = vector.load %arg4[%swap3A_1010, %swap3A_1011] : memref<4096x64xf32, #tpu.memory_space<vmem>>, vector<128x64xf32>
    tpu.vector_store %arg4[%swap3A_1010, %swap3A_1011], %mul3A_1009 {strides = array<i32>} : memref<4096x64xf32, #tpu.memory_space<vmem>>, vector<128x64xf32>,
    %get3A_1013 = arith.constant 3200 : index
    %get3A_1014 = arith.constant 0 : index
    %get3A_1015 = vector.load %arg6[%get3A_1013, %get3A_1014] : memref<4096x192xf32, #tpu.memory_space<vmem>>, vector<128x192xf32>
    %convert_element_type3A_1016 = arith.truncf %get3A_1015 : vector<128x192xf32> to vector<128x192xbf16>
    %get3A_1017 = arith.constant 3136 : index
    %get3A_1018 = arith.constant 0 : index
    %get3A_1019 = vector.load %arg9[%get3A_1017, %get3A_1018] : memref<4096x64xbf16, #tpu.memory_space<vmem>>, vector<192x64xbf16>
    %dot_general3A_1020 = arith.constant dense<0.000000e+00> : vector<128x64xf32>
    %dot_general3A_1021 = tpu.matmul %convert_element_type3A_1016, %get3A_1019, %dot_general3A_1020 {dimension_numbers = #tpu.dot_dimension_numbers<[1], [0], [0], [1], [0, 0, 1, 1], [], []>, transpose_lhs_hint = false} : vector<128x192xbf16>, vector<192x64xbf16>, vector<128x64xf32> -> vector<128x64xf32>
    %slice3A_1022 = vector.extract_strided_slice %squeeze3A {offsets = [25, 0], sizes = [1, 128], strides = [1, 1]} : vector<32x128xf32> to vector<1x128xf32>
    %squeeze3A_1023 = vector.shape_cast %slice3A_1022 : vector<1x128xf32> to vector<128xf32>
    %broadcast_in_dim3A_1024 = vector.shape_cast %squeeze3A_1023 : vector<128xf32> to vector<128x1xf32>
    %mul3A_1025 = vector.broadcast %broadcast_in_dim3A_1024 : vector<128x1xf32> to vector<128x64xf32>
    %mul3A_1026 = arith.mulf %dot_general3A_1021, %mul3A_1025 : vector<128x64xf32>
    %swap3A_1027 = arith.constant 3200 : index
    %swap3A_1028 = arith.constant 0 : index
    %swap3A_1029 = vector.load %arg4[%swap3A_1027, %swap3A_1028] : memref<4096x64xf32, #tpu.memory_space<vmem>>, vector<128x64xf32>
    tpu.vector_store %arg4[%swap3A_1027, %swap3A_1028], %mul3A_1026 {strides = array<i32>} : memref<4096x64xf32, #tpu.memory_space<vmem>>, vector<128x64xf32>,
    %get3A_1030 = arith.constant 3328 : index
    %get3A_1031 = arith.constant 0 : index
    %get3A_1032 = vector.load %arg6[%get3A_1030, %get3A_1031] : memref<4096x192xf32, #tpu.memory_space<vmem>>, vector<128x192xf32>
    %convert_element_type3A_1033 = arith.truncf %get3A_1032 : vector<128x192xf32> to vector<128x192xbf16>
    %get3A_1034 = arith.constant 3264 : index
    %get3A_1035 = arith.constant 0 : index
    %get3A_1036 = vector.load %arg9[%get3A_1034, %get3A_1035] : memref<4096x64xbf16, #tpu.memory_space<vmem>>, vector<192x64xbf16>
    %dot_general3A_1037 = arith.constant dense<0.000000e+00> : vector<128x64xf32>
    %dot_general3A_1038 = tpu.matmul %convert_element_type3A_1033, %get3A_1036, %dot_general3A_1037 {dimension_numbers = #tpu.dot_dimension_numbers<[1], [0], [0], [1], [0, 0, 1, 1], [], []>, transpose_lhs_hint = false} : vector<128x192xbf16>, vector<192x64xbf16>, vector<128x64xf32> -> vector<128x64xf32>
    %slice3A_1039 = vector.extract_strided_slice %squeeze3A {offsets = [26, 0], sizes = [1, 128], strides = [1, 1]} : vector<32x128xf32> to vector<1x128xf32>
    %squeeze3A_1040 = vector.shape_cast %slice3A_1039 : vector<1x128xf32> to vector<128xf32>
    %broadcast_in_dim3A_1041 = vector.shape_cast %squeeze3A_1040 : vector<128xf32> to vector<128x1xf32>
    %mul3A_1042 = vector.broadcast %broadcast_in_dim3A_1041 : vector<128x1xf32> to vector<128x64xf32>
    %mul3A_1043 = arith.mulf %dot_general3A_1038, %mul3A_1042 : vector<128x64xf32>
    %swap3A_1044 = arith.constant 3328 : index
    %swap3A_1045 = arith.constant 0 : index
    %swap3A_1046 = vector.load %arg4[%swap3A_1044, %swap3A_1045] : memref<4096x64xf32, #tpu.memory_space<vmem>>, vector<128x64xf32>
    tpu.vector_store %arg4[%swap3A_1044, %swap3A_1045], %mul3A_1043 {strides = array<i32>} : memref<4096x64xf32, #tpu.memory_space<vmem>>, vector<128x64xf32>,
    %get3A_1047 = arith.constant 3456 : index
    %get3A_1048 = arith.constant 0 : index
    %get3A_1049 = vector.load %arg6[%get3A_1047, %get3A_1048] : memref<4096x192xf32, #tpu.memory_space<vmem>>, vector<128x192xf32>
    %convert_element_type3A_1050 = arith.truncf %get3A_1049 : vector<128x192xf32> to vector<128x192xbf16>
    %get3A_1051 = arith.constant 3392 : index
    %get3A_1052 = arith.constant 0 : index
    %get3A_1053 = vector.load %arg9[%get3A_1051, %get3A_1052] : memref<4096x64xbf16, #tpu.memory_space<vmem>>, vector<192x64xbf16>
    %dot_general3A_1054 = arith.constant dense<0.000000e+00> : vector<128x64xf32>
    %dot_general3A_1055 = tpu.matmul %convert_element_type3A_1050, %get3A_1053, %dot_general3A_1054 {dimension_numbers = #tpu.dot_dimension_numbers<[1], [0], [0], [1], [0, 0, 1, 1], [], []>, transpose_lhs_hint = false} : vector<128x192xbf16>, vector<192x64xbf16>, vector<128x64xf32> -> vector<128x64xf32>
    %slice3A_1056 = vector.extract_strided_slice %squeeze3A {offsets = [27, 0], sizes = [1, 128], strides = [1, 1]} : vector<32x128xf32> to vector<1x128xf32>
    %squeeze3A_1057 = vector.shape_cast %slice3A_1056 : vector<1x128xf32> to vector<128xf32>
    %broadcast_in_dim3A_1058 = vector.shape_cast %squeeze3A_1057 : vector<128xf32> to vector<128x1xf32>
    %mul3A_1059 = vector.broadcast %broadcast_in_dim3A_1058 : vector<128x1xf32> to vector<128x64xf32>
    %mul3A_1060 = arith.mulf %dot_general3A_1055, %mul3A_1059 : vector<128x64xf32>
    %swap3A_1061 = arith.constant 3456 : index
    %swap3A_1062 = arith.constant 0 : index
    %swap3A_1063 = vector.load %arg4[%swap3A_1061, %swap3A_1062] : memref<4096x64xf32, #tpu.memory_space<vmem>>, vector<128x64xf32>
    tpu.vector_store %arg4[%swap3A_1061, %swap3A_1062], %mul3A_1060 {strides = array<i32>} : memref<4096x64xf32, #tpu.memory_space<vmem>>, vector<128x64xf32>,
    %get3A_1064 = arith.constant 3584 : index
    %get3A_1065 = arith.constant 0 : index
    %get3A_1066 = vector.load %arg6[%get3A_1064, %get3A_1065] : memref<4096x192xf32, #tpu.memory_space<vmem>>, vector<128x192xf32>
    %convert_element_type3A_1067 = arith.truncf %get3A_1066 : vector<128x192xf32> to vector<128x192xbf16>
    %get3A_1068 = arith.constant 3520 : index
    %get3A_1069 = arith.constant 0 : index
    %get3A_1070 = vector.load %arg9[%get3A_1068, %get3A_1069] : memref<4096x64xbf16, #tpu.memory_space<vmem>>, vector<192x64xbf16>
    %dot_general3A_1071 = arith.constant dense<0.000000e+00> : vector<128x64xf32>
    %dot_general3A_1072 = tpu.matmul %convert_element_type3A_1067, %get3A_1070, %dot_general3A_1071 {dimension_numbers = #tpu.dot_dimension_numbers<[1], [0], [0], [1], [0, 0, 1, 1], [], []>, transpose_lhs_hint = false} : vector<128x192xbf16>, vector<192x64xbf16>, vector<128x64xf32> -> vector<128x64xf32>
    %slice3A_1073 = vector.extract_strided_slice %squeeze3A {offsets = [28, 0], sizes = [1, 128], strides = [1, 1]} : vector<32x128xf32> to vector<1x128xf32>
    %squeeze3A_1074 = vector.shape_cast %slice3A_1073 : vector<1x128xf32> to vector<128xf32>
    %broadcast_in_dim3A_1075 = vector.shape_cast %squeeze3A_1074 : vector<128xf32> to vector<128x1xf32>
    %mul3A_1076 = vector.broadcast %broadcast_in_dim3A_1075 : vector<128x1xf32> to vector<128x64xf32>
    %mul3A_1077 = arith.mulf %dot_general3A_1072, %mul3A_1076 : vector<128x64xf32>
    %swap3A_1078 = arith.constant 3584 : index
    %swap3A_1079 = arith.constant 0 : index
    %swap3A_1080 = vector.load %arg4[%swap3A_1078, %swap3A_1079] : memref<4096x64xf32, #tpu.memory_space<vmem>>, vector<128x64xf32>
    tpu.vector_store %arg4[%swap3A_1078, %swap3A_1079], %mul3A_1077 {strides = array<i32>} : memref<4096x64xf32, #tpu.memory_space<vmem>>, vector<128x64xf32>,
    %get3A_1081 = arith.constant 3712 : index
    %get3A_1082 = arith.constant 0 : index
    %get3A_1083 = vector.load %arg6[%get3A_1081, %get3A_1082] : memref<4096x192xf32, #tpu.memory_space<vmem>>, vector<128x192xf32>
    %convert_element_type3A_1084 = arith.truncf %get3A_1083 : vector<128x192xf32> to vector<128x192xbf16>
    %get3A_1085 = arith.constant 3648 : index
    %get3A_1086 = arith.constant 0 : index
    %get3A_1087 = vector.load %arg9[%get3A_1085, %get3A_1086] : memref<4096x64xbf16, #tpu.memory_space<vmem>>, vector<192x64xbf16>
    %dot_general3A_1088 = arith.constant dense<0.000000e+00> : vector<128x64xf32>
    %dot_general3A_1089 = tpu.matmul %convert_element_type3A_1084, %get3A_1087, %dot_general3A_1088 {dimension_numbers = #tpu.dot_dimension_numbers<[1], [0], [0], [1], [0, 0, 1, 1], [], []>, transpose_lhs_hint = false} : vector<128x192xbf16>, vector<192x64xbf16>, vector<128x64xf32> -> vector<128x64xf32>
    %slice3A_1090 = vector.extract_strided_slice %squeeze3A {offsets = [29, 0], sizes = [1, 128], strides = [1, 1]} : vector<32x128xf32> to vector<1x128xf32>
    %squeeze3A_1091 = vector.shape_cast %slice3A_1090 : vector<1x128xf32> to vector<128xf32>
    %broadcast_in_dim3A_1092 = vector.shape_cast %squeeze3A_1091 : vector<128xf32> to vector<128x1xf32>
    %mul3A_1093 = vector.broadcast %broadcast_in_dim3A_1092 : vector<128x1xf32> to vector<128x64xf32>
    %mul3A_1094 = arith.mulf %dot_general3A_1089, %mul3A_1093 : vector<128x64xf32>
    %swap3A_1095 = arith.constant 3712 : index
    %swap3A_1096 = arith.constant 0 : index
    %swap3A_1097 = vector.load %arg4[%swap3A_1095, %swap3A_1096] : memref<4096x64xf32, #tpu.memory_space<vmem>>, vector<128x64xf32>
    tpu.vector_store %arg4[%swap3A_1095, %swap3A_1096], %mul3A_1094 {strides = array<i32>} : memref<4096x64xf32, #tpu.memory_space<vmem>>, vector<128x64xf32>,
    %get3A_1098 = arith.constant 3840 : index
    %get3A_1099 = arith.constant 0 : index
    %get3A_1100 = vector.load %arg6[%get3A_1098, %get3A_1099] : memref<4096x192xf32, #tpu.memory_space<vmem>>, vector<128x192xf32>
    %convert_element_type3A_1101 = arith.truncf %get3A_1100 : vector<128x192xf32> to vector<128x192xbf16>
    %get3A_1102 = arith.constant 3776 : index
    %get3A_1103 = arith.constant 0 : index
    %get3A_1104 = vector.load %arg9[%get3A_1102, %get3A_1103] : memref<4096x64xbf16, #tpu.memory_space<vmem>>, vector<192x64xbf16>
    %dot_general3A_1105 = arith.constant dense<0.000000e+00> : vector<128x64xf32>
    %dot_general3A_1106 = tpu.matmul %convert_element_type3A_1101, %get3A_1104, %dot_general3A_1105 {dimension_numbers = #tpu.dot_dimension_numbers<[1], [0], [0], [1], [0, 0, 1, 1], [], []>, transpose_lhs_hint = false} : vector<128x192xbf16>, vector<192x64xbf16>, vector<128x64xf32> -> vector<128x64xf32>
    %slice3A_1107 = vector.extract_strided_slice %squeeze3A {offsets = [30, 0], sizes = [1, 128], strides = [1, 1]} : vector<32x128xf32> to vector<1x128xf32>
    %squeeze3A_1108 = vector.shape_cast %slice3A_1107 : vector<1x128xf32> to vector<128xf32>
    %broadcast_in_dim3A_1109 = vector.shape_cast %squeeze3A_1108 : vector<128xf32> to vector<128x1xf32>
    %mul3A_1110 = vector.broadcast %broadcast_in_dim3A_1109 : vector<128x1xf32> to vector<128x64xf32>
    %mul3A_1111 = arith.mulf %dot_general3A_1106, %mul3A_1110 : vector<128x64xf32>
    %swap3A_1112 = arith.constant 3840 : index
    %swap3A_1113 = arith.constant 0 : index
    %swap3A_1114 = vector.load %arg4[%swap3A_1112, %swap3A_1113] : memref<4096x64xf32, #tpu.memory_space<vmem>>, vector<128x64xf32>
    tpu.vector_store %arg4[%swap3A_1112, %swap3A_1113], %mul3A_1111 {strides = array<i32>} : memref<4096x64xf32, #tpu.memory_space<vmem>>, vector<128x64xf32>,
    %get3A_1115 = arith.constant 3968 : index
    %get3A_1116 = arith.constant 0 : index
    %get3A_1117 = vector.load %arg6[%get3A_1115, %get3A_1116] : memref<4096x192xf32, #tpu.memory_space<vmem>>, vector<128x192xf32>
    %convert_element_type3A_1118 = arith.truncf %get3A_1117 : vector<128x192xf32> to vector<128x192xbf16>
    %get3A_1119 = arith.constant 3904 : index
    %get3A_1120 = arith.constant 0 : index
    %get3A_1121 = vector.load %arg9[%get3A_1119, %get3A_1120] : memref<4096x64xbf16, #tpu.memory_space<vmem>>, vector<192x64xbf16>
    %dot_general3A_1122 = arith.constant dense<0.000000e+00> : vector<128x64xf32>
    %dot_general3A_1123 = tpu.matmul %convert_element_type3A_1118, %get3A_1121, %dot_general3A_1122 {dimension_numbers = #tpu.dot_dimension_numbers<[1], [0], [0], [1], [0, 0, 1, 1], [], []>, transpose_lhs_hint = false} : vector<128x192xbf16>, vector<192x64xbf16>, vector<128x64xf32> -> vector<128x64xf32>
    %slice3A_1124 = vector.extract_strided_slice %squeeze3A {offsets = [31, 0], sizes = [1, 128], strides = [1, 1]} : vector<32x128xf32> to vector<1x128xf32>
    %squeeze3A_1125 = vector.shape_cast %slice3A_1124 : vector<1x128xf32> to vector<128xf32>
    %broadcast_in_dim3A_1126 = vector.shape_cast %squeeze3A_1125 : vector<128xf32> to vector<128x1xf32>
    %mul3A_1127 = vector.broadcast %broadcast_in_dim3A_1126 : vector<128x1xf32> to vector<128x64xf32>
    %mul3A_1128 = arith.mulf %dot_general3A_1123, %mul3A_1127 : vector<128x64xf32>
    %swap3A_1129 = arith.constant 3968 : index
    %swap3A_1130 = arith.constant 0 : index
    %swap3A_1131 = vector.load %arg4[%swap3A_1129, %swap3A_1130] : memref<4096x64xf32, #tpu.memory_space<vmem>>, vector<128x64xf32>
    tpu.vector_store %arg4[%swap3A_1129, %swap3A_1130], %mul3A_1128 {strides = array<i32>} : memref<4096x64xf32, #tpu.memory_space<vmem>>, vector<128x64xf32>,
    return
  }
  func.func @transform_0(%arg0: i32) -> (i32, i32) {
    %c0_i32 = arith.constant 0 : i32
    %c0_i32_0 = arith.constant 0 : i32
    return %arg0, %c0_i32 : i32, i32
  }
  func.func @transform_1(%arg0: i32) -> (i32, i32) {
    %c0_i32 = arith.constant 0 : i32
    %c0_i32_0 = arith.constant 0 : i32
    return %arg0, %c0_i32 : i32, i32
  }
  func.func @transform_2(%arg0: i32) -> (i32, i32) {
    %c0_i32 = arith.constant 0 : i32
    %c0_i32_0 = arith.constant 0 : i32
    return %arg0, %c0_i32 : i32, i32
  }
  func.func @transform_3(%arg0: i32) -> (i32, i32) {
    %c0_i32 = arith.constant 0 : i32
    %c0_i32_0 = arith.constant 0 : i32
    return %arg0, %c0_i32 : i32, i32
  }
  func.func @transform_4(%arg0: i32) -> (i32, i32, i32) {
    %c0_i32 = arith.constant 0 : i32
    %c0_i32_0 = arith.constant 0 : i32
    %c0_i32_1 = arith.constant 0 : i32
    return %arg0, %c0_i32, %c0_i32_0 : i32, i32, i32
  }
}

module attributes {stable_mosaic.version = 14 : i64} {
  func.func @_combine_body(%arg0: i32, %arg1: i32, %arg2: memref<512x64xf32, #tpu.memory_space<vmem>>, %arg3: memref<512x64xf32, #tpu.memory_space<vmem>>, %arg4: memref<512x64xf32, #tpu.memory_space<vmem>>, %arg5: memref<512x64xf32, #tpu.memory_space<vmem>>, %arg6: memref<512x64xf32, #tpu.memory_space<vmem>>, %arg7: memref<512x64xf32, #tpu.memory_space<vmem>>, %arg8: memref<512x64xf32, #tpu.memory_space<vmem>>, %arg9: memref<512x64xf32, #tpu.memory_space<vmem>>, %arg10: memref<1x8x512xf32, #tpu.memory_space<vmem>>, %arg11: memref<512x64xf32, #tpu.memory_space<vmem>>) attributes {dimension_semantics = [#tpu.dimension_semantics<arbitrary>, #tpu.dimension_semantics<arbitrary>], iteration_bounds = array<i64: 16, 8>, scalar_prefetch = 0 : i64, scratch_operands = 0 : i64, tpu.core_type = #tpu.core_type<tc>, window_params = [{transform_indices = @transform_0, window_bounds = array<i64: 512, 64>}, {transform_indices = @transform_1, window_bounds = array<i64: 512, 64>}, {transform_indices = @transform_2, window_bounds = array<i64: 512, 64>}, {transform_indices = @transform_3, window_bounds = array<i64: 512, 64>}, {transform_indices = @transform_4, window_bounds = array<i64: 512, 64>}, {transform_indices = @transform_5, window_bounds = array<i64: 512, 64>}, {transform_indices = @transform_6, window_bounds = array<i64: 512, 64>}, {transform_indices = @transform_7, window_bounds = array<i64: 512, 64>}, {transform_indices = @transform_8, window_bounds = array<i64: 1, 8, 512>}, {transform_indices = @transform_9, window_bounds = array<i64: 512, 64>}]} {
    %get3A = arith.constant 0 : index
    %get3A_0 = arith.constant 0 : index
    %get3A_1 = arith.constant 0 : index
    %get3A_2 = vector.load %arg10[%get3A, %get3A_0, %get3A_1] : memref<1x8x512xf32, #tpu.memory_space<vmem>>, vector<1x8x512xf32>
    %get3A_3 = vector.shape_cast %get3A_2 : vector<1x8x512xf32> to vector<8x512xf32>
    %reduce_max3A = arith.constant dense<0xFF800000> : vector<512xf32>
    %reduce_max3A_4 = vector.multi_reduction <maximumf>, %get3A_3, %reduce_max3A [0] : vector<8x512xf32> to vector<512xf32>
    %broadcast_in_dim3A = vector.shape_cast %reduce_max3A_4 : vector<512xf32> to vector<1x512xf32>
    %sub3A = vector.broadcast %broadcast_in_dim3A : vector<1x512xf32> to vector<8x512xf32>
    %sub3A_5 = arith.subf %get3A_3, %sub3A : vector<8x512xf32>
    %exp3A = math.exp %sub3A_5 : vector<8x512xf32>
    %reduce_sum3A = arith.constant dense<0.000000e+00> : vector<512xf32>
    %reduce_sum3A_6 = vector.multi_reduction <add>, %exp3A, %reduce_sum3A [0] : vector<8x512xf32> to vector<512xf32>
    %broadcast_in_dim3A_7 = vector.shape_cast %reduce_sum3A_6 : vector<512xf32> to vector<1x512xf32>
    %div3A = vector.broadcast %broadcast_in_dim3A_7 : vector<1x512xf32> to vector<8x512xf32>
    %div3A_8 = arith.divf %exp3A, %div3A : vector<8x512xf32>
    %get3A_9 = arith.constant 0 : index
    %get3A_10 = arith.constant 0 : index
    %get3A_11 = vector.load %arg2[%get3A_9, %get3A_10] : memref<512x64xf32, #tpu.memory_space<vmem>>, vector<512x64xf32>
    %slice3A = vector.extract_strided_slice %div3A_8 {offsets = [0, 0], sizes = [1, 512], strides = [1, 1]} : vector<8x512xf32> to vector<1x512xf32>
    %squeeze3A = vector.shape_cast %slice3A : vector<1x512xf32> to vector<512xf32>
    %broadcast_in_dim3A_12 = vector.shape_cast %squeeze3A : vector<512xf32> to vector<512x1xf32>
    %mul3A = vector.broadcast %broadcast_in_dim3A_12 : vector<512x1xf32> to vector<512x64xf32>
    %mul3A_13 = arith.mulf %get3A_11, %mul3A : vector<512x64xf32>
    %get3A_14 = arith.constant 0 : index
    %get3A_15 = arith.constant 0 : index
    %get3A_16 = vector.load %arg3[%get3A_14, %get3A_15] : memref<512x64xf32, #tpu.memory_space<vmem>>, vector<512x64xf32>
    %slice3A_17 = vector.extract_strided_slice %div3A_8 {offsets = [1, 0], sizes = [1, 512], strides = [1, 1]} : vector<8x512xf32> to vector<1x512xf32>
    %squeeze3A_18 = vector.shape_cast %slice3A_17 : vector<1x512xf32> to vector<512xf32>
    %broadcast_in_dim3A_19 = vector.shape_cast %squeeze3A_18 : vector<512xf32> to vector<512x1xf32>
    %mul3A_20 = vector.broadcast %broadcast_in_dim3A_19 : vector<512x1xf32> to vector<512x64xf32>
    %mul3A_21 = arith.mulf %get3A_16, %mul3A_20 : vector<512x64xf32>
    %add3A = arith.addf %mul3A_13, %mul3A_21 : vector<512x64xf32>
    %get3A_22 = arith.constant 0 : index
    %get3A_23 = arith.constant 0 : index
    %get3A_24 = vector.load %arg4[%get3A_22, %get3A_23] : memref<512x64xf32, #tpu.memory_space<vmem>>, vector<512x64xf32>
    %slice3A_25 = vector.extract_strided_slice %div3A_8 {offsets = [2, 0], sizes = [1, 512], strides = [1, 1]} : vector<8x512xf32> to vector<1x512xf32>
    %squeeze3A_26 = vector.shape_cast %slice3A_25 : vector<1x512xf32> to vector<512xf32>
    %broadcast_in_dim3A_27 = vector.shape_cast %squeeze3A_26 : vector<512xf32> to vector<512x1xf32>
    %mul3A_28 = vector.broadcast %broadcast_in_dim3A_27 : vector<512x1xf32> to vector<512x64xf32>
    %mul3A_29 = arith.mulf %get3A_24, %mul3A_28 : vector<512x64xf32>
    %add3A_30 = arith.addf %add3A, %mul3A_29 : vector<512x64xf32>
    %get3A_31 = arith.constant 0 : index
    %get3A_32 = arith.constant 0 : index
    %get3A_33 = vector.load %arg5[%get3A_31, %get3A_32] : memref<512x64xf32, #tpu.memory_space<vmem>>, vector<512x64xf32>
    %slice3A_34 = vector.extract_strided_slice %div3A_8 {offsets = [3, 0], sizes = [1, 512], strides = [1, 1]} : vector<8x512xf32> to vector<1x512xf32>
    %squeeze3A_35 = vector.shape_cast %slice3A_34 : vector<1x512xf32> to vector<512xf32>
    %broadcast_in_dim3A_36 = vector.shape_cast %squeeze3A_35 : vector<512xf32> to vector<512x1xf32>
    %mul3A_37 = vector.broadcast %broadcast_in_dim3A_36 : vector<512x1xf32> to vector<512x64xf32>
    %mul3A_38 = arith.mulf %get3A_33, %mul3A_37 : vector<512x64xf32>
    %add3A_39 = arith.addf %add3A_30, %mul3A_38 : vector<512x64xf32>
    %get3A_40 = arith.constant 0 : index
    %get3A_41 = arith.constant 0 : index
    %get3A_42 = vector.load %arg6[%get3A_40, %get3A_41] : memref<512x64xf32, #tpu.memory_space<vmem>>, vector<512x64xf32>
    %slice3A_43 = vector.extract_strided_slice %div3A_8 {offsets = [4, 0], sizes = [1, 512], strides = [1, 1]} : vector<8x512xf32> to vector<1x512xf32>
    %squeeze3A_44 = vector.shape_cast %slice3A_43 : vector<1x512xf32> to vector<512xf32>
    %broadcast_in_dim3A_45 = vector.shape_cast %squeeze3A_44 : vector<512xf32> to vector<512x1xf32>
    %mul3A_46 = vector.broadcast %broadcast_in_dim3A_45 : vector<512x1xf32> to vector<512x64xf32>
    %mul3A_47 = arith.mulf %get3A_42, %mul3A_46 : vector<512x64xf32>
    %add3A_48 = arith.addf %add3A_39, %mul3A_47 : vector<512x64xf32>
    %get3A_49 = arith.constant 0 : index
    %get3A_50 = arith.constant 0 : index
    %get3A_51 = vector.load %arg7[%get3A_49, %get3A_50] : memref<512x64xf32, #tpu.memory_space<vmem>>, vector<512x64xf32>
    %slice3A_52 = vector.extract_strided_slice %div3A_8 {offsets = [5, 0], sizes = [1, 512], strides = [1, 1]} : vector<8x512xf32> to vector<1x512xf32>
    %squeeze3A_53 = vector.shape_cast %slice3A_52 : vector<1x512xf32> to vector<512xf32>
    %broadcast_in_dim3A_54 = vector.shape_cast %squeeze3A_53 : vector<512xf32> to vector<512x1xf32>
    %mul3A_55 = vector.broadcast %broadcast_in_dim3A_54 : vector<512x1xf32> to vector<512x64xf32>
    %mul3A_56 = arith.mulf %get3A_51, %mul3A_55 : vector<512x64xf32>
    %add3A_57 = arith.addf %add3A_48, %mul3A_56 : vector<512x64xf32>
    %get3A_58 = arith.constant 0 : index
    %get3A_59 = arith.constant 0 : index
    %get3A_60 = vector.load %arg8[%get3A_58, %get3A_59] : memref<512x64xf32, #tpu.memory_space<vmem>>, vector<512x64xf32>
    %slice3A_61 = vector.extract_strided_slice %div3A_8 {offsets = [6, 0], sizes = [1, 512], strides = [1, 1]} : vector<8x512xf32> to vector<1x512xf32>
    %squeeze3A_62 = vector.shape_cast %slice3A_61 : vector<1x512xf32> to vector<512xf32>
    %broadcast_in_dim3A_63 = vector.shape_cast %squeeze3A_62 : vector<512xf32> to vector<512x1xf32>
    %mul3A_64 = vector.broadcast %broadcast_in_dim3A_63 : vector<512x1xf32> to vector<512x64xf32>
    %mul3A_65 = arith.mulf %get3A_60, %mul3A_64 : vector<512x64xf32>
    %add3A_66 = arith.addf %add3A_57, %mul3A_65 : vector<512x64xf32>
    %get3A_67 = arith.constant 0 : index
    %get3A_68 = arith.constant 0 : index
    %get3A_69 = vector.load %arg9[%get3A_67, %get3A_68] : memref<512x64xf32, #tpu.memory_space<vmem>>, vector<512x64xf32>
    %slice3A_70 = vector.extract_strided_slice %div3A_8 {offsets = [7, 0], sizes = [1, 512], strides = [1, 1]} : vector<8x512xf32> to vector<1x512xf32>
    %squeeze3A_71 = vector.shape_cast %slice3A_70 : vector<1x512xf32> to vector<512xf32>
    %broadcast_in_dim3A_72 = vector.shape_cast %squeeze3A_71 : vector<512xf32> to vector<512x1xf32>
    %mul3A_73 = vector.broadcast %broadcast_in_dim3A_72 : vector<512x1xf32> to vector<512x64xf32>
    %mul3A_74 = arith.mulf %get3A_69, %mul3A_73 : vector<512x64xf32>
    %add3A_75 = arith.addf %add3A_66, %mul3A_74 : vector<512x64xf32>
    %swap3A = arith.constant 0 : index
    %swap3A_76 = arith.constant 0 : index
    %swap3A_77 = vector.load %arg11[%swap3A, %swap3A_76] : memref<512x64xf32, #tpu.memory_space<vmem>>, vector<512x64xf32>
    tpu.vector_store %arg11[%swap3A, %swap3A_76], %add3A_75 {strides = array<i32>} : memref<512x64xf32, #tpu.memory_space<vmem>>, vector<512x64xf32>,
    return
  }
  func.func @transform_0(%arg0: i32, %arg1: i32) -> (i32, i32) {
    %mul3A = arith.constant 8 : i32
    %mul3A_0 = arith.muli %arg0, %mul3A : i32
    %mul3A_1 = arith.constant 8 : i32
    %mul3A_2 = arith.muli %mul3A_0, %mul3A_1 : i32
    %add3A = arith.constant 0 : i32
    %add3A_3 = arith.addi %mul3A_2, %add3A : i32
    %add3A_4 = arith.addi %add3A_3, %arg1 : i32
    %c0_i32 = arith.constant 0 : i32
    %c0_i32_5 = arith.constant 0 : i32
    return %add3A_4, %c0_i32 : i32, i32
  }
  func.func @transform_1(%arg0: i32, %arg1: i32) -> (i32, i32) {
    %mul3A = arith.constant 8 : i32
    %mul3A_0 = arith.muli %arg0, %mul3A : i32
    %mul3A_1 = arith.constant 8 : i32
    %mul3A_2 = arith.muli %mul3A_0, %mul3A_1 : i32
    %add3A = arith.constant 8 : i32
    %add3A_3 = arith.addi %mul3A_2, %add3A : i32
    %add3A_4 = arith.addi %add3A_3, %arg1 : i32
    %c0_i32 = arith.constant 0 : i32
    %c0_i32_5 = arith.constant 0 : i32
    return %add3A_4, %c0_i32 : i32, i32
  }
  func.func @transform_2(%arg0: i32, %arg1: i32) -> (i32, i32) {
    %mul3A = arith.constant 8 : i32
    %mul3A_0 = arith.muli %arg0, %mul3A : i32
    %mul3A_1 = arith.constant 8 : i32
    %mul3A_2 = arith.muli %mul3A_0, %mul3A_1 : i32
    %add3A = arith.constant 16 : i32
    %add3A_3 = arith.addi %mul3A_2, %add3A : i32
    %add3A_4 = arith.addi %add3A_3, %arg1 : i32
    %c0_i32 = arith.constant 0 : i32
    %c0_i32_5 = arith.constant 0 : i32
    return %add3A_4, %c0_i32 : i32, i32
  }
  func.func @transform_3(%arg0: i32, %arg1: i32) -> (i32, i32) {
    %mul3A = arith.constant 8 : i32
    %mul3A_0 = arith.muli %arg0, %mul3A : i32
    %mul3A_1 = arith.constant 8 : i32
    %mul3A_2 = arith.muli %mul3A_0, %mul3A_1 : i32
    %add3A = arith.constant 24 : i32
    %add3A_3 = arith.addi %mul3A_2, %add3A : i32
    %add3A_4 = arith.addi %add3A_3, %arg1 : i32
    %c0_i32 = arith.constant 0 : i32
    %c0_i32_5 = arith.constant 0 : i32
    return %add3A_4, %c0_i32 : i32, i32
  }
  func.func @transform_4(%arg0: i32, %arg1: i32) -> (i32, i32) {
    %mul3A = arith.constant 8 : i32
    %mul3A_0 = arith.muli %arg0, %mul3A : i32
    %mul3A_1 = arith.constant 8 : i32
    %mul3A_2 = arith.muli %mul3A_0, %mul3A_1 : i32
    %add3A = arith.constant 32 : i32
    %add3A_3 = arith.addi %mul3A_2, %add3A : i32
    %add3A_4 = arith.addi %add3A_3, %arg1 : i32
    %c0_i32 = arith.constant 0 : i32
    %c0_i32_5 = arith.constant 0 : i32
    return %add3A_4, %c0_i32 : i32, i32
  }
  func.func @transform_5(%arg0: i32, %arg1: i32) -> (i32, i32) {
    %mul3A = arith.constant 8 : i32
    %mul3A_0 = arith.muli %arg0, %mul3A : i32
    %mul3A_1 = arith.constant 8 : i32
    %mul3A_2 = arith.muli %mul3A_0, %mul3A_1 : i32
    %add3A = arith.constant 40 : i32
    %add3A_3 = arith.addi %mul3A_2, %add3A : i32
    %add3A_4 = arith.addi %add3A_3, %arg1 : i32
    %c0_i32 = arith.constant 0 : i32
    %c0_i32_5 = arith.constant 0 : i32
    return %add3A_4, %c0_i32 : i32, i32
  }
  func.func @transform_6(%arg0: i32, %arg1: i32) -> (i32, i32) {
    %mul3A = arith.constant 8 : i32
    %mul3A_0 = arith.muli %arg0, %mul3A : i32
    %mul3A_1 = arith.constant 8 : i32
    %mul3A_2 = arith.muli %mul3A_0, %mul3A_1 : i32
    %add3A = arith.constant 48 : i32
    %add3A_3 = arith.addi %mul3A_2, %add3A : i32
    %add3A_4 = arith.addi %add3A_3, %arg1 : i32
    %c0_i32 = arith.constant 0 : i32
    %c0_i32_5 = arith.constant 0 : i32
    return %add3A_4, %c0_i32 : i32, i32
  }
  func.func @transform_7(%arg0: i32, %arg1: i32) -> (i32, i32) {
    %mul3A = arith.constant 8 : i32
    %mul3A_0 = arith.muli %arg0, %mul3A : i32
    %mul3A_1 = arith.constant 8 : i32
    %mul3A_2 = arith.muli %mul3A_0, %mul3A_1 : i32
    %add3A = arith.constant 56 : i32
    %add3A_3 = arith.addi %mul3A_2, %add3A : i32
    %add3A_4 = arith.addi %add3A_3, %arg1 : i32
    %c0_i32 = arith.constant 0 : i32
    %c0_i32_5 = arith.constant 0 : i32
    return %add3A_4, %c0_i32 : i32, i32
  }
  func.func @transform_8(%arg0: i32, %arg1: i32) -> (i32, i32, i32) {
    %c0_i32 = arith.constant 0 : i32
    %c0_i32_0 = arith.constant 0 : i32
    return %arg0, %c0_i32, %arg1 : i32, i32, i32
  }
  func.func @transform_9(%arg0: i32, %arg1: i32) -> (i32, i32) {
    %mul3A = arith.constant 8 : i32
    %mul3A_0 = arith.muli %arg0, %mul3A : i32
    %add3A = arith.addi %mul3A_0, %arg1 : i32
    %c0_i32 = arith.constant 0 : i32
    %c0_i32_1 = arith.constant 0 : i32
    return %add3A, %c0_i32 : i32, i32
  }
}

</mosaic_0001>

<sc_bundles>
// kernel: kernel.11.cloned.1.call-start
scs
__scs_entry_jumppad:
0x0: {  	(pc) =	sbr.rel $0x88, $3  }
0x1: {  	(tag) =	ssettag $0x0;
	lr =	simm.s32 $0x1  }
0x2: {  	[smem:$0x3F9D] =	sst lr;
	_ =	strace $0xD0000000  }
0x3: {  	_ = 	snop  }
0x4: {  	_ = 	snop  }
0x5: {  	_ = 	snop  }
0x6: {  	_ = 	snop  }
0x7: {  	_ = 	snop  }
__scs_overlays_trampoline_lowered:
0x8: {  	[smem:$0x3FAC] =	sst s0  }
0x9: {  	[smem:$0x3FAD] =	sst s1  }
0xa: {  	[smem:$0x3FAE] =	sst s2  }
0xb: {  	[smem:$0x3FAF] =	sst s3  }
0xc: {  	[smem:$0x3FB0] =	sst s4  }
0xd: {  	[smem:$0x3FB1] =	sst s5  }
0xe: {  	[smem:$0x3FB2] =	sst s6  }
0xf: {  	[smem:$0x3FB3] =	sst s7  }
0x10: {  	[smem:$0x3FB4] =	sst s8  }
0x11: {  	[smem:$0x3FB5] =	sst s9;
	s0 =	simm.s32 @!p0 $0x0  }
0x12: {  	s1 =	sld [smem:$0x3F9B];
	s0 =	simm.s32 @p0 $0x1  }
0x13: {  	[smem:$0x3FB6] =	sst s0;
	s0 =	simm.s32 @!p1 $0x0  }
0x14: {  	s2 =	sld [smem:$0x3F9A];
	s0 =	simm.s32 @p1 $0x1  }
0x15: {  	[smem:$0x3FB7] =	sst s0;
	s0 =	simm.s32 @!p2 $0x0  }
0x16: {  	s3 =	sld [smem:$0x3FDB];
	s0 =	simm.s32 @p2 $0x1  }
0x17: {  	s4 =	simm.s32 $0x1BF5;
	[smem:$0x3FB9] =	sst s0  }
0x18: {  	s0 =	sld [smem:$0x3F9C];
	_ =	swait.ge [sflag:s4], $0x0  }
0x19: {  	s7 =	sld [smem:$0x3F9D]  }
0x1a: {  	s8 =	sadd.s32 $0xFFFFE003, lr  }
0x1b: {  	s9 =	sadd.s32 $0xFFFFFEF7, lr;
	s5 =	simm.s32 $0xFFFFFFFF;
	p2 =	slt.u32 s8, $0xFFFFF086  }
0x1c: {  	p1 =	slt.u32 s9, $0xF7A;
	s5 =	simm.s32 @!p2 $0x0  }
0x1d: {  	s5 =	simm.s32 @p1 $0x1;
	p0 =	seq.s32 s7, s2  }
0x1e: {  	s7 =	smul.u32 @!p0 $0xF7A, s2;
	p2 =	seq.s32 @!p0 s5, $0x0  }
0x1f: {  	s9 =	smul.u32 $0xF7A, s1;
	s8 =	simm.s32 @!p0 $0x1BF5;
	p2 =	por !p2, p0  }
0x20: {  	[sflag:s8] =	ssyncset.s32 @!p0 $0xFFFFF086;
	s6 =	sadd.s32 @!p0 s3, s7;
	s7 =	simm.s32 @!p0 $0x108  }
0x21: {  	s3 =	sadd.s32 s3, s9;
	s6 =	sadd.s32 @!p0 $0x88, s6;
	s7 =	simm.s32 @p2 $0x1082  }
0x22: {  	[simem:s7], [sflag:s8] =	dma.local @!p0 [hbm:s6], $0xF7A  }
0x23: {  	s9 =	sor.u32 $0xD0000000, s2;
	s6 =	simm.s32 $0x108;
	_ =	swait.ge @!p0 [sflag:s8], $0x0  }
0x24: {  	s3 =	sadd.s32 $0x88, s3;
	s6 =	simm.s32 @!p1 $0x1082;
	[sflag:s4] =	ssyncset.s32 $0xFFFFF086  }
0x25: {  	[simem:s6], [sflag:s4] =	dma.local [hbm:s3], $0xF7A  }
0x26: {  	[smem:$0x3F9D] =	sst s1;
	(tag) =	ssettag s2;
	_ =	strace s9  }
0x27: {  	s1 =	sld [smem:$0x3FAD]  }
0x28: {  	s2 =	sld [smem:$0x3FAE]  }
0x29: {  	s4 =	sld [smem:$0x3FB0]  }
0x2a: {  	p0 =	seq.s32 s5, $0x0;
	s5 =	sld [smem:$0x3FB1]  }
0x2b: {  	s6 =	sld [smem:$0x3FB2]  }
0x2c: {  	s7 =	sld [smem:$0x3FB3]  }
0x2d: {  	s3 =	simm.s32 $0x108;
	s8 =	sld [smem:$0x3FB4]  }
0x2e: {  	s3 =	simm.s32 @!p0 $0x1082;
	s9 =	sld [smem:$0x3FB5]  }
0x2f: {  	lr =	sadd.s32 s0, s3;
	s0 =	sld [smem:$0x3FAC]  }
0x30: {  	s3 =	sld [smem:$0x3FAF]  }
0x31: {  	[smem:$0x3FB8] =	sst s10  }
0x32: {  	s10 =	sld [smem:$0x3FB6];
	_ =	sdelay $0x3  }
0x33: {  	p0 =	seq.s32 s10, $0x1;
	s10 =	sld [smem:$0x3FB8];
	_ =	sdelay $0x3  }
0x34: {  	[smem:$0x3FB8] =	sst s10  }
0x35: {  	s10 =	sld [smem:$0x3FB7];
	_ =	sdelay $0x3  }
0x36: {  	p1 =	seq.s32 s10, $0x1;
	s10 =	sld [smem:$0x3FB8];
	_ =	sdelay $0x3  }
0x37: {  	[smem:$0x3FB8] =	sst s10  }
0x38: {  	s10 =	sld [smem:$0x3FB9]  }
0x39: {  	_ = 	snop;
	(pc) =	sbr.ind lr, $3  }
0x3a: {  	_ = 	snop  }
0x3b: {  	_ = 	snop  }
0x3c: {  	p2 =	seq.s32 s10, $0x1;
	s10 =	sld [smem:$0x3FB8]  }
0x3d: {  	_ =	shalt  }
0x3e: {  	_ =	shalt  }
0x3f: {  	_ =	shalt  }
0x40: {  	_ =	shalt  }
0x41: {  	_ =	shalt  }
0x42: {  	_ =	shalt  }
0x43: {  	_ =	shalt  }
0x44: {  	_ =	shalt  }
0x45: {  	_ =	shalt  }
0x46: {  	_ =	shalt  }
0x47: {  	_ =	shalt  }
0x48: {  	_ =	shalt  }
0x49: {  	_ =	shalt  }
0x4a: {  	_ =	shalt  }
0x4b: {  	_ =	shalt  }
0x4c: {  	_ =	shalt  }
0x4d: {  	_ =	shalt  }
0x4e: {  	_ =	shalt  }
0x4f: {  	_ =	shalt  }
0x50: {  	_ =	shalt  }
0x51: {  	_ =	shalt  }
0x52: {  	_ =	shalt  }
0x53: {  	_ =	shalt  }
0x54: {  	_ =	shalt  }
0x55: {  	_ =	shalt  }
0x56: {  	_ =	shalt  }
0x57: {  	_ =	shalt  }
0x58: {  	_ =	shalt  }
0x59: {  	_ =	shalt  }
0x5a: {  	_ =	shalt  }
0x5b: {  	_ =	shalt  }
0x5c: {  	_ =	shalt  }
0x5d: {  	_ =	shalt  }
0x5e: {  	_ =	shalt  }
0x5f: {  	_ =	shalt  }
0x60: {  	_ =	shalt  }
0x61: {  	_ =	shalt  }
0x62: {  	_ =	shalt  }
0x63: {  	_ =	shalt  }
0x64: {  	_ =	shalt  }
0x65: {  	_ =	shalt  }
0x66: {  	_ =	shalt  }
0x67: {  	_ =	shalt  }
0x68: {  	_ =	shalt  }
0x69: {  	_ =	shalt  }
0x6a: {  	_ =	shalt  }
0x6b: {  	_ =	shalt  }
0x6c: {  	_ =	shalt  }
0x6d: {  	_ =	shalt  }
0x6e: {  	_ =	shalt  }
0x6f: {  	_ =	shalt  }
0x70: {  	_ =	shalt  }
0x71: {  	_ =	shalt  }
0x72: {  	_ =	shalt  }
0x73: {  	_ =	shalt  }
0x74: {  	_ =	shalt  }
0x75: {  	_ =	shalt  }
0x76: {  	_ =	shalt  }
0x77: {  	_ =	shalt  }
0x78: {  	_ =	shalt  }
0x79: {  	_ =	shalt  }
0x7a: {  	_ =	shalt  }
0x7b: {  	_ =	shalt  }
0x7c: {  	_ =	shalt  }
0x7d: {  	_ =	shalt  }
0x7e: {  	_ =	shalt  }
0x7f: {  	_ =	shalt  }
0x80: {  	_ =	shalt  }
0x81: {  	_ =	shalt  }
0x82: {  	_ =	shalt  }
0x83: {  	_ =	shalt  }
0x84: {  	_ =	shalt  }
0x85: {  	_ =	shalt  }
0x86: {  	_ =	shalt  }
0x87: {  	_ =	shalt  }
.Lfunc_end0:
.L_simem_size_0:
called_computation.1_lowered:
.L_overlay_start_0:
0x88: {  	s2 =	sld [smem:$0x3FD9]  }
0x89: {  	s3 =	sld [smem:$0x3FFE];
	_ =	sdelay $0x1  }
0x8a: {  	s1 =	srdreg.scid  }
0x8b: {  	s0 =	sand.u32 $0x1, s1  }
0x8c: {  	s17 =	sshll.u32 s0, $0xA;
	s2 =	sadd.s32 s3, s2  }
0x8d: {  	s2 =	sadd.s32 s2, s17  }
0x8e: {  	[smem:$0x3FC4] =	sst s2  }
0x8f: {  	_ = 	snop  }
0x90: {  	s2 =	sld [smem:$0x3FD0];
	(tm) =	ssettm $0x1  }
0x91: {  	s18 =	sld [smem:$0x3FFB];
	_ =	sdelay $0x3  }
0x92: {  	_ =	strace s18  }
0x93: {  	s3 =	sld [smem:$0x3FFC];
	_ =	sdelay $0x3  }
0x94: {  	_ =	strace s3  }
0x95: {  	s3 =	sld [smem:$0x3FFD];
	_ =	sdelay $0x3  }
0x96: {  	_ =	strace s3  }
0x97: {  	_ =	strace $0x8FFFFFFF  }
0x98: {  	s19 =	sld [smem:$0x3FDB];
	_ =	sdelay $0x1  }
0x99: {  	s4 =	simm.s32 $_scs_section_size  }
0x9a: {  	s5 =	simm.s32 $_size__tile_overlayer_lowered;
	s6 =	simm.s32 $_tile_overlayer_lowered  }
0x9b: {  	s22 =	simm.s32 $0x1BFF;
	s21 =	sshll.u32 s6, $0x1;
	s3 =	sadd.s32 s4, s19  }
0x9c: {  	s7 =	simm.s32 $0x0;
	s20 =	sshll.u32 s5, $0x1;
	s5 =	sadd.s32 s21, s3  }
0x9d: {  	[timem:s7], [sflag:s22] =	dma.local [hbm:s5], s20  }
0x9e: {  	_ =	swait.ge [sflag:s22], s20  }
0x9f: {  	s4 =	ssub.s32 $0x0, s20;
	[sflag:s22] =	ssyncset.done $0x0  }
0xa0: {  	[sflag:s22] =	ssyncadd.s32 s4;
	_ =	sdelay $0x1  }
0xa1: {  	s23 =	simm.s32 $0x1B8B  }
0xa2: {  	_ =	swait.ge [sflag:s23], $0x1  }
0xa3: {  	[sflag:s23] =	ssyncset.done $0x0  }
0xa4: {  	s25 =	simm.s32 $0x1B8E;
	s24 =	sld [smem:$0x3FFE];
	[sflag:s23] =	ssyncadd.s32 $0xFFFFFFFF  }
0xa5: {  	s26 =	simm.s32 $execute0_lowered;
	[smem:$0x3FD2] =	sst s25  }
0xa6: {  	s5 =	sshll.u32 s26, $0x1;
	_ =	strace $0x80000049;
	[dreg:$0x1] =	wrdreg $0xFFFFFFFF  }
0xa7: {  	s28 =	simm.s32 $_size_execute0_lowered;
	s3 =	sadd.s32 s3, s5;
	[dreg:$0x0] =	wrdreg $0x0  }
0xa8: {  	s5 =	sshll.u32 s28, $0x1;
	[dreg:$0x2] =	wrdreg s3  }
0xa9: {  	[dreg:$0x3] =	wrdreg s5  }
0xaa: {  	[dreg:$0x4] =	wrdreg $0xC0  }
0xab: {  	_ =	task [dreg:s7], $0x5FFFF  }
0xac: {  	[dreg:$0x1] =	wrdreg $0xFFFFFFFF  }
0xad: {  	[dreg:$0x0] =	wrdreg $0x60  }
0xae: {  	[dreg:$0x2] =	wrdreg s2  }
0xaf: {  	[dreg:$0x3] =	wrdreg s24  }
0xb0: {  	[dreg:$0x4] =	wrdreg $0x9  }
0xb1: {  	_ =	task.clear_ibuf [dreg:s7], $0x5FFFF;
	_ =	strace $0x90000049  }
0xb2: {  	s29 =	simm.s32 $0x9;
	_ =	strace $0x8000004B  }
0xb3: {  	_ =	swait.ge [sflag:s29], $0x1  }
0xb4: {  	[sflag:s29] =	ssyncadd.s32 $0xFFFFFFFF  }
0xb5: {  	_ =	strace $0x9000004B  }
0xb6: {  	_ =	sfence  }
0xb7: {  	s30 =	sld [smem:$0x0];
	_ =	sdelay $0x2  }
0xb8: {  	s31 =	sshll.u32 s1, $0xD;
	s1 =	sshrl.u32 s1, $0x2  }
0xb9: {  	s3 =	sand.u32 $0x4000, s31;
	s1 =	sadd.s32 s1, s30  }
0xba: {  	s0 =	sor.u32 s3, s0;
	s1 =	sshll.u32 s1, $0x11  }
0xbb: {  	s0 =	sor.u32 s1, s0  }
0xbc: {  	s0 =	sadd.s32 $0x8F2B, s0  }
0xbd: {  	[sflag:s0] =	ssyncadd.remote.s32 $0x1  }
0xbe: {  	_ =	sfence.sel $0xFFFF  }
0xbf: {  	[dreg:$0x0] =	wrdreg $0xFFFFFFFF;
	(pc) =	sbr.abs _section_cstart, $3  }
0xc0: {  	[dreg:$0x1] =	wrdreg $0xFFFFFFFF  }
0xc1: {  	_ =	task.clear_ibuf [dreg:s7], $0x2FFFF;
	_ =	strace $0x9FFFFFFF  }
0xc2: {  	(tm) =	ssettm $0x7FFFFFFF  }
0xc3: {  	_ =	shalt  }
tec
execute0_lowered:
.L_overlay_start_1:
0x0: {  	(tag) =	ssettag $0x1  }
0x1: {  	s1 =	rddreg [dreg:$0x0]  }
0x2: {  	s0 =	rddreg [dreg:$0x1];
	s2 =	simm.s32 $0x0  }
0x3: {  	s3 =	srdreg.scid;
	s8 =	stileid.u32;
	s18 =	simm.s32 $0x7  }
0x4: {  	s28 =	simm.s32 $0x14400;
	s29 =	simm.s32 $0x1;
	s30 =	simm.s32 $0x3  }
0x5: {  	s31 =	simm.s32 $0x5;
	[smem:$0x7FF] =	sst s2;
	s4 =	sadd.s32 $0x3000, s0  }
0x6: {  	s5 =	sadd.s32 $0x183000, s0;
	s10 =	sadd.s32 $0x223000, s0;
	s3 =	sand.u32 $0x1, s3  }
0x7: {  	s11 =	sadd.s32 $0x233000, s0;
	s6 =	sshll.u32 s8, $0xF;
	s8 =	sshll.u32 s8, $0x12  }
0x8: {  	_ =	strace $0x8000004A;
	s7 =	sshll.u32 s3, $0xE;
	s9 =	ssub.s32 $0x2, s3  }
0x9: {  	s0 =	sadd.s32 s8, s0;
	[dreg:$0x3] =	wrdreg s10;
	s3 =	sshll.u32 s3, $0x11  }
0xa: {  	[dreg:$0x4] =	wrdreg s11;
	s6 =	sor.u32 s7, s6;
	s19 =	sshrl.u32 s9, $0x1  }
0xb: {  	s0 =	sadd.s32 s3, s0;
	s3 =	simm.s32 $0x4;
	s20 =	sshrl.u32 s6, $0x3  }
0xc: {  	s7 =	ssub.s32 s9, s19;
	s13 =	sadd.s32 $0xA53000, s0;
	s14 =	sadd.s32 $0x253000, s0  }
0xd: {  	s25 =	sor.u32 $0x300, s6;
	s15 =	sadd.s32 $0x653000, s0;
	s26 =	sor.u32 $0x200, s6  }
0xe: {  	s0 =	simm.s32 $0x2;
	s6 =	simm.s32 $0x6;
	s21 =	sadd.s32 s10, s20  }
0xf: {  	s22 =	sor.u32 $0x20, s20;
	s8 =	sadd.s32 s11, s20;
	s7 =	smax.u32 s7, $0x1  }
.Ltmp0:
0x10: {  	s16 =	sshrl.u32 s25, $0x3;
	[dreg:$0x5] =	wrdreg s21;
	(pc) =	sbr.rel .LBB2_1-.Ltmp0, $4  }
0x11: {  	s17 =	sshrl.u32 s26, $0x3;
	s20 =	simm.s32 $0x100;
	[dreg:$0x6] =	wrdreg s8  }
0x12: {  	s25 =	simm.s32 $0x4400;
	s23 =	sadd.s32 s10, s22;
	[dreg:$0x9] =	wrdreg s7  }
0x13: {  	s26 =	simm.s32 $0xC400;
	s24 =	sadd.s32 s11, s22;
	[dreg:$0x7] =	wrdreg s23  }
0x14: {  	s8 =	simm.s32 $0x0;
	[dreg:$0x8] =	wrdreg s24;
	s24 =	simm.s32 $0x300  }
.LBB2_4:
0x15: {  	s8 =	rddreg [dreg:$0xa]  }
0x16: {  	s7 =	rddreg [dreg:$0x9];
	s8 =	sadd.s32 $0x1, s8  }
0x17: {  	p0 =	sne.s32 s8, s7  }
.Ltmp1:
0x18: {  	_ = 	snop;
	(pc) =	sbr.rel @!p0 .LBB2_5-.Ltmp1, $1  }
0x19: {  	_ =	sdelay $0x3  }
.LBB2_1:
0x1a: {  	[dreg:$0xa] =	wrdreg s8  }
0x1b: {  	s7 =	rddreg [dreg:$0x5]  }
0x1c: {  	[tilespmem:s2], [sflag:$0x7] =	stream.linear.gather [hbm4b:s7+s2], $0x100, $0x38;
	[tilespmem:$0x18400] =	vst v63  }
0x1d: {  	_ =	swait.ge [sflag:s18], $0x100  }
0x1e: {  	[sflag:s18] =	ssyncset.done $0x0  }
0x1f: {  	s11 =	simm.s32 $0x200;
	s10 =	rddreg [dreg:$0x6];
	[sflag:s18] =	ssyncadd.s32 $0xFFFFFF00  }
0x20: {  	[tilespmem:s11], [sflag:$0x7] =	stream.linear.gather [hbm4b:s10+s2], $0x100, $0x38;
	[tilespmem:$0x18400] =	vst v63  }
0x21: {  	_ =	swait.ge [sflag:s18], $0x100  }
0x22: {  	[sflag:s18] =	ssyncset.done $0x0  }
0x23: {  	s12 =	simm.s32 $0x400;
	[sflag:s18] =	ssyncadd.s32 $0xFFFFFF00  }
0x24: {  	[tilespmem:s12], [sflag:$0x1] =	stream.indirect.gather [hbm4b:s1+s20], $0x40, s2, s20, $0xb8;
	[tilespmem:$0x18400] =	vst v63  }
0x25: {  	s19 =	simm.s32 $0x8400  }
0x26: {  	[tilespmem:s19], [sflag:$0x3] =	stream.indirect.gather [hbm4b:s4+s20], $0x40, s11, s20, $0xb8;
	[tilespmem:$0x18400] =	vst v63  }
0x27: {  	s21 =	simm.s32 $0x10400  }
0x28: {  	[tilespmem:s21], [sflag:$0x5] =	stream.indirect.gather [hbm4b:s5+s20], $0x40, s11, s20, $0xb8;
	[tilespmem:$0x18400] =	vst v63  }
0x29: {  	s22 =	rddreg [dreg:$0x7]  }
0x2a: {  	[tilespmem:s20], [sflag:$0x7] =	stream.linear.gather [hbm4b:s22+s2], $0x100, $0x38;
	[tilespmem:$0x18400] =	vst v63  }
0x2b: {  	_ =	swait.ge [sflag:s18], $0x100  }
0x2c: {  	[sflag:s18] =	ssyncset.done $0x0  }
0x2d: {  	s23 =	rddreg [dreg:$0x8];
	[sflag:s18] =	ssyncadd.s32 $0xFFFFFF00  }
0x2e: {  	[tilespmem:s24], [sflag:$0x7] =	stream.linear.gather [hbm4b:s23+s2], $0x100, $0x38;
	[tilespmem:$0x18400] =	vst v63  }
0x2f: {  	_ =	swait.ge [sflag:s18], $0x100  }
0x30: {  	[sflag:s18] =	ssyncset.done $0x0  }
0x31: {  	[sflag:s18] =	ssyncadd.s32 $0xFFFFFF00  }
0x32: {  	[tilespmem:s25], [sflag:$0x2] =	stream.indirect.gather [hbm4b:s1+s20], $0x40, s20, s20, $0xb8;
	[tilespmem:$0x18400] =	vst v63  }
0x33: {  	s9 =	rddreg [dreg:$0x3]  }
0x34: {  	[tilespmem:s26], [sflag:$0x4] =	stream.indirect.gather [hbm4b:s4+s20], $0x40, s24, s20, $0xb8;
	[tilespmem:$0x18400] =	vst v63  }
0x35: {  	s10 =	simm.s32 $0x0;
	s7 =	rddreg [dreg:$0x4]  }
0x36: {  	[tilespmem:s28], [sflag:$0x6] =	stream.indirect.gather [hbm4b:s5+s20], $0x40, s24, s20, $0xb8;
	[tilespmem:$0x18400] =	vst v63  }
.LBB2_2:
0x37: {  	_ =	swait.ge [sflag:s29], $0x4000  }
0x38: {  	[sflag:s29] =	ssyncset.done $0x0  }
0x39: {  	[sflag:s29] =	ssyncadd.s32 $0xFFFFC000  }
0x3a: {  	_ =	swait.ge [sflag:s30], $0x4000  }
0x3b: {  	[sflag:s30] =	ssyncset.done $0x0  }
0x3c: {  	[sflag:s30] =	ssyncadd.s32 $0xFFFFC000  }
0x3d: {  	_ =	swait.ge [sflag:s31], $0x4000  }
0x3e: {  	[sflag:s31] =	ssyncset.done $0x0  }
0x3f: {  	s11 =	sadd.s32 s10, s15;
	s8 =	simm.s32 $0x400;
	[sflag:s31] =	ssyncadd.s32 $0xFFFFC000  }
0x40: {  	[hbm4b:s11+s2] =	stream.linear.scatter [tilespmem:s8], [sflag:$0x7], $0x4000, $0x38;
	[tilespmem:$0x18400] =	vst v63  }
0x41: {  	_ =	swait.ge [sflag:s18], $0x4000  }
0x42: {  	[sflag:s18] =	ssyncset.done $0x0  }
0x43: {  	s12 =	sadd.s32 s10, s14;
	s22 =	simm.s32 $0x8400;
	[sflag:s18] =	ssyncadd.s32 $0xFFFFC000  }
0x44: {  	[hbm4b:s12+s2] =	stream.linear.scatter [tilespmem:s22], [sflag:$0x7], $0x4000, $0x38;
	[tilespmem:$0x18400] =	vst v63  }
0x45: {  	_ =	swait.ge [sflag:s18], $0x4000  }
0x46: {  	[sflag:s18] =	ssyncset.done $0x0  }
0x47: {  	s19 =	sadd.s32 s10, s13;
	s23 =	simm.s32 $0x10400;
	[sflag:s18] =	ssyncadd.s32 $0xFFFFC000  }
0x48: {  	[hbm4b:s19+s2] =	stream.linear.scatter [tilespmem:s23], [sflag:$0x7], $0x4000, $0x38;
	[tilespmem:$0x18400] =	vst v63  }
0x49: {  	_ =	swait.ge [sflag:s18], $0x4000  }
0x4a: {  	p0 =	seq.s32 s10, $0x1F000;
	[sflag:s18] =	ssyncset.done $0x0  }
0x4b: {  	s21 =	simm.s32 @!p0 $0x0;
	s8 =	sadd.s32 @!p0 s9, s17;
	[sflag:s18] =	ssyncadd.s32 $0xFFFFC000  }
0x4c: {  	[tilespmem:s21], [sflag:$0x7] =	stream.linear.gather @!p0 [hbm4b:s8+s21], $0x100, $0x38;
	[tilespmem:$0x18400] =	vst v63  }
0x4d: {  	s8 =	simm.s32 @!p0 $0x7  }
0x4e: {  	_ =	swait.ge @!p0 [sflag:s8], $0x100  }
0x4f: {  	[sflag:s8] =	ssyncset.done @!p0 $0x0  }
0x50: {  	s22 =	sadd.s32 @!p0 s7, s17;
	s23 =	simm.s32 @!p0 $0x200;
	[sflag:s8] =	ssyncadd.s32 @!p0 $0xFFFFFF00  }
0x51: {  	[tilespmem:s23], [sflag:$0x7] =	stream.linear.gather @!p0 [hbm4b:s22+s21], $0x100, $0x38;
	[tilespmem:$0x18400] =	vst v63  }
0x52: {  	_ =	swait.ge @!p0 [sflag:s8], $0x100  }
0x53: {  	[sflag:s8] =	ssyncset.done @!p0 $0x0  }
0x54: {  	s22 =	simm.s32 @!p0 $0x400;
	[sflag:s8] =	ssyncadd.s32 @!p0 $0xFFFFFF00;
	s8 =	simm.s32 @!p0 $0x100  }
0x55: {  	[tilespmem:s22], [sflag:$0x1] =	stream.indirect.gather @!p0 [hbm4b:s1+s8], $0x40, s21, s8, $0xb8;
	[tilespmem:$0x18400] =	vst v63  }
0x56: {  	s21 =	simm.s32 @!p0 $0x8400  }
0x57: {  	[tilespmem:s21], [sflag:$0x3] =	stream.indirect.gather @!p0 [hbm4b:s4+s8], $0x40, s23, s8, $0xb8;
	[tilespmem:$0x18400] =	vst v63  }
0x58: {  	s21 =	simm.s32 @!p0 $0x10400  }
0x59: {  	[tilespmem:s21], [sflag:$0x5] =	stream.indirect.gather @!p0 [hbm4b:s5+s8], $0x40, s23, s8, $0xb8;
	[tilespmem:$0x18400] =	vst v63  }
0x5a: {  	_ =	swait.ge [sflag:s0], $0x4000  }
0x5b: {  	[sflag:s0] =	ssyncset.done $0x0  }
0x5c: {  	[sflag:s0] =	ssyncadd.s32 $0xFFFFC000  }
0x5d: {  	_ =	swait.ge [sflag:s3], $0x4000  }
0x5e: {  	[sflag:s3] =	ssyncset.done $0x0  }
0x5f: {  	[sflag:s3] =	ssyncadd.s32 $0xFFFFC000  }
0x60: {  	_ =	swait.ge [sflag:s6], $0x4000  }
0x61: {  	[sflag:s6] =	ssyncset.done $0x0  }
0x62: {  	s21 =	sadd.s32 $0x800, s11;
	[sflag:s6] =	ssyncadd.s32 $0xFFFFC000  }
0x63: {  	[hbm4b:s21+s2] =	stream.linear.scatter [tilespmem:s25], [sflag:$0x7], $0x4000, $0x38;
	[tilespmem:$0x18400] =	vst v63  }
0x64: {  	_ =	swait.ge [sflag:s18], $0x4000  }
0x65: {  	[sflag:s18] =	ssyncset.done $0x0  }
0x66: {  	s22 =	sadd.s32 $0x800, s12;
	[sflag:s18] =	ssyncadd.s32 $0xFFFFC000  }
0x67: {  	[hbm4b:s22+s2] =	stream.linear.scatter [tilespmem:s26], [sflag:$0x7], $0x4000, $0x38;
	[tilespmem:$0x18400] =	vst v63  }
0x68: {  	_ =	swait.ge [sflag:s18], $0x4000  }
0x69: {  	[sflag:s18] =	ssyncset.done $0x0  }
.Ltmp2:
0x6a: {  	s23 =	sadd.s32 $0x800, s19;
	[sflag:s18] =	ssyncadd.s32 $0xFFFFC000;
	(pc) =	sbr.rel @p0 .LBB2_4-.Ltmp2, $4  }
0x6b: {  	[hbm4b:s23+s2] =	stream.linear.scatter [tilespmem:s28], [sflag:$0x7], $0x4000, $0x38;
	[tilespmem:$0x18400] =	vst v63  }
0x6c: {  	_ =	swait.ge [sflag:s18], $0x4000  }
0x6d: {  	[sflag:s18] =	ssyncset.done $0x0  }
0x6e: {  	[sflag:s18] =	ssyncadd.s32 $0xFFFFC000  }
0x6f: {  	s8 =	sadd.s32 s9, s16  }
0x70: {  	[tilespmem:s20], [sflag:$0x7] =	stream.linear.gather [hbm4b:s8+s2], $0x100, $0x38;
	[tilespmem:$0x18400] =	vst v63  }
0x71: {  	_ =	swait.ge [sflag:s18], $0x100  }
0x72: {  	[sflag:s18] =	ssyncset.done $0x0  }
0x73: {  	s23 =	sadd.s32 s7, s16;
	[sflag:s18] =	ssyncadd.s32 $0xFFFFFF00  }
0x74: {  	[tilespmem:s24], [sflag:$0x7] =	stream.linear.gather [hbm4b:s23+s2], $0x100, $0x38;
	[tilespmem:$0x18400] =	vst v63  }
0x75: {  	_ =	swait.ge [sflag:s18], $0x100  }
0x76: {  	[sflag:s18] =	ssyncset.done $0x0  }
0x77: {  	[sflag:s18] =	ssyncadd.s32 $0xFFFFFF00  }
0x78: {  	[tilespmem:s25], [sflag:$0x2] =	stream.indirect.gather [hbm4b:s1+s20], $0x40, s20, s20, $0xb8;
	[tilespmem:$0x18400] =	vst v63  }
.Ltmp3:
0x79: {  	_ = 	snop;
	(pc) =	sbr.rel .LBB2_2-.Ltmp3, $4  }
0x7a: {  	_ = 	snop  }
0x7b: {  	[tilespmem:s26], [sflag:$0x4] =	stream.indirect.gather [hbm4b:s4+s20], $0x40, s24, s20, $0xb8;
	[tilespmem:$0x18400] =	vst v63  }
0x7c: {  	s10 =	sadd.s32 $0x1000, s10;
	s7 =	sadd.s32 $0x40, s7;
	s9 =	sadd.s32 $0x40, s9  }
0x7d: {  	[tilespmem:s28], [sflag:$0x6] =	stream.indirect.gather [hbm4b:s5+s20], $0x40, s24, s20, $0xb8;
	[tilespmem:$0x18400] =	vst v63  }
.LBB2_5:
0x7e: {  	_ =	sfence.sel $0x180000  }
0x7f: {  	[bflag:$0x0] =	sbarrier.arrive $0xFFFF  }
0x80: {  	_ =	strace $0x9000004A  }
0x81: {  	s0 =	stileid.u32;
	[bflag:$0x2] =	sbarrier.arrive $0xFFFF  }
0x82: {  	p0 =	sne.s32 s0, $0x0;
	s0 =	rddreg [dreg:$0x2]  }
0x83: {  	s0 =	sadd.s32 @!p0 $0x100000, s0  }
0x84: {  	[sflag:s0] =	ssyncadd.tile.s32 @!p0 $0x1;
	_ =	shalt  }
.Lfunc_end2:
_tile_overlayer_lowered:
.L_overlay_start_2:
0x85: {  	(tag) =	ssettag $0x2  }
0x86: {  	s0 =	rddreg [dreg:$0x0];
	s2 =	stileid.u32  }
0x87: {  	s1 =	rddreg [dreg:$0x1];
	p0 =	sne.s32 s2, $0x0  }
0x88: {  	s3 =	rddreg [dreg:$0x2];
	[bflag:$0x3] =	sbarrier.arrive $0xFFFF;
	s2 =	simm.s32 @!p0 $0x1C07  }
0x89: {  	[timem:s3], [sflag:s2] =	dma.local @!p0 [hbm:s0], s1  }
0x8a: {  	s0 =	simm.s32 @!p0 $0x7  }
0x8b: {  	_ =	swait.ge @!p0 [sflag:s0], s1  }
0x8c: {  	s1 =	ssub.s32 @!p0 $0x0, s1;
	[sflag:s0] =	ssyncset.done @!p0 $0x0  }
0x8d: {  	[sflag:s0] =	ssyncadd.s32 @!p0 s1  }
0x8e: {  	[bflag:$0x3] =	sbarrier.arrive $0xFFFF  }
0x8f: {  	_ =	shalt  }

// kernel: kernel.14.cloned.1.call-start
scs
__scs_entry_jumppad:
0x0: {  	(pc) =	sbr.rel $0x88, $3  }
0x1: {  	(tag) =	ssettag $0x0;
	lr =	simm.s32 $0x1  }
0x2: {  	[smem:$0x3F9D] =	sst lr;
	_ =	strace $0xD0000000  }
0x3: {  	_ = 	snop  }
0x4: {  	_ = 	snop  }
0x5: {  	_ = 	snop  }
0x6: {  	_ = 	snop  }
0x7: {  	_ = 	snop  }
__scs_overlays_trampoline_lowered:
0x8: {  	[smem:$0x3FAC] =	sst s0  }
0x9: {  	[smem:$0x3FAD] =	sst s1  }
0xa: {  	[smem:$0x3FAE] =	sst s2  }
0xb: {  	[smem:$0x3FAF] =	sst s3  }
0xc: {  	[smem:$0x3FB0] =	sst s4  }
0xd: {  	[smem:$0x3FB1] =	sst s5  }
0xe: {  	[smem:$0x3FB2] =	sst s6  }
0xf: {  	[smem:$0x3FB3] =	sst s7  }
0x10: {  	[smem:$0x3FB4] =	sst s8  }
0x11: {  	[smem:$0x3FB5] =	sst s9;
	s0 =	simm.s32 @!p0 $0x0  }
0x12: {  	s1 =	sld [smem:$0x3F9B];
	s0 =	simm.s32 @p0 $0x1  }
0x13: {  	[smem:$0x3FB6] =	sst s0;
	s0 =	simm.s32 @!p1 $0x0  }
0x14: {  	s2 =	sld [smem:$0x3F9A];
	s0 =	simm.s32 @p1 $0x1  }
0x15: {  	[smem:$0x3FB7] =	sst s0;
	s0 =	simm.s32 @!p2 $0x0  }
0x16: {  	s3 =	sld [smem:$0x3FDB];
	s0 =	simm.s32 @p2 $0x1  }
0x17: {  	s4 =	simm.s32 $0x1BF5;
	[smem:$0x3FB9] =	sst s0  }
0x18: {  	s0 =	sld [smem:$0x3F9C];
	_ =	swait.ge [sflag:s4], $0x0  }
0x19: {  	s7 =	sld [smem:$0x3F9D]  }
0x1a: {  	s8 =	sadd.s32 $0xFFFFE003, lr  }
0x1b: {  	s9 =	sadd.s32 $0xFFFFFEF7, lr;
	s5 =	simm.s32 $0xFFFFFFFF;
	p2 =	slt.u32 s8, $0xFFFFF086  }
0x1c: {  	p1 =	slt.u32 s9, $0xF7A;
	s5 =	simm.s32 @!p2 $0x0  }
0x1d: {  	s5 =	simm.s32 @p1 $0x1;
	p0 =	seq.s32 s7, s2  }
0x1e: {  	s7 =	smul.u32 @!p0 $0xF7A, s2;
	p2 =	seq.s32 @!p0 s5, $0x0  }
0x1f: {  	s9 =	smul.u32 $0xF7A, s1;
	s8 =	simm.s32 @!p0 $0x1BF5;
	p2 =	por !p2, p0  }
0x20: {  	[sflag:s8] =	ssyncset.s32 @!p0 $0xFFFFF086;
	s6 =	sadd.s32 @!p0 s3, s7;
	s7 =	simm.s32 @!p0 $0x108  }
0x21: {  	s3 =	sadd.s32 s3, s9;
	s6 =	sadd.s32 @!p0 $0x88, s6;
	s7 =	simm.s32 @p2 $0x1082  }
0x22: {  	[simem:s7], [sflag:s8] =	dma.local @!p0 [hbm:s6], $0xF7A  }
0x23: {  	s9 =	sor.u32 $0xD0000000, s2;
	s6 =	simm.s32 $0x108;
	_ =	swait.ge @!p0 [sflag:s8], $0x0  }
0x24: {  	s3 =	sadd.s32 $0x88, s3;
	s6 =	simm.s32 @!p1 $0x1082;
	[sflag:s4] =	ssyncset.s32 $0xFFFFF086  }
0x25: {  	[simem:s6], [sflag:s4] =	dma.local [hbm:s3], $0xF7A  }
0x26: {  	[smem:$0x3F9D] =	sst s1;
	(tag) =	ssettag s2;
	_ =	strace s9  }
0x27: {  	s1 =	sld [smem:$0x3FAD]  }
0x28: {  	s2 =	sld [smem:$0x3FAE]  }
0x29: {  	s4 =	sld [smem:$0x3FB0]  }
0x2a: {  	p0 =	seq.s32 s5, $0x0;
	s5 =	sld [smem:$0x3FB1]  }
0x2b: {  	s6 =	sld [smem:$0x3FB2]  }
0x2c: {  	s7 =	sld [smem:$0x3FB3]  }
0x2d: {  	s3 =	simm.s32 $0x108;
	s8 =	sld [smem:$0x3FB4]  }
0x2e: {  	s3 =	simm.s32 @!p0 $0x1082;
	s9 =	sld [smem:$0x3FB5]  }
0x2f: {  	lr =	sadd.s32 s0, s3;
	s0 =	sld [smem:$0x3FAC]  }
0x30: {  	s3 =	sld [smem:$0x3FAF]  }
0x31: {  	[smem:$0x3FB8] =	sst s10  }
0x32: {  	s10 =	sld [smem:$0x3FB6];
	_ =	sdelay $0x3  }
0x33: {  	p0 =	seq.s32 s10, $0x1;
	s10 =	sld [smem:$0x3FB8];
	_ =	sdelay $0x3  }
0x34: {  	[smem:$0x3FB8] =	sst s10  }
0x35: {  	s10 =	sld [smem:$0x3FB7];
	_ =	sdelay $0x3  }
0x36: {  	p1 =	seq.s32 s10, $0x1;
	s10 =	sld [smem:$0x3FB8];
	_ =	sdelay $0x3  }
0x37: {  	[smem:$0x3FB8] =	sst s10  }
0x38: {  	s10 =	sld [smem:$0x3FB9]  }
0x39: {  	_ = 	snop;
	(pc) =	sbr.ind lr, $3  }
0x3a: {  	_ = 	snop  }
0x3b: {  	_ = 	snop  }
0x3c: {  	p2 =	seq.s32 s10, $0x1;
	s10 =	sld [smem:$0x3FB8]  }
0x3d: {  	_ =	shalt  }
0x3e: {  	_ =	shalt  }
0x3f: {  	_ =	shalt  }
0x40: {  	_ =	shalt  }
0x41: {  	_ =	shalt  }
0x42: {  	_ =	shalt  }
0x43: {  	_ =	shalt  }
0x44: {  	_ =	shalt  }
0x45: {  	_ =	shalt  }
0x46: {  	_ =	shalt  }
0x47: {  	_ =	shalt  }
0x48: {  	_ =	shalt  }
0x49: {  	_ =	shalt  }
0x4a: {  	_ =	shalt  }
0x4b: {  	_ =	shalt  }
0x4c: {  	_ =	shalt  }
0x4d: {  	_ =	shalt  }
0x4e: {  	_ =	shalt  }
0x4f: {  	_ =	shalt  }
0x50: {  	_ =	shalt  }
0x51: {  	_ =	shalt  }
0x52: {  	_ =	shalt  }
0x53: {  	_ =	shalt  }
0x54: {  	_ =	shalt  }
0x55: {  	_ =	shalt  }
0x56: {  	_ =	shalt  }
0x57: {  	_ =	shalt  }
0x58: {  	_ =	shalt  }
0x59: {  	_ =	shalt  }
0x5a: {  	_ =	shalt  }
0x5b: {  	_ =	shalt  }
0x5c: {  	_ =	shalt  }
0x5d: {  	_ =	shalt  }
0x5e: {  	_ =	shalt  }
0x5f: {  	_ =	shalt  }
0x60: {  	_ =	shalt  }
0x61: {  	_ =	shalt  }
0x62: {  	_ =	shalt  }
0x63: {  	_ =	shalt  }
0x64: {  	_ =	shalt  }
0x65: {  	_ =	shalt  }
0x66: {  	_ =	shalt  }
0x67: {  	_ =	shalt  }
0x68: {  	_ =	shalt  }
0x69: {  	_ =	shalt  }
0x6a: {  	_ =	shalt  }
0x6b: {  	_ =	shalt  }
0x6c: {  	_ =	shalt  }
0x6d: {  	_ =	shalt  }
0x6e: {  	_ =	shalt  }
0x6f: {  	_ =	shalt  }
0x70: {  	_ =	shalt  }
0x71: {  	_ =	shalt  }
0x72: {  	_ =	shalt  }
0x73: {  	_ =	shalt  }
0x74: {  	_ =	shalt  }
0x75: {  	_ =	shalt  }
0x76: {  	_ =	shalt  }
0x77: {  	_ =	shalt  }
0x78: {  	_ =	shalt  }
0x79: {  	_ =	shalt  }
0x7a: {  	_ =	shalt  }
0x7b: {  	_ =	shalt  }
0x7c: {  	_ =	shalt  }
0x7d: {  	_ =	shalt  }
0x7e: {  	_ =	shalt  }
0x7f: {  	_ =	shalt  }
0x80: {  	_ =	shalt  }
0x81: {  	_ =	shalt  }
0x82: {  	_ =	shalt  }
0x83: {  	_ =	shalt  }
0x84: {  	_ =	shalt  }
0x85: {  	_ =	shalt  }
0x86: {  	_ =	shalt  }
0x87: {  	_ =	shalt  }
.Lfunc_end0:
.L_simem_size_0:
called_computation.2_lowered:
.L_overlay_start_0:
0x88: {  	s2 =	sld [smem:$0x3FD9]  }
0x89: {  	s3 =	sld [smem:$0x3FFE];
	_ =	sdelay $0x1  }
0x8a: {  	s1 =	srdreg.scid  }
0x8b: {  	s0 =	sand.u32 $0x1, s1  }
0x8c: {  	s17 =	sshll.u32 s0, $0xA;
	s2 =	sadd.s32 s3, s2  }
0x8d: {  	s2 =	sadd.s32 s2, s17  }
0x8e: {  	[smem:$0x3FC4] =	sst s2  }
0x8f: {  	_ = 	snop  }
0x90: {  	s2 =	sld [smem:$0x3FD0];
	(tm) =	ssettm $0x1  }
0x91: {  	s18 =	sld [smem:$0x3FFB];
	_ =	sdelay $0x3  }
0x92: {  	_ =	strace s18  }
0x93: {  	s3 =	sld [smem:$0x3FFC];
	_ =	sdelay $0x3  }
0x94: {  	_ =	strace s3  }
0x95: {  	s3 =	sld [smem:$0x3FFD];
	_ =	sdelay $0x3  }
0x96: {  	_ =	strace s3  }
0x97: {  	_ =	strace $0x8FFFFFFF  }
0x98: {  	s19 =	sld [smem:$0x3FDB];
	_ =	sdelay $0x1  }
0x99: {  	s4 =	simm.s32 $_scs_section_size  }
0x9a: {  	s5 =	simm.s32 $_size__tile_overlayer_lowered;
	s6 =	simm.s32 $_tile_overlayer_lowered  }
0x9b: {  	s22 =	simm.s32 $0x1BFF;
	s21 =	sshll.u32 s6, $0x1;
	s3 =	sadd.s32 s4, s19  }
0x9c: {  	s7 =	simm.s32 $0x0;
	s20 =	sshll.u32 s5, $0x1;
	s5 =	sadd.s32 s21, s3  }
0x9d: {  	[timem:s7], [sflag:s22] =	dma.local [hbm:s5], s20  }
0x9e: {  	_ =	swait.ge [sflag:s22], s20  }
0x9f: {  	s4 =	ssub.s32 $0x0, s20;
	[sflag:s22] =	ssyncset.done $0x0  }
0xa0: {  	[sflag:s22] =	ssyncadd.s32 s4;
	_ =	sdelay $0x1  }
0xa1: {  	s23 =	simm.s32 $0x1B8B  }
0xa2: {  	_ =	swait.ge [sflag:s23], $0x1  }
0xa3: {  	[sflag:s23] =	ssyncset.done $0x0  }
0xa4: {  	s25 =	simm.s32 $0x1B8E;
	s24 =	sld [smem:$0x3FFE];
	[sflag:s23] =	ssyncadd.s32 $0xFFFFFFFF  }
0xa5: {  	s26 =	simm.s32 $execute0_lowered;
	[smem:$0x3FD2] =	sst s25  }
0xa6: {  	s5 =	sshll.u32 s26, $0x1;
	_ =	strace $0x8000004C;
	[dreg:$0x1] =	wrdreg $0xFFFFFFFF  }
0xa7: {  	s28 =	simm.s32 $_size_execute0_lowered;
	s3 =	sadd.s32 s3, s5;
	[dreg:$0x0] =	wrdreg $0x0  }
0xa8: {  	s5 =	sshll.u32 s28, $0x1;
	[dreg:$0x2] =	wrdreg s3  }
0xa9: {  	[dreg:$0x3] =	wrdreg s5  }
0xaa: {  	[dreg:$0x4] =	wrdreg $0xC0  }
0xab: {  	_ =	task [dreg:s7], $0x5FFFF  }
0xac: {  	[dreg:$0x1] =	wrdreg $0xFFFFFFFF  }
0xad: {  	[dreg:$0x0] =	wrdreg $0x60  }
0xae: {  	[dreg:$0x2] =	wrdreg s24  }
0xaf: {  	[dreg:$0x3] =	wrdreg s2  }
0xb0: {  	[dreg:$0x4] =	wrdreg $0x9  }
0xb1: {  	_ =	task.clear_ibuf [dreg:s7], $0x5FFFF;
	_ =	strace $0x9000004C  }
0xb2: {  	s29 =	simm.s32 $0x9;
	_ =	strace $0x8000004E  }
0xb3: {  	_ =	swait.ge [sflag:s29], $0x1  }
0xb4: {  	[sflag:s29] =	ssyncadd.s32 $0xFFFFFFFF  }
0xb5: {  	_ =	strace $0x9000004E  }
0xb6: {  	_ =	sfence  }
0xb7: {  	s30 =	sld [smem:$0x0];
	_ =	sdelay $0x2  }
0xb8: {  	s31 =	sshll.u32 s1, $0xD;
	s1 =	sshrl.u32 s1, $0x2  }
0xb9: {  	s3 =	sand.u32 $0x4000, s31;
	s1 =	sadd.s32 s1, s30  }
0xba: {  	s0 =	sor.u32 s3, s0;
	s1 =	sshll.u32 s1, $0x11  }
0xbb: {  	s0 =	sor.u32 s1, s0  }
0xbc: {  	s0 =	sadd.s32 $0x8F2B, s0  }
0xbd: {  	[sflag:s0] =	ssyncadd.remote.s32 $0x1  }
0xbe: {  	_ =	sfence.sel $0xFFFF  }
0xbf: {  	[dreg:$0x0] =	wrdreg $0xFFFFFFFF;
	(pc) =	sbr.abs _section_cstart, $3  }
0xc0: {  	[dreg:$0x1] =	wrdreg $0xFFFFFFFF  }
0xc1: {  	_ =	task.clear_ibuf [dreg:s7], $0x2FFFF;
	_ =	strace $0x9FFFFFFF  }
0xc2: {  	(tm) =	ssettm $0x7FFFFFFF  }
0xc3: {  	_ =	shalt  }
tec
execute0_lowered:
.L_overlay_start_1:
0x0: {  	(tag) =	ssettag $0x1  }
0x1: {  	s5 =	rddreg [dreg:$0x0]  }
0x2: {  	s1 =	rddreg [dreg:$0x1]  }
0x3: {  	s0 =	rddreg [dreg:$0x2];
	s3 =	simm.s32 $0x0  }
0x4: {  	s2 =	stileid.u32;
	s6 =	srdreg.scid;
	s16 =	simm.s32 $0x10400  }
0x5: {  	s17 =	simm.s32 $0x8400;
	s18 =	simm.s32 $0x10600;
	s19 =	simm.s32 $0x1  }
0x6: {  	s20 =	simm.s32 $0x3;
	s21 =	simm.s32 $0x2;
	s22 =	simm.s32 $0x4  }
0x7: {  	s23 =	simm.s32 $0x0;
	[smem:$0x7FF] =	sst s3;
	s4 =	sadd.s32 $0x253000, s5  }
0x8: {  	s9 =	sadd.s32 $0x243000, s5;
	s7 =	sshll.u32 s2, $0x12;
	s10 =	sand.u32 $0x1, s6  }
0x9: {  	s25 =	sshll.u32 s2, $0xF;
	s12 =	sadd.s32 $0x3000, s5;
	_ =	strace $0x8000004D  }
0xa: {  	s11 =	sadd.s32 s7, s5;
	s26 =	sshll.u32 s10, $0xE;
	s28 =	ssub.s32 $0x2, s10  }
0xb: {  	s10 =	sshll.u32 s10, $0x11;
	s13 =	sor.u32 s26, s25;
	s29 =	sshrl.u32 s28, $0x1  }
0xc: {  	s10 =	sadd.s32 s10, s11;
	s14 =	sshrl.u32 s13, $0x3;
	s7 =	sor.u32 $0x600, s13  }
0xd: {  	s8 =	ssub.s32 s28, s29;
	s30 =	sor.u32 $0x400, s13;
	s13 =	sor.u32 $0x200, s13  }
.Ltmp0:
0xe: {  	s10 =	sadd.s32 $0x654000, s10;
	s5 =	sadd.s32 s9, s14;
	(pc) =	sbr.rel .LBB2_1-.Ltmp0, $4  }
0xf: {  	s15 =	sshrl.u32 s7, $0x3;
	s7 =	smax.u32 s8, $0x1;
	s31 =	sshrl.u32 s13, $0x3  }
0x10: {  	s13 =	simm.s32 $0x5;
	s6 =	sadd.s32 $0x40, s5;
	s8 =	sadd.s32 s15, s9  }
0x11: {  	s15 =	sshrl.u32 s30, $0x3;
	s11 =	sadd.s32 s31, s12;
	s12 =	sadd.s32 s14, s12  }
0x12: {  	s14 =	simm.s32 $0x200;
	s9 =	sadd.s32 s15, s9;
	s15 =	simm.s32 $0x400  }
.LBB2_4:
0x13: {  	s23 =	sadd.s32 $0x1, s23  }
0x14: {  	p0 =	sne.s32 s23, s7  }
.Ltmp1:
0x15: {  	_ = 	snop;
	(pc) =	sbr.rel @!p0 .LBB2_5-.Ltmp1, $1  }
0x16: {  	_ =	sdelay $0x3  }
.LBB2_1:
0x17: {  	[tilespmem:s3], [sflag:$0x5] =	stream.linear.gather [hbm4b:s5+s3], $0x200, $0x38;
	[tilespmem:$0x10800] =	vst v63  }
0x18: {  	_ =	swait.ge [sflag:s13], $0x200  }
0x19: {  	[sflag:s13] =	ssyncset.done $0x0  }
0x1a: {  	[sflag:s13] =	ssyncadd.s32 $0xFFFFFE00  }
0x1b: {  	[tilespmem:s15], [sflag:$0x1] =	stream.indirect.gather [hbm4b:s4+s14], $0x40, s3, s14, $0xb8;
	[tilespmem:$0x10800] =	vst v63  }
0x1c: {  	_ = 	snop  }
0x1d: {  	[tilespmem:s16], [sflag:$0x3] =	stream.indirect.gather [hbm4b:s1+s14], $0x1, s3, s14, $0xb8;
	[tilespmem:$0x10800] =	vst v63  }
0x1e: {  	_ = 	snop  }
0x1f: {  	[tilespmem:s14], [sflag:$0x5] =	stream.linear.gather [hbm4b:s6+s3], $0x200, $0x38;
	[tilespmem:$0x10800] =	vst v63  }
0x20: {  	_ =	swait.ge [sflag:s13], $0x200  }
0x21: {  	[sflag:s13] =	ssyncset.done $0x0  }
0x22: {  	[sflag:s13] =	ssyncadd.s32 $0xFFFFFE00  }
0x23: {  	[tilespmem:s17], [sflag:$0x2] =	stream.indirect.gather [hbm4b:s4+s14], $0x40, s14, s14, $0xb8;
	[tilespmem:$0x10800] =	vst v63  }
0x24: {  	s24 =	smov.u32 s10;
	s25 =	simm.s32 $0x0  }
0x25: {  	[tilespmem:s18], [sflag:$0x4] =	stream.indirect.gather [hbm4b:s1+s14], $0x1, s14, s14, $0xb8;
	[tilespmem:$0x10800] =	vst v63  }
.LBB2_2:
0x26: {  	_ =	swait.ge [sflag:s19], $0x8000  }
0x27: {  	[sflag:s19] =	ssyncset.done $0x0  }
0x28: {  	[sflag:s19] =	ssyncadd.s32 $0xFFFF8000  }
0x29: {  	_ =	swait.ge [sflag:s20], $0x200  }
0x2a: {  	[sflag:s20] =	ssyncset.done $0x0  }
0x2b: {  	s26 =	sadd.s32 $0xFFFFF000, s24;
	[sflag:s20] =	ssyncadd.s32 $0xFFFFFE00  }
0x2c: {  	[hbm4b:s26+s3] =	stream.linear.scatter [tilespmem:s15], [sflag:$0x5], $0x8000, $0x38;
	[tilespmem:$0x10800] =	vst v63  }
0x2d: {  	_ =	swait.ge [sflag:s13], $0x8000  }
0x2e: {  	[sflag:s13] =	ssyncset.done $0x0  }
0x2f: {  	s30 =	sadd.s32 s25, s12;
	[sflag:s13] =	ssyncadd.s32 $0xFFFF8000  }
0x30: {  	[hbm4b:s30+s3] =	stream.linear.scatter [tilespmem:s16], [sflag:$0x5], $0x200, $0x38;
	[tilespmem:$0x10800] =	vst v63  }
0x31: {  	_ =	swait.ge [sflag:s13], $0x200  }
0x32: {  	p0 =	seq.s32 s25, $0x780;
	[sflag:s13] =	ssyncset.done $0x0  }
0x33: {  	s28 =	simm.s32 @!p0 $0x0;
	s26 =	sadd.s32 @!p0 s25, s9;
	[sflag:s13] =	ssyncadd.s32 $0xFFFFFE00  }
0x34: {  	[tilespmem:s28], [sflag:$0x5] =	stream.linear.gather @!p0 [hbm4b:s26+s28], $0x200, $0x38;
	[tilespmem:$0x10800] =	vst v63  }
0x35: {  	s26 =	simm.s32 @!p0 $0x5  }
0x36: {  	_ =	swait.ge @!p0 [sflag:s26], $0x200  }
0x37: {  	[sflag:s26] =	ssyncset.done @!p0 $0x0  }
0x38: {  	s29 =	simm.s32 @!p0 $0x400;
	[sflag:s26] =	ssyncadd.s32 @!p0 $0xFFFFFE00;
	s26 =	simm.s32 @!p0 $0x200  }
0x39: {  	[tilespmem:s29], [sflag:$0x1] =	stream.indirect.gather @!p0 [hbm4b:s4+s26], $0x40, s28, s26, $0xb8;
	[tilespmem:$0x10800] =	vst v63  }
0x3a: {  	s29 =	simm.s32 @!p0 $0x10400  }
0x3b: {  	[tilespmem:s29], [sflag:$0x3] =	stream.indirect.gather @!p0 [hbm4b:s1+s26], $0x1, s28, s26, $0xb8;
	[tilespmem:$0x10800] =	vst v63  }
0x3c: {  	_ =	swait.ge [sflag:s21], $0x8000  }
0x3d: {  	[sflag:s21] =	ssyncset.done $0x0  }
0x3e: {  	[sflag:s21] =	ssyncadd.s32 $0xFFFF8000  }
0x3f: {  	_ =	swait.ge [sflag:s22], $0x200  }
0x40: {  	[sflag:s22] =	ssyncset.done $0x0  }
0x41: {  	[sflag:s22] =	ssyncadd.s32 $0xFFFFFE00  }
0x42: {  	[hbm4b:s24+s3] =	stream.linear.scatter [tilespmem:s17], [sflag:$0x5], $0x8000, $0x38;
	[tilespmem:$0x10800] =	vst v63  }
0x43: {  	_ =	swait.ge [sflag:s13], $0x8000  }
0x44: {  	[sflag:s13] =	ssyncset.done $0x0  }
.Ltmp2:
0x45: {  	s31 =	sadd.s32 s25, s11;
	[sflag:s13] =	ssyncadd.s32 $0xFFFF8000;
	(pc) =	sbr.rel @p0 .LBB2_4-.Ltmp2, $4  }
0x46: {  	[hbm4b:s31+s3] =	stream.linear.scatter [tilespmem:s18], [sflag:$0x5], $0x200, $0x38;
	[tilespmem:$0x10800] =	vst v63  }
0x47: {  	_ =	swait.ge [sflag:s13], $0x200  }
0x48: {  	[sflag:s13] =	ssyncset.done $0x0  }
0x49: {  	[sflag:s13] =	ssyncadd.s32 $0xFFFFFE00  }
0x4a: {  	s26 =	sadd.s32 s25, s8  }
0x4b: {  	[tilespmem:s14], [sflag:$0x5] =	stream.linear.gather [hbm4b:s26+s3], $0x200, $0x38;
	[tilespmem:$0x10800] =	vst v63  }
0x4c: {  	_ =	swait.ge [sflag:s13], $0x200  }
.Ltmp3:
0x4d: {  	[sflag:s13] =	ssyncset.done $0x0;
	(pc) =	sbr.rel .LBB2_2-.Ltmp3, $4  }
0x4e: {  	[sflag:s13] =	ssyncadd.s32 $0xFFFFFE00  }
0x4f: {  	[tilespmem:s17], [sflag:$0x2] =	stream.indirect.gather [hbm4b:s4+s14], $0x40, s14, s14, $0xb8;
	[tilespmem:$0x10800] =	vst v63  }
0x50: {  	s25 =	sadd.s32 $0x80, s25;
	s24 =	sadd.s32 $0x2000, s24  }
0x51: {  	[tilespmem:s18], [sflag:$0x4] =	stream.indirect.gather [hbm4b:s1+s14], $0x1, s14, s14, $0xb8;
	[tilespmem:$0x10800] =	vst v63  }
.LBB2_5:
0x52: {  	_ =	sfence.sel $0x180000  }
0x53: {  	[bflag:$0x0] =	sbarrier.arrive $0xFFFF  }
0x54: {  	p0 =	sne.s32 s2, $0x0;
	_ =	strace $0x9000004D  }
0x55: {  	s0 =	sadd.s32 @!p0 $0x100000, s0;
	[bflag:$0x2] =	sbarrier.arrive $0xFFFF  }
0x56: {  	[sflag:s0] =	ssyncadd.tile.s32 @!p0 $0x1;
	_ =	shalt  }
.Lfunc_end2:
_tile_overlayer_lowered:
.L_overlay_start_2:
0x57: {  	(tag) =	ssettag $0x2  }
0x58: {  	s0 =	rddreg [dreg:$0x0];
	s2 =	stileid.u32  }
0x59: {  	s1 =	rddreg [dreg:$0x1];
	p0 =	sne.s32 s2, $0x0  }
0x5a: {  	s3 =	rddreg [dreg:$0x2];
	[bflag:$0x3] =	sbarrier.arrive $0xFFFF;
	s2 =	simm.s32 @!p0 $0x1C05  }
0x5b: {  	[timem:s3], [sflag:s2] =	dma.local @!p0 [hbm:s0], s1  }
0x5c: {  	s0 =	simm.s32 @!p0 $0x5  }
0x5d: {  	_ =	swait.ge @!p0 [sflag:s0], s1  }
0x5e: {  	s1 =	ssub.s32 @!p0 $0x0, s1;
	[sflag:s0] =	ssyncset.done @!p0 $0x0  }
0x5f: {  	[sflag:s0] =	ssyncadd.s32 @!p0 s1  }
0x60: {  	[bflag:$0x3] =	sbarrier.arrive $0xFFFF  }
0x61: {  	_ =	shalt  }

// kernel: kernel.8.cloned.1.call-start
scs
__scs_entry_jumppad:
0x0: {  	(pc) =	sbr.rel $0x88, $3  }
0x1: {  	(tag) =	ssettag $0x0;
	lr =	simm.s32 $0x1  }
0x2: {  	[smem:$0x3F9D] =	sst lr;
	_ =	strace $0xD0000000  }
0x3: {  	_ = 	snop  }
0x4: {  	_ = 	snop  }
0x5: {  	_ = 	snop  }
0x6: {  	_ = 	snop  }
0x7: {  	_ = 	snop  }
__scs_overlays_trampoline_lowered:
0x8: {  	[smem:$0x3FAC] =	sst s0  }
0x9: {  	[smem:$0x3FAD] =	sst s1  }
0xa: {  	[smem:$0x3FAE] =	sst s2  }
0xb: {  	[smem:$0x3FAF] =	sst s3  }
0xc: {  	[smem:$0x3FB0] =	sst s4  }
0xd: {  	[smem:$0x3FB1] =	sst s5  }
0xe: {  	[smem:$0x3FB2] =	sst s6  }
0xf: {  	[smem:$0x3FB3] =	sst s7  }
0x10: {  	[smem:$0x3FB4] =	sst s8  }
0x11: {  	[smem:$0x3FB5] =	sst s9;
	s0 =	simm.s32 @!p0 $0x0  }
0x12: {  	s1 =	sld [smem:$0x3F9B];
	s0 =	simm.s32 @p0 $0x1  }
0x13: {  	[smem:$0x3FB6] =	sst s0;
	s0 =	simm.s32 @!p1 $0x0  }
0x14: {  	s2 =	sld [smem:$0x3F9A];
	s0 =	simm.s32 @p1 $0x1  }
0x15: {  	[smem:$0x3FB7] =	sst s0;
	s0 =	simm.s32 @!p2 $0x0  }
0x16: {  	s3 =	sld [smem:$0x3FDB];
	s0 =	simm.s32 @p2 $0x1  }
0x17: {  	s4 =	simm.s32 $0x1BF5;
	[smem:$0x3FB9] =	sst s0  }
0x18: {  	s0 =	sld [smem:$0x3F9C];
	_ =	swait.ge [sflag:s4], $0x0  }
0x19: {  	s7 =	sld [smem:$0x3F9D]  }
0x1a: {  	s8 =	sadd.s32 $0xFFFFE003, lr  }
0x1b: {  	s9 =	sadd.s32 $0xFFFFFEF7, lr;
	s5 =	simm.s32 $0xFFFFFFFF;
	p2 =	slt.u32 s8, $0xFFFFF086  }
0x1c: {  	p1 =	slt.u32 s9, $0xF7A;
	s5 =	simm.s32 @!p2 $0x0  }
0x1d: {  	s5 =	simm.s32 @p1 $0x1;
	p0 =	seq.s32 s7, s2  }
0x1e: {  	s7 =	smul.u32 @!p0 $0xF7A, s2;
	p2 =	seq.s32 @!p0 s5, $0x0  }
0x1f: {  	s9 =	smul.u32 $0xF7A, s1;
	s8 =	simm.s32 @!p0 $0x1BF5;
	p2 =	por !p2, p0  }
0x20: {  	[sflag:s8] =	ssyncset.s32 @!p0 $0xFFFFF086;
	s6 =	sadd.s32 @!p0 s3, s7;
	s7 =	simm.s32 @!p0 $0x108  }
0x21: {  	s3 =	sadd.s32 s3, s9;
	s6 =	sadd.s32 @!p0 $0x88, s6;
	s7 =	simm.s32 @p2 $0x1082  }
0x22: {  	[simem:s7], [sflag:s8] =	dma.local @!p0 [hbm:s6], $0xF7A  }
0x23: {  	s9 =	sor.u32 $0xD0000000, s2;
	s6 =	simm.s32 $0x108;
	_ =	swait.ge @!p0 [sflag:s8], $0x0  }
0x24: {  	s3 =	sadd.s32 $0x88, s3;
	s6 =	simm.s32 @!p1 $0x1082;
	[sflag:s4] =	ssyncset.s32 $0xFFFFF086  }
0x25: {  	[simem:s6], [sflag:s4] =	dma.local [hbm:s3], $0xF7A  }
0x26: {  	[smem:$0x3F9D] =	sst s1;
	(tag) =	ssettag s2;
	_ =	strace s9  }
0x27: {  	s1 =	sld [smem:$0x3FAD]  }
0x28: {  	s2 =	sld [smem:$0x3FAE]  }
0x29: {  	s4 =	sld [smem:$0x3FB0]  }
0x2a: {  	p0 =	seq.s32 s5, $0x0;
	s5 =	sld [smem:$0x3FB1]  }
0x2b: {  	s6 =	sld [smem:$0x3FB2]  }
0x2c: {  	s7 =	sld [smem:$0x3FB3]  }
0x2d: {  	s3 =	simm.s32 $0x108;
	s8 =	sld [smem:$0x3FB4]  }
0x2e: {  	s3 =	simm.s32 @!p0 $0x1082;
	s9 =	sld [smem:$0x3FB5]  }
0x2f: {  	lr =	sadd.s32 s0, s3;
	s0 =	sld [smem:$0x3FAC]  }
0x30: {  	s3 =	sld [smem:$0x3FAF]  }
0x31: {  	[smem:$0x3FB8] =	sst s10  }
0x32: {  	s10 =	sld [smem:$0x3FB6];
	_ =	sdelay $0x3  }
0x33: {  	p0 =	seq.s32 s10, $0x1;
	s10 =	sld [smem:$0x3FB8];
	_ =	sdelay $0x3  }
0x34: {  	[smem:$0x3FB8] =	sst s10  }
0x35: {  	s10 =	sld [smem:$0x3FB7];
	_ =	sdelay $0x3  }
0x36: {  	p1 =	seq.s32 s10, $0x1;
	s10 =	sld [smem:$0x3FB8];
	_ =	sdelay $0x3  }
0x37: {  	[smem:$0x3FB8] =	sst s10  }
0x38: {  	s10 =	sld [smem:$0x3FB9]  }
0x39: {  	_ = 	snop;
	(pc) =	sbr.ind lr, $3  }
0x3a: {  	_ = 	snop  }
0x3b: {  	_ = 	snop  }
0x3c: {  	p2 =	seq.s32 s10, $0x1;
	s10 =	sld [smem:$0x3FB8]  }
0x3d: {  	_ =	shalt  }
0x3e: {  	_ =	shalt  }
0x3f: {  	_ =	shalt  }
0x40: {  	_ =	shalt  }
0x41: {  	_ =	shalt  }
0x42: {  	_ =	shalt  }
0x43: {  	_ =	shalt  }
0x44: {  	_ =	shalt  }
0x45: {  	_ =	shalt  }
0x46: {  	_ =	shalt  }
0x47: {  	_ =	shalt  }
0x48: {  	_ =	shalt  }
0x49: {  	_ =	shalt  }
0x4a: {  	_ =	shalt  }
0x4b: {  	_ =	shalt  }
0x4c: {  	_ =	shalt  }
0x4d: {  	_ =	shalt  }
0x4e: {  	_ =	shalt  }
0x4f: {  	_ =	shalt  }
0x50: {  	_ =	shalt  }
0x51: {  	_ =	shalt  }
0x52: {  	_ =	shalt  }
0x53: {  	_ =	shalt  }
0x54: {  	_ =	shalt  }
0x55: {  	_ =	shalt  }
0x56: {  	_ =	shalt  }
0x57: {  	_ =	shalt  }
0x58: {  	_ =	shalt  }
0x59: {  	_ =	shalt  }
0x5a: {  	_ =	shalt  }
0x5b: {  	_ =	shalt  }
0x5c: {  	_ =	shalt  }
0x5d: {  	_ =	shalt  }
0x5e: {  	_ =	shalt  }
0x5f: {  	_ =	shalt  }
0x60: {  	_ =	shalt  }
0x61: {  	_ =	shalt  }
0x62: {  	_ =	shalt  }
0x63: {  	_ =	shalt  }
0x64: {  	_ =	shalt  }
0x65: {  	_ =	shalt  }
0x66: {  	_ =	shalt  }
0x67: {  	_ =	shalt  }
0x68: {  	_ =	shalt  }
0x69: {  	_ =	shalt  }
0x6a: {  	_ =	shalt  }
0x6b: {  	_ =	shalt  }
0x6c: {  	_ =	shalt  }
0x6d: {  	_ =	shalt  }
0x6e: {  	_ =	shalt  }
0x6f: {  	_ =	shalt  }
0x70: {  	_ =	shalt  }
0x71: {  	_ =	shalt  }
0x72: {  	_ =	shalt  }
0x73: {  	_ =	shalt  }
0x74: {  	_ =	shalt  }
0x75: {  	_ =	shalt  }
0x76: {  	_ =	shalt  }
0x77: {  	_ =	shalt  }
0x78: {  	_ =	shalt  }
0x79: {  	_ =	shalt  }
0x7a: {  	_ =	shalt  }
0x7b: {  	_ =	shalt  }
0x7c: {  	_ =	shalt  }
0x7d: {  	_ =	shalt  }
0x7e: {  	_ =	shalt  }
0x7f: {  	_ =	shalt  }
0x80: {  	_ =	shalt  }
0x81: {  	_ =	shalt  }
0x82: {  	_ =	shalt  }
0x83: {  	_ =	shalt  }
0x84: {  	_ =	shalt  }
0x85: {  	_ =	shalt  }
0x86: {  	_ =	shalt  }
0x87: {  	_ =	shalt  }
.Lfunc_end0:
.L_simem_size_0:
called_computation_lowered:
.L_overlay_start_0:
0x88: {  	s2 =	sld [smem:$0x3FD9]  }
0x89: {  	s3 =	sld [smem:$0x3FFE];
	_ =	sdelay $0x1  }
0x8a: {  	s1 =	srdreg.scid  }
0x8b: {  	s0 =	sand.u32 $0x1, s1  }
0x8c: {  	s16 =	sshll.u32 s0, $0xA;
	s2 =	sadd.s32 s3, s2  }
0x8d: {  	s2 =	sadd.s32 s2, s16  }
0x8e: {  	[smem:$0x3FC4] =	sst s2  }
0x8f: {  	_ = 	snop  }
0x90: {  	(tm) =	ssettm $0x1  }
0x91: {  	s17 =	sld [smem:$0x3FFB];
	_ =	sdelay $0x3  }
0x92: {  	_ =	strace s17  }
0x93: {  	s2 =	sld [smem:$0x3FFC];
	_ =	sdelay $0x3  }
0x94: {  	_ =	strace s2  }
0x95: {  	s2 =	sld [smem:$0x3FFD];
	_ =	sdelay $0x3  }
0x96: {  	_ =	strace s2  }
0x97: {  	_ =	strace $0x8FFFFFFF  }
0x98: {  	s18 =	sld [smem:$0x3FDB];
	_ =	sdelay $0x1  }
0x99: {  	s19 =	simm.s32 $_scs_section_size  }
0x9a: {  	s4 =	simm.s32 $_size__tile_overlayer_lowered;
	s5 =	simm.s32 $_tile_overlayer_lowered  }
0x9b: {  	s22 =	simm.s32 $0x1BFF;
	s21 =	sshll.u32 s5, $0x1;
	s2 =	sadd.s32 s19, s18  }
0x9c: {  	s6 =	simm.s32 $0x0;
	s20 =	sshll.u32 s4, $0x1;
	s4 =	sadd.s32 s21, s2  }
0x9d: {  	[timem:s6], [sflag:s22] =	dma.local [hbm:s4], s20  }
0x9e: {  	_ =	swait.ge [sflag:s22], s20  }
0x9f: {  	s3 =	ssub.s32 $0x0, s20;
	[sflag:s22] =	ssyncset.done $0x0  }
0xa0: {  	[sflag:s22] =	ssyncadd.s32 s3;
	_ =	sdelay $0x1  }
0xa1: {  	s23 =	simm.s32 $0x1B8B  }
0xa2: {  	_ =	swait.ge [sflag:s23], $0x1  }
0xa3: {  	[sflag:s23] =	ssyncset.done $0x0  }
0xa4: {  	s25 =	simm.s32 $0x1B8E;
	s24 =	sld [smem:$0x3FFE];
	[sflag:s23] =	ssyncadd.s32 $0xFFFFFFFF  }
0xa5: {  	s26 =	simm.s32 $execute0_lowered;
	[smem:$0x3FD2] =	sst s25  }
0xa6: {  	s4 =	sshll.u32 s26, $0x1;
	_ =	strace $0x80000046;
	[dreg:$0x1] =	wrdreg $0xFFFFFFFF  }
0xa7: {  	s28 =	simm.s32 $_size_execute0_lowered;
	s2 =	sadd.s32 s2, s4;
	[dreg:$0x0] =	wrdreg $0x0  }
0xa8: {  	s4 =	sshll.u32 s28, $0x1;
	[dreg:$0x2] =	wrdreg s2  }
0xa9: {  	[dreg:$0x3] =	wrdreg s4  }
0xaa: {  	[dreg:$0x4] =	wrdreg $0xC0  }
0xab: {  	_ =	task [dreg:s6], $0x5FFFF  }
0xac: {  	[dreg:$0x1] =	wrdreg $0xFFFFFFFF  }
0xad: {  	[dreg:$0x0] =	wrdreg $0x60  }
0xae: {  	[dreg:$0x2] =	wrdreg s24  }
0xaf: {  	[dreg:$0x3] =	wrdreg $0x9  }
0xb0: {  	_ =	task.clear_ibuf [dreg:s6], $0x4FFFF;
	_ =	strace $0x90000046  }
0xb1: {  	s29 =	simm.s32 $0x9;
	_ =	strace $0x80000048  }
0xb2: {  	_ =	swait.ge [sflag:s29], $0x1  }
0xb3: {  	[sflag:s29] =	ssyncadd.s32 $0xFFFFFFFF  }
0xb4: {  	_ =	strace $0x90000048  }
0xb5: {  	_ =	sfence  }
0xb6: {  	s30 =	sld [smem:$0x0];
	_ =	sdelay $0x2  }
0xb7: {  	s31 =	sshll.u32 s1, $0xD;
	s1 =	sshrl.u32 s1, $0x2  }
0xb8: {  	s3 =	sand.u32 $0x4000, s31;
	s1 =	sadd.s32 s1, s30  }
0xb9: {  	s0 =	sor.u32 s3, s0;
	s1 =	sshll.u32 s1, $0x11  }
0xba: {  	s0 =	sor.u32 s1, s0  }
0xbb: {  	s0 =	sadd.s32 $0x8F2B, s0  }
0xbc: {  	[sflag:s0] =	ssyncadd.remote.s32 $0x1  }
0xbd: {  	_ =	sfence.sel $0xFFFF  }
0xbe: {  	[dreg:$0x0] =	wrdreg $0xFFFFFFFF;
	(pc) =	sbr.abs _section_cstart, $3  }
0xbf: {  	[dreg:$0x1] =	wrdreg $0xFFFFFFFF  }
0xc0: {  	_ =	task.clear_ibuf [dreg:s6], $0x2FFFF;
	_ =	strace $0x9FFFFFFF  }
0xc1: {  	(tm) =	ssettm $0x7FFFFFFF  }
tec
execute0_lowered:
.L_overlay_start_1:
0x0: {  	(tag) =	ssettag $0x1  }
0x1: {  	s7 =	rddreg [dreg:$0x0]  }
0x2: {  	s0 =	rddreg [dreg:$0x1]  }
0x3: {  	s1 =	simm.s32 $0x0;
	s3 =	srdreg.scid;
	s12 =	simm.s32 $0x1000  }
0x4: {  	s13 =	simm.s32 $0x2000;
	s14 =	simm.s32 $0x0;
	[smem:$0x7FF] =	sst s1  }
0x5: {  	s2 =	sadd.s32 $0x203000, s7;
	s4 =	sadd.s32 $0x213000, s7;
	s5 =	sadd.s32 $0x223000, s7  }
.Ltmp0:
0x6: {  	s8 =	sand.u32 $0x1, s3;
	s6 =	sadd.s32 $0x243000, s7;
	(pc) =	sbr.rel .LBB2_1-.Ltmp0, $4  }
0x7: {  	s3 =	stileid.u32;
	s7 =	sadd.s32 $0x233000, s7;
	s9 =	ssub.s32 $0x2, s8  }
0x8: {  	s11 =	sshll.u32 s3, $0x4;
	s8 =	sshll.u32 s8, $0x3;
	s10 =	sshrl.u32 s9, $0x1  }
0x9: {  	v0 =	vlaneseq.u32;
	_ =	strace $0x80000047;
	s8 =	sor.u32 s8, s11;
	s9 =	ssub.s32 s9, s10  }
0xa: {  	v1 =	vimm.s32 $0x0;
	v3 =	vimm.s32 $0x1;
	v2 =	vmul.u32 $0x100, v0;
	s11 =	simm.s32 $0x3000;
	s10 =	simm.s32 $0x2;
	s9 =	smax.u32 s9, $0x1  }
.LBB2_15:
0xb: {  	s14 =	sadd.s32 $0x1, s14  }
0xc: {  	p0 =	sne.s32 s14, s9  }
.Ltmp1:
0xd: {  	_ = 	snop;
	(pc) =	sbr.rel @!p0 .LBB2_16-.Ltmp1, $1  }
0xe: {  	_ =	sdelay $0x3  }
.LBB2_1:
0xf: {  	s15 =	simm.s32 $0x0  }
.LBB2_2:
0x10: {  	s16 =	sadd.s32 s8, s15  }
0x11: {  	s17 =	sadd.s32 $0xFFFFFF80, s16  }
0x12: {  	s21 =	simm.s32 $0x1;
	p0 =	sgt.u32 s16, $0x7F;
	s18 =	smin.u32 s17, s16  }
0x13: {  	s17 =	sshll.u32 @p0 s17, $0x9;
	s16 =	sshll.u32 @!p0 s16, $0x9;
	s19 =	sshra.s32 s18, $0x1F  }
0x14: {  	s20 =	sand.u32 $0x7, s18;
	p1 =	slt.s32 s18, $0x1;
	s17 =	sand.u32 @p0 $0x1FFFFE00, s17  }
0x15: {  	s22 =	sadd.s32 @!p0 s2, s16;
	s19 =	sshrl.u32 s19, $0x1D;
	p2 =	sne.s32 s20, $0x0  }
0x16: {  	s20 =	sadd.s32 @p0 s4, s17;
	s19 =	sadd.s32 s19, s18;
	p1 =	por !p1, !p2  }
0x17: {  	s22 =	smov.u32 @p0 s20;
	s20 =	simm.s32 $0x0;
	p1 =	por !p1, !p1  }
0x18: {  	[tilespmem:s20], [sflag:$0x2] =	stream.linear.gather [hbm4b:s22+s20], $0x1000, $0x38;
	[tilespmem:$0x3800] =	vst v63  }
0x19: {  	s19 =	sshrl.u32 s19, $0x3;
	s21 =	simm.s32 @!p1 $0x0;
	_ =	swait.ge [sflag:s10], $0x1000  }
0x1a: {  	s22 =	simm.s32 $0x0;
	s19 =	ssub.s32 s19, s21;
	[sflag:s10] =	ssyncset.done $0x0  }
0x1b: {  	s21 =	simm.s32 $0x40;
	s19 =	sshll.u32 s19, $0xC;
	[sflag:s10] =	ssyncadd.s32 $0xFFFFF000  }
.LBB2_3:
0x1c: {  	p1 =	sne.s32 s21, $0x1FC0;
	[tilespmem:s22+$0x3000] =	vst v1;
	s22 =	smov.u32 s21;
	s21 =	sadd.s32 $0x40, s21  }
.Ltmp2:
0x1d: {  	(pc) =	sbr.rel @p1 .LBB2_3-.Ltmp2, $2  }
0x1e: {  	_ =	sdelay $0x2  }
0x1f: {  	s22 =	sshra.s32 s22, $0x2  }
0x20: {  	v4 =	vor.u32 s20, v2;
	_ =	sdelay $0x3  }
0x21: {  	[tilespmem:s22+$0x3000] =	vst v1;
	s20 =	simm.s32 $0x0  }
0x22: {  	v4 =	vld.idx.msk [tilespmem:v4+s20+$0x0], $0xffff;
	_ =	sdelay $0x4  }
0x23: {  	v4 =	vshll.u32 v4, $0x4  }
0x24: {  	s21 =	simm.s32 $0x1;
	v4 =	vor.u32 v0, v4  }
0x25: {  	v5 =	vor.u32 s21, v2;
	s21 =	simm.s32 $0x2  }
.LBB2_5:
0x26: {  	p1 =	seq.s32 s21, $0xFF;
	_ =	sdelay $0x2  }
0x27: {  	[tilespmem:v4+s11+$0x0] =	vst.idx.add.s32.msk $0xffff, v3  }
0x28: {  	v4 =	vld.idx.msk [tilespmem:v5+s20+$0x0], $0xffff;
	_ =	sdelay $0x3  }
.Ltmp3:
0x29: {  	(pc) =	sbr.rel @!p1 .LBB2_5-.Ltmp3, $4  }
0x2a: {  	_ = 	snop  }
0x2b: {  	v4 =	vshll.u32 v4, $0x4  }
0x2c: {  	v4 =	vor.u32 v0, v4  }
0x2d: {  	v5 =	vor.u32 s21, v2;
	s21 =	sadd.s32 $0x1, s21  }
0x2e: {  	_ =	sdelay $0x3  }
0x2f: {  	s20 =	simm.s32 $0x0;
	[tilespmem:v4+s11+$0x0] =	vst.idx.add.s32.msk $0xffff, v3  }
0x30: {  	v4 =	vld.idx.msk [tilespmem:v5+s20+$0x0], $0xffff;
	_ =	sdelay $0x4  }
0x31: {  	v4 =	vshll.u32 v4, $0x4  }
0x32: {  	p2 =	por $0x0, $0x0;
	v4 =	vor.u32 v0, v4  }
.Ltmp4:
0x33: {  	_ = 	snop;
	(pc) =	sbr.rel @p2 .LBB2_7-.Ltmp4, $2  }
0x34: {  	_ =	sdelay $0x2  }
0x35: {  	s24 =	simm.s32 $0x0;
	p1 =	por $0x0, $0x0;
	[tilespmem:v4+s11+$0x0] =	vst.idx.add.s32.msk $0xffff, v3  }
0x36: {  	v4 =	vld [tilespmem:s24+$0x3000];
	_ =	sdelay $0x4  }
0x37: {  	(xrf0) =	vadd.scan.msk.s32 $0xffff, v4;
	_ =	sdelay $0x4  }
0x38: {  	p2 =	por $0x0, $0x0  }
.Ltmp5:
0x39: {  	v5, _, _ =	vpop (xrf0);
	(pc) =	sbr.rel @p2 .LBB2_9-.Ltmp5, $4  }
0x3a: {  	(v2sf) =	vpush v5, $0xF  }
0x3b: {  	v4 =	vsub.s32 s20, v4  }
0x3c: {  	s22 =	simm.s32 $0x10;
	v4 =	vadd.s32 v5, v4  }
0x3d: {  	s23 =	simm.s32 $0x80;
	p1 =	por $0x1, $0x1;
	s21 =	simm.s32 $0x0;
	[tilespmem:s24+$0x3000] =	vst v4  }
.LBB2_10:
0x3e: {  	p2 =	seq.s32 s23, $0x1FC0;
	v4 =	vld [tilespmem:s22+$0x3000];
	_ =	sdelay $0x4  }
0x3f: {  	(xrf0) =	vadd.scan.msk.s32 $0xffff, v4;
	_ =	sdelay $0x5  }
.Ltmp6:
0x40: {  	v5, _, _ =	vpop (xrf0);
	s24 =	spop (v2sf);
	(pc) =	sbr.rel @!p2 .LBB2_10-.Ltmp6, $4  }
0x41: {  	(v2sf) =	vpush v5, $0xF;
	s21 =	sadd.s32 s21, s24  }
0x42: {  	v4 =	vsub.s32 s21, v4  }
0x43: {  	v4 =	vadd.s32 v5, v4  }
0x44: {  	[tilespmem:s22+$0x3000] =	vst v4;
	s22 =	sshra.s32 s23, $0x2;
	s23 =	sadd.s32 $0x40, s23  }
0x45: {  	s24 =	smov.u32 s22  }
.LBB2_12:
0x46: {  	_ =	sdelay $0x1  }
0x47: {  	v4 =	vld [tilespmem:s24+$0x3000];
	_ =	sdelay $0x4  }
0x48: {  	(xrf0) =	vadd.scan.msk.s32 $0xffff, v4;
	_ =	sdelay $0x2  }
0x49: {  	s30 =	simm.s32 $0x0;
	s22 =	spop @p1 (v2sf)  }
0x4a: {  	v6 =	vor.u32 s30, v2;
	s21 =	sadd.s32 @p1 s21, s22  }
0x4b: {  	s20 =	smov.u32 @p1 s21  }
0x4c: {  	v5, _, _ =	vpop (xrf0);
	v4 =	vsub.s32 s20, v4  }
0x4d: {  	v4 =	vadd.s32 v5, v4  }
0x4e: {  	[tilespmem:s24+$0x3000] =	vst v4  }
0x4f: {  	v7 =	vld.idx.msk [tilespmem:v6+s1+$0x0], $0xffff;
	_ =	sdelay $0x1  }
0x50: {  	(v2sf) =	vpush v5, $0xF;
	_ =	sdelay $0x2  }
0x51: {  	v7 =	vshll.u32 v7, $0x4  }
0x52: {  	v8 =	vor.u32 v0, v7;
	_ =	sdelay $0x4  }
0x53: {  	v9 =	vld.idx.msk [tilespmem:v8+s11+$0x0], $0xffff;
	_ =	sdelay $0x4  }
0x54: {  	s18 =	sshll.u32 s18, $0xC;
	s31 =	simm.s32 $0x1;
	v5 =	vmov s19  }
0x55: {  	v4 =	vmov s18;
	s18 =	simm.s32 $0x2;
	v7 =	vor.u32 s31, v2;
	s29 =	spop (v2sf);
	v10 =	vadd.s32 $0x1, v9  }
.LBB2_13:
0x56: {  	p1 =	sne.s32 s18, $0xFF;
	[tilespmem:v8+s11+$0x0] =	vst.idx.msk $0xffff, v10;
	v8 =	vor.u32 v5, v6  }
0x57: {  	[tilespmem:v9+s12+$0x0] =	vst.idx.msk $0xffff, v8;
	v8 =	vadd.s32 v4, v9  }
0x58: {  	[tilespmem:v6+s13+$0x0] =	vst.idx.msk $0xffff, v8;
	v6 =	vmov v7  }
0x59: {  	v7 =	vld.idx.msk [tilespmem:v7+s1+$0x0], $0xffff;
	_ =	sdelay $0x5  }
0x5a: {  	v7 =	vshll.u32 v7, $0x4  }
0x5b: {  	v8 =	vor.u32 v0, v7;
	_ =	sdelay $0x4  }
0x5c: {  	v9 =	vld.idx.msk [tilespmem:v8+s11+$0x0], $0xffff;
	_ =	sdelay $0x1  }
.Ltmp7:
0x5d: {  	(pc) =	sbr.rel @p1 .LBB2_13-.Ltmp7, $3  }
0x5e: {  	_ =	sdelay $0x1  }
0x5f: {  	v7 =	vor.u32 s18, v2  }
0x60: {  	s18 =	sadd.s32 $0x1, s18;
	v10 =	vadd.s32 $0x1, v9  }
0x61: {  	_ =	sdelay $0x3  }
0x62: {  	[tilespmem:v8+s11+$0x0] =	vst.idx.msk $0xffff, v10;
	v61 =	vor.u32 v5, v6  }
0x63: {  	v62 =	vadd.s32 v4, v9;
	[tilespmem:v9+s12+$0x0] =	vst.idx.msk $0xffff, v61  }
0x64: {  	[tilespmem:v6+s13+$0x0] =	vst.idx.msk $0xffff, v62  }
0x65: {  	v6 =	vld.idx.msk [tilespmem:v7+s1+$0x0], $0xffff;
	_ =	sdelay $0x4  }
0x66: {  	v6 =	vshll.u32 v6, $0x4  }
0x67: {  	v6 =	vor.u32 v0, v6;
	_ =	sdelay $0x4  }
0x68: {  	v8 =	vld.idx.msk [tilespmem:v6+s11+$0x0], $0xffff;
	_ =	sdelay $0x5  }
0x69: {  	v63 =	vadd.s32 $0x1, v8  }
0x6a: {  	v5 =	vor.u32 v5, v7;
	[tilespmem:v6+s11+$0x0] =	vst.idx.msk $0xffff, v63  }
0x6b: {  	v4 =	vadd.s32 v4, v8;
	[tilespmem:v8+s12+$0x0] =	vst.idx.msk $0xffff, v5  }
0x6c: {  	s17 =	sadd.s32 @p0 s7, s17;
	s18 =	simm.s32 @p0 $0x0;
	s19 =	simm.s32 @p0 $0x1000;
	[tilespmem:v7+s13+$0x0] =	vst.idx.msk $0xffff, v4  }
0x6d: {  	[hbm4b:s17+s18] =	stream.linear.scatter @p0 [tilespmem:s19], [sflag:$0x1], $0x1000, $0x38;
	[tilespmem:$0x3800] =	vst v63  }
0x6e: {  	s17 =	simm.s32 @p0 $0x1  }
0x6f: {  	_ =	swait.ge @p0 [sflag:s17], $0x1000  }
0x70: {  	s18 =	simm.s32 @!p0 $0x0;
	[sflag:s17] =	ssyncset.done @p0 $0x0  }
0x71: {  	s19 =	simm.s32 @!p0 $0x1000;
	[sflag:s17] =	ssyncadd.s32 @p0 $0xFFFFF000;
	s17 =	sadd.s32 @!p0 s5, s16  }
0x72: {  	[hbm4b:s17+s18] =	stream.linear.scatter @!p0 [tilespmem:s19], [sflag:$0x2], $0x1000, $0x38;
	[tilespmem:$0x3800] =	vst v63  }
0x73: {  	s17 =	simm.s32 @!p0 $0x2  }
0x74: {  	s15 =	sadd.s32 $0x1, s15;
	_ =	swait.ge @!p0 [sflag:s17], $0x1000  }
0x75: {  	p1 =	sne.s32 s15, $0x8;
	[sflag:s17] =	ssyncset.done @!p0 $0x0  }
0x76: {  	s16 =	sadd.s32 @!p0 s6, s16;
	s19 =	simm.s32 @!p0 $0x2000;
	[sflag:s17] =	ssyncadd.s32 @!p0 $0xFFFFF000  }
0x77: {  	[hbm4b:s16+s18] =	stream.linear.scatter @!p0 [tilespmem:s19], [sflag:$0x2], $0x1000, $0x38;
	[tilespmem:$0x3800] =	vst v63  }
.Ltmp8:
0x78: {  	_ = 	snop;
	(pc) =	sbr.rel @p1 .LBB2_2-.Ltmp8, $4  }
.Ltmp9:
0x79: {  	_ = 	snop;
	(pc) =	sbr.rel @!p1 .LBB2_15-.Ltmp9, $4  }
0x7a: {  	_ =	swait.ge @!p0 [sflag:s17], $0x1000  }
0x7b: {  	[sflag:s17] =	ssyncset.done @!p0 $0x0  }
0x7c: {  	[sflag:s17] =	ssyncadd.s32 @!p0 $0xFFFFF000  }
0x7d: {  	_ = 	snop  }
.LBB2_7:
.Ltmp10:
0x7e: {  	(pc) =	sbr.rel .LBB2_12-.Ltmp10, $2  }
0x7f: {  	_ =	sdelay $0x2  }
0x80: {  	s21 =	simm.s32 $0x0  }
.LBB2_9:
.Ltmp11:
0x81: {  	(pc) =	sbr.rel .LBB2_12-.Ltmp11, $2  }
0x82: {  	_ =	sdelay $0x2  }
0x83: {  	s24 =	simm.s32 $0x10;
	s21 =	simm.s32 $0x0  }
.LBB2_16:
0x84: {  	_ =	sfence.sel $0x180000  }
0x85: {  	[bflag:$0x0] =	sbarrier.arrive $0xFFFF  }
0x86: {  	p0 =	sne.s32 s3, $0x0;
	_ =	strace $0x90000047  }
0x87: {  	s0 =	sadd.s32 @!p0 $0x100000, s0;
	[bflag:$0x2] =	sbarrier.arrive $0xFFFF  }
0x88: {  	[sflag:s0] =	ssyncadd.tile.s32 @!p0 $0x1;
	_ =	shalt  }
.Lfunc_end2:
_tile_overlayer_lowered:
.L_overlay_start_2:
0x89: {  	(tag) =	ssettag $0x2  }
0x8a: {  	s0 =	rddreg [dreg:$0x0];
	s2 =	stileid.u32  }
0x8b: {  	s1 =	rddreg [dreg:$0x1];
	p0 =	sne.s32 s2, $0x0  }
0x8c: {  	s3 =	rddreg [dreg:$0x2];
	[bflag:$0x3] =	sbarrier.arrive $0xFFFF;
	s2 =	simm.s32 @!p0 $0x1C01  }
0x8d: {  	[timem:s3], [sflag:s2] =	dma.local @!p0 [hbm:s0], s1  }
0x8e: {  	s0 =	simm.s32 @!p0 $0x1  }
0x8f: {  	_ =	swait.ge @!p0 [sflag:s0], s1  }
0x90: {  	s1 =	ssub.s32 @!p0 $0x0, s1;
	[sflag:s0] =	ssyncset.done @!p0 $0x0  }
0x91: {  	[sflag:s0] =	ssyncadd.s32 @!p0 s1  }
0x92: {  	[bflag:$0x3] =	sbarrier.arrive $0xFFFF  }
0x93: {  	_ =	shalt  }

</sc_bundles>
